<compile_context>
chip_gen: v7x
topology: tpu7x:2x2x1
jax: 0.10.2.dev20260603
libtpu: 0.0.44.dev20260713+nightly
codegen_flags: <defaults>
</compile_context>

<pallas_src>
import functools

import jax
import jax.numpy as jnp
from jax import lax
from jax.experimental import pallas as pl
from jax.experimental.pallas import tpu as pltpu
from jax.experimental.pallas import tpu_sc as plsc

_EPS = 1e-5
_BOUNDARY = 1.0 - _EPS
_VOCAB = 1000000
_DIM = 32
_BATCH = 16384
_SAMPLES = 50

_NC, _NS = 2, 16
_NW = _NC * _NS
_BPW = _BATCH // _NW
_CB = 32
_NCH = _BPW // _CB
_HL = _DIM // 2


def _sc_body(table_hbm, idx_hbm, n2_hbm, dot_hbm,
             idx_v0, idx_v1, rows_v0, rows_v1, n2_v, dot_v, sem):
    wid = lax.axis_index("s") * _NC + lax.axis_index("c")
    base = wid * _BPW
    lanes = lax.iota(jnp.int32, 16)
    zero16 = jnp.zeros((16,), jnp.float32)
    idx_bufs = (idx_v0, idx_v1)
    row_bufs = (rows_v0, rows_v1)

    def fire(cc, idx_v, rows_v):
        b0 = base + cc * _CB
        pltpu.sync_copy(idx_hbm.at[pl.ds(b0, _CB)], idx_v)
        for b in range(_CB):
            pltpu.async_copy(
                table_hbm.at[idx_v.at[b]],
                rows_v.at[pl.ds(b * _SAMPLES, _SAMPLES)], sem)

    def compute(cc, rows_v):
        b0 = base + cc * _CB

        @plsc.parallel_loop(0, _CB, 1, unroll=2)
        def _bloop(b, rows_v=rows_v):
            rb = b * _SAMPLES
            bvec = lanes * 0 + b
            u_lo = rows_v[rb, pl.ds(0, _HL)]
            u_hi = rows_v[rb, pl.ds(_HL, _HL)]
            for g in range(4):
                n = 16 if g < 3 else _SAMPLES - 48

                @plsc.parallel_loop(0, n, 1, unroll=16,
                                    carry=(zero16, zero16))
                def acc(k, acc, g=g, u_lo=u_lo, u_hi=u_hi):
                    r = rb + 16 * g + k
                    lo = rows_v[r, pl.ds(0, _HL)]
                    hi = rows_v[r, pl.ds(_HL, _HL)]
                    n2s = jnp.sum(lo * lo + hi * hi)
                    dts = jnp.sum(u_lo * lo + u_hi * hi)
                    m = lanes == k
                    return (jnp.where(m, n2s, acc[0]),
                            jnp.where(m, dts, acc[1]))

                svec = lanes + 16 * g
                valid = lanes < n
                plsc.store_scatter(n2_v, [bvec, svec], acc[0], mask=valid)
                plsc.store_scatter(dot_v, [bvec, svec - 1], acc[1],
                                   mask=valid & (svec >= 1))
        pltpu.sync_copy(n2_v, n2_hbm.at[pl.ds(b0, _CB)])
        pltpu.sync_copy(dot_v, dot_hbm.at[pl.ds(b0, _CB)])

    def drain(rows_v):
        pltpu.make_async_copy(table_hbm.at[pl.ds(0, _CB * _SAMPLES)],
                              rows_v, sem).wait()

    fire(0, idx_bufs[0], row_bufs[0])

    def cbody(co, carry):
        for h in (0, 1):
            cc = 2 * co + h

            @pl.when(cc + 1 < _NCH)
            def _fire_next(cc=cc, h=h):
                fire(cc + 1, idx_bufs[h ^ 1], row_bufs[h ^ 1])

            drain(row_bufs[h])
            compute(cc, row_bufs[h])
        return carry

    lax.fori_loop(0, _NCH // 2, cbody, 0)


@functools.cache
def _sc_gather_reduce():
    return pl.kernel(
        _sc_body,
        out_type=(
            jax.ShapeDtypeStruct((_BATCH, _SAMPLES), jnp.float32),
            jax.ShapeDtypeStruct((_BATCH, _SAMPLES - 1), jnp.float32),
        ),
        mesh=plsc.VectorSubcoreMesh(
            core_axis_name="c", subcore_axis_name="s",
            num_cores=_NC, num_subcores=_NS,
        ),
        scratch_types=[
            pltpu.VMEM((_CB, _SAMPLES), jnp.int32),
            pltpu.VMEM((_CB, _SAMPLES), jnp.int32),
            pltpu.VMEM((_CB * _SAMPLES, _DIM), jnp.float32),
            pltpu.VMEM((_CB * _SAMPLES, _DIM), jnp.float32),
            pltpu.VMEM((_CB, _SAMPLES), jnp.float32),
            pltpu.VMEM((_CB, _SAMPLES - 1), jnp.float32),
            pltpu.SemaphoreType.DMA,
        ],
        compiler_params=pltpu.CompilerParams(
            use_tc_tiling_on_sc=False, needs_layout_passes=False),
    )


_BB = 4096


def _fin_body(n2_ref, dot_ref, out_ref):
    n2 = n2_ref[...]
    dt = dot_ref[...]
    n = jnp.sqrt(n2)
    scale = jnp.where(n > 1.0, 1.0 / (n + 1e-7), 1.0)
    sq_raw = n2 * scale * scale
    sq = jnp.clip(sq_raw, 0.0, _BOUNDARY)
    u2 = sq_raw[:, :1]
    v2 = sq_raw[:, 1:]
    su = scale[:, :1]
    sv = scale[:, 1:]
    sqdist = u2 + v2 - 2.0 * (su * sv) * dt
    squ = sq[:, :1]
    sqv = sq[:, 1:]
    x = sqdist / ((1.0 - squ) * (1.0 - sqv)) * 2.0 + 1.0
    z = jnp.sqrt(jnp.maximum(x * x - 1.0, 1e-12))
    out_ref[...] = -jnp.log(x + z)


_fin = pl.pallas_call(
    _fin_body,
    grid=(_BATCH // _BB,),
    in_specs=[
        pl.BlockSpec((_BB, _SAMPLES), lambda i: (i, 0)),
        pl.BlockSpec((_BB, _SAMPLES - 1), lambda i: (i, 0)),
    ],
    out_specs=pl.BlockSpec((_BB, _SAMPLES - 1), lambda i: (i, 0)),
    out_shape=jax.ShapeDtypeStruct((_BATCH, _SAMPLES - 1), jnp.float32),
)


def kernel(inputs, weight):
    n2, dt = _sc_gather_reduce()(weight, inputs)
    return _fin(n2, dt)

# --- scband reference (transcript-rebuilt; emitter-appended) ---
"""Pipeline reference for scband-embedding-6253472383282 (READ-ONLY COPY).

The authoritative reference and input builder live on the scoring server;
editing this copy changes nothing except your own understanding.
"""

import jax, jax.numpy as jnp
import numpy as np

EPS = 1e-5
BOUNDARY = 1.0 - EPS
MAX_NORM = 1.0

VOCAB = 1000000
DIM = 32
BATCH = 16384
SAMPLES = 50


def setup_inputs(seed: int = 0) -> dict:
    key = jax.random.key(seed)
    k1, k2 = jax.random.split(key)
    inputs = jax.random.randint(k1, (BATCH, SAMPLES), 0, VOCAB, dtype=jnp.int32)
    # learned embedding table (nn.Embedding weight); scaled so rows lie inside the unit ball
    weight = jax.random.normal(k2, (VOCAB, DIM), dtype=jnp.float32) * 0.1
    return {"inputs": inputs, "weight": weight}


def _renorm(e):
    # torch nn.Embedding(max_norm=1) renorms looked-up rows to max_norm
    n = jnp.linalg.norm(e, axis=-1, keepdims=True)
    scale = jnp.where(n > MAX_NORM, MAX_NORM / (n + 1e-7), 1.0)
    return e * scale


def _poincare_dist(u, v):
    squnorm = jnp.clip(jnp.sum(u * u, axis=-1), 0.0, BOUNDARY)
    sqvnorm = jnp.clip(jnp.sum(v * v, axis=-1), 0.0, BOUNDARY)
    sqdist = jnp.sum(jnp.square(u - v), axis=-1)
    x = sqdist / ((1.0 - squnorm) * (1.0 - sqvnorm)) * 2.0 + 1.0
    z = jnp.sqrt(jnp.maximum(x * x - 1.0, 1e-12))
    return jnp.log(x + z)


def reference(inputs, weight):
    # e = self.lt(inputs): gather rows from the embedding table
    e = _renorm(jnp.take(weight, inputs, axis=0))  # [B, S, dim]
    # canonical Poincare _forward: distance from source (col 0) to all candidates
    o = e[:, 1:, :]
    s = jnp.broadcast_to(e[:, :1, :], o.shape)
    dists = _poincare_dist(s, o)  # [B, S-1]
    return -dists

if __name__ == "__main__":
    import jax
    _d = setup_inputs()
    print(jax.jit(kernel)(*tuple(_d.values())))

</pallas_src>

<mosaic_0001>
#map = affine_map<(d0, d1) -> (0, 0)>
module attributes {stable_mosaic.version = 14 : i64} {
  func.func @_sc_body(%arg0: i32, %arg1: i32, %arg2: memref<1000000x32xf32, #tpu.memory_space<hbm>>, %arg3: memref<16384x50xi32, #tpu.memory_space<hbm>>, %arg4: memref<16384x50xf32, #tpu.memory_space<hbm>>, %arg5: memref<16384x49xf32, #tpu.memory_space<hbm>>, %arg6: memref<32x50xi32, #tpu.memory_space<vmem>>, %arg7: memref<32x50xi32, #tpu.memory_space<vmem>>, %arg8: memref<1600x32xf32, #tpu.memory_space<vmem>>, %arg9: memref<1600x32xf32, #tpu.memory_space<vmem>>, %arg10: memref<32x50xf32, #tpu.memory_space<vmem>>, %arg11: memref<32x49xf32, #tpu.memory_space<vmem>>, %arg12: memref<!tpu.dma_semaphore, #tpu.memory_space<semaphore_mem>>) attributes {dimension_semantics = [#tpu.dimension_semantics<core_parallel>, #tpu.dimension_semantics<subcore_parallel>], iteration_bounds = array<i64: 2, 16>, scalar_prefetch = 0 : i64, scratch_operands = 7 : i64, tpu.core_type = #tpu.core_type<sc_vector_subcore>, window_params = [{transform_indices = #map}, {transform_indices = #map}, {transform_indices = #map}, {transform_indices = #map}]} {
    %mul3A = arith.constant 2 : i32
    %mul3A_0 = arith.muli %arg1, %mul3A : i32
    %add3A = arith.addi %mul3A_0, %arg0 : i32
    %mul3A_1 = arith.constant 512 : i32
    %mul3A_2 = arith.muli %add3A, %mul3A_1 : i32
    %iota3A = tpu.iota {dimensions = array<i32: 0>} : vector<16xi32>
    %broadcast_in_dim3A = arith.constant 0.000000e+00 : f32
    %broadcast_in_dim3A_3 = vector.broadcast %broadcast_in_dim3A : f32 to vector<16xf32>
    %add3A_4 = arith.constant 0 : i32
    %add3A_5 = arith.addi %mul3A_2, %add3A_4 : i32
    "tpu.region"() ({
      %run_scoped3A = tpu.sem_alloc : memref<!tpu.dma_semaphore, #tpu.memory_space<semaphore_mem>>
      %dma_start3A_330 = arith.constant 0 : i32
      %dma_start3A_331 = tpu.memref_slice %arg3[%add3A_5, %dma_start3A_330] : memref<16384x50xi32, #tpu.memory_space<hbm>> -> memref<32x50xi32, #tpu.memory_space<hbm>>
      %dma_start3A_332 = arith.constant 0 : i32
      %dma_start3A_333 = tpu.memref_slice %arg3[%add3A_5, %dma_start3A_332] : memref<16384x50xi32, #tpu.memory_space<hbm>> -> memref<32x50xi32, #tpu.memory_space<hbm>>
      tpu.enqueue_dma source(%dma_start3A_333 : memref<32x50xi32, #tpu.memory_space<hbm>>) target(%arg6 : memref<32x50xi32, #tpu.memory_space<vmem>>) target_semaphore(%run_scoped3A : memref<!tpu.dma_semaphore, #tpu.memory_space<semaphore_mem>>)
      %dma_wait3A = arith.constant 0 : i32
      %dma_wait3A_334 = tpu.memref_slice %arg3[%add3A_5, %dma_wait3A] : memref<16384x50xi32, #tpu.memory_space<hbm>> -> memref<32x50xi32, #tpu.memory_space<hbm>>
      %dma_wait3A_335 = arith.constant 0 : i32
      %dma_wait3A_336 = tpu.memref_slice %arg3[%add3A_5, %dma_wait3A_335] : memref<16384x50xi32, #tpu.memory_space<hbm>> -> memref<32x50xi32, #tpu.memory_space<hbm>>
      tpu.wait_dma2 semaphore(%run_scoped3A : memref<!tpu.dma_semaphore, #tpu.memory_space<semaphore_mem>>) src(%dma_wait3A_336 : memref<32x50xi32, #tpu.memory_space<hbm>>) dst(%arg6 : memref<32x50xi32, #tpu.memory_space<vmem>>)
      tpu.yield
    }) : () -> ()
    %dma_start3A = arith.constant 0 : i32
    %dma_start3A_6 = arith.constant 0 : i32
    %dma_start3A_7 = arith.constant 0 : i32
    %dma_start3A_8 = tpu.memref_slice %arg8[%dma_start3A_6, %dma_start3A_7] : memref<1600x32xf32, #tpu.memory_space<vmem>> -> memref<50x32xf32, #tpu.memory_space<vmem>>
    %dma_start3A_9 = arith.constant 0 : i32
    %dma_start3A_10 = tpu.memref_slice %arg6[%dma_start3A, %dma_start3A_9] : memref<32x50xi32, #tpu.memory_space<vmem>> -> memref<1x50xi32, #tpu.memory_space<vmem>>
    %dma_start3A_11 = tpu.memref_squeeze %dma_start3A_10 : memref<1x50xi32, #tpu.memory_space<vmem>> -> memref<50xi32, #tpu.memory_space<vmem>>
    %dma_start3A_12 = arith.constant 0 : i32
    %dma_start3A_13 = arith.constant 0 : i32
    %dma_start3A_14 = tpu.memref_slice %arg2[%dma_start3A_12, %dma_start3A_13] : memref<1000000x32xf32, #tpu.memory_space<hbm>> -> memref<1000000x32xf32, #tpu.memory_space<hbm>>
    tpu.enqueue_indirect_dma source(%dma_start3A_14 : memref<1000000x32xf32, #tpu.memory_space<hbm>>) target(%dma_start3A_8 : memref<50x32xf32, #tpu.memory_space<vmem>>) offsets(%dma_start3A_11 : memref<50xi32, #tpu.memory_space<vmem>>) semaphore(%arg12 : memref<!tpu.dma_semaphore, #tpu.memory_space<semaphore_mem>>)
    %dma_start3A_15 = arith.constant 1 : i32
    %dma_start3A_16 = arith.constant 50 : i32
    %dma_start3A_17 = arith.constant 0 : i32
    %dma_start3A_18 = tpu.memref_slice %arg8[%dma_start3A_16, %dma_start3A_17] : memref<1600x32xf32, #tpu.memory_space<vmem>> -> memref<50x32xf32, #tpu.memory_space<vmem>>
    %dma_start3A_19 = arith.constant 0 : i32
    %dma_start3A_20 = tpu.memref_slice %arg6[%dma_start3A_15, %dma_start3A_19] : memref<32x50xi32, #tpu.memory_space<vmem>> -> memref<1x50xi32, #tpu.memory_space<vmem>>
    %dma_start3A_21 = tpu.memref_squeeze %dma_start3A_20 : memref<1x50xi32, #tpu.memory_space<vmem>> -> memref<50xi32, #tpu.memory_space<vmem>>
    %dma_start3A_22 = arith.constant 0 : i32
    %dma_start3A_23 = arith.constant 0 : i32
    %dma_start3A_24 = tpu.memref_slice %arg2[%dma_start3A_22, %dma_start3A_23] : memref<1000000x32xf32, #tpu.memory_space<hbm>> -> memref<1000000x32xf32, #tpu.memory_space<hbm>>
    tpu.enqueue_indirect_dma source(%dma_start3A_24 : memref<1000000x32xf32, #tpu.memory_space<hbm>>) target(%dma_start3A_18 : memref<50x32xf32, #tpu.memory_space<vmem>>) offsets(%dma_start3A_21 : memref<50xi32, #tpu.memory_space<vmem>>) semaphore(%arg12 : memref<!tpu.dma_semaphore, #tpu.memory_space<semaphore_mem>>)
    %dma_start3A_25 = arith.constant 2 : i32
    %dma_start3A_26 = arith.constant 100 : i32
    %dma_start3A_27 = arith.constant 0 : i32
    %dma_start3A_28 = tpu.memref_slice %arg8[%dma_start3A_26, %dma_start3A_27] : memref<1600x32xf32, #tpu.memory_space<vmem>> -> memref<50x32xf32, #tpu.memory_space<vmem>>
    %dma_start3A_29 = arith.constant 0 : i32
    %dma_start3A_30 = tpu.memref_slice %arg6[%dma_start3A_25, %dma_start3A_29] : memref<32x50xi32, #tpu.memory_space<vmem>> -> memref<1x50xi32, #tpu.memory_space<vmem>>
    %dma_start3A_31 = tpu.memref_squeeze %dma_start3A_30 : memref<1x50xi32, #tpu.memory_space<vmem>> -> memref<50xi32, #tpu.memory_space<vmem>>
    %dma_start3A_32 = arith.constant 0 : i32
    %dma_start3A_33 = arith.constant 0 : i32
    %dma_start3A_34 = tpu.memref_slice %arg2[%dma_start3A_32, %dma_start3A_33] : memref<1000000x32xf32, #tpu.memory_space<hbm>> -> memref<1000000x32xf32, #tpu.memory_space<hbm>>
    tpu.enqueue_indirect_dma source(%dma_start3A_34 : memref<1000000x32xf32, #tpu.memory_space<hbm>>) target(%dma_start3A_28 : memref<50x32xf32, #tpu.memory_space<vmem>>) offsets(%dma_start3A_31 : memref<50xi32, #tpu.memory_space<vmem>>) semaphore(%arg12 : memref<!tpu.dma_semaphore, #tpu.memory_space<semaphore_mem>>)
    %dma_start3A_35 = arith.constant 3 : i32
    %dma_start3A_36 = arith.constant 150 : i32
    %dma_start3A_37 = arith.constant 0 : i32
    %dma_start3A_38 = tpu.memref_slice %arg8[%dma_start3A_36, %dma_start3A_37] : memref<1600x32xf32, #tpu.memory_space<vmem>> -> memref<50x32xf32, #tpu.memory_space<vmem>>
    %dma_start3A_39 = arith.constant 0 : i32
    %dma_start3A_40 = tpu.memref_slice %arg6[%dma_start3A_35, %dma_start3A_39] : memref<32x50xi32, #tpu.memory_space<vmem>> -> memref<1x50xi32, #tpu.memory_space<vmem>>
    %dma_start3A_41 = tpu.memref_squeeze %dma_start3A_40 : memref<1x50xi32, #tpu.memory_space<vmem>> -> memref<50xi32, #tpu.memory_space<vmem>>
    %dma_start3A_42 = arith.constant 0 : i32
    %dma_start3A_43 = arith.constant 0 : i32
    %dma_start3A_44 = tpu.memref_slice %arg2[%dma_start3A_42, %dma_start3A_43] : memref<1000000x32xf32, #tpu.memory_space<hbm>> -> memref<1000000x32xf32, #tpu.memory_space<hbm>>
    tpu.enqueue_indirect_dma source(%dma_start3A_44 : memref<1000000x32xf32, #tpu.memory_space<hbm>>) target(%dma_start3A_38 : memref<50x32xf32, #tpu.memory_space<vmem>>) offsets(%dma_start3A_41 : memref<50xi32, #tpu.memory_space<vmem>>) semaphore(%arg12 : memref<!tpu.dma_semaphore, #tpu.memory_space<semaphore_mem>>)
    %dma_start3A_45 = arith.constant 4 : i32
    %dma_start3A_46 = arith.constant 200 : i32
    %dma_start3A_47 = arith.constant 0 : i32
    %dma_start3A_48 = tpu.memref_slice %arg8[%dma_start3A_46, %dma_start3A_47] : memref<1600x32xf32, #tpu.memory_space<vmem>> -> memref<50x32xf32, #tpu.memory_space<vmem>>
    %dma_start3A_49 = arith.constant 0 : i32
    %dma_start3A_50 = tpu.memref_slice %arg6[%dma_start3A_45, %dma_start3A_49] : memref<32x50xi32, #tpu.memory_space<vmem>> -> memref<1x50xi32, #tpu.memory_space<vmem>>
    %dma_start3A_51 = tpu.memref_squeeze %dma_start3A_50 : memref<1x50xi32, #tpu.memory_space<vmem>> -> memref<50xi32, #tpu.memory_space<vmem>>
    %dma_start3A_52 = arith.constant 0 : i32
    %dma_start3A_53 = arith.constant 0 : i32
    %dma_start3A_54 = tpu.memref_slice %arg2[%dma_start3A_52, %dma_start3A_53] : memref<1000000x32xf32, #tpu.memory_space<hbm>> -> memref<1000000x32xf32, #tpu.memory_space<hbm>>
    tpu.enqueue_indirect_dma source(%dma_start3A_54 : memref<1000000x32xf32, #tpu.memory_space<hbm>>) target(%dma_start3A_48 : memref<50x32xf32, #tpu.memory_space<vmem>>) offsets(%dma_start3A_51 : memref<50xi32, #tpu.memory_space<vmem>>) semaphore(%arg12 : memref<!tpu.dma_semaphore, #tpu.memory_space<semaphore_mem>>)
    %dma_start3A_55 = arith.constant 5 : i32
    %dma_start3A_56 = arith.constant 250 : i32
    %dma_start3A_57 = arith.constant 0 : i32
    %dma_start3A_58 = tpu.memref_slice %arg8[%dma_start3A_56, %dma_start3A_57] : memref<1600x32xf32, #tpu.memory_space<vmem>> -> memref<50x32xf32, #tpu.memory_space<vmem>>
    %dma_start3A_59 = arith.constant 0 : i32
    %dma_start3A_60 = tpu.memref_slice %arg6[%dma_start3A_55, %dma_start3A_59] : memref<32x50xi32, #tpu.memory_space<vmem>> -> memref<1x50xi32, #tpu.memory_space<vmem>>
    %dma_start3A_61 = tpu.memref_squeeze %dma_start3A_60 : memref<1x50xi32, #tpu.memory_space<vmem>> -> memref<50xi32, #tpu.memory_space<vmem>>
    %dma_start3A_62 = arith.constant 0 : i32
    %dma_start3A_63 = arith.constant 0 : i32
    %dma_start3A_64 = tpu.memref_slice %arg2[%dma_start3A_62, %dma_start3A_63] : memref<1000000x32xf32, #tpu.memory_space<hbm>> -> memref<1000000x32xf32, #tpu.memory_space<hbm>>
    tpu.enqueue_indirect_dma source(%dma_start3A_64 : memref<1000000x32xf32, #tpu.memory_space<hbm>>) target(%dma_start3A_58 : memref<50x32xf32, #tpu.memory_space<vmem>>) offsets(%dma_start3A_61 : memref<50xi32, #tpu.memory_space<vmem>>) semaphore(%arg12 : memref<!tpu.dma_semaphore, #tpu.memory_space<semaphore_mem>>)
    %dma_start3A_65 = arith.constant 6 : i32
    %dma_start3A_66 = arith.constant 300 : i32
    %dma_start3A_67 = arith.constant 0 : i32
    %dma_start3A_68 = tpu.memref_slice %arg8[%dma_start3A_66, %dma_start3A_67] : memref<1600x32xf32, #tpu.memory_space<vmem>> -> memref<50x32xf32, #tpu.memory_space<vmem>>
    %dma_start3A_69 = arith.constant 0 : i32
    %dma_start3A_70 = tpu.memref_slice %arg6[%dma_start3A_65, %dma_start3A_69] : memref<32x50xi32, #tpu.memory_space<vmem>> -> memref<1x50xi32, #tpu.memory_space<vmem>>
    %dma_start3A_71 = tpu.memref_squeeze %dma_start3A_70 : memref<1x50xi32, #tpu.memory_space<vmem>> -> memref<50xi32, #tpu.memory_space<vmem>>
    %dma_start3A_72 = arith.constant 0 : i32
    %dma_start3A_73 = arith.constant 0 : i32
    %dma_start3A_74 = tpu.memref_slice %arg2[%dma_start3A_72, %dma_start3A_73] : memref<1000000x32xf32, #tpu.memory_space<hbm>> -> memref<1000000x32xf32, #tpu.memory_space<hbm>>
    tpu.enqueue_indirect_dma source(%dma_start3A_74 : memref<1000000x32xf32, #tpu.memory_space<hbm>>) target(%dma_start3A_68 : memref<50x32xf32, #tpu.memory_space<vmem>>) offsets(%dma_start3A_71 : memref<50xi32, #tpu.memory_space<vmem>>) semaphore(%arg12 : memref<!tpu.dma_semaphore, #tpu.memory_space<semaphore_mem>>)
    %dma_start3A_75 = arith.constant 7 : i32
    %dma_start3A_76 = arith.constant 350 : i32
    %dma_start3A_77 = arith.constant 0 : i32
    %dma_start3A_78 = tpu.memref_slice %arg8[%dma_start3A_76, %dma_start3A_77] : memref<1600x32xf32, #tpu.memory_space<vmem>> -> memref<50x32xf32, #tpu.memory_space<vmem>>
    %dma_start3A_79 = arith.constant 0 : i32
    %dma_start3A_80 = tpu.memref_slice %arg6[%dma_start3A_75, %dma_start3A_79] : memref<32x50xi32, #tpu.memory_space<vmem>> -> memref<1x50xi32, #tpu.memory_space<vmem>>
    %dma_start3A_81 = tpu.memref_squeeze %dma_start3A_80 : memref<1x50xi32, #tpu.memory_space<vmem>> -> memref<50xi32, #tpu.memory_space<vmem>>
    %dma_start3A_82 = arith.constant 0 : i32
    %dma_start3A_83 = arith.constant 0 : i32
    %dma_start3A_84 = tpu.memref_slice %arg2[%dma_start3A_82, %dma_start3A_83] : memref<1000000x32xf32, #tpu.memory_space<hbm>> -> memref<1000000x32xf32, #tpu.memory_space<hbm>>
    tpu.enqueue_indirect_dma source(%dma_start3A_84 : memref<1000000x32xf32, #tpu.memory_space<hbm>>) target(%dma_start3A_78 : memref<50x32xf32, #tpu.memory_space<vmem>>) offsets(%dma_start3A_81 : memref<50xi32, #tpu.memory_space<vmem>>) semaphore(%arg12 : memref<!tpu.dma_semaphore, #tpu.memory_space<semaphore_mem>>)
    %dma_start3A_85 = arith.constant 8 : i32
    %dma_start3A_86 = arith.constant 400 : i32
    %dma_start3A_87 = arith.constant 0 : i32
    %dma_start3A_88 = tpu.memref_slice %arg8[%dma_start3A_86, %dma_start3A_87] : memref<1600x32xf32, #tpu.memory_space<vmem>> -> memref<50x32xf32, #tpu.memory_space<vmem>>
    %dma_start3A_89 = arith.constant 0 : i32
    %dma_start3A_90 = tpu.memref_slice %arg6[%dma_start3A_85, %dma_start3A_89] : memref<32x50xi32, #tpu.memory_space<vmem>> -> memref<1x50xi32, #tpu.memory_space<vmem>>
    %dma_start3A_91 = tpu.memref_squeeze %dma_start3A_90 : memref<1x50xi32, #tpu.memory_space<vmem>> -> memref<50xi32, #tpu.memory_space<vmem>>
    %dma_start3A_92 = arith.constant 0 : i32
    %dma_start3A_93 = arith.constant 0 : i32
    %dma_start3A_94 = tpu.memref_slice %arg2[%dma_start3A_92, %dma_start3A_93] : memref<1000000x32xf32, #tpu.memory_space<hbm>> -> memref<1000000x32xf32, #tpu.memory_space<hbm>>
    tpu.enqueue_indirect_dma source(%dma_start3A_94 : memref<1000000x32xf32, #tpu.memory_space<hbm>>) target(%dma_start3A_88 : memref<50x32xf32, #tpu.memory_space<vmem>>) offsets(%dma_start3A_91 : memref<50xi32, #tpu.memory_space<vmem>>) semaphore(%arg12 : memref<!tpu.dma_semaphore, #tpu.memory_space<semaphore_mem>>)
    %dma_start3A_95 = arith.constant 9 : i32
    %dma_start3A_96 = arith.constant 450 : i32
    %dma_start3A_97 = arith.constant 0 : i32
    %dma_start3A_98 = tpu.memref_slice %arg8[%dma_start3A_96, %dma_start3A_97] : memref<1600x32xf32, #tpu.memory_space<vmem>> -> memref<50x32xf32, #tpu.memory_space<vmem>>
    %dma_start3A_99 = arith.constant 0 : i32
    %dma_start3A_100 = tpu.memref_slice %arg6[%dma_start3A_95, %dma_start3A_99] : memref<32x50xi32, #tpu.memory_space<vmem>> -> memref<1x50xi32, #tpu.memory_space<vmem>>
    %dma_start3A_101 = tpu.memref_squeeze %dma_start3A_100 : memref<1x50xi32, #tpu.memory_space<vmem>> -> memref<50xi32, #tpu.memory_space<vmem>>
    %dma_start3A_102 = arith.constant 0 : i32
    %dma_start3A_103 = arith.constant 0 : i32
    %dma_start3A_104 = tpu.memref_slice %arg2[%dma_start3A_102, %dma_start3A_103] : memref<1000000x32xf32, #tpu.memory_space<hbm>> -> memref<1000000x32xf32, #tpu.memory_space<hbm>>
    tpu.enqueue_indirect_dma source(%dma_start3A_104 : memref<1000000x32xf32, #tpu.memory_space<hbm>>) target(%dma_start3A_98 : memref<50x32xf32, #tpu.memory_space<vmem>>) offsets(%dma_start3A_101 : memref<50xi32, #tpu.memory_space<vmem>>) semaphore(%arg12 : memref<!tpu.dma_semaphore, #tpu.memory_space<semaphore_mem>>)
    %dma_start3A_105 = arith.constant 10 : i32
    %dma_start3A_106 = arith.constant 500 : i32
    %dma_start3A_107 = arith.constant 0 : i32
    %dma_start3A_108 = tpu.memref_slice %arg8[%dma_start3A_106, %dma_start3A_107] : memref<1600x32xf32, #tpu.memory_space<vmem>> -> memref<50x32xf32, #tpu.memory_space<vmem>>
    %dma_start3A_109 = arith.constant 0 : i32
    %dma_start3A_110 = tpu.memref_slice %arg6[%dma_start3A_105, %dma_start3A_109] : memref<32x50xi32, #tpu.memory_space<vmem>> -> memref<1x50xi32, #tpu.memory_space<vmem>>
    %dma_start3A_111 = tpu.memref_squeeze %dma_start3A_110 : memref<1x50xi32, #tpu.memory_space<vmem>> -> memref<50xi32, #tpu.memory_space<vmem>>
    %dma_start3A_112 = arith.constant 0 : i32
    %dma_start3A_113 = arith.constant 0 : i32
    %dma_start3A_114 = tpu.memref_slice %arg2[%dma_start3A_112, %dma_start3A_113] : memref<1000000x32xf32, #tpu.memory_space<hbm>> -> memref<1000000x32xf32, #tpu.memory_space<hbm>>
    tpu.enqueue_indirect_dma source(%dma_start3A_114 : memref<1000000x32xf32, #tpu.memory_space<hbm>>) target(%dma_start3A_108 : memref<50x32xf32, #tpu.memory_space<vmem>>) offsets(%dma_start3A_111 : memref<50xi32, #tpu.memory_space<vmem>>) semaphore(%arg12 : memref<!tpu.dma_semaphore, #tpu.memory_space<semaphore_mem>>)
    %dma_start3A_115 = arith.constant 11 : i32
    %dma_start3A_116 = arith.constant 550 : i32
    %dma_start3A_117 = arith.constant 0 : i32
    %dma_start3A_118 = tpu.memref_slice %arg8[%dma_start3A_116, %dma_start3A_117] : memref<1600x32xf32, #tpu.memory_space<vmem>> -> memref<50x32xf32, #tpu.memory_space<vmem>>
    %dma_start3A_119 = arith.constant 0 : i32
    %dma_start3A_120 = tpu.memref_slice %arg6[%dma_start3A_115, %dma_start3A_119] : memref<32x50xi32, #tpu.memory_space<vmem>> -> memref<1x50xi32, #tpu.memory_space<vmem>>
    %dma_start3A_121 = tpu.memref_squeeze %dma_start3A_120 : memref<1x50xi32, #tpu.memory_space<vmem>> -> memref<50xi32, #tpu.memory_space<vmem>>
    %dma_start3A_122 = arith.constant 0 : i32
    %dma_start3A_123 = arith.constant 0 : i32
    %dma_start3A_124 = tpu.memref_slice %arg2[%dma_start3A_122, %dma_start3A_123] : memref<1000000x32xf32, #tpu.memory_space<hbm>> -> memref<1000000x32xf32, #tpu.memory_space<hbm>>
    tpu.enqueue_indirect_dma source(%dma_start3A_124 : memref<1000000x32xf32, #tpu.memory_space<hbm>>) target(%dma_start3A_118 : memref<50x32xf32, #tpu.memory_space<vmem>>) offsets(%dma_start3A_121 : memref<50xi32, #tpu.memory_space<vmem>>) semaphore(%arg12 : memref<!tpu.dma_semaphore, #tpu.memory_space<semaphore_mem>>)
    %dma_start3A_125 = arith.constant 12 : i32
    %dma_start3A_126 = arith.constant 600 : i32
    %dma_start3A_127 = arith.constant 0 : i32
    %dma_start3A_128 = tpu.memref_slice %arg8[%dma_start3A_126, %dma_start3A_127] : memref<1600x32xf32, #tpu.memory_space<vmem>> -> memref<50x32xf32, #tpu.memory_space<vmem>>
    %dma_start3A_129 = arith.constant 0 : i32
    %dma_start3A_130 = tpu.memref_slice %arg6[%dma_start3A_125, %dma_start3A_129] : memref<32x50xi32, #tpu.memory_space<vmem>> -> memref<1x50xi32, #tpu.memory_space<vmem>>
    %dma_start3A_131 = tpu.memref_squeeze %dma_start3A_130 : memref<1x50xi32, #tpu.memory_space<vmem>> -> memref<50xi32, #tpu.memory_space<vmem>>
    %dma_start3A_132 = arith.constant 0 : i32
    %dma_start3A_133 = arith.constant 0 : i32
    %dma_start3A_134 = tpu.memref_slice %arg2[%dma_start3A_132, %dma_start3A_133] : memref<1000000x32xf32, #tpu.memory_space<hbm>> -> memref<1000000x32xf32, #tpu.memory_space<hbm>>
    tpu.enqueue_indirect_dma source(%dma_start3A_134 : memref<1000000x32xf32, #tpu.memory_space<hbm>>) target(%dma_start3A_128 : memref<50x32xf32, #tpu.memory_space<vmem>>) offsets(%dma_start3A_131 : memref<50xi32, #tpu.memory_space<vmem>>) semaphore(%arg12 : memref<!tpu.dma_semaphore, #tpu.memory_space<semaphore_mem>>)
    %dma_start3A_135 = arith.constant 13 : i32
    %dma_start3A_136 = arith.constant 650 : i32
    %dma_start3A_137 = arith.constant 0 : i32
    %dma_start3A_138 = tpu.memref_slice %arg8[%dma_start3A_136, %dma_start3A_137] : memref<1600x32xf32, #tpu.memory_space<vmem>> -> memref<50x32xf32, #tpu.memory_space<vmem>>
    %dma_start3A_139 = arith.constant 0 : i32
    %dma_start3A_140 = tpu.memref_slice %arg6[%dma_start3A_135, %dma_start3A_139] : memref<32x50xi32, #tpu.memory_space<vmem>> -> memref<1x50xi32, #tpu.memory_space<vmem>>
    %dma_start3A_141 = tpu.memref_squeeze %dma_start3A_140 : memref<1x50xi32, #tpu.memory_space<vmem>> -> memref<50xi32, #tpu.memory_space<vmem>>
    %dma_start3A_142 = arith.constant 0 : i32
    %dma_start3A_143 = arith.constant 0 : i32
    %dma_start3A_144 = tpu.memref_slice %arg2[%dma_start3A_142, %dma_start3A_143] : memref<1000000x32xf32, #tpu.memory_space<hbm>> -> memref<1000000x32xf32, #tpu.memory_space<hbm>>
    tpu.enqueue_indirect_dma source(%dma_start3A_144 : memref<1000000x32xf32, #tpu.memory_space<hbm>>) target(%dma_start3A_138 : memref<50x32xf32, #tpu.memory_space<vmem>>) offsets(%dma_start3A_141 : memref<50xi32, #tpu.memory_space<vmem>>) semaphore(%arg12 : memref<!tpu.dma_semaphore, #tpu.memory_space<semaphore_mem>>)
    %dma_start3A_145 = arith.constant 14 : i32
    %dma_start3A_146 = arith.constant 700 : i32
    %dma_start3A_147 = arith.constant 0 : i32
    %dma_start3A_148 = tpu.memref_slice %arg8[%dma_start3A_146, %dma_start3A_147] : memref<1600x32xf32, #tpu.memory_space<vmem>> -> memref<50x32xf32, #tpu.memory_space<vmem>>
    %dma_start3A_149 = arith.constant 0 : i32
    %dma_start3A_150 = tpu.memref_slice %arg6[%dma_start3A_145, %dma_start3A_149] : memref<32x50xi32, #tpu.memory_space<vmem>> -> memref<1x50xi32, #tpu.memory_space<vmem>>
    %dma_start3A_151 = tpu.memref_squeeze %dma_start3A_150 : memref<1x50xi32, #tpu.memory_space<vmem>> -> memref<50xi32, #tpu.memory_space<vmem>>
    %dma_start3A_152 = arith.constant 0 : i32
    %dma_start3A_153 = arith.constant 0 : i32
    %dma_start3A_154 = tpu.memref_slice %arg2[%dma_start3A_152, %dma_start3A_153] : memref<1000000x32xf32, #tpu.memory_space<hbm>> -> memref<1000000x32xf32, #tpu.memory_space<hbm>>
    tpu.enqueue_indirect_dma source(%dma_start3A_154 : memref<1000000x32xf32, #tpu.memory_space<hbm>>) target(%dma_start3A_148 : memref<50x32xf32, #tpu.memory_space<vmem>>) offsets(%dma_start3A_151 : memref<50xi32, #tpu.memory_space<vmem>>) semaphore(%arg12 : memref<!tpu.dma_semaphore, #tpu.memory_space<semaphore_mem>>)
    %dma_start3A_155 = arith.constant 15 : i32
    %dma_start3A_156 = arith.constant 750 : i32
    %dma_start3A_157 = arith.constant 0 : i32
    %dma_start3A_158 = tpu.memref_slice %arg8[%dma_start3A_156, %dma_start3A_157] : memref<1600x32xf32, #tpu.memory_space<vmem>> -> memref<50x32xf32, #tpu.memory_space<vmem>>
    %dma_start3A_159 = arith.constant 0 : i32
    %dma_start3A_160 = tpu.memref_slice %arg6[%dma_start3A_155, %dma_start3A_159] : memref<32x50xi32, #tpu.memory_space<vmem>> -> memref<1x50xi32, #tpu.memory_space<vmem>>
    %dma_start3A_161 = tpu.memref_squeeze %dma_start3A_160 : memref<1x50xi32, #tpu.memory_space<vmem>> -> memref<50xi32, #tpu.memory_space<vmem>>
    %dma_start3A_162 = arith.constant 0 : i32
    %dma_start3A_163 = arith.constant 0 : i32
    %dma_start3A_164 = tpu.memref_slice %arg2[%dma_start3A_162, %dma_start3A_163] : memref<1000000x32xf32, #tpu.memory_space<hbm>> -> memref<1000000x32xf32, #tpu.memory_space<hbm>>
    tpu.enqueue_indirect_dma source(%dma_start3A_164 : memref<1000000x32xf32, #tpu.memory_space<hbm>>) target(%dma_start3A_158 : memref<50x32xf32, #tpu.memory_space<vmem>>) offsets(%dma_start3A_161 : memref<50xi32, #tpu.memory_space<vmem>>) semaphore(%arg12 : memref<!tpu.dma_semaphore, #tpu.memory_space<semaphore_mem>>)
    %dma_start3A_165 = arith.constant 16 : i32
    %dma_start3A_166 = arith.constant 800 : i32
    %dma_start3A_167 = arith.constant 0 : i32
    %dma_start3A_168 = tpu.memref_slice %arg8[%dma_start3A_166, %dma_start3A_167] : memref<1600x32xf32, #tpu.memory_space<vmem>> -> memref<50x32xf32, #tpu.memory_space<vmem>>
    %dma_start3A_169 = arith.constant 0 : i32
    %dma_start3A_170 = tpu.memref_slice %arg6[%dma_start3A_165, %dma_start3A_169] : memref<32x50xi32, #tpu.memory_space<vmem>> -> memref<1x50xi32, #tpu.memory_space<vmem>>
    %dma_start3A_171 = tpu.memref_squeeze %dma_start3A_170 : memref<1x50xi32, #tpu.memory_space<vmem>> -> memref<50xi32, #tpu.memory_space<vmem>>
    %dma_start3A_172 = arith.constant 0 : i32
    %dma_start3A_173 = arith.constant 0 : i32
    %dma_start3A_174 = tpu.memref_slice %arg2[%dma_start3A_172, %dma_start3A_173] : memref<1000000x32xf32, #tpu.memory_space<hbm>> -> memref<1000000x32xf32, #tpu.memory_space<hbm>>
    tpu.enqueue_indirect_dma source(%dma_start3A_174 : memref<1000000x32xf32, #tpu.memory_space<hbm>>) target(%dma_start3A_168 : memref<50x32xf32, #tpu.memory_space<vmem>>) offsets(%dma_start3A_171 : memref<50xi32, #tpu.memory_space<vmem>>) semaphore(%arg12 : memref<!tpu.dma_semaphore, #tpu.memory_space<semaphore_mem>>)
    %dma_start3A_175 = arith.constant 17 : i32
    %dma_start3A_176 = arith.constant 850 : i32
    %dma_start3A_177 = arith.constant 0 : i32
    %dma_start3A_178 = tpu.memref_slice %arg8[%dma_start3A_176, %dma_start3A_177] : memref<1600x32xf32, #tpu.memory_space<vmem>> -> memref<50x32xf32, #tpu.memory_space<vmem>>
    %dma_start3A_179 = arith.constant 0 : i32
    %dma_start3A_180 = tpu.memref_slice %arg6[%dma_start3A_175, %dma_start3A_179] : memref<32x50xi32, #tpu.memory_space<vmem>> -> memref<1x50xi32, #tpu.memory_space<vmem>>
    %dma_start3A_181 = tpu.memref_squeeze %dma_start3A_180 : memref<1x50xi32, #tpu.memory_space<vmem>> -> memref<50xi32, #tpu.memory_space<vmem>>
    %dma_start3A_182 = arith.constant 0 : i32
    %dma_start3A_183 = arith.constant 0 : i32
    %dma_start3A_184 = tpu.memref_slice %arg2[%dma_start3A_182, %dma_start3A_183] : memref<1000000x32xf32, #tpu.memory_space<hbm>> -> memref<1000000x32xf32, #tpu.memory_space<hbm>>
    tpu.enqueue_indirect_dma source(%dma_start3A_184 : memref<1000000x32xf32, #tpu.memory_space<hbm>>) target(%dma_start3A_178 : memref<50x32xf32, #tpu.memory_space<vmem>>) offsets(%dma_start3A_181 : memref<50xi32, #tpu.memory_space<vmem>>) semaphore(%arg12 : memref<!tpu.dma_semaphore, #tpu.memory_space<semaphore_mem>>)
    %dma_start3A_185 = arith.constant 18 : i32
    %dma_start3A_186 = arith.constant 900 : i32
    %dma_start3A_187 = arith.constant 0 : i32
    %dma_start3A_188 = tpu.memref_slice %arg8[%dma_start3A_186, %dma_start3A_187] : memref<1600x32xf32, #tpu.memory_space<vmem>> -> memref<50x32xf32, #tpu.memory_space<vmem>>
    %dma_start3A_189 = arith.constant 0 : i32
    %dma_start3A_190 = tpu.memref_slice %arg6[%dma_start3A_185, %dma_start3A_189] : memref<32x50xi32, #tpu.memory_space<vmem>> -> memref<1x50xi32, #tpu.memory_space<vmem>>
    %dma_start3A_191 = tpu.memref_squeeze %dma_start3A_190 : memref<1x50xi32, #tpu.memory_space<vmem>> -> memref<50xi32, #tpu.memory_space<vmem>>
    %dma_start3A_192 = arith.constant 0 : i32
    %dma_start3A_193 = arith.constant 0 : i32
    %dma_start3A_194 = tpu.memref_slice %arg2[%dma_start3A_192, %dma_start3A_193] : memref<1000000x32xf32, #tpu.memory_space<hbm>> -> memref<1000000x32xf32, #tpu.memory_space<hbm>>
    tpu.enqueue_indirect_dma source(%dma_start3A_194 : memref<1000000x32xf32, #tpu.memory_space<hbm>>) target(%dma_start3A_188 : memref<50x32xf32, #tpu.memory_space<vmem>>) offsets(%dma_start3A_191 : memref<50xi32, #tpu.memory_space<vmem>>) semaphore(%arg12 : memref<!tpu.dma_semaphore, #tpu.memory_space<semaphore_mem>>)
    %dma_start3A_195 = arith.constant 19 : i32
    %dma_start3A_196 = arith.constant 950 : i32
    %dma_start3A_197 = arith.constant 0 : i32
    %dma_start3A_198 = tpu.memref_slice %arg8[%dma_start3A_196, %dma_start3A_197] : memref<1600x32xf32, #tpu.memory_space<vmem>> -> memref<50x32xf32, #tpu.memory_space<vmem>>
    %dma_start3A_199 = arith.constant 0 : i32
    %dma_start3A_200 = tpu.memref_slice %arg6[%dma_start3A_195, %dma_start3A_199] : memref<32x50xi32, #tpu.memory_space<vmem>> -> memref<1x50xi32, #tpu.memory_space<vmem>>
    %dma_start3A_201 = tpu.memref_squeeze %dma_start3A_200 : memref<1x50xi32, #tpu.memory_space<vmem>> -> memref<50xi32, #tpu.memory_space<vmem>>
    %dma_start3A_202 = arith.constant 0 : i32
    %dma_start3A_203 = arith.constant 0 : i32
    %dma_start3A_204 = tpu.memref_slice %arg2[%dma_start3A_202, %dma_start3A_203] : memref<1000000x32xf32, #tpu.memory_space<hbm>> -> memref<1000000x32xf32, #tpu.memory_space<hbm>>
    tpu.enqueue_indirect_dma source(%dma_start3A_204 : memref<1000000x32xf32, #tpu.memory_space<hbm>>) target(%dma_start3A_198 : memref<50x32xf32, #tpu.memory_space<vmem>>) offsets(%dma_start3A_201 : memref<50xi32, #tpu.memory_space<vmem>>) semaphore(%arg12 : memref<!tpu.dma_semaphore, #tpu.memory_space<semaphore_mem>>)
    %dma_start3A_205 = arith.constant 20 : i32
    %dma_start3A_206 = arith.constant 1000 : i32
    %dma_start3A_207 = arith.constant 0 : i32
    %dma_start3A_208 = tpu.memref_slice %arg8[%dma_start3A_206, %dma_start3A_207] : memref<1600x32xf32, #tpu.memory_space<vmem>> -> memref<50x32xf32, #tpu.memory_space<vmem>>
    %dma_start3A_209 = arith.constant 0 : i32
    %dma_start3A_210 = tpu.memref_slice %arg6[%dma_start3A_205, %dma_start3A_209] : memref<32x50xi32, #tpu.memory_space<vmem>> -> memref<1x50xi32, #tpu.memory_space<vmem>>
    %dma_start3A_211 = tpu.memref_squeeze %dma_start3A_210 : memref<1x50xi32, #tpu.memory_space<vmem>> -> memref<50xi32, #tpu.memory_space<vmem>>
    %dma_start3A_212 = arith.constant 0 : i32
    %dma_start3A_213 = arith.constant 0 : i32
    %dma_start3A_214 = tpu.memref_slice %arg2[%dma_start3A_212, %dma_start3A_213] : memref<1000000x32xf32, #tpu.memory_space<hbm>> -> memref<1000000x32xf32, #tpu.memory_space<hbm>>
    tpu.enqueue_indirect_dma source(%dma_start3A_214 : memref<1000000x32xf32, #tpu.memory_space<hbm>>) target(%dma_start3A_208 : memref<50x32xf32, #tpu.memory_space<vmem>>) offsets(%dma_start3A_211 : memref<50xi32, #tpu.memory_space<vmem>>) semaphore(%arg12 : memref<!tpu.dma_semaphore, #tpu.memory_space<semaphore_mem>>)
    %dma_start3A_215 = arith.constant 21 : i32
    %dma_start3A_216 = arith.constant 1050 : i32
    %dma_start3A_217 = arith.constant 0 : i32
    %dma_start3A_218 = tpu.memref_slice %arg8[%dma_start3A_216, %dma_start3A_217] : memref<1600x32xf32, #tpu.memory_space<vmem>> -> memref<50x32xf32, #tpu.memory_space<vmem>>
    %dma_start3A_219 = arith.constant 0 : i32
    %dma_start3A_220 = tpu.memref_slice %arg6[%dma_start3A_215, %dma_start3A_219] : memref<32x50xi32, #tpu.memory_space<vmem>> -> memref<1x50xi32, #tpu.memory_space<vmem>>
    %dma_start3A_221 = tpu.memref_squeeze %dma_start3A_220 : memref<1x50xi32, #tpu.memory_space<vmem>> -> memref<50xi32, #tpu.memory_space<vmem>>
    %dma_start3A_222 = arith.constant 0 : i32
    %dma_start3A_223 = arith.constant 0 : i32
    %dma_start3A_224 = tpu.memref_slice %arg2[%dma_start3A_222, %dma_start3A_223] : memref<1000000x32xf32, #tpu.memory_space<hbm>> -> memref<1000000x32xf32, #tpu.memory_space<hbm>>
    tpu.enqueue_indirect_dma source(%dma_start3A_224 : memref<1000000x32xf32, #tpu.memory_space<hbm>>) target(%dma_start3A_218 : memref<50x32xf32, #tpu.memory_space<vmem>>) offsets(%dma_start3A_221 : memref<50xi32, #tpu.memory_space<vmem>>) semaphore(%arg12 : memref<!tpu.dma_semaphore, #tpu.memory_space<semaphore_mem>>)
    %dma_start3A_225 = arith.constant 22 : i32
    %dma_start3A_226 = arith.constant 1100 : i32
    %dma_start3A_227 = arith.constant 0 : i32
    %dma_start3A_228 = tpu.memref_slice %arg8[%dma_start3A_226, %dma_start3A_227] : memref<1600x32xf32, #tpu.memory_space<vmem>> -> memref<50x32xf32, #tpu.memory_space<vmem>>
    %dma_start3A_229 = arith.constant 0 : i32
    %dma_start3A_230 = tpu.memref_slice %arg6[%dma_start3A_225, %dma_start3A_229] : memref<32x50xi32, #tpu.memory_space<vmem>> -> memref<1x50xi32, #tpu.memory_space<vmem>>
    %dma_start3A_231 = tpu.memref_squeeze %dma_start3A_230 : memref<1x50xi32, #tpu.memory_space<vmem>> -> memref<50xi32, #tpu.memory_space<vmem>>
    %dma_start3A_232 = arith.constant 0 : i32
    %dma_start3A_233 = arith.constant 0 : i32
    %dma_start3A_234 = tpu.memref_slice %arg2[%dma_start3A_232, %dma_start3A_233] : memref<1000000x32xf32, #tpu.memory_space<hbm>> -> memref<1000000x32xf32, #tpu.memory_space<hbm>>
    tpu.enqueue_indirect_dma source(%dma_start3A_234 : memref<1000000x32xf32, #tpu.memory_space<hbm>>) target(%dma_start3A_228 : memref<50x32xf32, #tpu.memory_space<vmem>>) offsets(%dma_start3A_231 : memref<50xi32, #tpu.memory_space<vmem>>) semaphore(%arg12 : memref<!tpu.dma_semaphore, #tpu.memory_space<semaphore_mem>>)
    %dma_start3A_235 = arith.constant 23 : i32
    %dma_start3A_236 = arith.constant 1150 : i32
    %dma_start3A_237 = arith.constant 0 : i32
    %dma_start3A_238 = tpu.memref_slice %arg8[%dma_start3A_236, %dma_start3A_237] : memref<1600x32xf32, #tpu.memory_space<vmem>> -> memref<50x32xf32, #tpu.memory_space<vmem>>
    %dma_start3A_239 = arith.constant 0 : i32
    %dma_start3A_240 = tpu.memref_slice %arg6[%dma_start3A_235, %dma_start3A_239] : memref<32x50xi32, #tpu.memory_space<vmem>> -> memref<1x50xi32, #tpu.memory_space<vmem>>
    %dma_start3A_241 = tpu.memref_squeeze %dma_start3A_240 : memref<1x50xi32, #tpu.memory_space<vmem>> -> memref<50xi32, #tpu.memory_space<vmem>>
    %dma_start3A_242 = arith.constant 0 : i32
    %dma_start3A_243 = arith.constant 0 : i32
    %dma_start3A_244 = tpu.memref_slice %arg2[%dma_start3A_242, %dma_start3A_243] : memref<1000000x32xf32, #tpu.memory_space<hbm>> -> memref<1000000x32xf32, #tpu.memory_space<hbm>>
    tpu.enqueue_indirect_dma source(%dma_start3A_244 : memref<1000000x32xf32, #tpu.memory_space<hbm>>) target(%dma_start3A_238 : memref<50x32xf32, #tpu.memory_space<vmem>>) offsets(%dma_start3A_241 : memref<50xi32, #tpu.memory_space<vmem>>) semaphore(%arg12 : memref<!tpu.dma_semaphore, #tpu.memory_space<semaphore_mem>>)
    %dma_start3A_245 = arith.constant 24 : i32
    %dma_start3A_246 = arith.constant 1200 : i32
    %dma_start3A_247 = arith.constant 0 : i32
    %dma_start3A_248 = tpu.memref_slice %arg8[%dma_start3A_246, %dma_start3A_247] : memref<1600x32xf32, #tpu.memory_space<vmem>> -> memref<50x32xf32, #tpu.memory_space<vmem>>
    %dma_start3A_249 = arith.constant 0 : i32
    %dma_start3A_250 = tpu.memref_slice %arg6[%dma_start3A_245, %dma_start3A_249] : memref<32x50xi32, #tpu.memory_space<vmem>> -> memref<1x50xi32, #tpu.memory_space<vmem>>
    %dma_start3A_251 = tpu.memref_squeeze %dma_start3A_250 : memref<1x50xi32, #tpu.memory_space<vmem>> -> memref<50xi32, #tpu.memory_space<vmem>>
    %dma_start3A_252 = arith.constant 0 : i32
    %dma_start3A_253 = arith.constant 0 : i32
    %dma_start3A_254 = tpu.memref_slice %arg2[%dma_start3A_252, %dma_start3A_253] : memref<1000000x32xf32, #tpu.memory_space<hbm>> -> memref<1000000x32xf32, #tpu.memory_space<hbm>>
    tpu.enqueue_indirect_dma source(%dma_start3A_254 : memref<1000000x32xf32, #tpu.memory_space<hbm>>) target(%dma_start3A_248 : memref<50x32xf32, #tpu.memory_space<vmem>>) offsets(%dma_start3A_251 : memref<50xi32, #tpu.memory_space<vmem>>) semaphore(%arg12 : memref<!tpu.dma_semaphore, #tpu.memory_space<semaphore_mem>>)
    %dma_start3A_255 = arith.constant 25 : i32
    %dma_start3A_256 = arith.constant 1250 : i32
    %dma_start3A_257 = arith.constant 0 : i32
    %dma_start3A_258 = tpu.memref_slice %arg8[%dma_start3A_256, %dma_start3A_257] : memref<1600x32xf32, #tpu.memory_space<vmem>> -> memref<50x32xf32, #tpu.memory_space<vmem>>
    %dma_start3A_259 = arith.constant 0 : i32
    %dma_start3A_260 = tpu.memref_slice %arg6[%dma_start3A_255, %dma_start3A_259] : memref<32x50xi32, #tpu.memory_space<vmem>> -> memref<1x50xi32, #tpu.memory_space<vmem>>
    %dma_start3A_261 = tpu.memref_squeeze %dma_start3A_260 : memref<1x50xi32, #tpu.memory_space<vmem>> -> memref<50xi32, #tpu.memory_space<vmem>>
    %dma_start3A_262 = arith.constant 0 : i32
    %dma_start3A_263 = arith.constant 0 : i32
    %dma_start3A_264 = tpu.memref_slice %arg2[%dma_start3A_262, %dma_start3A_263] : memref<1000000x32xf32, #tpu.memory_space<hbm>> -> memref<1000000x32xf32, #tpu.memory_space<hbm>>
    tpu.enqueue_indirect_dma source(%dma_start3A_264 : memref<1000000x32xf32, #tpu.memory_space<hbm>>) target(%dma_start3A_258 : memref<50x32xf32, #tpu.memory_space<vmem>>) offsets(%dma_start3A_261 : memref<50xi32, #tpu.memory_space<vmem>>) semaphore(%arg12 : memref<!tpu.dma_semaphore, #tpu.memory_space<semaphore_mem>>)
    %dma_start3A_265 = arith.constant 26 : i32
    %dma_start3A_266 = arith.constant 1300 : i32
    %dma_start3A_267 = arith.constant 0 : i32
    %dma_start3A_268 = tpu.memref_slice %arg8[%dma_start3A_266, %dma_start3A_267] : memref<1600x32xf32, #tpu.memory_space<vmem>> -> memref<50x32xf32, #tpu.memory_space<vmem>>
    %dma_start3A_269 = arith.constant 0 : i32
    %dma_start3A_270 = tpu.memref_slice %arg6[%dma_start3A_265, %dma_start3A_269] : memref<32x50xi32, #tpu.memory_space<vmem>> -> memref<1x50xi32, #tpu.memory_space<vmem>>
    %dma_start3A_271 = tpu.memref_squeeze %dma_start3A_270 : memref<1x50xi32, #tpu.memory_space<vmem>> -> memref<50xi32, #tpu.memory_space<vmem>>
    %dma_start3A_272 = arith.constant 0 : i32
    %dma_start3A_273 = arith.constant 0 : i32
    %dma_start3A_274 = tpu.memref_slice %arg2[%dma_start3A_272, %dma_start3A_273] : memref<1000000x32xf32, #tpu.memory_space<hbm>> -> memref<1000000x32xf32, #tpu.memory_space<hbm>>
    tpu.enqueue_indirect_dma source(%dma_start3A_274 : memref<1000000x32xf32, #tpu.memory_space<hbm>>) target(%dma_start3A_268 : memref<50x32xf32, #tpu.memory_space<vmem>>) offsets(%dma_start3A_271 : memref<50xi32, #tpu.memory_space<vmem>>) semaphore(%arg12 : memref<!tpu.dma_semaphore, #tpu.memory_space<semaphore_mem>>)
    %dma_start3A_275 = arith.constant 27 : i32
    %dma_start3A_276 = arith.constant 1350 : i32
    %dma_start3A_277 = arith.constant 0 : i32
    %dma_start3A_278 = tpu.memref_slice %arg8[%dma_start3A_276, %dma_start3A_277] : memref<1600x32xf32, #tpu.memory_space<vmem>> -> memref<50x32xf32, #tpu.memory_space<vmem>>
    %dma_start3A_279 = arith.constant 0 : i32
    %dma_start3A_280 = tpu.memref_slice %arg6[%dma_start3A_275, %dma_start3A_279] : memref<32x50xi32, #tpu.memory_space<vmem>> -> memref<1x50xi32, #tpu.memory_space<vmem>>
    %dma_start3A_281 = tpu.memref_squeeze %dma_start3A_280 : memref<1x50xi32, #tpu.memory_space<vmem>> -> memref<50xi32, #tpu.memory_space<vmem>>
    %dma_start3A_282 = arith.constant 0 : i32
    %dma_start3A_283 = arith.constant 0 : i32
    %dma_start3A_284 = tpu.memref_slice %arg2[%dma_start3A_282, %dma_start3A_283] : memref<1000000x32xf32, #tpu.memory_space<hbm>> -> memref<1000000x32xf32, #tpu.memory_space<hbm>>
    tpu.enqueue_indirect_dma source(%dma_start3A_284 : memref<1000000x32xf32, #tpu.memory_space<hbm>>) target(%dma_start3A_278 : memref<50x32xf32, #tpu.memory_space<vmem>>) offsets(%dma_start3A_281 : memref<50xi32, #tpu.memory_space<vmem>>) semaphore(%arg12 : memref<!tpu.dma_semaphore, #tpu.memory_space<semaphore_mem>>)
    %dma_start3A_285 = arith.constant 28 : i32
    %dma_start3A_286 = arith.constant 1400 : i32
    %dma_start3A_287 = arith.constant 0 : i32
    %dma_start3A_288 = tpu.memref_slice %arg8[%dma_start3A_286, %dma_start3A_287] : memref<1600x32xf32, #tpu.memory_space<vmem>> -> memref<50x32xf32, #tpu.memory_space<vmem>>
    %dma_start3A_289 = arith.constant 0 : i32
    %dma_start3A_290 = tpu.memref_slice %arg6[%dma_start3A_285, %dma_start3A_289] : memref<32x50xi32, #tpu.memory_space<vmem>> -> memref<1x50xi32, #tpu.memory_space<vmem>>
    %dma_start3A_291 = tpu.memref_squeeze %dma_start3A_290 : memref<1x50xi32, #tpu.memory_space<vmem>> -> memref<50xi32, #tpu.memory_space<vmem>>
    %dma_start3A_292 = arith.constant 0 : i32
    %dma_start3A_293 = arith.constant 0 : i32
    %dma_start3A_294 = tpu.memref_slice %arg2[%dma_start3A_292, %dma_start3A_293] : memref<1000000x32xf32, #tpu.memory_space<hbm>> -> memref<1000000x32xf32, #tpu.memory_space<hbm>>
    tpu.enqueue_indirect_dma source(%dma_start3A_294 : memref<1000000x32xf32, #tpu.memory_space<hbm>>) target(%dma_start3A_288 : memref<50x32xf32, #tpu.memory_space<vmem>>) offsets(%dma_start3A_291 : memref<50xi32, #tpu.memory_space<vmem>>) semaphore(%arg12 : memref<!tpu.dma_semaphore, #tpu.memory_space<semaphore_mem>>)
    %dma_start3A_295 = arith.constant 29 : i32
    %dma_start3A_296 = arith.constant 1450 : i32
    %dma_start3A_297 = arith.constant 0 : i32
    %dma_start3A_298 = tpu.memref_slice %arg8[%dma_start3A_296, %dma_start3A_297] : memref<1600x32xf32, #tpu.memory_space<vmem>> -> memref<50x32xf32, #tpu.memory_space<vmem>>
    %dma_start3A_299 = arith.constant 0 : i32
    %dma_start3A_300 = tpu.memref_slice %arg6[%dma_start3A_295, %dma_start3A_299] : memref<32x50xi32, #tpu.memory_space<vmem>> -> memref<1x50xi32, #tpu.memory_space<vmem>>
    %dma_start3A_301 = tpu.memref_squeeze %dma_start3A_300 : memref<1x50xi32, #tpu.memory_space<vmem>> -> memref<50xi32, #tpu.memory_space<vmem>>
    %dma_start3A_302 = arith.constant 0 : i32
    %dma_start3A_303 = arith.constant 0 : i32
    %dma_start3A_304 = tpu.memref_slice %arg2[%dma_start3A_302, %dma_start3A_303] : memref<1000000x32xf32, #tpu.memory_space<hbm>> -> memref<1000000x32xf32, #tpu.memory_space<hbm>>
    tpu.enqueue_indirect_dma source(%dma_start3A_304 : memref<1000000x32xf32, #tpu.memory_space<hbm>>) target(%dma_start3A_298 : memref<50x32xf32, #tpu.memory_space<vmem>>) offsets(%dma_start3A_301 : memref<50xi32, #tpu.memory_space<vmem>>) semaphore(%arg12 : memref<!tpu.dma_semaphore, #tpu.memory_space<semaphore_mem>>)
    %dma_start3A_305 = arith.constant 30 : i32
    %dma_start3A_306 = arith.constant 1500 : i32
    %dma_start3A_307 = arith.constant 0 : i32
    %dma_start3A_308 = tpu.memref_slice %arg8[%dma_start3A_306, %dma_start3A_307] : memref<1600x32xf32, #tpu.memory_space<vmem>> -> memref<50x32xf32, #tpu.memory_space<vmem>>
    %dma_start3A_309 = arith.constant 0 : i32
    %dma_start3A_310 = tpu.memref_slice %arg6[%dma_start3A_305, %dma_start3A_309] : memref<32x50xi32, #tpu.memory_space<vmem>> -> memref<1x50xi32, #tpu.memory_space<vmem>>
    %dma_start3A_311 = tpu.memref_squeeze %dma_start3A_310 : memref<1x50xi32, #tpu.memory_space<vmem>> -> memref<50xi32, #tpu.memory_space<vmem>>
    %dma_start3A_312 = arith.constant 0 : i32
    %dma_start3A_313 = arith.constant 0 : i32
    %dma_start3A_314 = tpu.memref_slice %arg2[%dma_start3A_312, %dma_start3A_313] : memref<1000000x32xf32, #tpu.memory_space<hbm>> -> memref<1000000x32xf32, #tpu.memory_space<hbm>>
    tpu.enqueue_indirect_dma source(%dma_start3A_314 : memref<1000000x32xf32, #tpu.memory_space<hbm>>) target(%dma_start3A_308 : memref<50x32xf32, #tpu.memory_space<vmem>>) offsets(%dma_start3A_311 : memref<50xi32, #tpu.memory_space<vmem>>) semaphore(%arg12 : memref<!tpu.dma_semaphore, #tpu.memory_space<semaphore_mem>>)
    %dma_start3A_315 = arith.constant 31 : i32
    %dma_start3A_316 = arith.constant 1550 : i32
    %dma_start3A_317 = arith.constant 0 : i32
    %dma_start3A_318 = tpu.memref_slice %arg8[%dma_start3A_316, %dma_start3A_317] : memref<1600x32xf32, #tpu.memory_space<vmem>> -> memref<50x32xf32, #tpu.memory_space<vmem>>
    %dma_start3A_319 = arith.constant 0 : i32
    %dma_start3A_320 = tpu.memref_slice %arg6[%dma_start3A_315, %dma_start3A_319] : memref<32x50xi32, #tpu.memory_space<vmem>> -> memref<1x50xi32, #tpu.memory_space<vmem>>
    %dma_start3A_321 = tpu.memref_squeeze %dma_start3A_320 : memref<1x50xi32, #tpu.memory_space<vmem>> -> memref<50xi32, #tpu.memory_space<vmem>>
    %dma_start3A_322 = arith.constant 0 : i32
    %dma_start3A_323 = arith.constant 0 : i32
    %dma_start3A_324 = tpu.memref_slice %arg2[%dma_start3A_322, %dma_start3A_323] : memref<1000000x32xf32, #tpu.memory_space<hbm>> -> memref<1000000x32xf32, #tpu.memory_space<hbm>>
    tpu.enqueue_indirect_dma source(%dma_start3A_324 : memref<1000000x32xf32, #tpu.memory_space<hbm>>) target(%dma_start3A_318 : memref<50x32xf32, #tpu.memory_space<vmem>>) offsets(%dma_start3A_321 : memref<50xi32, #tpu.memory_space<vmem>>) semaphore(%arg12 : memref<!tpu.dma_semaphore, #tpu.memory_space<semaphore_mem>>)
    %scan3A = arith.constant 0 : i32
    %scan3A_325 = arith.constant 0 : i32
    %scan3A_326 = arith.constant 8 : i32
    %scan3A_327 = arith.addi %scan3A_325, %scan3A_326 : i32
    %scan3A_328 = arith.constant 1 : i32
    scf.for %scan3A_330 = %scan3A_325 to %scan3A_327 step %scan3A_328  : i32 {
      %mul3A_331 = arith.constant 2 : i32
      %mul3A_332 = arith.muli %mul3A_331, %scan3A_330 : i32
      %add3A_333 = arith.constant 0 : i32
      %add3A_334 = arith.addi %mul3A_332, %add3A_333 : i32
      %add3A_335 = arith.constant 1 : i32
      %add3A_336 = arith.addi %add3A_334, %add3A_335 : i32
      %lt3A = arith.constant 16 : i32
      %lt3A_337 = arith.cmpi slt, %add3A_336, %lt3A : i32
      %convert_element_type3A = arith.extui %lt3A_337 : i1 to i32
      %cond3A = arith.constant 0 : i32
      %cond3A_338 = arith.cmpi ne, %convert_element_type3A, %cond3A : i32
      scf.if %cond3A_338 {
        %add3A_372 = arith.constant 1 : i32
        %add3A_373 = arith.addi %add3A_334, %add3A_372 : i32
        %mul3A_374 = arith.constant 32 : i32
        %mul3A_375 = arith.muli %add3A_373, %mul3A_374 : i32
        %add3A_376 = arith.addi %mul3A_2, %mul3A_375 : i32
        "tpu.region"() ({
          %run_scoped3A = tpu.sem_alloc : memref<!tpu.dma_semaphore, #tpu.memory_space<semaphore_mem>>
          %dma_start3A_697 = arith.constant 0 : i32
          %dma_start3A_698 = tpu.memref_slice %arg3[%add3A_376, %dma_start3A_697] : memref<16384x50xi32, #tpu.memory_space<hbm>> -> memref<32x50xi32, #tpu.memory_space<hbm>>
          %dma_start3A_699 = arith.constant 0 : i32
          %dma_start3A_700 = tpu.memref_slice %arg3[%add3A_376, %dma_start3A_699] : memref<16384x50xi32, #tpu.memory_space<hbm>> -> memref<32x50xi32, #tpu.memory_space<hbm>>
          tpu.enqueue_dma source(%dma_start3A_700 : memref<32x50xi32, #tpu.memory_space<hbm>>) target(%arg7 : memref<32x50xi32, #tpu.memory_space<vmem>>) target_semaphore(%run_scoped3A : memref<!tpu.dma_semaphore, #tpu.memory_space<semaphore_mem>>)
          %dma_wait3A_701 = arith.constant 0 : i32
          %dma_wait3A_702 = tpu.memref_slice %arg3[%add3A_376, %dma_wait3A_701] : memref<16384x50xi32, #tpu.memory_space<hbm>> -> memref<32x50xi32, #tpu.memory_space<hbm>>
          %dma_wait3A_703 = arith.constant 0 : i32
          %dma_wait3A_704 = tpu.memref_slice %arg3[%add3A_376, %dma_wait3A_703] : memref<16384x50xi32, #tpu.memory_space<hbm>> -> memref<32x50xi32, #tpu.memory_space<hbm>>
          tpu.wait_dma2 semaphore(%run_scoped3A : memref<!tpu.dma_semaphore, #tpu.memory_space<semaphore_mem>>) src(%dma_wait3A_704 : memref<32x50xi32, #tpu.memory_space<hbm>>) dst(%arg7 : memref<32x50xi32, #tpu.memory_space<vmem>>)
          tpu.yield
        }) : () -> ()
        %dma_start3A_377 = arith.constant 0 : i32
        %dma_start3A_378 = arith.constant 0 : i32
        %dma_start3A_379 = arith.constant 0 : i32
        %dma_start3A_380 = tpu.memref_slice %arg9[%dma_start3A_378, %dma_start3A_379] : memref<1600x32xf32, #tpu.memory_space<vmem>> -> memref<50x32xf32, #tpu.memory_space<vmem>>
        %dma_start3A_381 = arith.constant 0 : i32
        %dma_start3A_382 = tpu.memref_slice %arg7[%dma_start3A_377, %dma_start3A_381] : memref<32x50xi32, #tpu.memory_space<vmem>> -> memref<1x50xi32, #tpu.memory_space<vmem>>
        %dma_start3A_383 = tpu.memref_squeeze %dma_start3A_382 : memref<1x50xi32, #tpu.memory_space<vmem>> -> memref<50xi32, #tpu.memory_space<vmem>>
        %dma_start3A_384 = arith.constant 0 : i32
        %dma_start3A_385 = arith.constant 0 : i32
        %dma_start3A_386 = tpu.memref_slice %arg2[%dma_start3A_384, %dma_start3A_385] : memref<1000000x32xf32, #tpu.memory_space<hbm>> -> memref<1000000x32xf32, #tpu.memory_space<hbm>>
        tpu.enqueue_indirect_dma source(%dma_start3A_386 : memref<1000000x32xf32, #tpu.memory_space<hbm>>) target(%dma_start3A_380 : memref<50x32xf32, #tpu.memory_space<vmem>>) offsets(%dma_start3A_383 : memref<50xi32, #tpu.memory_space<vmem>>) semaphore(%arg12 : memref<!tpu.dma_semaphore, #tpu.memory_space<semaphore_mem>>)
        %dma_start3A_387 = arith.constant 1 : i32
        %dma_start3A_388 = arith.constant 50 : i32
        %dma_start3A_389 = arith.constant 0 : i32
        %dma_start3A_390 = tpu.memref_slice %arg9[%dma_start3A_388, %dma_start3A_389] : memref<1600x32xf32, #tpu.memory_space<vmem>> -> memref<50x32xf32, #tpu.memory_space<vmem>>
        %dma_start3A_391 = arith.constant 0 : i32
        %dma_start3A_392 = tpu.memref_slice %arg7[%dma_start3A_387, %dma_start3A_391] : memref<32x50xi32, #tpu.memory_space<vmem>> -> memref<1x50xi32, #tpu.memory_space<vmem>>
        %dma_start3A_393 = tpu.memref_squeeze %dma_start3A_392 : memref<1x50xi32, #tpu.memory_space<vmem>> -> memref<50xi32, #tpu.memory_space<vmem>>
        %dma_start3A_394 = arith.constant 0 : i32
        %dma_start3A_395 = arith.constant 0 : i32
        %dma_start3A_396 = tpu.memref_slice %arg2[%dma_start3A_394, %dma_start3A_395] : memref<1000000x32xf32, #tpu.memory_space<hbm>> -> memref<1000000x32xf32, #tpu.memory_space<hbm>>
        tpu.enqueue_indirect_dma source(%dma_start3A_396 : memref<1000000x32xf32, #tpu.memory_space<hbm>>) target(%dma_start3A_390 : memref<50x32xf32, #tpu.memory_space<vmem>>) offsets(%dma_start3A_393 : memref<50xi32, #tpu.memory_space<vmem>>) semaphore(%arg12 : memref<!tpu.dma_semaphore, #tpu.memory_space<semaphore_mem>>)
        %dma_start3A_397 = arith.constant 2 : i32
        %dma_start3A_398 = arith.constant 100 : i32
        %dma_start3A_399 = arith.constant 0 : i32
        %dma_start3A_400 = tpu.memref_slice %arg9[%dma_start3A_398, %dma_start3A_399] : memref<1600x32xf32, #tpu.memory_space<vmem>> -> memref<50x32xf32, #tpu.memory_space<vmem>>
        %dma_start3A_401 = arith.constant 0 : i32
        %dma_start3A_402 = tpu.memref_slice %arg7[%dma_start3A_397, %dma_start3A_401] : memref<32x50xi32, #tpu.memory_space<vmem>> -> memref<1x50xi32, #tpu.memory_space<vmem>>
        %dma_start3A_403 = tpu.memref_squeeze %dma_start3A_402 : memref<1x50xi32, #tpu.memory_space<vmem>> -> memref<50xi32, #tpu.memory_space<vmem>>
        %dma_start3A_404 = arith.constant 0 : i32
        %dma_start3A_405 = arith.constant 0 : i32
        %dma_start3A_406 = tpu.memref_slice %arg2[%dma_start3A_404, %dma_start3A_405] : memref<1000000x32xf32, #tpu.memory_space<hbm>> -> memref<1000000x32xf32, #tpu.memory_space<hbm>>
        tpu.enqueue_indirect_dma source(%dma_start3A_406 : memref<1000000x32xf32, #tpu.memory_space<hbm>>) target(%dma_start3A_400 : memref<50x32xf32, #tpu.memory_space<vmem>>) offsets(%dma_start3A_403 : memref<50xi32, #tpu.memory_space<vmem>>) semaphore(%arg12 : memref<!tpu.dma_semaphore, #tpu.memory_space<semaphore_mem>>)
        %dma_start3A_407 = arith.constant 3 : i32
        %dma_start3A_408 = arith.constant 150 : i32
        %dma_start3A_409 = arith.constant 0 : i32
        %dma_start3A_410 = tpu.memref_slice %arg9[%dma_start3A_408, %dma_start3A_409] : memref<1600x32xf32, #tpu.memory_space<vmem>> -> memref<50x32xf32, #tpu.memory_space<vmem>>
        %dma_start3A_411 = arith.constant 0 : i32
        %dma_start3A_412 = tpu.memref_slice %arg7[%dma_start3A_407, %dma_start3A_411] : memref<32x50xi32, #tpu.memory_space<vmem>> -> memref<1x50xi32, #tpu.memory_space<vmem>>
        %dma_start3A_413 = tpu.memref_squeeze %dma_start3A_412 : memref<1x50xi32, #tpu.memory_space<vmem>> -> memref<50xi32, #tpu.memory_space<vmem>>
        %dma_start3A_414 = arith.constant 0 : i32
        %dma_start3A_415 = arith.constant 0 : i32
        %dma_start3A_416 = tpu.memref_slice %arg2[%dma_start3A_414, %dma_start3A_415] : memref<1000000x32xf32, #tpu.memory_space<hbm>> -> memref<1000000x32xf32, #tpu.memory_space<hbm>>
        tpu.enqueue_indirect_dma source(%dma_start3A_416 : memref<1000000x32xf32, #tpu.memory_space<hbm>>) target(%dma_start3A_410 : memref<50x32xf32, #tpu.memory_space<vmem>>) offsets(%dma_start3A_413 : memref<50xi32, #tpu.memory_space<vmem>>) semaphore(%arg12 : memref<!tpu.dma_semaphore, #tpu.memory_space<semaphore_mem>>)
        %dma_start3A_417 = arith.constant 4 : i32
        %dma_start3A_418 = arith.constant 200 : i32
        %dma_start3A_419 = arith.constant 0 : i32
        %dma_start3A_420 = tpu.memref_slice %arg9[%dma_start3A_418, %dma_start3A_419] : memref<1600x32xf32, #tpu.memory_space<vmem>> -> memref<50x32xf32, #tpu.memory_space<vmem>>
        %dma_start3A_421 = arith.constant 0 : i32
        %dma_start3A_422 = tpu.memref_slice %arg7[%dma_start3A_417, %dma_start3A_421] : memref<32x50xi32, #tpu.memory_space<vmem>> -> memref<1x50xi32, #tpu.memory_space<vmem>>
        %dma_start3A_423 = tpu.memref_squeeze %dma_start3A_422 : memref<1x50xi32, #tpu.memory_space<vmem>> -> memref<50xi32, #tpu.memory_space<vmem>>
        %dma_start3A_424 = arith.constant 0 : i32
        %dma_start3A_425 = arith.constant 0 : i32
        %dma_start3A_426 = tpu.memref_slice %arg2[%dma_start3A_424, %dma_start3A_425] : memref<1000000x32xf32, #tpu.memory_space<hbm>> -> memref<1000000x32xf32, #tpu.memory_space<hbm>>
        tpu.enqueue_indirect_dma source(%dma_start3A_426 : memref<1000000x32xf32, #tpu.memory_space<hbm>>) target(%dma_start3A_420 : memref<50x32xf32, #tpu.memory_space<vmem>>) offsets(%dma_start3A_423 : memref<50xi32, #tpu.memory_space<vmem>>) semaphore(%arg12 : memref<!tpu.dma_semaphore, #tpu.memory_space<semaphore_mem>>)
        %dma_start3A_427 = arith.constant 5 : i32
        %dma_start3A_428 = arith.constant 250 : i32
        %dma_start3A_429 = arith.constant 0 : i32
        %dma_start3A_430 = tpu.memref_slice %arg9[%dma_start3A_428, %dma_start3A_429] : memref<1600x32xf32, #tpu.memory_space<vmem>> -> memref<50x32xf32, #tpu.memory_space<vmem>>
        %dma_start3A_431 = arith.constant 0 : i32
        %dma_start3A_432 = tpu.memref_slice %arg7[%dma_start3A_427, %dma_start3A_431] : memref<32x50xi32, #tpu.memory_space<vmem>> -> memref<1x50xi32, #tpu.memory_space<vmem>>
        %dma_start3A_433 = tpu.memref_squeeze %dma_start3A_432 : memref<1x50xi32, #tpu.memory_space<vmem>> -> memref<50xi32, #tpu.memory_space<vmem>>
        %dma_start3A_434 = arith.constant 0 : i32
        %dma_start3A_435 = arith.constant 0 : i32
        %dma_start3A_436 = tpu.memref_slice %arg2[%dma_start3A_434, %dma_start3A_435] : memref<1000000x32xf32, #tpu.memory_space<hbm>> -> memref<1000000x32xf32, #tpu.memory_space<hbm>>
        tpu.enqueue_indirect_dma source(%dma_start3A_436 : memref<1000000x32xf32, #tpu.memory_space<hbm>>) target(%dma_start3A_430 : memref<50x32xf32, #tpu.memory_space<vmem>>) offsets(%dma_start3A_433 : memref<50xi32, #tpu.memory_space<vmem>>) semaphore(%arg12 : memref<!tpu.dma_semaphore, #tpu.memory_space<semaphore_mem>>)
        %dma_start3A_437 = arith.constant 6 : i32
        %dma_start3A_438 = arith.constant 300 : i32
        %dma_start3A_439 = arith.constant 0 : i32
        %dma_start3A_440 = tpu.memref_slice %arg9[%dma_start3A_438, %dma_start3A_439] : memref<1600x32xf32, #tpu.memory_space<vmem>> -> memref<50x32xf32, #tpu.memory_space<vmem>>
        %dma_start3A_441 = arith.constant 0 : i32
        %dma_start3A_442 = tpu.memref_slice %arg7[%dma_start3A_437, %dma_start3A_441] : memref<32x50xi32, #tpu.memory_space<vmem>> -> memref<1x50xi32, #tpu.memory_space<vmem>>
        %dma_start3A_443 = tpu.memref_squeeze %dma_start3A_442 : memref<1x50xi32, #tpu.memory_space<vmem>> -> memref<50xi32, #tpu.memory_space<vmem>>
        %dma_start3A_444 = arith.constant 0 : i32
        %dma_start3A_445 = arith.constant 0 : i32
        %dma_start3A_446 = tpu.memref_slice %arg2[%dma_start3A_444, %dma_start3A_445] : memref<1000000x32xf32, #tpu.memory_space<hbm>> -> memref<1000000x32xf32, #tpu.memory_space<hbm>>
        tpu.enqueue_indirect_dma source(%dma_start3A_446 : memref<1000000x32xf32, #tpu.memory_space<hbm>>) target(%dma_start3A_440 : memref<50x32xf32, #tpu.memory_space<vmem>>) offsets(%dma_start3A_443 : memref<50xi32, #tpu.memory_space<vmem>>) semaphore(%arg12 : memref<!tpu.dma_semaphore, #tpu.memory_space<semaphore_mem>>)
        %dma_start3A_447 = arith.constant 7 : i32
        %dma_start3A_448 = arith.constant 350 : i32
        %dma_start3A_449 = arith.constant 0 : i32
        %dma_start3A_450 = tpu.memref_slice %arg9[%dma_start3A_448, %dma_start3A_449] : memref<1600x32xf32, #tpu.memory_space<vmem>> -> memref<50x32xf32, #tpu.memory_space<vmem>>
        %dma_start3A_451 = arith.constant 0 : i32
        %dma_start3A_452 = tpu.memref_slice %arg7[%dma_start3A_447, %dma_start3A_451] : memref<32x50xi32, #tpu.memory_space<vmem>> -> memref<1x50xi32, #tpu.memory_space<vmem>>
        %dma_start3A_453 = tpu.memref_squeeze %dma_start3A_452 : memref<1x50xi32, #tpu.memory_space<vmem>> -> memref<50xi32, #tpu.memory_space<vmem>>
        %dma_start3A_454 = arith.constant 0 : i32
        %dma_start3A_455 = arith.constant 0 : i32
        %dma_start3A_456 = tpu.memref_slice %arg2[%dma_start3A_454, %dma_start3A_455] : memref<1000000x32xf32, #tpu.memory_space<hbm>> -> memref<1000000x32xf32, #tpu.memory_space<hbm>>
        tpu.enqueue_indirect_dma source(%dma_start3A_456 : memref<1000000x32xf32, #tpu.memory_space<hbm>>) target(%dma_start3A_450 : memref<50x32xf32, #tpu.memory_space<vmem>>) offsets(%dma_start3A_453 : memref<50xi32, #tpu.memory_space<vmem>>) semaphore(%arg12 : memref<!tpu.dma_semaphore, #tpu.memory_space<semaphore_mem>>)
        %dma_start3A_457 = arith.constant 8 : i32
        %dma_start3A_458 = arith.constant 400 : i32
        %dma_start3A_459 = arith.constant 0 : i32
        %dma_start3A_460 = tpu.memref_slice %arg9[%dma_start3A_458, %dma_start3A_459] : memref<1600x32xf32, #tpu.memory_space<vmem>> -> memref<50x32xf32, #tpu.memory_space<vmem>>
        %dma_start3A_461 = arith.constant 0 : i32
        %dma_start3A_462 = tpu.memref_slice %arg7[%dma_start3A_457, %dma_start3A_461] : memref<32x50xi32, #tpu.memory_space<vmem>> -> memref<1x50xi32, #tpu.memory_space<vmem>>
        %dma_start3A_463 = tpu.memref_squeeze %dma_start3A_462 : memref<1x50xi32, #tpu.memory_space<vmem>> -> memref<50xi32, #tpu.memory_space<vmem>>
        %dma_start3A_464 = arith.constant 0 : i32
        %dma_start3A_465 = arith.constant 0 : i32
        %dma_start3A_466 = tpu.memref_slice %arg2[%dma_start3A_464, %dma_start3A_465] : memref<1000000x32xf32, #tpu.memory_space<hbm>> -> memref<1000000x32xf32, #tpu.memory_space<hbm>>
        tpu.enqueue_indirect_dma source(%dma_start3A_466 : memref<1000000x32xf32, #tpu.memory_space<hbm>>) target(%dma_start3A_460 : memref<50x32xf32, #tpu.memory_space<vmem>>) offsets(%dma_start3A_463 : memref<50xi32, #tpu.memory_space<vmem>>) semaphore(%arg12 : memref<!tpu.dma_semaphore, #tpu.memory_space<semaphore_mem>>)
        %dma_start3A_467 = arith.constant 9 : i32
        %dma_start3A_468 = arith.constant 450 : i32
        %dma_start3A_469 = arith.constant 0 : i32
        %dma_start3A_470 = tpu.memref_slice %arg9[%dma_start3A_468, %dma_start3A_469] : memref<1600x32xf32, #tpu.memory_space<vmem>> -> memref<50x32xf32, #tpu.memory_space<vmem>>
        %dma_start3A_471 = arith.constant 0 : i32
        %dma_start3A_472 = tpu.memref_slice %arg7[%dma_start3A_467, %dma_start3A_471] : memref<32x50xi32, #tpu.memory_space<vmem>> -> memref<1x50xi32, #tpu.memory_space<vmem>>
        %dma_start3A_473 = tpu.memref_squeeze %dma_start3A_472 : memref<1x50xi32, #tpu.memory_space<vmem>> -> memref<50xi32, #tpu.memory_space<vmem>>
        %dma_start3A_474 = arith.constant 0 : i32
        %dma_start3A_475 = arith.constant 0 : i32
        %dma_start3A_476 = tpu.memref_slice %arg2[%dma_start3A_474, %dma_start3A_475] : memref<1000000x32xf32, #tpu.memory_space<hbm>> -> memref<1000000x32xf32, #tpu.memory_space<hbm>>
        tpu.enqueue_indirect_dma source(%dma_start3A_476 : memref<1000000x32xf32, #tpu.memory_space<hbm>>) target(%dma_start3A_470 : memref<50x32xf32, #tpu.memory_space<vmem>>) offsets(%dma_start3A_473 : memref<50xi32, #tpu.memory_space<vmem>>) semaphore(%arg12 : memref<!tpu.dma_semaphore, #tpu.memory_space<semaphore_mem>>)
        %dma_start3A_477 = arith.constant 10 : i32
        %dma_start3A_478 = arith.constant 500 : i32
        %dma_start3A_479 = arith.constant 0 : i32
        %dma_start3A_480 = tpu.memref_slice %arg9[%dma_start3A_478, %dma_start3A_479] : memref<1600x32xf32, #tpu.memory_space<vmem>> -> memref<50x32xf32, #tpu.memory_space<vmem>>
        %dma_start3A_481 = arith.constant 0 : i32
        %dma_start3A_482 = tpu.memref_slice %arg7[%dma_start3A_477, %dma_start3A_481] : memref<32x50xi32, #tpu.memory_space<vmem>> -> memref<1x50xi32, #tpu.memory_space<vmem>>
        %dma_start3A_483 = tpu.memref_squeeze %dma_start3A_482 : memref<1x50xi32, #tpu.memory_space<vmem>> -> memref<50xi32, #tpu.memory_space<vmem>>
        %dma_start3A_484 = arith.constant 0 : i32
        %dma_start3A_485 = arith.constant 0 : i32
        %dma_start3A_486 = tpu.memref_slice %arg2[%dma_start3A_484, %dma_start3A_485] : memref<1000000x32xf32, #tpu.memory_space<hbm>> -> memref<1000000x32xf32, #tpu.memory_space<hbm>>
        tpu.enqueue_indirect_dma source(%dma_start3A_486 : memref<1000000x32xf32, #tpu.memory_space<hbm>>) target(%dma_start3A_480 : memref<50x32xf32, #tpu.memory_space<vmem>>) offsets(%dma_start3A_483 : memref<50xi32, #tpu.memory_space<vmem>>) semaphore(%arg12 : memref<!tpu.dma_semaphore, #tpu.memory_space<semaphore_mem>>)
        %dma_start3A_487 = arith.constant 11 : i32
        %dma_start3A_488 = arith.constant 550 : i32
        %dma_start3A_489 = arith.constant 0 : i32
        %dma_start3A_490 = tpu.memref_slice %arg9[%dma_start3A_488, %dma_start3A_489] : memref<1600x32xf32, #tpu.memory_space<vmem>> -> memref<50x32xf32, #tpu.memory_space<vmem>>
        %dma_start3A_491 = arith.constant 0 : i32
        %dma_start3A_492 = tpu.memref_slice %arg7[%dma_start3A_487, %dma_start3A_491] : memref<32x50xi32, #tpu.memory_space<vmem>> -> memref<1x50xi32, #tpu.memory_space<vmem>>
        %dma_start3A_493 = tpu.memref_squeeze %dma_start3A_492 : memref<1x50xi32, #tpu.memory_space<vmem>> -> memref<50xi32, #tpu.memory_space<vmem>>
        %dma_start3A_494 = arith.constant 0 : i32
        %dma_start3A_495 = arith.constant 0 : i32
        %dma_start3A_496 = tpu.memref_slice %arg2[%dma_start3A_494, %dma_start3A_495] : memref<1000000x32xf32, #tpu.memory_space<hbm>> -> memref<1000000x32xf32, #tpu.memory_space<hbm>>
        tpu.enqueue_indirect_dma source(%dma_start3A_496 : memref<1000000x32xf32, #tpu.memory_space<hbm>>) target(%dma_start3A_490 : memref<50x32xf32, #tpu.memory_space<vmem>>) offsets(%dma_start3A_493 : memref<50xi32, #tpu.memory_space<vmem>>) semaphore(%arg12 : memref<!tpu.dma_semaphore, #tpu.memory_space<semaphore_mem>>)
        %dma_start3A_497 = arith.constant 12 : i32
        %dma_start3A_498 = arith.constant 600 : i32
        %dma_start3A_499 = arith.constant 0 : i32
        %dma_start3A_500 = tpu.memref_slice %arg9[%dma_start3A_498, %dma_start3A_499] : memref<1600x32xf32, #tpu.memory_space<vmem>> -> memref<50x32xf32, #tpu.memory_space<vmem>>
        %dma_start3A_501 = arith.constant 0 : i32
        %dma_start3A_502 = tpu.memref_slice %arg7[%dma_start3A_497, %dma_start3A_501] : memref<32x50xi32, #tpu.memory_space<vmem>> -> memref<1x50xi32, #tpu.memory_space<vmem>>
        %dma_start3A_503 = tpu.memref_squeeze %dma_start3A_502 : memref<1x50xi32, #tpu.memory_space<vmem>> -> memref<50xi32, #tpu.memory_space<vmem>>
        %dma_start3A_504 = arith.constant 0 : i32
        %dma_start3A_505 = arith.constant 0 : i32
        %dma_start3A_506 = tpu.memref_slice %arg2[%dma_start3A_504, %dma_start3A_505] : memref<1000000x32xf32, #tpu.memory_space<hbm>> -> memref<1000000x32xf32, #tpu.memory_space<hbm>>
        tpu.enqueue_indirect_dma source(%dma_start3A_506 : memref<1000000x32xf32, #tpu.memory_space<hbm>>) target(%dma_start3A_500 : memref<50x32xf32, #tpu.memory_space<vmem>>) offsets(%dma_start3A_503 : memref<50xi32, #tpu.memory_space<vmem>>) semaphore(%arg12 : memref<!tpu.dma_semaphore, #tpu.memory_space<semaphore_mem>>)
        %dma_start3A_507 = arith.constant 13 : i32
        %dma_start3A_508 = arith.constant 650 : i32
        %dma_start3A_509 = arith.constant 0 : i32
        %dma_start3A_510 = tpu.memref_slice %arg9[%dma_start3A_508, %dma_start3A_509] : memref<1600x32xf32, #tpu.memory_space<vmem>> -> memref<50x32xf32, #tpu.memory_space<vmem>>
        %dma_start3A_511 = arith.constant 0 : i32
        %dma_start3A_512 = tpu.memref_slice %arg7[%dma_start3A_507, %dma_start3A_511] : memref<32x50xi32, #tpu.memory_space<vmem>> -> memref<1x50xi32, #tpu.memory_space<vmem>>
        %dma_start3A_513 = tpu.memref_squeeze %dma_start3A_512 : memref<1x50xi32, #tpu.memory_space<vmem>> -> memref<50xi32, #tpu.memory_space<vmem>>
        %dma_start3A_514 = arith.constant 0 : i32
        %dma_start3A_515 = arith.constant 0 : i32
        %dma_start3A_516 = tpu.memref_slice %arg2[%dma_start3A_514, %dma_start3A_515] : memref<1000000x32xf32, #tpu.memory_space<hbm>> -> memref<1000000x32xf32, #tpu.memory_space<hbm>>
        tpu.enqueue_indirect_dma source(%dma_start3A_516 : memref<1000000x32xf32, #tpu.memory_space<hbm>>) target(%dma_start3A_510 : memref<50x32xf32, #tpu.memory_space<vmem>>) offsets(%dma_start3A_513 : memref<50xi32, #tpu.memory_space<vmem>>) semaphore(%arg12 : memref<!tpu.dma_semaphore, #tpu.memory_space<semaphore_mem>>)
        %dma_start3A_517 = arith.constant 14 : i32
        %dma_start3A_518 = arith.constant 700 : i32
        %dma_start3A_519 = arith.constant 0 : i32
        %dma_start3A_520 = tpu.memref_slice %arg9[%dma_start3A_518, %dma_start3A_519] : memref<1600x32xf32, #tpu.memory_space<vmem>> -> memref<50x32xf32, #tpu.memory_space<vmem>>
        %dma_start3A_521 = arith.constant 0 : i32
        %dma_start3A_522 = tpu.memref_slice %arg7[%dma_start3A_517, %dma_start3A_521] : memref<32x50xi32, #tpu.memory_space<vmem>> -> memref<1x50xi32, #tpu.memory_space<vmem>>
        %dma_start3A_523 = tpu.memref_squeeze %dma_start3A_522 : memref<1x50xi32, #tpu.memory_space<vmem>> -> memref<50xi32, #tpu.memory_space<vmem>>
        %dma_start3A_524 = arith.constant 0 : i32
        %dma_start3A_525 = arith.constant 0 : i32
        %dma_start3A_526 = tpu.memref_slice %arg2[%dma_start3A_524, %dma_start3A_525] : memref<1000000x32xf32, #tpu.memory_space<hbm>> -> memref<1000000x32xf32, #tpu.memory_space<hbm>>
        tpu.enqueue_indirect_dma source(%dma_start3A_526 : memref<1000000x32xf32, #tpu.memory_space<hbm>>) target(%dma_start3A_520 : memref<50x32xf32, #tpu.memory_space<vmem>>) offsets(%dma_start3A_523 : memref<50xi32, #tpu.memory_space<vmem>>) semaphore(%arg12 : memref<!tpu.dma_semaphore, #tpu.memory_space<semaphore_mem>>)
        %dma_start3A_527 = arith.constant 15 : i32
        %dma_start3A_528 = arith.constant 750 : i32
        %dma_start3A_529 = arith.constant 0 : i32
        %dma_start3A_530 = tpu.memref_slice %arg9[%dma_start3A_528, %dma_start3A_529] : memref<1600x32xf32, #tpu.memory_space<vmem>> -> memref<50x32xf32, #tpu.memory_space<vmem>>
        %dma_start3A_531 = arith.constant 0 : i32
        %dma_start3A_532 = tpu.memref_slice %arg7[%dma_start3A_527, %dma_start3A_531] : memref<32x50xi32, #tpu.memory_space<vmem>> -> memref<1x50xi32, #tpu.memory_space<vmem>>
        %dma_start3A_533 = tpu.memref_squeeze %dma_start3A_532 : memref<1x50xi32, #tpu.memory_space<vmem>> -> memref<50xi32, #tpu.memory_space<vmem>>
        %dma_start3A_534 = arith.constant 0 : i32
        %dma_start3A_535 = arith.constant 0 : i32
        %dma_start3A_536 = tpu.memref_slice %arg2[%dma_start3A_534, %dma_start3A_535] : memref<1000000x32xf32, #tpu.memory_space<hbm>> -> memref<1000000x32xf32, #tpu.memory_space<hbm>>
        tpu.enqueue_indirect_dma source(%dma_start3A_536 : memref<1000000x32xf32, #tpu.memory_space<hbm>>) target(%dma_start3A_530 : memref<50x32xf32, #tpu.memory_space<vmem>>) offsets(%dma_start3A_533 : memref<50xi32, #tpu.memory_space<vmem>>) semaphore(%arg12 : memref<!tpu.dma_semaphore, #tpu.memory_space<semaphore_mem>>)
        %dma_start3A_537 = arith.constant 16 : i32
        %dma_start3A_538 = arith.constant 800 : i32
        %dma_start3A_539 = arith.constant 0 : i32
        %dma_start3A_540 = tpu.memref_slice %arg9[%dma_start3A_538, %dma_start3A_539] : memref<1600x32xf32, #tpu.memory_space<vmem>> -> memref<50x32xf32, #tpu.memory_space<vmem>>
        %dma_start3A_541 = arith.constant 0 : i32
        %dma_start3A_542 = tpu.memref_slice %arg7[%dma_start3A_537, %dma_start3A_541] : memref<32x50xi32, #tpu.memory_space<vmem>> -> memref<1x50xi32, #tpu.memory_space<vmem>>
        %dma_start3A_543 = tpu.memref_squeeze %dma_start3A_542 : memref<1x50xi32, #tpu.memory_space<vmem>> -> memref<50xi32, #tpu.memory_space<vmem>>
        %dma_start3A_544 = arith.constant 0 : i32
        %dma_start3A_545 = arith.constant 0 : i32
        %dma_start3A_546 = tpu.memref_slice %arg2[%dma_start3A_544, %dma_start3A_545] : memref<1000000x32xf32, #tpu.memory_space<hbm>> -> memref<1000000x32xf32, #tpu.memory_space<hbm>>
        tpu.enqueue_indirect_dma source(%dma_start3A_546 : memref<1000000x32xf32, #tpu.memory_space<hbm>>) target(%dma_start3A_540 : memref<50x32xf32, #tpu.memory_space<vmem>>) offsets(%dma_start3A_543 : memref<50xi32, #tpu.memory_space<vmem>>) semaphore(%arg12 : memref<!tpu.dma_semaphore, #tpu.memory_space<semaphore_mem>>)
        %dma_start3A_547 = arith.constant 17 : i32
        %dma_start3A_548 = arith.constant 850 : i32
        %dma_start3A_549 = arith.constant 0 : i32
        %dma_start3A_550 = tpu.memref_slice %arg9[%dma_start3A_548, %dma_start3A_549] : memref<1600x32xf32, #tpu.memory_space<vmem>> -> memref<50x32xf32, #tpu.memory_space<vmem>>
        %dma_start3A_551 = arith.constant 0 : i32
        %dma_start3A_552 = tpu.memref_slice %arg7[%dma_start3A_547, %dma_start3A_551] : memref<32x50xi32, #tpu.memory_space<vmem>> -> memref<1x50xi32, #tpu.memory_space<vmem>>
        %dma_start3A_553 = tpu.memref_squeeze %dma_start3A_552 : memref<1x50xi32, #tpu.memory_space<vmem>> -> memref<50xi32, #tpu.memory_space<vmem>>
        %dma_start3A_554 = arith.constant 0 : i32
        %dma_start3A_555 = arith.constant 0 : i32
        %dma_start3A_556 = tpu.memref_slice %arg2[%dma_start3A_554, %dma_start3A_555] : memref<1000000x32xf32, #tpu.memory_space<hbm>> -> memref<1000000x32xf32, #tpu.memory_space<hbm>>
        tpu.enqueue_indirect_dma source(%dma_start3A_556 : memref<1000000x32xf32, #tpu.memory_space<hbm>>) target(%dma_start3A_550 : memref<50x32xf32, #tpu.memory_space<vmem>>) offsets(%dma_start3A_553 : memref<50xi32, #tpu.memory_space<vmem>>) semaphore(%arg12 : memref<!tpu.dma_semaphore, #tpu.memory_space<semaphore_mem>>)
        %dma_start3A_557 = arith.constant 18 : i32
        %dma_start3A_558 = arith.constant 900 : i32
        %dma_start3A_559 = arith.constant 0 : i32
        %dma_start3A_560 = tpu.memref_slice %arg9[%dma_start3A_558, %dma_start3A_559] : memref<1600x32xf32, #tpu.memory_space<vmem>> -> memref<50x32xf32, #tpu.memory_space<vmem>>
        %dma_start3A_561 = arith.constant 0 : i32
        %dma_start3A_562 = tpu.memref_slice %arg7[%dma_start3A_557, %dma_start3A_561] : memref<32x50xi32, #tpu.memory_space<vmem>> -> memref<1x50xi32, #tpu.memory_space<vmem>>
        %dma_start3A_563 = tpu.memref_squeeze %dma_start3A_562 : memref<1x50xi32, #tpu.memory_space<vmem>> -> memref<50xi32, #tpu.memory_space<vmem>>
        %dma_start3A_564 = arith.constant 0 : i32
        %dma_start3A_565 = arith.constant 0 : i32
        %dma_start3A_566 = tpu.memref_slice %arg2[%dma_start3A_564, %dma_start3A_565] : memref<1000000x32xf32, #tpu.memory_space<hbm>> -> memref<1000000x32xf32, #tpu.memory_space<hbm>>
        tpu.enqueue_indirect_dma source(%dma_start3A_566 : memref<1000000x32xf32, #tpu.memory_space<hbm>>) target(%dma_start3A_560 : memref<50x32xf32, #tpu.memory_space<vmem>>) offsets(%dma_start3A_563 : memref<50xi32, #tpu.memory_space<vmem>>) semaphore(%arg12 : memref<!tpu.dma_semaphore, #tpu.memory_space<semaphore_mem>>)
        %dma_start3A_567 = arith.constant 19 : i32
        %dma_start3A_568 = arith.constant 950 : i32
        %dma_start3A_569 = arith.constant 0 : i32
        %dma_start3A_570 = tpu.memref_slice %arg9[%dma_start3A_568, %dma_start3A_569] : memref<1600x32xf32, #tpu.memory_space<vmem>> -> memref<50x32xf32, #tpu.memory_space<vmem>>
        %dma_start3A_571 = arith.constant 0 : i32
        %dma_start3A_572 = tpu.memref_slice %arg7[%dma_start3A_567, %dma_start3A_571] : memref<32x50xi32, #tpu.memory_space<vmem>> -> memref<1x50xi32, #tpu.memory_space<vmem>>
        %dma_start3A_573 = tpu.memref_squeeze %dma_start3A_572 : memref<1x50xi32, #tpu.memory_space<vmem>> -> memref<50xi32, #tpu.memory_space<vmem>>
        %dma_start3A_574 = arith.constant 0 : i32
        %dma_start3A_575 = arith.constant 0 : i32
        %dma_start3A_576 = tpu.memref_slice %arg2[%dma_start3A_574, %dma_start3A_575] : memref<1000000x32xf32, #tpu.memory_space<hbm>> -> memref<1000000x32xf32, #tpu.memory_space<hbm>>
        tpu.enqueue_indirect_dma source(%dma_start3A_576 : memref<1000000x32xf32, #tpu.memory_space<hbm>>) target(%dma_start3A_570 : memref<50x32xf32, #tpu.memory_space<vmem>>) offsets(%dma_start3A_573 : memref<50xi32, #tpu.memory_space<vmem>>) semaphore(%arg12 : memref<!tpu.dma_semaphore, #tpu.memory_space<semaphore_mem>>)
        %dma_start3A_577 = arith.constant 20 : i32
        %dma_start3A_578 = arith.constant 1000 : i32
        %dma_start3A_579 = arith.constant 0 : i32
        %dma_start3A_580 = tpu.memref_slice %arg9[%dma_start3A_578, %dma_start3A_579] : memref<1600x32xf32, #tpu.memory_space<vmem>> -> memref<50x32xf32, #tpu.memory_space<vmem>>
        %dma_start3A_581 = arith.constant 0 : i32
        %dma_start3A_582 = tpu.memref_slice %arg7[%dma_start3A_577, %dma_start3A_581] : memref<32x50xi32, #tpu.memory_space<vmem>> -> memref<1x50xi32, #tpu.memory_space<vmem>>
        %dma_start3A_583 = tpu.memref_squeeze %dma_start3A_582 : memref<1x50xi32, #tpu.memory_space<vmem>> -> memref<50xi32, #tpu.memory_space<vmem>>
        %dma_start3A_584 = arith.constant 0 : i32
        %dma_start3A_585 = arith.constant 0 : i32
        %dma_start3A_586 = tpu.memref_slice %arg2[%dma_start3A_584, %dma_start3A_585] : memref<1000000x32xf32, #tpu.memory_space<hbm>> -> memref<1000000x32xf32, #tpu.memory_space<hbm>>
        tpu.enqueue_indirect_dma source(%dma_start3A_586 : memref<1000000x32xf32, #tpu.memory_space<hbm>>) target(%dma_start3A_580 : memref<50x32xf32, #tpu.memory_space<vmem>>) offsets(%dma_start3A_583 : memref<50xi32, #tpu.memory_space<vmem>>) semaphore(%arg12 : memref<!tpu.dma_semaphore, #tpu.memory_space<semaphore_mem>>)
        %dma_start3A_587 = arith.constant 21 : i32
        %dma_start3A_588 = arith.constant 1050 : i32
        %dma_start3A_589 = arith.constant 0 : i32
        %dma_start3A_590 = tpu.memref_slice %arg9[%dma_start3A_588, %dma_start3A_589] : memref<1600x32xf32, #tpu.memory_space<vmem>> -> memref<50x32xf32, #tpu.memory_space<vmem>>
        %dma_start3A_591 = arith.constant 0 : i32
        %dma_start3A_592 = tpu.memref_slice %arg7[%dma_start3A_587, %dma_start3A_591] : memref<32x50xi32, #tpu.memory_space<vmem>> -> memref<1x50xi32, #tpu.memory_space<vmem>>
        %dma_start3A_593 = tpu.memref_squeeze %dma_start3A_592 : memref<1x50xi32, #tpu.memory_space<vmem>> -> memref<50xi32, #tpu.memory_space<vmem>>
        %dma_start3A_594 = arith.constant 0 : i32
        %dma_start3A_595 = arith.constant 0 : i32
        %dma_start3A_596 = tpu.memref_slice %arg2[%dma_start3A_594, %dma_start3A_595] : memref<1000000x32xf32, #tpu.memory_space<hbm>> -> memref<1000000x32xf32, #tpu.memory_space<hbm>>
        tpu.enqueue_indirect_dma source(%dma_start3A_596 : memref<1000000x32xf32, #tpu.memory_space<hbm>>) target(%dma_start3A_590 : memref<50x32xf32, #tpu.memory_space<vmem>>) offsets(%dma_start3A_593 : memref<50xi32, #tpu.memory_space<vmem>>) semaphore(%arg12 : memref<!tpu.dma_semaphore, #tpu.memory_space<semaphore_mem>>)
        %dma_start3A_597 = arith.constant 22 : i32
        %dma_start3A_598 = arith.constant 1100 : i32
        %dma_start3A_599 = arith.constant 0 : i32
        %dma_start3A_600 = tpu.memref_slice %arg9[%dma_start3A_598, %dma_start3A_599] : memref<1600x32xf32, #tpu.memory_space<vmem>> -> memref<50x32xf32, #tpu.memory_space<vmem>>
        %dma_start3A_601 = arith.constant 0 : i32
        %dma_start3A_602 = tpu.memref_slice %arg7[%dma_start3A_597, %dma_start3A_601] : memref<32x50xi32, #tpu.memory_space<vmem>> -> memref<1x50xi32, #tpu.memory_space<vmem>>
        %dma_start3A_603 = tpu.memref_squeeze %dma_start3A_602 : memref<1x50xi32, #tpu.memory_space<vmem>> -> memref<50xi32, #tpu.memory_space<vmem>>
        %dma_start3A_604 = arith.constant 0 : i32
        %dma_start3A_605 = arith.constant 0 : i32
        %dma_start3A_606 = tpu.memref_slice %arg2[%dma_start3A_604, %dma_start3A_605] : memref<1000000x32xf32, #tpu.memory_space<hbm>> -> memref<1000000x32xf32, #tpu.memory_space<hbm>>
        tpu.enqueue_indirect_dma source(%dma_start3A_606 : memref<1000000x32xf32, #tpu.memory_space<hbm>>) target(%dma_start3A_600 : memref<50x32xf32, #tpu.memory_space<vmem>>) offsets(%dma_start3A_603 : memref<50xi32, #tpu.memory_space<vmem>>) semaphore(%arg12 : memref<!tpu.dma_semaphore, #tpu.memory_space<semaphore_mem>>)
        %dma_start3A_607 = arith.constant 23 : i32
        %dma_start3A_608 = arith.constant 1150 : i32
        %dma_start3A_609 = arith.constant 0 : i32
        %dma_start3A_610 = tpu.memref_slice %arg9[%dma_start3A_608, %dma_start3A_609] : memref<1600x32xf32, #tpu.memory_space<vmem>> -> memref<50x32xf32, #tpu.memory_space<vmem>>
        %dma_start3A_611 = arith.constant 0 : i32
        %dma_start3A_612 = tpu.memref_slice %arg7[%dma_start3A_607, %dma_start3A_611] : memref<32x50xi32, #tpu.memory_space<vmem>> -> memref<1x50xi32, #tpu.memory_space<vmem>>
        %dma_start3A_613 = tpu.memref_squeeze %dma_start3A_612 : memref<1x50xi32, #tpu.memory_space<vmem>> -> memref<50xi32, #tpu.memory_space<vmem>>
        %dma_start3A_614 = arith.constant 0 : i32
        %dma_start3A_615 = arith.constant 0 : i32
        %dma_start3A_616 = tpu.memref_slice %arg2[%dma_start3A_614, %dma_start3A_615] : memref<1000000x32xf32, #tpu.memory_space<hbm>> -> memref<1000000x32xf32, #tpu.memory_space<hbm>>
        tpu.enqueue_indirect_dma source(%dma_start3A_616 : memref<1000000x32xf32, #tpu.memory_space<hbm>>) target(%dma_start3A_610 : memref<50x32xf32, #tpu.memory_space<vmem>>) offsets(%dma_start3A_613 : memref<50xi32, #tpu.memory_space<vmem>>) semaphore(%arg12 : memref<!tpu.dma_semaphore, #tpu.memory_space<semaphore_mem>>)
        %dma_start3A_617 = arith.constant 24 : i32
        %dma_start3A_618 = arith.constant 1200 : i32
        %dma_start3A_619 = arith.constant 0 : i32
        %dma_start3A_620 = tpu.memref_slice %arg9[%dma_start3A_618, %dma_start3A_619] : memref<1600x32xf32, #tpu.memory_space<vmem>> -> memref<50x32xf32, #tpu.memory_space<vmem>>
        %dma_start3A_621 = arith.constant 0 : i32
        %dma_start3A_622 = tpu.memref_slice %arg7[%dma_start3A_617, %dma_start3A_621] : memref<32x50xi32, #tpu.memory_space<vmem>> -> memref<1x50xi32, #tpu.memory_space<vmem>>
        %dma_start3A_623 = tpu.memref_squeeze %dma_start3A_622 : memref<1x50xi32, #tpu.memory_space<vmem>> -> memref<50xi32, #tpu.memory_space<vmem>>
        %dma_start3A_624 = arith.constant 0 : i32
        %dma_start3A_625 = arith.constant 0 : i32
        %dma_start3A_626 = tpu.memref_slice %arg2[%dma_start3A_624, %dma_start3A_625] : memref<1000000x32xf32, #tpu.memory_space<hbm>> -> memref<1000000x32xf32, #tpu.memory_space<hbm>>
        tpu.enqueue_indirect_dma source(%dma_start3A_626 : memref<1000000x32xf32, #tpu.memory_space<hbm>>) target(%dma_start3A_620 : memref<50x32xf32, #tpu.memory_space<vmem>>) offsets(%dma_start3A_623 : memref<50xi32, #tpu.memory_space<vmem>>) semaphore(%arg12 : memref<!tpu.dma_semaphore, #tpu.memory_space<semaphore_mem>>)
        %dma_start3A_627 = arith.constant 25 : i32
        %dma_start3A_628 = arith.constant 1250 : i32
        %dma_start3A_629 = arith.constant 0 : i32
        %dma_start3A_630 = tpu.memref_slice %arg9[%dma_start3A_628, %dma_start3A_629] : memref<1600x32xf32, #tpu.memory_space<vmem>> -> memref<50x32xf32, #tpu.memory_space<vmem>>
        %dma_start3A_631 = arith.constant 0 : i32
        %dma_start3A_632 = tpu.memref_slice %arg7[%dma_start3A_627, %dma_start3A_631] : memref<32x50xi32, #tpu.memory_space<vmem>> -> memref<1x50xi32, #tpu.memory_space<vmem>>
        %dma_start3A_633 = tpu.memref_squeeze %dma_start3A_632 : memref<1x50xi32, #tpu.memory_space<vmem>> -> memref<50xi32, #tpu.memory_space<vmem>>
        %dma_start3A_634 = arith.constant 0 : i32
        %dma_start3A_635 = arith.constant 0 : i32
        %dma_start3A_636 = tpu.memref_slice %arg2[%dma_start3A_634, %dma_start3A_635] : memref<1000000x32xf32, #tpu.memory_space<hbm>> -> memref<1000000x32xf32, #tpu.memory_space<hbm>>
        tpu.enqueue_indirect_dma source(%dma_start3A_636 : memref<1000000x32xf32, #tpu.memory_space<hbm>>) target(%dma_start3A_630 : memref<50x32xf32, #tpu.memory_space<vmem>>) offsets(%dma_start3A_633 : memref<50xi32, #tpu.memory_space<vmem>>) semaphore(%arg12 : memref<!tpu.dma_semaphore, #tpu.memory_space<semaphore_mem>>)
        %dma_start3A_637 = arith.constant 26 : i32
        %dma_start3A_638 = arith.constant 1300 : i32
        %dma_start3A_639 = arith.constant 0 : i32
        %dma_start3A_640 = tpu.memref_slice %arg9[%dma_start3A_638, %dma_start3A_639] : memref<1600x32xf32, #tpu.memory_space<vmem>> -> memref<50x32xf32, #tpu.memory_space<vmem>>
        %dma_start3A_641 = arith.constant 0 : i32
        %dma_start3A_642 = tpu.memref_slice %arg7[%dma_start3A_637, %dma_start3A_641] : memref<32x50xi32, #tpu.memory_space<vmem>> -> memref<1x50xi32, #tpu.memory_space<vmem>>
        %dma_start3A_643 = tpu.memref_squeeze %dma_start3A_642 : memref<1x50xi32, #tpu.memory_space<vmem>> -> memref<50xi32, #tpu.memory_space<vmem>>
        %dma_start3A_644 = arith.constant 0 : i32
        %dma_start3A_645 = arith.constant 0 : i32
        %dma_start3A_646 = tpu.memref_slice %arg2[%dma_start3A_644, %dma_start3A_645] : memref<1000000x32xf32, #tpu.memory_space<hbm>> -> memref<1000000x32xf32, #tpu.memory_space<hbm>>
        tpu.enqueue_indirect_dma source(%dma_start3A_646 : memref<1000000x32xf32, #tpu.memory_space<hbm>>) target(%dma_start3A_640 : memref<50x32xf32, #tpu.memory_space<vmem>>) offsets(%dma_start3A_643 : memref<50xi32, #tpu.memory_space<vmem>>) semaphore(%arg12 : memref<!tpu.dma_semaphore, #tpu.memory_space<semaphore_mem>>)
        %dma_start3A_647 = arith.constant 27 : i32
        %dma_start3A_648 = arith.constant 1350 : i32
        %dma_start3A_649 = arith.constant 0 : i32
        %dma_start3A_650 = tpu.memref_slice %arg9[%dma_start3A_648, %dma_start3A_649] : memref<1600x32xf32, #tpu.memory_space<vmem>> -> memref<50x32xf32, #tpu.memory_space<vmem>>
        %dma_start3A_651 = arith.constant 0 : i32
        %dma_start3A_652 = tpu.memref_slice %arg7[%dma_start3A_647, %dma_start3A_651] : memref<32x50xi32, #tpu.memory_space<vmem>> -> memref<1x50xi32, #tpu.memory_space<vmem>>
        %dma_start3A_653 = tpu.memref_squeeze %dma_start3A_652 : memref<1x50xi32, #tpu.memory_space<vmem>> -> memref<50xi32, #tpu.memory_space<vmem>>
        %dma_start3A_654 = arith.constant 0 : i32
        %dma_start3A_655 = arith.constant 0 : i32
        %dma_start3A_656 = tpu.memref_slice %arg2[%dma_start3A_654, %dma_start3A_655] : memref<1000000x32xf32, #tpu.memory_space<hbm>> -> memref<1000000x32xf32, #tpu.memory_space<hbm>>
        tpu.enqueue_indirect_dma source(%dma_start3A_656 : memref<1000000x32xf32, #tpu.memory_space<hbm>>) target(%dma_start3A_650 : memref<50x32xf32, #tpu.memory_space<vmem>>) offsets(%dma_start3A_653 : memref<50xi32, #tpu.memory_space<vmem>>) semaphore(%arg12 : memref<!tpu.dma_semaphore, #tpu.memory_space<semaphore_mem>>)
        %dma_start3A_657 = arith.constant 28 : i32
        %dma_start3A_658 = arith.constant 1400 : i32
        %dma_start3A_659 = arith.constant 0 : i32
        %dma_start3A_660 = tpu.memref_slice %arg9[%dma_start3A_658, %dma_start3A_659] : memref<1600x32xf32, #tpu.memory_space<vmem>> -> memref<50x32xf32, #tpu.memory_space<vmem>>
        %dma_start3A_661 = arith.constant 0 : i32
        %dma_start3A_662 = tpu.memref_slice %arg7[%dma_start3A_657, %dma_start3A_661] : memref<32x50xi32, #tpu.memory_space<vmem>> -> memref<1x50xi32, #tpu.memory_space<vmem>>
        %dma_start3A_663 = tpu.memref_squeeze %dma_start3A_662 : memref<1x50xi32, #tpu.memory_space<vmem>> -> memref<50xi32, #tpu.memory_space<vmem>>
        %dma_start3A_664 = arith.constant 0 : i32
        %dma_start3A_665 = arith.constant 0 : i32
        %dma_start3A_666 = tpu.memref_slice %arg2[%dma_start3A_664, %dma_start3A_665] : memref<1000000x32xf32, #tpu.memory_space<hbm>> -> memref<1000000x32xf32, #tpu.memory_space<hbm>>
        tpu.enqueue_indirect_dma source(%dma_start3A_666 : memref<1000000x32xf32, #tpu.memory_space<hbm>>) target(%dma_start3A_660 : memref<50x32xf32, #tpu.memory_space<vmem>>) offsets(%dma_start3A_663 : memref<50xi32, #tpu.memory_space<vmem>>) semaphore(%arg12 : memref<!tpu.dma_semaphore, #tpu.memory_space<semaphore_mem>>)
        %dma_start3A_667 = arith.constant 29 : i32
        %dma_start3A_668 = arith.constant 1450 : i32
        %dma_start3A_669 = arith.constant 0 : i32
        %dma_start3A_670 = tpu.memref_slice %arg9[%dma_start3A_668, %dma_start3A_669] : memref<1600x32xf32, #tpu.memory_space<vmem>> -> memref<50x32xf32, #tpu.memory_space<vmem>>
        %dma_start3A_671 = arith.constant 0 : i32
        %dma_start3A_672 = tpu.memref_slice %arg7[%dma_start3A_667, %dma_start3A_671] : memref<32x50xi32, #tpu.memory_space<vmem>> -> memref<1x50xi32, #tpu.memory_space<vmem>>
        %dma_start3A_673 = tpu.memref_squeeze %dma_start3A_672 : memref<1x50xi32, #tpu.memory_space<vmem>> -> memref<50xi32, #tpu.memory_space<vmem>>
        %dma_start3A_674 = arith.constant 0 : i32
        %dma_start3A_675 = arith.constant 0 : i32
        %dma_start3A_676 = tpu.memref_slice %arg2[%dma_start3A_674, %dma_start3A_675] : memref<1000000x32xf32, #tpu.memory_space<hbm>> -> memref<1000000x32xf32, #tpu.memory_space<hbm>>
        tpu.enqueue_indirect_dma source(%dma_start3A_676 : memref<1000000x32xf32, #tpu.memory_space<hbm>>) target(%dma_start3A_670 : memref<50x32xf32, #tpu.memory_space<vmem>>) offsets(%dma_start3A_673 : memref<50xi32, #tpu.memory_space<vmem>>) semaphore(%arg12 : memref<!tpu.dma_semaphore, #tpu.memory_space<semaphore_mem>>)
        %dma_start3A_677 = arith.constant 30 : i32
        %dma_start3A_678 = arith.constant 1500 : i32
        %dma_start3A_679 = arith.constant 0 : i32
        %dma_start3A_680 = tpu.memref_slice %arg9[%dma_start3A_678, %dma_start3A_679] : memref<1600x32xf32, #tpu.memory_space<vmem>> -> memref<50x32xf32, #tpu.memory_space<vmem>>
        %dma_start3A_681 = arith.constant 0 : i32
        %dma_start3A_682 = tpu.memref_slice %arg7[%dma_start3A_677, %dma_start3A_681] : memref<32x50xi32, #tpu.memory_space<vmem>> -> memref<1x50xi32, #tpu.memory_space<vmem>>
        %dma_start3A_683 = tpu.memref_squeeze %dma_start3A_682 : memref<1x50xi32, #tpu.memory_space<vmem>> -> memref<50xi32, #tpu.memory_space<vmem>>
        %dma_start3A_684 = arith.constant 0 : i32
        %dma_start3A_685 = arith.constant 0 : i32
        %dma_start3A_686 = tpu.memref_slice %arg2[%dma_start3A_684, %dma_start3A_685] : memref<1000000x32xf32, #tpu.memory_space<hbm>> -> memref<1000000x32xf32, #tpu.memory_space<hbm>>
        tpu.enqueue_indirect_dma source(%dma_start3A_686 : memref<1000000x32xf32, #tpu.memory_space<hbm>>) target(%dma_start3A_680 : memref<50x32xf32, #tpu.memory_space<vmem>>) offsets(%dma_start3A_683 : memref<50xi32, #tpu.memory_space<vmem>>) semaphore(%arg12 : memref<!tpu.dma_semaphore, #tpu.memory_space<semaphore_mem>>)
        %dma_start3A_687 = arith.constant 31 : i32
        %dma_start3A_688 = arith.constant 1550 : i32
        %dma_start3A_689 = arith.constant 0 : i32
        %dma_start3A_690 = tpu.memref_slice %arg9[%dma_start3A_688, %dma_start3A_689] : memref<1600x32xf32, #tpu.memory_space<vmem>> -> memref<50x32xf32, #tpu.memory_space<vmem>>
        %dma_start3A_691 = arith.constant 0 : i32
        %dma_start3A_692 = tpu.memref_slice %arg7[%dma_start3A_687, %dma_start3A_691] : memref<32x50xi32, #tpu.memory_space<vmem>> -> memref<1x50xi32, #tpu.memory_space<vmem>>
        %dma_start3A_693 = tpu.memref_squeeze %dma_start3A_692 : memref<1x50xi32, #tpu.memory_space<vmem>> -> memref<50xi32, #tpu.memory_space<vmem>>
        %dma_start3A_694 = arith.constant 0 : i32
        %dma_start3A_695 = arith.constant 0 : i32
        %dma_start3A_696 = tpu.memref_slice %arg2[%dma_start3A_694, %dma_start3A_695] : memref<1000000x32xf32, #tpu.memory_space<hbm>> -> memref<1000000x32xf32, #tpu.memory_space<hbm>>
        tpu.enqueue_indirect_dma source(%dma_start3A_696 : memref<1000000x32xf32, #tpu.memory_space<hbm>>) target(%dma_start3A_690 : memref<50x32xf32, #tpu.memory_space<vmem>>) offsets(%dma_start3A_693 : memref<50xi32, #tpu.memory_space<vmem>>) semaphore(%arg12 : memref<!tpu.dma_semaphore, #tpu.memory_space<semaphore_mem>>)
      } else {
      }
      %dma_wait3A = arith.constant 0 : i32
      %dma_wait3A_339 = arith.constant 0 : i32
      %dma_wait3A_340 = tpu.memref_slice %arg2[%dma_wait3A, %dma_wait3A_339] : memref<1000000x32xf32, #tpu.memory_space<hbm>> -> memref<1600x32xf32, #tpu.memory_space<hbm>>
      %dma_wait3A_341 = arith.constant 0 : i32
      %dma_wait3A_342 = arith.constant 0 : i32
      %dma_wait3A_343 = tpu.memref_slice %arg2[%dma_wait3A_341, %dma_wait3A_342] : memref<1000000x32xf32, #tpu.memory_space<hbm>> -> memref<1600x32xf32, #tpu.memory_space<hbm>>
      tpu.wait_dma2 semaphore(%arg12 : memref<!tpu.dma_semaphore, #tpu.memory_space<semaphore_mem>>) src(%dma_wait3A_343 : memref<1600x32xf32, #tpu.memory_space<hbm>>) dst(%arg8 : memref<1600x32xf32, #tpu.memory_space<vmem>>)
      %mul3A_344 = arith.constant 32 : i32
      %mul3A_345 = arith.muli %add3A_334, %mul3A_344 : i32
      %add3A_346 = arith.addi %mul3A_2, %mul3A_345 : i32
      %parallel_loop3A = arith.constant 0 : i32
      %parallel_loop3A_347 = arith.constant 32 : i32
      %parallel_loop3A_348 = arith.constant 1 : i32
      scf.for %parallel_loop3A_372 = %parallel_loop3A to %parallel_loop3A_347 step %parallel_loop3A_348  : i32 {
        %parallel_loop3A_373 = arith.constant 50 : i32
        %parallel_loop3A_374 = arith.muli %parallel_loop3A_372, %parallel_loop3A_373 : i32
        %parallel_loop3A_375 = arith.constant 0 : i32
        %parallel_loop3A_376 = vector.broadcast %parallel_loop3A_375 : i32 to vector<16xi32>
        %parallel_loop3A_377 = arith.muli %iota3A, %parallel_loop3A_376 : vector<16xi32>
        %parallel_loop3A_378 = vector.broadcast %parallel_loop3A_372 : i32 to vector<16xi32>
        %parallel_loop3A_379 = arith.addi %parallel_loop3A_377, %parallel_loop3A_378 : vector<16xi32>
        %parallel_loop3A_380 = arith.index_cast %parallel_loop3A_374 : i32 to index
        %parallel_loop3A_381 = arith.constant 0 : index
        %parallel_loop3A_382 = tpu.vector_load %arg8[%parallel_loop3A_380, %parallel_loop3A_381] {strides = array<i32>} : memref<1600x32xf32, #tpu.memory_space<vmem>>, vector<16xf32>,
        %parallel_loop3A_383 = arith.index_cast %parallel_loop3A_374 : i32 to index
        %parallel_loop3A_384 = arith.constant 16 : index
        %parallel_loop3A_385 = tpu.vector_load %arg8[%parallel_loop3A_383, %parallel_loop3A_384] {strides = array<i32>} : memref<1600x32xf32, #tpu.memory_space<vmem>>, vector<16xf32>,
        %parallel_loop3A_386 = arith.constant 0 : i32
        %parallel_loop3A_387 = arith.constant 16 : i32
        %parallel_loop3A_388 = arith.constant 1 : i32
        %parallel_loop3A_389:2 = scf.for %parallel_loop3A_454 = %parallel_loop3A_386 to %parallel_loop3A_387 step %parallel_loop3A_388 iter_args(%parallel_loop3A_455 = %broadcast_in_dim3A_3, %parallel_loop3A_456 = %broadcast_in_dim3A_3) -> (vector<16xf32>, vector<16xf32>)  : i32 {
          %parallel_loop3A_457 = arith.constant 0 : i32
          %parallel_loop3A_458 = arith.addi %parallel_loop3A_374, %parallel_loop3A_457 : i32
          %parallel_loop3A_459 = arith.addi %parallel_loop3A_458, %parallel_loop3A_454 : i32
          %parallel_loop3A_460 = arith.index_cast %parallel_loop3A_459 : i32 to index
          %parallel_loop3A_461 = arith.constant 0 : index
          %parallel_loop3A_462 = tpu.vector_load %arg8[%parallel_loop3A_460, %parallel_loop3A_461] {strides = array<i32>} : memref<1600x32xf32, #tpu.memory_space<vmem>>, vector<16xf32>,
          %parallel_loop3A_463 = arith.index_cast %parallel_loop3A_459 : i32 to index
          %parallel_loop3A_464 = arith.constant 16 : index
          %parallel_loop3A_465 = tpu.vector_load %arg8[%parallel_loop3A_463, %parallel_loop3A_464] {strides = array<i32>} : memref<1600x32xf32, #tpu.memory_space<vmem>>, vector<16xf32>,
          %parallel_loop3A_466 = arith.mulf %parallel_loop3A_462, %parallel_loop3A_462 : vector<16xf32>
          %parallel_loop3A_467 = arith.mulf %parallel_loop3A_465, %parallel_loop3A_465 : vector<16xf32>
          %parallel_loop3A_468 = arith.addf %parallel_loop3A_466, %parallel_loop3A_467 : vector<16xf32>
          %parallel_loop3A_469 = arith.constant true
          %parallel_loop3A_470 = vector.broadcast %parallel_loop3A_469 : i1 to vector<16xi1>
          %parallel_loop3A_471 = tpu.scan <sum>, %parallel_loop3A_468 masked %parallel_loop3A_470 : vector<16xf32>, vector<16xi1> -> vector<16xf32>
          %parallel_loop3A_472 = vector.extract %parallel_loop3A_471[15] : f32 from vector<16xf32>
          %parallel_loop3A_473 = arith.mulf %parallel_loop3A_382, %parallel_loop3A_462 : vector<16xf32>
          %parallel_loop3A_474 = arith.mulf %parallel_loop3A_385, %parallel_loop3A_465 : vector<16xf32>
          %parallel_loop3A_475 = arith.addf %parallel_loop3A_473, %parallel_loop3A_474 : vector<16xf32>
          %parallel_loop3A_476 = arith.constant true
          %parallel_loop3A_477 = vector.broadcast %parallel_loop3A_476 : i1 to vector<16xi1>
          %parallel_loop3A_478 = tpu.scan <sum>, %parallel_loop3A_475 masked %parallel_loop3A_477 : vector<16xf32>, vector<16xi1> -> vector<16xf32>
          %parallel_loop3A_479 = vector.extract %parallel_loop3A_478[15] : f32 from vector<16xf32>
          %parallel_loop3A_480 = vector.broadcast %parallel_loop3A_454 : i32 to vector<16xi32>
          %parallel_loop3A_481 = arith.cmpi eq, %iota3A, %parallel_loop3A_480 : vector<16xi32>
          %parallel_loop3A_482 = vector.broadcast %parallel_loop3A_472 : f32 to vector<16xf32>
          %parallel_loop3A_483 = arith.select %parallel_loop3A_481, %parallel_loop3A_482, %parallel_loop3A_455 : vector<16xi1>, vector<16xf32>
          %parallel_loop3A_484 = vector.broadcast %parallel_loop3A_479 : f32 to vector<16xf32>
          %parallel_loop3A_485 = arith.select %parallel_loop3A_481, %parallel_loop3A_484, %parallel_loop3A_456 : vector<16xi1>, vector<16xf32>
          scf.yield %parallel_loop3A_483, %parallel_loop3A_485 : vector<16xf32>, vector<16xf32>
        } {sc.loop_unroll_factor = 16 : i64, sc.parallel_access}
        %parallel_loop3A_390 = arith.constant 0 : i32
        %parallel_loop3A_391 = vector.broadcast %parallel_loop3A_390 : i32 to vector<16xi32>
        %parallel_loop3A_392 = arith.addi %iota3A, %parallel_loop3A_391 : vector<16xi32>
        %parallel_loop3A_393 = arith.constant 16 : i32
        %parallel_loop3A_394 = vector.broadcast %parallel_loop3A_393 : i32 to vector<16xi32>
        %parallel_loop3A_395 = arith.cmpi slt, %iota3A, %parallel_loop3A_394 : vector<16xi32>
        tpu.vector_store_idx %arg10[%parallel_loop3A_379, %parallel_loop3A_392], %parallel_loop3A_389#0 masked %parallel_loop3A_395 : memref<32x50xf32, #tpu.memory_space<vmem>>[vector<16xi32>, vector<16xi32>], vector<16xf32>, vector<16xi1>
        %parallel_loop3A_396 = arith.constant 1 : i32
        %parallel_loop3A_397 = vector.broadcast %parallel_loop3A_396 : i32 to vector<16xi32>
        %parallel_loop3A_398 = arith.subi %parallel_loop3A_392, %parallel_loop3A_397 : vector<16xi32>
        %parallel_loop3A_399 = arith.constant 1 : i32
        %parallel_loop3A_400 = vector.broadcast %parallel_loop3A_399 : i32 to vector<16xi32>
        %parallel_loop3A_401 = arith.cmpi sge, %parallel_loop3A_392, %parallel_loop3A_400 : vector<16xi32>
        %parallel_loop3A_402 = arith.andi %parallel_loop3A_395, %parallel_loop3A_401 : vector<16xi1>
        tpu.vector_store_idx %arg11[%parallel_loop3A_379, %parallel_loop3A_398], %parallel_loop3A_389#1 masked %parallel_loop3A_402 : memref<32x49xf32, #tpu.memory_space<vmem>>[vector<16xi32>, vector<16xi32>], vector<16xf32>, vector<16xi1>
        %parallel_loop3A_403 = arith.constant 0 : i32
        %parallel_loop3A_404 = arith.constant 16 : i32
        %parallel_loop3A_405 = arith.constant 1 : i32
        %parallel_loop3A_406:2 = scf.for %parallel_loop3A_454 = %parallel_loop3A_403 to %parallel_loop3A_404 step %parallel_loop3A_405 iter_args(%parallel_loop3A_455 = %broadcast_in_dim3A_3, %parallel_loop3A_456 = %broadcast_in_dim3A_3) -> (vector<16xf32>, vector<16xf32>)  : i32 {
          %parallel_loop3A_457 = arith.constant 16 : i32
          %parallel_loop3A_458 = arith.addi %parallel_loop3A_374, %parallel_loop3A_457 : i32
          %parallel_loop3A_459 = arith.addi %parallel_loop3A_458, %parallel_loop3A_454 : i32
          %parallel_loop3A_460 = arith.index_cast %parallel_loop3A_459 : i32 to index
          %parallel_loop3A_461 = arith.constant 0 : index
          %parallel_loop3A_462 = tpu.vector_load %arg8[%parallel_loop3A_460, %parallel_loop3A_461] {strides = array<i32>} : memref<1600x32xf32, #tpu.memory_space<vmem>>, vector<16xf32>,
          %parallel_loop3A_463 = arith.index_cast %parallel_loop3A_459 : i32 to index
          %parallel_loop3A_464 = arith.constant 16 : index
          %parallel_loop3A_465 = tpu.vector_load %arg8[%parallel_loop3A_463, %parallel_loop3A_464] {strides = array<i32>} : memref<1600x32xf32, #tpu.memory_space<vmem>>, vector<16xf32>,
          %parallel_loop3A_466 = arith.mulf %parallel_loop3A_462, %parallel_loop3A_462 : vector<16xf32>
          %parallel_loop3A_467 = arith.mulf %parallel_loop3A_465, %parallel_loop3A_465 : vector<16xf32>
          %parallel_loop3A_468 = arith.addf %parallel_loop3A_466, %parallel_loop3A_467 : vector<16xf32>
          %parallel_loop3A_469 = arith.constant true
          %parallel_loop3A_470 = vector.broadcast %parallel_loop3A_469 : i1 to vector<16xi1>
          %parallel_loop3A_471 = tpu.scan <sum>, %parallel_loop3A_468 masked %parallel_loop3A_470 : vector<16xf32>, vector<16xi1> -> vector<16xf32>
          %parallel_loop3A_472 = vector.extract %parallel_loop3A_471[15] : f32 from vector<16xf32>
          %parallel_loop3A_473 = arith.mulf %parallel_loop3A_382, %parallel_loop3A_462 : vector<16xf32>
          %parallel_loop3A_474 = arith.mulf %parallel_loop3A_385, %parallel_loop3A_465 : vector<16xf32>
          %parallel_loop3A_475 = arith.addf %parallel_loop3A_473, %parallel_loop3A_474 : vector<16xf32>
          %parallel_loop3A_476 = arith.constant true
          %parallel_loop3A_477 = vector.broadcast %parallel_loop3A_476 : i1 to vector<16xi1>
          %parallel_loop3A_478 = tpu.scan <sum>, %parallel_loop3A_475 masked %parallel_loop3A_477 : vector<16xf32>, vector<16xi1> -> vector<16xf32>
          %parallel_loop3A_479 = vector.extract %parallel_loop3A_478[15] : f32 from vector<16xf32>
          %parallel_loop3A_480 = vector.broadcast %parallel_loop3A_454 : i32 to vector<16xi32>
          %parallel_loop3A_481 = arith.cmpi eq, %iota3A, %parallel_loop3A_480 : vector<16xi32>
          %parallel_loop3A_482 = vector.broadcast %parallel_loop3A_472 : f32 to vector<16xf32>
          %parallel_loop3A_483 = arith.select %parallel_loop3A_481, %parallel_loop3A_482, %parallel_loop3A_455 : vector<16xi1>, vector<16xf32>
          %parallel_loop3A_484 = vector.broadcast %parallel_loop3A_479 : f32 to vector<16xf32>
          %parallel_loop3A_485 = arith.select %parallel_loop3A_481, %parallel_loop3A_484, %parallel_loop3A_456 : vector<16xi1>, vector<16xf32>
          scf.yield %parallel_loop3A_483, %parallel_loop3A_485 : vector<16xf32>, vector<16xf32>
        } {sc.loop_unroll_factor = 16 : i64, sc.parallel_access}
        %parallel_loop3A_407 = arith.constant 16 : i32
        %parallel_loop3A_408 = vector.broadcast %parallel_loop3A_407 : i32 to vector<16xi32>
        %parallel_loop3A_409 = arith.addi %iota3A, %parallel_loop3A_408 : vector<16xi32>
        %parallel_loop3A_410 = arith.constant 16 : i32
        %parallel_loop3A_411 = vector.broadcast %parallel_loop3A_410 : i32 to vector<16xi32>
        %parallel_loop3A_412 = arith.cmpi slt, %iota3A, %parallel_loop3A_411 : vector<16xi32>
        tpu.vector_store_idx %arg10[%parallel_loop3A_379, %parallel_loop3A_409], %parallel_loop3A_406#0 masked %parallel_loop3A_412 : memref<32x50xf32, #tpu.memory_space<vmem>>[vector<16xi32>, vector<16xi32>], vector<16xf32>, vector<16xi1>
        %parallel_loop3A_413 = arith.constant 1 : i32
        %parallel_loop3A_414 = vector.broadcast %parallel_loop3A_413 : i32 to vector<16xi32>
        %parallel_loop3A_415 = arith.subi %parallel_loop3A_409, %parallel_loop3A_414 : vector<16xi32>
        %parallel_loop3A_416 = arith.constant 1 : i32
        %parallel_loop3A_417 = vector.broadcast %parallel_loop3A_416 : i32 to vector<16xi32>
        %parallel_loop3A_418 = arith.cmpi sge, %parallel_loop3A_409, %parallel_loop3A_417 : vector<16xi32>
        %parallel_loop3A_419 = arith.andi %parallel_loop3A_412, %parallel_loop3A_418 : vector<16xi1>
        tpu.vector_store_idx %arg11[%parallel_loop3A_379, %parallel_loop3A_415], %parallel_loop3A_406#1 masked %parallel_loop3A_419 : memref<32x49xf32, #tpu.memory_space<vmem>>[vector<16xi32>, vector<16xi32>], vector<16xf32>, vector<16xi1>
        %parallel_loop3A_420 = arith.constant 0 : i32
        %parallel_loop3A_421 = arith.constant 16 : i32
        %parallel_loop3A_422 = arith.constant 1 : i32
        %parallel_loop3A_423:2 = scf.for %parallel_loop3A_454 = %parallel_loop3A_420 to %parallel_loop3A_421 step %parallel_loop3A_422 iter_args(%parallel_loop3A_455 = %broadcast_in_dim3A_3, %parallel_loop3A_456 = %broadcast_in_dim3A_3) -> (vector<16xf32>, vector<16xf32>)  : i32 {
          %parallel_loop3A_457 = arith.constant 32 : i32
          %parallel_loop3A_458 = arith.addi %parallel_loop3A_374, %parallel_loop3A_457 : i32
          %parallel_loop3A_459 = arith.addi %parallel_loop3A_458, %parallel_loop3A_454 : i32
          %parallel_loop3A_460 = arith.index_cast %parallel_loop3A_459 : i32 to index
          %parallel_loop3A_461 = arith.constant 0 : index
          %parallel_loop3A_462 = tpu.vector_load %arg8[%parallel_loop3A_460, %parallel_loop3A_461] {strides = array<i32>} : memref<1600x32xf32, #tpu.memory_space<vmem>>, vector<16xf32>,
          %parallel_loop3A_463 = arith.index_cast %parallel_loop3A_459 : i32 to index
          %parallel_loop3A_464 = arith.constant 16 : index
          %parallel_loop3A_465 = tpu.vector_load %arg8[%parallel_loop3A_463, %parallel_loop3A_464] {strides = array<i32>} : memref<1600x32xf32, #tpu.memory_space<vmem>>, vector<16xf32>,
          %parallel_loop3A_466 = arith.mulf %parallel_loop3A_462, %parallel_loop3A_462 : vector<16xf32>
          %parallel_loop3A_467 = arith.mulf %parallel_loop3A_465, %parallel_loop3A_465 : vector<16xf32>
          %parallel_loop3A_468 = arith.addf %parallel_loop3A_466, %parallel_loop3A_467 : vector<16xf32>
          %parallel_loop3A_469 = arith.constant true
          %parallel_loop3A_470 = vector.broadcast %parallel_loop3A_469 : i1 to vector<16xi1>
          %parallel_loop3A_471 = tpu.scan <sum>, %parallel_loop3A_468 masked %parallel_loop3A_470 : vector<16xf32>, vector<16xi1> -> vector<16xf32>
          %parallel_loop3A_472 = vector.extract %parallel_loop3A_471[15] : f32 from vector<16xf32>
          %parallel_loop3A_473 = arith.mulf %parallel_loop3A_382, %parallel_loop3A_462 : vector<16xf32>
          %parallel_loop3A_474 = arith.mulf %parallel_loop3A_385, %parallel_loop3A_465 : vector<16xf32>
          %parallel_loop3A_475 = arith.addf %parallel_loop3A_473, %parallel_loop3A_474 : vector<16xf32>
          %parallel_loop3A_476 = arith.constant true
          %parallel_loop3A_477 = vector.broadcast %parallel_loop3A_476 : i1 to vector<16xi1>
          %parallel_loop3A_478 = tpu.scan <sum>, %parallel_loop3A_475 masked %parallel_loop3A_477 : vector<16xf32>, vector<16xi1> -> vector<16xf32>
          %parallel_loop3A_479 = vector.extract %parallel_loop3A_478[15] : f32 from vector<16xf32>
          %parallel_loop3A_480 = vector.broadcast %parallel_loop3A_454 : i32 to vector<16xi32>
          %parallel_loop3A_481 = arith.cmpi eq, %iota3A, %parallel_loop3A_480 : vector<16xi32>
          %parallel_loop3A_482 = vector.broadcast %parallel_loop3A_472 : f32 to vector<16xf32>
          %parallel_loop3A_483 = arith.select %parallel_loop3A_481, %parallel_loop3A_482, %parallel_loop3A_455 : vector<16xi1>, vector<16xf32>
          %parallel_loop3A_484 = vector.broadcast %parallel_loop3A_479 : f32 to vector<16xf32>
          %parallel_loop3A_485 = arith.select %parallel_loop3A_481, %parallel_loop3A_484, %parallel_loop3A_456 : vector<16xi1>, vector<16xf32>
          scf.yield %parallel_loop3A_483, %parallel_loop3A_485 : vector<16xf32>, vector<16xf32>
        } {sc.loop_unroll_factor = 16 : i64, sc.parallel_access}
        %parallel_loop3A_424 = arith.constant 32 : i32
        %parallel_loop3A_425 = vector.broadcast %parallel_loop3A_424 : i32 to vector<16xi32>
        %parallel_loop3A_426 = arith.addi %iota3A, %parallel_loop3A_425 : vector<16xi32>
        %parallel_loop3A_427 = arith.constant 16 : i32
        %parallel_loop3A_428 = vector.broadcast %parallel_loop3A_427 : i32 to vector<16xi32>
        %parallel_loop3A_429 = arith.cmpi slt, %iota3A, %parallel_loop3A_428 : vector<16xi32>
        tpu.vector_store_idx %arg10[%parallel_loop3A_379, %parallel_loop3A_426], %parallel_loop3A_423#0 masked %parallel_loop3A_429 : memref<32x50xf32, #tpu.memory_space<vmem>>[vector<16xi32>, vector<16xi32>], vector<16xf32>, vector<16xi1>
        %parallel_loop3A_430 = arith.constant 1 : i32
        %parallel_loop3A_431 = vector.broadcast %parallel_loop3A_430 : i32 to vector<16xi32>
        %parallel_loop3A_432 = arith.subi %parallel_loop3A_426, %parallel_loop3A_431 : vector<16xi32>
        %parallel_loop3A_433 = arith.constant 1 : i32
        %parallel_loop3A_434 = vector.broadcast %parallel_loop3A_433 : i32 to vector<16xi32>
        %parallel_loop3A_435 = arith.cmpi sge, %parallel_loop3A_426, %parallel_loop3A_434 : vector<16xi32>
        %parallel_loop3A_436 = arith.andi %parallel_loop3A_429, %parallel_loop3A_435 : vector<16xi1>
        tpu.vector_store_idx %arg11[%parallel_loop3A_379, %parallel_loop3A_432], %parallel_loop3A_423#1 masked %parallel_loop3A_436 : memref<32x49xf32, #tpu.memory_space<vmem>>[vector<16xi32>, vector<16xi32>], vector<16xf32>, vector<16xi1>
        %parallel_loop3A_437 = arith.constant 0 : i32
        %parallel_loop3A_438 = arith.constant 2 : i32
        %parallel_loop3A_439 = arith.constant 1 : i32
        %parallel_loop3A_440:2 = scf.for %parallel_loop3A_454 = %parallel_loop3A_437 to %parallel_loop3A_438 step %parallel_loop3A_439 iter_args(%parallel_loop3A_455 = %broadcast_in_dim3A_3, %parallel_loop3A_456 = %broadcast_in_dim3A_3) -> (vector<16xf32>, vector<16xf32>)  : i32 {
          %parallel_loop3A_457 = arith.constant 48 : i32
          %parallel_loop3A_458 = arith.addi %parallel_loop3A_374, %parallel_loop3A_457 : i32
          %parallel_loop3A_459 = arith.addi %parallel_loop3A_458, %parallel_loop3A_454 : i32
          %parallel_loop3A_460 = arith.index_cast %parallel_loop3A_459 : i32 to index
          %parallel_loop3A_461 = arith.constant 0 : index
          %parallel_loop3A_462 = tpu.vector_load %arg8[%parallel_loop3A_460, %parallel_loop3A_461] {strides = array<i32>} : memref<1600x32xf32, #tpu.memory_space<vmem>>, vector<16xf32>,
          %parallel_loop3A_463 = arith.index_cast %parallel_loop3A_459 : i32 to index
          %parallel_loop3A_464 = arith.constant 16 : index
          %parallel_loop3A_465 = tpu.vector_load %arg8[%parallel_loop3A_463, %parallel_loop3A_464] {strides = array<i32>} : memref<1600x32xf32, #tpu.memory_space<vmem>>, vector<16xf32>,
          %parallel_loop3A_466 = arith.mulf %parallel_loop3A_462, %parallel_loop3A_462 : vector<16xf32>
          %parallel_loop3A_467 = arith.mulf %parallel_loop3A_465, %parallel_loop3A_465 : vector<16xf32>
          %parallel_loop3A_468 = arith.addf %parallel_loop3A_466, %parallel_loop3A_467 : vector<16xf32>
          %parallel_loop3A_469 = arith.constant true
          %parallel_loop3A_470 = vector.broadcast %parallel_loop3A_469 : i1 to vector<16xi1>
          %parallel_loop3A_471 = tpu.scan <sum>, %parallel_loop3A_468 masked %parallel_loop3A_470 : vector<16xf32>, vector<16xi1> -> vector<16xf32>
          %parallel_loop3A_472 = vector.extract %parallel_loop3A_471[15] : f32 from vector<16xf32>
          %parallel_loop3A_473 = arith.mulf %parallel_loop3A_382, %parallel_loop3A_462 : vector<16xf32>
          %parallel_loop3A_474 = arith.mulf %parallel_loop3A_385, %parallel_loop3A_465 : vector<16xf32>
          %parallel_loop3A_475 = arith.addf %parallel_loop3A_473, %parallel_loop3A_474 : vector<16xf32>
          %parallel_loop3A_476 = arith.constant true
          %parallel_loop3A_477 = vector.broadcast %parallel_loop3A_476 : i1 to vector<16xi1>
          %parallel_loop3A_478 = tpu.scan <sum>, %parallel_loop3A_475 masked %parallel_loop3A_477 : vector<16xf32>, vector<16xi1> -> vector<16xf32>
          %parallel_loop3A_479 = vector.extract %parallel_loop3A_478[15] : f32 from vector<16xf32>
          %parallel_loop3A_480 = vector.broadcast %parallel_loop3A_454 : i32 to vector<16xi32>
          %parallel_loop3A_481 = arith.cmpi eq, %iota3A, %parallel_loop3A_480 : vector<16xi32>
          %parallel_loop3A_482 = vector.broadcast %parallel_loop3A_472 : f32 to vector<16xf32>
          %parallel_loop3A_483 = arith.select %parallel_loop3A_481, %parallel_loop3A_482, %parallel_loop3A_455 : vector<16xi1>, vector<16xf32>
          %parallel_loop3A_484 = vector.broadcast %parallel_loop3A_479 : f32 to vector<16xf32>
          %parallel_loop3A_485 = arith.select %parallel_loop3A_481, %parallel_loop3A_484, %parallel_loop3A_456 : vector<16xi1>, vector<16xf32>
          scf.yield %parallel_loop3A_483, %parallel_loop3A_485 : vector<16xf32>, vector<16xf32>
        } {sc.loop_unroll_factor = 16 : i64, sc.parallel_access}
        %parallel_loop3A_441 = arith.constant 48 : i32
        %parallel_loop3A_442 = vector.broadcast %parallel_loop3A_441 : i32 to vector<16xi32>
        %parallel_loop3A_443 = arith.addi %iota3A, %parallel_loop3A_442 : vector<16xi32>
        %parallel_loop3A_444 = arith.constant 2 : i32
        %parallel_loop3A_445 = vector.broadcast %parallel_loop3A_444 : i32 to vector<16xi32>
        %parallel_loop3A_446 = arith.cmpi slt, %iota3A, %parallel_loop3A_445 : vector<16xi32>
        tpu.vector_store_idx %arg10[%parallel_loop3A_379, %parallel_loop3A_443], %parallel_loop3A_440#0 masked %parallel_loop3A_446 : memref<32x50xf32, #tpu.memory_space<vmem>>[vector<16xi32>, vector<16xi32>], vector<16xf32>, vector<16xi1>
        %parallel_loop3A_447 = arith.constant 1 : i32
        %parallel_loop3A_448 = vector.broadcast %parallel_loop3A_447 : i32 to vector<16xi32>
        %parallel_loop3A_449 = arith.subi %parallel_loop3A_443, %parallel_loop3A_448 : vector<16xi32>
        %parallel_loop3A_450 = arith.constant 1 : i32
        %parallel_loop3A_451 = vector.broadcast %parallel_loop3A_450 : i32 to vector<16xi32>
        %parallel_loop3A_452 = arith.cmpi sge, %parallel_loop3A_443, %parallel_loop3A_451 : vector<16xi32>
        %parallel_loop3A_453 = arith.andi %parallel_loop3A_446, %parallel_loop3A_452 : vector<16xi1>
        tpu.vector_store_idx %arg11[%parallel_loop3A_379, %parallel_loop3A_449], %parallel_loop3A_440#1 masked %parallel_loop3A_453 : memref<32x49xf32, #tpu.memory_space<vmem>>[vector<16xi32>, vector<16xi32>], vector<16xf32>, vector<16xi1>
      } {sc.loop_unroll_factor = 2 : i64, sc.parallel_access}
      "tpu.region"() ({
        %run_scoped3A = tpu.sem_alloc : memref<!tpu.dma_semaphore, #tpu.memory_space<semaphore_mem>>
        %dma_start3A_372 = arith.constant 0 : i32
        %dma_start3A_373 = tpu.memref_slice %arg4[%add3A_346, %dma_start3A_372] : memref<16384x50xf32, #tpu.memory_space<hbm>> -> memref<32x50xf32, #tpu.memory_space<hbm>>
        %dma_start3A_374 = arith.constant 0 : i32
        %dma_start3A_375 = tpu.memref_slice %arg4[%add3A_346, %dma_start3A_374] : memref<16384x50xf32, #tpu.memory_space<hbm>> -> memref<32x50xf32, #tpu.memory_space<hbm>>
        tpu.enqueue_dma source(%arg10 : memref<32x50xf32, #tpu.memory_space<vmem>>) target(%dma_start3A_375 : memref<32x50xf32, #tpu.memory_space<hbm>>) target_semaphore(%run_scoped3A : memref<!tpu.dma_semaphore, #tpu.memory_space<semaphore_mem>>)
        %dma_wait3A_376 = arith.constant 0 : i32
        %dma_wait3A_377 = tpu.memref_slice %arg4[%add3A_346, %dma_wait3A_376] : memref<16384x50xf32, #tpu.memory_space<hbm>> -> memref<32x50xf32, #tpu.memory_space<hbm>>
        %dma_wait3A_378 = arith.constant 0 : i32
        %dma_wait3A_379 = tpu.memref_slice %arg4[%add3A_346, %dma_wait3A_378] : memref<16384x50xf32, #tpu.memory_space<hbm>> -> memref<32x50xf32, #tpu.memory_space<hbm>>
        tpu.wait_dma2 semaphore(%run_scoped3A : memref<!tpu.dma_semaphore, #tpu.memory_space<semaphore_mem>>) src(%arg10 : memref<32x50xf32, #tpu.memory_space<vmem>>) dst(%dma_wait3A_379 : memref<32x50xf32, #tpu.memory_space<hbm>>)
        tpu.yield
      }) : () -> ()
      "tpu.region"() ({
        %run_scoped3A = tpu.sem_alloc : memref<!tpu.dma_semaphore, #tpu.memory_space<semaphore_mem>>
        %dma_start3A_372 = arith.constant 0 : i32
        %dma_start3A_373 = tpu.memref_slice %arg5[%add3A_346, %dma_start3A_372] : memref<16384x49xf32, #tpu.memory_space<hbm>> -> memref<32x49xf32, #tpu.memory_space<hbm>>
        %dma_start3A_374 = arith.constant 0 : i32
        %dma_start3A_375 = tpu.memref_slice %arg5[%add3A_346, %dma_start3A_374] : memref<16384x49xf32, #tpu.memory_space<hbm>> -> memref<32x49xf32, #tpu.memory_space<hbm>>
        tpu.enqueue_dma source(%arg11 : memref<32x49xf32, #tpu.memory_space<vmem>>) target(%dma_start3A_375 : memref<32x49xf32, #tpu.memory_space<hbm>>) target_semaphore(%run_scoped3A : memref<!tpu.dma_semaphore, #tpu.memory_space<semaphore_mem>>)
        %dma_wait3A_376 = arith.constant 0 : i32
        %dma_wait3A_377 = tpu.memref_slice %arg5[%add3A_346, %dma_wait3A_376] : memref<16384x49xf32, #tpu.memory_space<hbm>> -> memref<32x49xf32, #tpu.memory_space<hbm>>
        %dma_wait3A_378 = arith.constant 0 : i32
        %dma_wait3A_379 = tpu.memref_slice %arg5[%add3A_346, %dma_wait3A_378] : memref<16384x49xf32, #tpu.memory_space<hbm>> -> memref<32x49xf32, #tpu.memory_space<hbm>>
        tpu.wait_dma2 semaphore(%run_scoped3A : memref<!tpu.dma_semaphore, #tpu.memory_space<semaphore_mem>>) src(%arg11 : memref<32x49xf32, #tpu.memory_space<vmem>>) dst(%dma_wait3A_379 : memref<32x49xf32, #tpu.memory_space<hbm>>)
        tpu.yield
      }) : () -> ()
      %mul3A_349 = arith.constant 2 : i32
      %mul3A_350 = arith.muli %mul3A_349, %scan3A_330 : i32
      %add3A_351 = arith.constant 1 : i32
      %add3A_352 = arith.addi %mul3A_350, %add3A_351 : i32
      %add3A_353 = arith.constant 1 : i32
      %add3A_354 = arith.addi %add3A_352, %add3A_353 : i32
      %lt3A_355 = arith.constant 16 : i32
      %lt3A_356 = arith.cmpi slt, %add3A_354, %lt3A_355 : i32
      %convert_element_type3A_357 = arith.extui %lt3A_356 : i1 to i32
      %cond3A_358 = arith.constant 0 : i32
      %cond3A_359 = arith.cmpi ne, %convert_element_type3A_357, %cond3A_358 : i32
      scf.if %cond3A_359 {
        %add3A_372 = arith.constant 1 : i32
        %add3A_373 = arith.addi %add3A_352, %add3A_372 : i32
        %mul3A_374 = arith.constant 32 : i32
        %mul3A_375 = arith.muli %add3A_373, %mul3A_374 : i32
        %add3A_376 = arith.addi %mul3A_2, %mul3A_375 : i32
        "tpu.region"() ({
          %run_scoped3A = tpu.sem_alloc : memref<!tpu.dma_semaphore, #tpu.memory_space<semaphore_mem>>
          %dma_start3A_697 = arith.constant 0 : i32
          %dma_start3A_698 = tpu.memref_slice %arg3[%add3A_376, %dma_start3A_697] : memref<16384x50xi32, #tpu.memory_space<hbm>> -> memref<32x50xi32, #tpu.memory_space<hbm>>
          %dma_start3A_699 = arith.constant 0 : i32
          %dma_start3A_700 = tpu.memref_slice %arg3[%add3A_376, %dma_start3A_699] : memref<16384x50xi32, #tpu.memory_space<hbm>> -> memref<32x50xi32, #tpu.memory_space<hbm>>
          tpu.enqueue_dma source(%dma_start3A_700 : memref<32x50xi32, #tpu.memory_space<hbm>>) target(%arg6 : memref<32x50xi32, #tpu.memory_space<vmem>>) target_semaphore(%run_scoped3A : memref<!tpu.dma_semaphore, #tpu.memory_space<semaphore_mem>>)
          %dma_wait3A_701 = arith.constant 0 : i32
          %dma_wait3A_702 = tpu.memref_slice %arg3[%add3A_376, %dma_wait3A_701] : memref<16384x50xi32, #tpu.memory_space<hbm>> -> memref<32x50xi32, #tpu.memory_space<hbm>>
          %dma_wait3A_703 = arith.constant 0 : i32
          %dma_wait3A_704 = tpu.memref_slice %arg3[%add3A_376, %dma_wait3A_703] : memref<16384x50xi32, #tpu.memory_space<hbm>> -> memref<32x50xi32, #tpu.memory_space<hbm>>
          tpu.wait_dma2 semaphore(%run_scoped3A : memref<!tpu.dma_semaphore, #tpu.memory_space<semaphore_mem>>) src(%dma_wait3A_704 : memref<32x50xi32, #tpu.memory_space<hbm>>) dst(%arg6 : memref<32x50xi32, #tpu.memory_space<vmem>>)
          tpu.yield
        }) : () -> ()
        %dma_start3A_377 = arith.constant 0 : i32
        %dma_start3A_378 = arith.constant 0 : i32
        %dma_start3A_379 = arith.constant 0 : i32
        %dma_start3A_380 = tpu.memref_slice %arg8[%dma_start3A_378, %dma_start3A_379] : memref<1600x32xf32, #tpu.memory_space<vmem>> -> memref<50x32xf32, #tpu.memory_space<vmem>>
        %dma_start3A_381 = arith.constant 0 : i32
        %dma_start3A_382 = tpu.memref_slice %arg6[%dma_start3A_377, %dma_start3A_381] : memref<32x50xi32, #tpu.memory_space<vmem>> -> memref<1x50xi32, #tpu.memory_space<vmem>>
        %dma_start3A_383 = tpu.memref_squeeze %dma_start3A_382 : memref<1x50xi32, #tpu.memory_space<vmem>> -> memref<50xi32, #tpu.memory_space<vmem>>
        %dma_start3A_384 = arith.constant 0 : i32
        %dma_start3A_385 = arith.constant 0 : i32
        %dma_start3A_386 = tpu.memref_slice %arg2[%dma_start3A_384, %dma_start3A_385] : memref<1000000x32xf32, #tpu.memory_space<hbm>> -> memref<1000000x32xf32, #tpu.memory_space<hbm>>
        tpu.enqueue_indirect_dma source(%dma_start3A_386 : memref<1000000x32xf32, #tpu.memory_space<hbm>>) target(%dma_start3A_380 : memref<50x32xf32, #tpu.memory_space<vmem>>) offsets(%dma_start3A_383 : memref<50xi32, #tpu.memory_space<vmem>>) semaphore(%arg12 : memref<!tpu.dma_semaphore, #tpu.memory_space<semaphore_mem>>)
        %dma_start3A_387 = arith.constant 1 : i32
        %dma_start3A_388 = arith.constant 50 : i32
        %dma_start3A_389 = arith.constant 0 : i32
        %dma_start3A_390 = tpu.memref_slice %arg8[%dma_start3A_388, %dma_start3A_389] : memref<1600x32xf32, #tpu.memory_space<vmem>> -> memref<50x32xf32, #tpu.memory_space<vmem>>
        %dma_start3A_391 = arith.constant 0 : i32
        %dma_start3A_392 = tpu.memref_slice %arg6[%dma_start3A_387, %dma_start3A_391] : memref<32x50xi32, #tpu.memory_space<vmem>> -> memref<1x50xi32, #tpu.memory_space<vmem>>
        %dma_start3A_393 = tpu.memref_squeeze %dma_start3A_392 : memref<1x50xi32, #tpu.memory_space<vmem>> -> memref<50xi32, #tpu.memory_space<vmem>>
        %dma_start3A_394 = arith.constant 0 : i32
        %dma_start3A_395 = arith.constant 0 : i32
        %dma_start3A_396 = tpu.memref_slice %arg2[%dma_start3A_394, %dma_start3A_395] : memref<1000000x32xf32, #tpu.memory_space<hbm>> -> memref<1000000x32xf32, #tpu.memory_space<hbm>>
        tpu.enqueue_indirect_dma source(%dma_start3A_396 : memref<1000000x32xf32, #tpu.memory_space<hbm>>) target(%dma_start3A_390 : memref<50x32xf32, #tpu.memory_space<vmem>>) offsets(%dma_start3A_393 : memref<50xi32, #tpu.memory_space<vmem>>) semaphore(%arg12 : memref<!tpu.dma_semaphore, #tpu.memory_space<semaphore_mem>>)
        %dma_start3A_397 = arith.constant 2 : i32
        %dma_start3A_398 = arith.constant 100 : i32
        %dma_start3A_399 = arith.constant 0 : i32
        %dma_start3A_400 = tpu.memref_slice %arg8[%dma_start3A_398, %dma_start3A_399] : memref<1600x32xf32, #tpu.memory_space<vmem>> -> memref<50x32xf32, #tpu.memory_space<vmem>>
        %dma_start3A_401 = arith.constant 0 : i32
        %dma_start3A_402 = tpu.memref_slice %arg6[%dma_start3A_397, %dma_start3A_401] : memref<32x50xi32, #tpu.memory_space<vmem>> -> memref<1x50xi32, #tpu.memory_space<vmem>>
        %dma_start3A_403 = tpu.memref_squeeze %dma_start3A_402 : memref<1x50xi32, #tpu.memory_space<vmem>> -> memref<50xi32, #tpu.memory_space<vmem>>
        %dma_start3A_404 = arith.constant 0 : i32
        %dma_start3A_405 = arith.constant 0 : i32
        %dma_start3A_406 = tpu.memref_slice %arg2[%dma_start3A_404, %dma_start3A_405] : memref<1000000x32xf32, #tpu.memory_space<hbm>> -> memref<1000000x32xf32, #tpu.memory_space<hbm>>
        tpu.enqueue_indirect_dma source(%dma_start3A_406 : memref<1000000x32xf32, #tpu.memory_space<hbm>>) target(%dma_start3A_400 : memref<50x32xf32, #tpu.memory_space<vmem>>) offsets(%dma_start3A_403 : memref<50xi32, #tpu.memory_space<vmem>>) semaphore(%arg12 : memref<!tpu.dma_semaphore, #tpu.memory_space<semaphore_mem>>)
        %dma_start3A_407 = arith.constant 3 : i32
        %dma_start3A_408 = arith.constant 150 : i32
        %dma_start3A_409 = arith.constant 0 : i32
        %dma_start3A_410 = tpu.memref_slice %arg8[%dma_start3A_408, %dma_start3A_409] : memref<1600x32xf32, #tpu.memory_space<vmem>> -> memref<50x32xf32, #tpu.memory_space<vmem>>
        %dma_start3A_411 = arith.constant 0 : i32
        %dma_start3A_412 = tpu.memref_slice %arg6[%dma_start3A_407, %dma_start3A_411] : memref<32x50xi32, #tpu.memory_space<vmem>> -> memref<1x50xi32, #tpu.memory_space<vmem>>
        %dma_start3A_413 = tpu.memref_squeeze %dma_start3A_412 : memref<1x50xi32, #tpu.memory_space<vmem>> -> memref<50xi32, #tpu.memory_space<vmem>>
        %dma_start3A_414 = arith.constant 0 : i32
        %dma_start3A_415 = arith.constant 0 : i32
        %dma_start3A_416 = tpu.memref_slice %arg2[%dma_start3A_414, %dma_start3A_415] : memref<1000000x32xf32, #tpu.memory_space<hbm>> -> memref<1000000x32xf32, #tpu.memory_space<hbm>>
        tpu.enqueue_indirect_dma source(%dma_start3A_416 : memref<1000000x32xf32, #tpu.memory_space<hbm>>) target(%dma_start3A_410 : memref<50x32xf32, #tpu.memory_space<vmem>>) offsets(%dma_start3A_413 : memref<50xi32, #tpu.memory_space<vmem>>) semaphore(%arg12 : memref<!tpu.dma_semaphore, #tpu.memory_space<semaphore_mem>>)
        %dma_start3A_417 = arith.constant 4 : i32
        %dma_start3A_418 = arith.constant 200 : i32
        %dma_start3A_419 = arith.constant 0 : i32
        %dma_start3A_420 = tpu.memref_slice %arg8[%dma_start3A_418, %dma_start3A_419] : memref<1600x32xf32, #tpu.memory_space<vmem>> -> memref<50x32xf32, #tpu.memory_space<vmem>>
        %dma_start3A_421 = arith.constant 0 : i32
        %dma_start3A_422 = tpu.memref_slice %arg6[%dma_start3A_417, %dma_start3A_421] : memref<32x50xi32, #tpu.memory_space<vmem>> -> memref<1x50xi32, #tpu.memory_space<vmem>>
        %dma_start3A_423 = tpu.memref_squeeze %dma_start3A_422 : memref<1x50xi32, #tpu.memory_space<vmem>> -> memref<50xi32, #tpu.memory_space<vmem>>
        %dma_start3A_424 = arith.constant 0 : i32
        %dma_start3A_425 = arith.constant 0 : i32
        %dma_start3A_426 = tpu.memref_slice %arg2[%dma_start3A_424, %dma_start3A_425] : memref<1000000x32xf32, #tpu.memory_space<hbm>> -> memref<1000000x32xf32, #tpu.memory_space<hbm>>
        tpu.enqueue_indirect_dma source(%dma_start3A_426 : memref<1000000x32xf32, #tpu.memory_space<hbm>>) target(%dma_start3A_420 : memref<50x32xf32, #tpu.memory_space<vmem>>) offsets(%dma_start3A_423 : memref<50xi32, #tpu.memory_space<vmem>>) semaphore(%arg12 : memref<!tpu.dma_semaphore, #tpu.memory_space<semaphore_mem>>)
        %dma_start3A_427 = arith.constant 5 : i32
        %dma_start3A_428 = arith.constant 250 : i32
        %dma_start3A_429 = arith.constant 0 : i32
        %dma_start3A_430 = tpu.memref_slice %arg8[%dma_start3A_428, %dma_start3A_429] : memref<1600x32xf32, #tpu.memory_space<vmem>> -> memref<50x32xf32, #tpu.memory_space<vmem>>
        %dma_start3A_431 = arith.constant 0 : i32
        %dma_start3A_432 = tpu.memref_slice %arg6[%dma_start3A_427, %dma_start3A_431] : memref<32x50xi32, #tpu.memory_space<vmem>> -> memref<1x50xi32, #tpu.memory_space<vmem>>
        %dma_start3A_433 = tpu.memref_squeeze %dma_start3A_432 : memref<1x50xi32, #tpu.memory_space<vmem>> -> memref<50xi32, #tpu.memory_space<vmem>>
        %dma_start3A_434 = arith.constant 0 : i32
        %dma_start3A_435 = arith.constant 0 : i32
        %dma_start3A_436 = tpu.memref_slice %arg2[%dma_start3A_434, %dma_start3A_435] : memref<1000000x32xf32, #tpu.memory_space<hbm>> -> memref<1000000x32xf32, #tpu.memory_space<hbm>>
        tpu.enqueue_indirect_dma source(%dma_start3A_436 : memref<1000000x32xf32, #tpu.memory_space<hbm>>) target(%dma_start3A_430 : memref<50x32xf32, #tpu.memory_space<vmem>>) offsets(%dma_start3A_433 : memref<50xi32, #tpu.memory_space<vmem>>) semaphore(%arg12 : memref<!tpu.dma_semaphore, #tpu.memory_space<semaphore_mem>>)
        %dma_start3A_437 = arith.constant 6 : i32
        %dma_start3A_438 = arith.constant 300 : i32
        %dma_start3A_439 = arith.constant 0 : i32
        %dma_start3A_440 = tpu.memref_slice %arg8[%dma_start3A_438, %dma_start3A_439] : memref<1600x32xf32, #tpu.memory_space<vmem>> -> memref<50x32xf32, #tpu.memory_space<vmem>>
        %dma_start3A_441 = arith.constant 0 : i32
        %dma_start3A_442 = tpu.memref_slice %arg6[%dma_start3A_437, %dma_start3A_441] : memref<32x50xi32, #tpu.memory_space<vmem>> -> memref<1x50xi32, #tpu.memory_space<vmem>>
        %dma_start3A_443 = tpu.memref_squeeze %dma_start3A_442 : memref<1x50xi32, #tpu.memory_space<vmem>> -> memref<50xi32, #tpu.memory_space<vmem>>
        %dma_start3A_444 = arith.constant 0 : i32
        %dma_start3A_445 = arith.constant 0 : i32
        %dma_start3A_446 = tpu.memref_slice %arg2[%dma_start3A_444, %dma_start3A_445] : memref<1000000x32xf32, #tpu.memory_space<hbm>> -> memref<1000000x32xf32, #tpu.memory_space<hbm>>
        tpu.enqueue_indirect_dma source(%dma_start3A_446 : memref<1000000x32xf32, #tpu.memory_space<hbm>>) target(%dma_start3A_440 : memref<50x32xf32, #tpu.memory_space<vmem>>) offsets(%dma_start3A_443 : memref<50xi32, #tpu.memory_space<vmem>>) semaphore(%arg12 : memref<!tpu.dma_semaphore, #tpu.memory_space<semaphore_mem>>)
        %dma_start3A_447 = arith.constant 7 : i32
        %dma_start3A_448 = arith.constant 350 : i32
        %dma_start3A_449 = arith.constant 0 : i32
        %dma_start3A_450 = tpu.memref_slice %arg8[%dma_start3A_448, %dma_start3A_449] : memref<1600x32xf32, #tpu.memory_space<vmem>> -> memref<50x32xf32, #tpu.memory_space<vmem>>
        %dma_start3A_451 = arith.constant 0 : i32
        %dma_start3A_452 = tpu.memref_slice %arg6[%dma_start3A_447, %dma_start3A_451] : memref<32x50xi32, #tpu.memory_space<vmem>> -> memref<1x50xi32, #tpu.memory_space<vmem>>
        %dma_start3A_453 = tpu.memref_squeeze %dma_start3A_452 : memref<1x50xi32, #tpu.memory_space<vmem>> -> memref<50xi32, #tpu.memory_space<vmem>>
        %dma_start3A_454 = arith.constant 0 : i32
        %dma_start3A_455 = arith.constant 0 : i32
        %dma_start3A_456 = tpu.memref_slice %arg2[%dma_start3A_454, %dma_start3A_455] : memref<1000000x32xf32, #tpu.memory_space<hbm>> -> memref<1000000x32xf32, #tpu.memory_space<hbm>>
        tpu.enqueue_indirect_dma source(%dma_start3A_456 : memref<1000000x32xf32, #tpu.memory_space<hbm>>) target(%dma_start3A_450 : memref<50x32xf32, #tpu.memory_space<vmem>>) offsets(%dma_start3A_453 : memref<50xi32, #tpu.memory_space<vmem>>) semaphore(%arg12 : memref<!tpu.dma_semaphore, #tpu.memory_space<semaphore_mem>>)
        %dma_start3A_457 = arith.constant 8 : i32
        %dma_start3A_458 = arith.constant 400 : i32
        %dma_start3A_459 = arith.constant 0 : i32
        %dma_start3A_460 = tpu.memref_slice %arg8[%dma_start3A_458, %dma_start3A_459] : memref<1600x32xf32, #tpu.memory_space<vmem>> -> memref<50x32xf32, #tpu.memory_space<vmem>>
        %dma_start3A_461 = arith.constant 0 : i32
        %dma_start3A_462 = tpu.memref_slice %arg6[%dma_start3A_457, %dma_start3A_461] : memref<32x50xi32, #tpu.memory_space<vmem>> -> memref<1x50xi32, #tpu.memory_space<vmem>>
        %dma_start3A_463 = tpu.memref_squeeze %dma_start3A_462 : memref<1x50xi32, #tpu.memory_space<vmem>> -> memref<50xi32, #tpu.memory_space<vmem>>
        %dma_start3A_464 = arith.constant 0 : i32
        %dma_start3A_465 = arith.constant 0 : i32
        %dma_start3A_466 = tpu.memref_slice %arg2[%dma_start3A_464, %dma_start3A_465] : memref<1000000x32xf32, #tpu.memory_space<hbm>> -> memref<1000000x32xf32, #tpu.memory_space<hbm>>
        tpu.enqueue_indirect_dma source(%dma_start3A_466 : memref<1000000x32xf32, #tpu.memory_space<hbm>>) target(%dma_start3A_460 : memref<50x32xf32, #tpu.memory_space<vmem>>) offsets(%dma_start3A_463 : memref<50xi32, #tpu.memory_space<vmem>>) semaphore(%arg12 : memref<!tpu.dma_semaphore, #tpu.memory_space<semaphore_mem>>)
        %dma_start3A_467 = arith.constant 9 : i32
        %dma_start3A_468 = arith.constant 450 : i32
        %dma_start3A_469 = arith.constant 0 : i32
        %dma_start3A_470 = tpu.memref_slice %arg8[%dma_start3A_468, %dma_start3A_469] : memref<1600x32xf32, #tpu.memory_space<vmem>> -> memref<50x32xf32, #tpu.memory_space<vmem>>
        %dma_start3A_471 = arith.constant 0 : i32
        %dma_start3A_472 = tpu.memref_slice %arg6[%dma_start3A_467, %dma_start3A_471] : memref<32x50xi32, #tpu.memory_space<vmem>> -> memref<1x50xi32, #tpu.memory_space<vmem>>
        %dma_start3A_473 = tpu.memref_squeeze %dma_start3A_472 : memref<1x50xi32, #tpu.memory_space<vmem>> -> memref<50xi32, #tpu.memory_space<vmem>>
        %dma_start3A_474 = arith.constant 0 : i32
        %dma_start3A_475 = arith.constant 0 : i32
        %dma_start3A_476 = tpu.memref_slice %arg2[%dma_start3A_474, %dma_start3A_475] : memref<1000000x32xf32, #tpu.memory_space<hbm>> -> memref<1000000x32xf32, #tpu.memory_space<hbm>>
        tpu.enqueue_indirect_dma source(%dma_start3A_476 : memref<1000000x32xf32, #tpu.memory_space<hbm>>) target(%dma_start3A_470 : memref<50x32xf32, #tpu.memory_space<vmem>>) offsets(%dma_start3A_473 : memref<50xi32, #tpu.memory_space<vmem>>) semaphore(%arg12 : memref<!tpu.dma_semaphore, #tpu.memory_space<semaphore_mem>>)
        %dma_start3A_477 = arith.constant 10 : i32
        %dma_start3A_478 = arith.constant 500 : i32
        %dma_start3A_479 = arith.constant 0 : i32
        %dma_start3A_480 = tpu.memref_slice %arg8[%dma_start3A_478, %dma_start3A_479] : memref<1600x32xf32, #tpu.memory_space<vmem>> -> memref<50x32xf32, #tpu.memory_space<vmem>>
        %dma_start3A_481 = arith.constant 0 : i32
        %dma_start3A_482 = tpu.memref_slice %arg6[%dma_start3A_477, %dma_start3A_481] : memref<32x50xi32, #tpu.memory_space<vmem>> -> memref<1x50xi32, #tpu.memory_space<vmem>>
        %dma_start3A_483 = tpu.memref_squeeze %dma_start3A_482 : memref<1x50xi32, #tpu.memory_space<vmem>> -> memref<50xi32, #tpu.memory_space<vmem>>
        %dma_start3A_484 = arith.constant 0 : i32
        %dma_start3A_485 = arith.constant 0 : i32
        %dma_start3A_486 = tpu.memref_slice %arg2[%dma_start3A_484, %dma_start3A_485] : memref<1000000x32xf32, #tpu.memory_space<hbm>> -> memref<1000000x32xf32, #tpu.memory_space<hbm>>
        tpu.enqueue_indirect_dma source(%dma_start3A_486 : memref<1000000x32xf32, #tpu.memory_space<hbm>>) target(%dma_start3A_480 : memref<50x32xf32, #tpu.memory_space<vmem>>) offsets(%dma_start3A_483 : memref<50xi32, #tpu.memory_space<vmem>>) semaphore(%arg12 : memref<!tpu.dma_semaphore, #tpu.memory_space<semaphore_mem>>)
        %dma_start3A_487 = arith.constant 11 : i32
        %dma_start3A_488 = arith.constant 550 : i32
        %dma_start3A_489 = arith.constant 0 : i32
        %dma_start3A_490 = tpu.memref_slice %arg8[%dma_start3A_488, %dma_start3A_489] : memref<1600x32xf32, #tpu.memory_space<vmem>> -> memref<50x32xf32, #tpu.memory_space<vmem>>
        %dma_start3A_491 = arith.constant 0 : i32
        %dma_start3A_492 = tpu.memref_slice %arg6[%dma_start3A_487, %dma_start3A_491] : memref<32x50xi32, #tpu.memory_space<vmem>> -> memref<1x50xi32, #tpu.memory_space<vmem>>
        %dma_start3A_493 = tpu.memref_squeeze %dma_start3A_492 : memref<1x50xi32, #tpu.memory_space<vmem>> -> memref<50xi32, #tpu.memory_space<vmem>>
        %dma_start3A_494 = arith.constant 0 : i32
        %dma_start3A_495 = arith.constant 0 : i32
        %dma_start3A_496 = tpu.memref_slice %arg2[%dma_start3A_494, %dma_start3A_495] : memref<1000000x32xf32, #tpu.memory_space<hbm>> -> memref<1000000x32xf32, #tpu.memory_space<hbm>>
        tpu.enqueue_indirect_dma source(%dma_start3A_496 : memref<1000000x32xf32, #tpu.memory_space<hbm>>) target(%dma_start3A_490 : memref<50x32xf32, #tpu.memory_space<vmem>>) offsets(%dma_start3A_493 : memref<50xi32, #tpu.memory_space<vmem>>) semaphore(%arg12 : memref<!tpu.dma_semaphore, #tpu.memory_space<semaphore_mem>>)
        %dma_start3A_497 = arith.constant 12 : i32
        %dma_start3A_498 = arith.constant 600 : i32
        %dma_start3A_499 = arith.constant 0 : i32
        %dma_start3A_500 = tpu.memref_slice %arg8[%dma_start3A_498, %dma_start3A_499] : memref<1600x32xf32, #tpu.memory_space<vmem>> -> memref<50x32xf32, #tpu.memory_space<vmem>>
        %dma_start3A_501 = arith.constant 0 : i32
        %dma_start3A_502 = tpu.memref_slice %arg6[%dma_start3A_497, %dma_start3A_501] : memref<32x50xi32, #tpu.memory_space<vmem>> -> memref<1x50xi32, #tpu.memory_space<vmem>>
        %dma_start3A_503 = tpu.memref_squeeze %dma_start3A_502 : memref<1x50xi32, #tpu.memory_space<vmem>> -> memref<50xi32, #tpu.memory_space<vmem>>
        %dma_start3A_504 = arith.constant 0 : i32
        %dma_start3A_505 = arith.constant 0 : i32
        %dma_start3A_506 = tpu.memref_slice %arg2[%dma_start3A_504, %dma_start3A_505] : memref<1000000x32xf32, #tpu.memory_space<hbm>> -> memref<1000000x32xf32, #tpu.memory_space<hbm>>
        tpu.enqueue_indirect_dma source(%dma_start3A_506 : memref<1000000x32xf32, #tpu.memory_space<hbm>>) target(%dma_start3A_500 : memref<50x32xf32, #tpu.memory_space<vmem>>) offsets(%dma_start3A_503 : memref<50xi32, #tpu.memory_space<vmem>>) semaphore(%arg12 : memref<!tpu.dma_semaphore, #tpu.memory_space<semaphore_mem>>)
        %dma_start3A_507 = arith.constant 13 : i32
        %dma_start3A_508 = arith.constant 650 : i32
        %dma_start3A_509 = arith.constant 0 : i32
        %dma_start3A_510 = tpu.memref_slice %arg8[%dma_start3A_508, %dma_start3A_509] : memref<1600x32xf32, #tpu.memory_space<vmem>> -> memref<50x32xf32, #tpu.memory_space<vmem>>
        %dma_start3A_511 = arith.constant 0 : i32
        %dma_start3A_512 = tpu.memref_slice %arg6[%dma_start3A_507, %dma_start3A_511] : memref<32x50xi32, #tpu.memory_space<vmem>> -> memref<1x50xi32, #tpu.memory_space<vmem>>
        %dma_start3A_513 = tpu.memref_squeeze %dma_start3A_512 : memref<1x50xi32, #tpu.memory_space<vmem>> -> memref<50xi32, #tpu.memory_space<vmem>>
        %dma_start3A_514 = arith.constant 0 : i32
        %dma_start3A_515 = arith.constant 0 : i32
        %dma_start3A_516 = tpu.memref_slice %arg2[%dma_start3A_514, %dma_start3A_515] : memref<1000000x32xf32, #tpu.memory_space<hbm>> -> memref<1000000x32xf32, #tpu.memory_space<hbm>>
        tpu.enqueue_indirect_dma source(%dma_start3A_516 : memref<1000000x32xf32, #tpu.memory_space<hbm>>) target(%dma_start3A_510 : memref<50x32xf32, #tpu.memory_space<vmem>>) offsets(%dma_start3A_513 : memref<50xi32, #tpu.memory_space<vmem>>) semaphore(%arg12 : memref<!tpu.dma_semaphore, #tpu.memory_space<semaphore_mem>>)
        %dma_start3A_517 = arith.constant 14 : i32
        %dma_start3A_518 = arith.constant 700 : i32
        %dma_start3A_519 = arith.constant 0 : i32
        %dma_start3A_520 = tpu.memref_slice %arg8[%dma_start3A_518, %dma_start3A_519] : memref<1600x32xf32, #tpu.memory_space<vmem>> -> memref<50x32xf32, #tpu.memory_space<vmem>>
        %dma_start3A_521 = arith.constant 0 : i32
        %dma_start3A_522 = tpu.memref_slice %arg6[%dma_start3A_517, %dma_start3A_521] : memref<32x50xi32, #tpu.memory_space<vmem>> -> memref<1x50xi32, #tpu.memory_space<vmem>>
        %dma_start3A_523 = tpu.memref_squeeze %dma_start3A_522 : memref<1x50xi32, #tpu.memory_space<vmem>> -> memref<50xi32, #tpu.memory_space<vmem>>
        %dma_start3A_524 = arith.constant 0 : i32
        %dma_start3A_525 = arith.constant 0 : i32
        %dma_start3A_526 = tpu.memref_slice %arg2[%dma_start3A_524, %dma_start3A_525] : memref<1000000x32xf32, #tpu.memory_space<hbm>> -> memref<1000000x32xf32, #tpu.memory_space<hbm>>
        tpu.enqueue_indirect_dma source(%dma_start3A_526 : memref<1000000x32xf32, #tpu.memory_space<hbm>>) target(%dma_start3A_520 : memref<50x32xf32, #tpu.memory_space<vmem>>) offsets(%dma_start3A_523 : memref<50xi32, #tpu.memory_space<vmem>>) semaphore(%arg12 : memref<!tpu.dma_semaphore, #tpu.memory_space<semaphore_mem>>)
        %dma_start3A_527 = arith.constant 15 : i32
        %dma_start3A_528 = arith.constant 750 : i32
        %dma_start3A_529 = arith.constant 0 : i32
        %dma_start3A_530 = tpu.memref_slice %arg8[%dma_start3A_528, %dma_start3A_529] : memref<1600x32xf32, #tpu.memory_space<vmem>> -> memref<50x32xf32, #tpu.memory_space<vmem>>
        %dma_start3A_531 = arith.constant 0 : i32
        %dma_start3A_532 = tpu.memref_slice %arg6[%dma_start3A_527, %dma_start3A_531] : memref<32x50xi32, #tpu.memory_space<vmem>> -> memref<1x50xi32, #tpu.memory_space<vmem>>
        %dma_start3A_533 = tpu.memref_squeeze %dma_start3A_532 : memref<1x50xi32, #tpu.memory_space<vmem>> -> memref<50xi32, #tpu.memory_space<vmem>>
        %dma_start3A_534 = arith.constant 0 : i32
        %dma_start3A_535 = arith.constant 0 : i32
        %dma_start3A_536 = tpu.memref_slice %arg2[%dma_start3A_534, %dma_start3A_535] : memref<1000000x32xf32, #tpu.memory_space<hbm>> -> memref<1000000x32xf32, #tpu.memory_space<hbm>>
        tpu.enqueue_indirect_dma source(%dma_start3A_536 : memref<1000000x32xf32, #tpu.memory_space<hbm>>) target(%dma_start3A_530 : memref<50x32xf32, #tpu.memory_space<vmem>>) offsets(%dma_start3A_533 : memref<50xi32, #tpu.memory_space<vmem>>) semaphore(%arg12 : memref<!tpu.dma_semaphore, #tpu.memory_space<semaphore_mem>>)
        %dma_start3A_537 = arith.constant 16 : i32
        %dma_start3A_538 = arith.constant 800 : i32
        %dma_start3A_539 = arith.constant 0 : i32
        %dma_start3A_540 = tpu.memref_slice %arg8[%dma_start3A_538, %dma_start3A_539] : memref<1600x32xf32, #tpu.memory_space<vmem>> -> memref<50x32xf32, #tpu.memory_space<vmem>>
        %dma_start3A_541 = arith.constant 0 : i32
        %dma_start3A_542 = tpu.memref_slice %arg6[%dma_start3A_537, %dma_start3A_541] : memref<32x50xi32, #tpu.memory_space<vmem>> -> memref<1x50xi32, #tpu.memory_space<vmem>>
        %dma_start3A_543 = tpu.memref_squeeze %dma_start3A_542 : memref<1x50xi32, #tpu.memory_space<vmem>> -> memref<50xi32, #tpu.memory_space<vmem>>
        %dma_start3A_544 = arith.constant 0 : i32
        %dma_start3A_545 = arith.constant 0 : i32
        %dma_start3A_546 = tpu.memref_slice %arg2[%dma_start3A_544, %dma_start3A_545] : memref<1000000x32xf32, #tpu.memory_space<hbm>> -> memref<1000000x32xf32, #tpu.memory_space<hbm>>
        tpu.enqueue_indirect_dma source(%dma_start3A_546 : memref<1000000x32xf32, #tpu.memory_space<hbm>>) target(%dma_start3A_540 : memref<50x32xf32, #tpu.memory_space<vmem>>) offsets(%dma_start3A_543 : memref<50xi32, #tpu.memory_space<vmem>>) semaphore(%arg12 : memref<!tpu.dma_semaphore, #tpu.memory_space<semaphore_mem>>)
        %dma_start3A_547 = arith.constant 17 : i32
        %dma_start3A_548 = arith.constant 850 : i32
        %dma_start3A_549 = arith.constant 0 : i32
        %dma_start3A_550 = tpu.memref_slice %arg8[%dma_start3A_548, %dma_start3A_549] : memref<1600x32xf32, #tpu.memory_space<vmem>> -> memref<50x32xf32, #tpu.memory_space<vmem>>
        %dma_start3A_551 = arith.constant 0 : i32
        %dma_start3A_552 = tpu.memref_slice %arg6[%dma_start3A_547, %dma_start3A_551] : memref<32x50xi32, #tpu.memory_space<vmem>> -> memref<1x50xi32, #tpu.memory_space<vmem>>
        %dma_start3A_553 = tpu.memref_squeeze %dma_start3A_552 : memref<1x50xi32, #tpu.memory_space<vmem>> -> memref<50xi32, #tpu.memory_space<vmem>>
        %dma_start3A_554 = arith.constant 0 : i32
        %dma_start3A_555 = arith.constant 0 : i32
        %dma_start3A_556 = tpu.memref_slice %arg2[%dma_start3A_554, %dma_start3A_555] : memref<1000000x32xf32, #tpu.memory_space<hbm>> -> memref<1000000x32xf32, #tpu.memory_space<hbm>>
        tpu.enqueue_indirect_dma source(%dma_start3A_556 : memref<1000000x32xf32, #tpu.memory_space<hbm>>) target(%dma_start3A_550 : memref<50x32xf32, #tpu.memory_space<vmem>>) offsets(%dma_start3A_553 : memref<50xi32, #tpu.memory_space<vmem>>) semaphore(%arg12 : memref<!tpu.dma_semaphore, #tpu.memory_space<semaphore_mem>>)
        %dma_start3A_557 = arith.constant 18 : i32
        %dma_start3A_558 = arith.constant 900 : i32
        %dma_start3A_559 = arith.constant 0 : i32
        %dma_start3A_560 = tpu.memref_slice %arg8[%dma_start3A_558, %dma_start3A_559] : memref<1600x32xf32, #tpu.memory_space<vmem>> -> memref<50x32xf32, #tpu.memory_space<vmem>>
        %dma_start3A_561 = arith.constant 0 : i32
        %dma_start3A_562 = tpu.memref_slice %arg6[%dma_start3A_557, %dma_start3A_561] : memref<32x50xi32, #tpu.memory_space<vmem>> -> memref<1x50xi32, #tpu.memory_space<vmem>>
        %dma_start3A_563 = tpu.memref_squeeze %dma_start3A_562 : memref<1x50xi32, #tpu.memory_space<vmem>> -> memref<50xi32, #tpu.memory_space<vmem>>
        %dma_start3A_564 = arith.constant 0 : i32
        %dma_start3A_565 = arith.constant 0 : i32
        %dma_start3A_566 = tpu.memref_slice %arg2[%dma_start3A_564, %dma_start3A_565] : memref<1000000x32xf32, #tpu.memory_space<hbm>> -> memref<1000000x32xf32, #tpu.memory_space<hbm>>
        tpu.enqueue_indirect_dma source(%dma_start3A_566 : memref<1000000x32xf32, #tpu.memory_space<hbm>>) target(%dma_start3A_560 : memref<50x32xf32, #tpu.memory_space<vmem>>) offsets(%dma_start3A_563 : memref<50xi32, #tpu.memory_space<vmem>>) semaphore(%arg12 : memref<!tpu.dma_semaphore, #tpu.memory_space<semaphore_mem>>)
        %dma_start3A_567 = arith.constant 19 : i32
        %dma_start3A_568 = arith.constant 950 : i32
        %dma_start3A_569 = arith.constant 0 : i32
        %dma_start3A_570 = tpu.memref_slice %arg8[%dma_start3A_568, %dma_start3A_569] : memref<1600x32xf32, #tpu.memory_space<vmem>> -> memref<50x32xf32, #tpu.memory_space<vmem>>
        %dma_start3A_571 = arith.constant 0 : i32
        %dma_start3A_572 = tpu.memref_slice %arg6[%dma_start3A_567, %dma_start3A_571] : memref<32x50xi32, #tpu.memory_space<vmem>> -> memref<1x50xi32, #tpu.memory_space<vmem>>
        %dma_start3A_573 = tpu.memref_squeeze %dma_start3A_572 : memref<1x50xi32, #tpu.memory_space<vmem>> -> memref<50xi32, #tpu.memory_space<vmem>>
        %dma_start3A_574 = arith.constant 0 : i32
        %dma_start3A_575 = arith.constant 0 : i32
        %dma_start3A_576 = tpu.memref_slice %arg2[%dma_start3A_574, %dma_start3A_575] : memref<1000000x32xf32, #tpu.memory_space<hbm>> -> memref<1000000x32xf32, #tpu.memory_space<hbm>>
        tpu.enqueue_indirect_dma source(%dma_start3A_576 : memref<1000000x32xf32, #tpu.memory_space<hbm>>) target(%dma_start3A_570 : memref<50x32xf32, #tpu.memory_space<vmem>>) offsets(%dma_start3A_573 : memref<50xi32, #tpu.memory_space<vmem>>) semaphore(%arg12 : memref<!tpu.dma_semaphore, #tpu.memory_space<semaphore_mem>>)
        %dma_start3A_577 = arith.constant 20 : i32
        %dma_start3A_578 = arith.constant 1000 : i32
        %dma_start3A_579 = arith.constant 0 : i32
        %dma_start3A_580 = tpu.memref_slice %arg8[%dma_start3A_578, %dma_start3A_579] : memref<1600x32xf32, #tpu.memory_space<vmem>> -> memref<50x32xf32, #tpu.memory_space<vmem>>
        %dma_start3A_581 = arith.constant 0 : i32
        %dma_start3A_582 = tpu.memref_slice %arg6[%dma_start3A_577, %dma_start3A_581] : memref<32x50xi32, #tpu.memory_space<vmem>> -> memref<1x50xi32, #tpu.memory_space<vmem>>
        %dma_start3A_583 = tpu.memref_squeeze %dma_start3A_582 : memref<1x50xi32, #tpu.memory_space<vmem>> -> memref<50xi32, #tpu.memory_space<vmem>>
        %dma_start3A_584 = arith.constant 0 : i32
        %dma_start3A_585 = arith.constant 0 : i32
        %dma_start3A_586 = tpu.memref_slice %arg2[%dma_start3A_584, %dma_start3A_585] : memref<1000000x32xf32, #tpu.memory_space<hbm>> -> memref<1000000x32xf32, #tpu.memory_space<hbm>>
        tpu.enqueue_indirect_dma source(%dma_start3A_586 : memref<1000000x32xf32, #tpu.memory_space<hbm>>) target(%dma_start3A_580 : memref<50x32xf32, #tpu.memory_space<vmem>>) offsets(%dma_start3A_583 : memref<50xi32, #tpu.memory_space<vmem>>) semaphore(%arg12 : memref<!tpu.dma_semaphore, #tpu.memory_space<semaphore_mem>>)
        %dma_start3A_587 = arith.constant 21 : i32
        %dma_start3A_588 = arith.constant 1050 : i32
        %dma_start3A_589 = arith.constant 0 : i32
        %dma_start3A_590 = tpu.memref_slice %arg8[%dma_start3A_588, %dma_start3A_589] : memref<1600x32xf32, #tpu.memory_space<vmem>> -> memref<50x32xf32, #tpu.memory_space<vmem>>
        %dma_start3A_591 = arith.constant 0 : i32
        %dma_start3A_592 = tpu.memref_slice %arg6[%dma_start3A_587, %dma_start3A_591] : memref<32x50xi32, #tpu.memory_space<vmem>> -> memref<1x50xi32, #tpu.memory_space<vmem>>
        %dma_start3A_593 = tpu.memref_squeeze %dma_start3A_592 : memref<1x50xi32, #tpu.memory_space<vmem>> -> memref<50xi32, #tpu.memory_space<vmem>>
        %dma_start3A_594 = arith.constant 0 : i32
        %dma_start3A_595 = arith.constant 0 : i32
        %dma_start3A_596 = tpu.memref_slice %arg2[%dma_start3A_594, %dma_start3A_595] : memref<1000000x32xf32, #tpu.memory_space<hbm>> -> memref<1000000x32xf32, #tpu.memory_space<hbm>>
        tpu.enqueue_indirect_dma source(%dma_start3A_596 : memref<1000000x32xf32, #tpu.memory_space<hbm>>) target(%dma_start3A_590 : memref<50x32xf32, #tpu.memory_space<vmem>>) offsets(%dma_start3A_593 : memref<50xi32, #tpu.memory_space<vmem>>) semaphore(%arg12 : memref<!tpu.dma_semaphore, #tpu.memory_space<semaphore_mem>>)
        %dma_start3A_597 = arith.constant 22 : i32
        %dma_start3A_598 = arith.constant 1100 : i32
        %dma_start3A_599 = arith.constant 0 : i32
        %dma_start3A_600 = tpu.memref_slice %arg8[%dma_start3A_598, %dma_start3A_599] : memref<1600x32xf32, #tpu.memory_space<vmem>> -> memref<50x32xf32, #tpu.memory_space<vmem>>
        %dma_start3A_601 = arith.constant 0 : i32
        %dma_start3A_602 = tpu.memref_slice %arg6[%dma_start3A_597, %dma_start3A_601] : memref<32x50xi32, #tpu.memory_space<vmem>> -> memref<1x50xi32, #tpu.memory_space<vmem>>
        %dma_start3A_603 = tpu.memref_squeeze %dma_start3A_602 : memref<1x50xi32, #tpu.memory_space<vmem>> -> memref<50xi32, #tpu.memory_space<vmem>>
        %dma_start3A_604 = arith.constant 0 : i32
        %dma_start3A_605 = arith.constant 0 : i32
        %dma_start3A_606 = tpu.memref_slice %arg2[%dma_start3A_604, %dma_start3A_605] : memref<1000000x32xf32, #tpu.memory_space<hbm>> -> memref<1000000x32xf32, #tpu.memory_space<hbm>>
        tpu.enqueue_indirect_dma source(%dma_start3A_606 : memref<1000000x32xf32, #tpu.memory_space<hbm>>) target(%dma_start3A_600 : memref<50x32xf32, #tpu.memory_space<vmem>>) offsets(%dma_start3A_603 : memref<50xi32, #tpu.memory_space<vmem>>) semaphore(%arg12 : memref<!tpu.dma_semaphore, #tpu.memory_space<semaphore_mem>>)
        %dma_start3A_607 = arith.constant 23 : i32
        %dma_start3A_608 = arith.constant 1150 : i32
        %dma_start3A_609 = arith.constant 0 : i32
        %dma_start3A_610 = tpu.memref_slice %arg8[%dma_start3A_608, %dma_start3A_609] : memref<1600x32xf32, #tpu.memory_space<vmem>> -> memref<50x32xf32, #tpu.memory_space<vmem>>
        %dma_start3A_611 = arith.constant 0 : i32
        %dma_start3A_612 = tpu.memref_slice %arg6[%dma_start3A_607, %dma_start3A_611] : memref<32x50xi32, #tpu.memory_space<vmem>> -> memref<1x50xi32, #tpu.memory_space<vmem>>
        %dma_start3A_613 = tpu.memref_squeeze %dma_start3A_612 : memref<1x50xi32, #tpu.memory_space<vmem>> -> memref<50xi32, #tpu.memory_space<vmem>>
        %dma_start3A_614 = arith.constant 0 : i32
        %dma_start3A_615 = arith.constant 0 : i32
        %dma_start3A_616 = tpu.memref_slice %arg2[%dma_start3A_614, %dma_start3A_615] : memref<1000000x32xf32, #tpu.memory_space<hbm>> -> memref<1000000x32xf32, #tpu.memory_space<hbm>>
        tpu.enqueue_indirect_dma source(%dma_start3A_616 : memref<1000000x32xf32, #tpu.memory_space<hbm>>) target(%dma_start3A_610 : memref<50x32xf32, #tpu.memory_space<vmem>>) offsets(%dma_start3A_613 : memref<50xi32, #tpu.memory_space<vmem>>) semaphore(%arg12 : memref<!tpu.dma_semaphore, #tpu.memory_space<semaphore_mem>>)
        %dma_start3A_617 = arith.constant 24 : i32
        %dma_start3A_618 = arith.constant 1200 : i32
        %dma_start3A_619 = arith.constant 0 : i32
        %dma_start3A_620 = tpu.memref_slice %arg8[%dma_start3A_618, %dma_start3A_619] : memref<1600x32xf32, #tpu.memory_space<vmem>> -> memref<50x32xf32, #tpu.memory_space<vmem>>
        %dma_start3A_621 = arith.constant 0 : i32
        %dma_start3A_622 = tpu.memref_slice %arg6[%dma_start3A_617, %dma_start3A_621] : memref<32x50xi32, #tpu.memory_space<vmem>> -> memref<1x50xi32, #tpu.memory_space<vmem>>
        %dma_start3A_623 = tpu.memref_squeeze %dma_start3A_622 : memref<1x50xi32, #tpu.memory_space<vmem>> -> memref<50xi32, #tpu.memory_space<vmem>>
        %dma_start3A_624 = arith.constant 0 : i32
        %dma_start3A_625 = arith.constant 0 : i32
        %dma_start3A_626 = tpu.memref_slice %arg2[%dma_start3A_624, %dma_start3A_625] : memref<1000000x32xf32, #tpu.memory_space<hbm>> -> memref<1000000x32xf32, #tpu.memory_space<hbm>>
        tpu.enqueue_indirect_dma source(%dma_start3A_626 : memref<1000000x32xf32, #tpu.memory_space<hbm>>) target(%dma_start3A_620 : memref<50x32xf32, #tpu.memory_space<vmem>>) offsets(%dma_start3A_623 : memref<50xi32, #tpu.memory_space<vmem>>) semaphore(%arg12 : memref<!tpu.dma_semaphore, #tpu.memory_space<semaphore_mem>>)
        %dma_start3A_627 = arith.constant 25 : i32
        %dma_start3A_628 = arith.constant 1250 : i32
        %dma_start3A_629 = arith.constant 0 : i32
        %dma_start3A_630 = tpu.memref_slice %arg8[%dma_start3A_628, %dma_start3A_629] : memref<1600x32xf32, #tpu.memory_space<vmem>> -> memref<50x32xf32, #tpu.memory_space<vmem>>
        %dma_start3A_631 = arith.constant 0 : i32
        %dma_start3A_632 = tpu.memref_slice %arg6[%dma_start3A_627, %dma_start3A_631] : memref<32x50xi32, #tpu.memory_space<vmem>> -> memref<1x50xi32, #tpu.memory_space<vmem>>
        %dma_start3A_633 = tpu.memref_squeeze %dma_start3A_632 : memref<1x50xi32, #tpu.memory_space<vmem>> -> memref<50xi32, #tpu.memory_space<vmem>>
        %dma_start3A_634 = arith.constant 0 : i32
        %dma_start3A_635 = arith.constant 0 : i32
        %dma_start3A_636 = tpu.memref_slice %arg2[%dma_start3A_634, %dma_start3A_635] : memref<1000000x32xf32, #tpu.memory_space<hbm>> -> memref<1000000x32xf32, #tpu.memory_space<hbm>>
        tpu.enqueue_indirect_dma source(%dma_start3A_636 : memref<1000000x32xf32, #tpu.memory_space<hbm>>) target(%dma_start3A_630 : memref<50x32xf32, #tpu.memory_space<vmem>>) offsets(%dma_start3A_633 : memref<50xi32, #tpu.memory_space<vmem>>) semaphore(%arg12 : memref<!tpu.dma_semaphore, #tpu.memory_space<semaphore_mem>>)
        %dma_start3A_637 = arith.constant 26 : i32
        %dma_start3A_638 = arith.constant 1300 : i32
        %dma_start3A_639 = arith.constant 0 : i32
        %dma_start3A_640 = tpu.memref_slice %arg8[%dma_start3A_638, %dma_start3A_639] : memref<1600x32xf32, #tpu.memory_space<vmem>> -> memref<50x32xf32, #tpu.memory_space<vmem>>
        %dma_start3A_641 = arith.constant 0 : i32
        %dma_start3A_642 = tpu.memref_slice %arg6[%dma_start3A_637, %dma_start3A_641] : memref<32x50xi32, #tpu.memory_space<vmem>> -> memref<1x50xi32, #tpu.memory_space<vmem>>
        %dma_start3A_643 = tpu.memref_squeeze %dma_start3A_642 : memref<1x50xi32, #tpu.memory_space<vmem>> -> memref<50xi32, #tpu.memory_space<vmem>>
        %dma_start3A_644 = arith.constant 0 : i32
        %dma_start3A_645 = arith.constant 0 : i32
        %dma_start3A_646 = tpu.memref_slice %arg2[%dma_start3A_644, %dma_start3A_645] : memref<1000000x32xf32, #tpu.memory_space<hbm>> -> memref<1000000x32xf32, #tpu.memory_space<hbm>>
        tpu.enqueue_indirect_dma source(%dma_start3A_646 : memref<1000000x32xf32, #tpu.memory_space<hbm>>) target(%dma_start3A_640 : memref<50x32xf32, #tpu.memory_space<vmem>>) offsets(%dma_start3A_643 : memref<50xi32, #tpu.memory_space<vmem>>) semaphore(%arg12 : memref<!tpu.dma_semaphore, #tpu.memory_space<semaphore_mem>>)
        %dma_start3A_647 = arith.constant 27 : i32
        %dma_start3A_648 = arith.constant 1350 : i32
        %dma_start3A_649 = arith.constant 0 : i32
        %dma_start3A_650 = tpu.memref_slice %arg8[%dma_start3A_648, %dma_start3A_649] : memref<1600x32xf32, #tpu.memory_space<vmem>> -> memref<50x32xf32, #tpu.memory_space<vmem>>
        %dma_start3A_651 = arith.constant 0 : i32
        %dma_start3A_652 = tpu.memref_slice %arg6[%dma_start3A_647, %dma_start3A_651] : memref<32x50xi32, #tpu.memory_space<vmem>> -> memref<1x50xi32, #tpu.memory_space<vmem>>
        %dma_start3A_653 = tpu.memref_squeeze %dma_start3A_652 : memref<1x50xi32, #tpu.memory_space<vmem>> -> memref<50xi32, #tpu.memory_space<vmem>>
        %dma_start3A_654 = arith.constant 0 : i32
        %dma_start3A_655 = arith.constant 0 : i32
        %dma_start3A_656 = tpu.memref_slice %arg2[%dma_start3A_654, %dma_start3A_655] : memref<1000000x32xf32, #tpu.memory_space<hbm>> -> memref<1000000x32xf32, #tpu.memory_space<hbm>>
        tpu.enqueue_indirect_dma source(%dma_start3A_656 : memref<1000000x32xf32, #tpu.memory_space<hbm>>) target(%dma_start3A_650 : memref<50x32xf32, #tpu.memory_space<vmem>>) offsets(%dma_start3A_653 : memref<50xi32, #tpu.memory_space<vmem>>) semaphore(%arg12 : memref<!tpu.dma_semaphore, #tpu.memory_space<semaphore_mem>>)
        %dma_start3A_657 = arith.constant 28 : i32
        %dma_start3A_658 = arith.constant 1400 : i32
        %dma_start3A_659 = arith.constant 0 : i32
        %dma_start3A_660 = tpu.memref_slice %arg8[%dma_start3A_658, %dma_start3A_659] : memref<1600x32xf32, #tpu.memory_space<vmem>> -> memref<50x32xf32, #tpu.memory_space<vmem>>
        %dma_start3A_661 = arith.constant 0 : i32
        %dma_start3A_662 = tpu.memref_slice %arg6[%dma_start3A_657, %dma_start3A_661] : memref<32x50xi32, #tpu.memory_space<vmem>> -> memref<1x50xi32, #tpu.memory_space<vmem>>
        %dma_start3A_663 = tpu.memref_squeeze %dma_start3A_662 : memref<1x50xi32, #tpu.memory_space<vmem>> -> memref<50xi32, #tpu.memory_space<vmem>>
        %dma_start3A_664 = arith.constant 0 : i32
        %dma_start3A_665 = arith.constant 0 : i32
        %dma_start3A_666 = tpu.memref_slice %arg2[%dma_start3A_664, %dma_start3A_665] : memref<1000000x32xf32, #tpu.memory_space<hbm>> -> memref<1000000x32xf32, #tpu.memory_space<hbm>>
        tpu.enqueue_indirect_dma source(%dma_start3A_666 : memref<1000000x32xf32, #tpu.memory_space<hbm>>) target(%dma_start3A_660 : memref<50x32xf32, #tpu.memory_space<vmem>>) offsets(%dma_start3A_663 : memref<50xi32, #tpu.memory_space<vmem>>) semaphore(%arg12 : memref<!tpu.dma_semaphore, #tpu.memory_space<semaphore_mem>>)
        %dma_start3A_667 = arith.constant 29 : i32
        %dma_start3A_668 = arith.constant 1450 : i32
        %dma_start3A_669 = arith.constant 0 : i32
        %dma_start3A_670 = tpu.memref_slice %arg8[%dma_start3A_668, %dma_start3A_669] : memref<1600x32xf32, #tpu.memory_space<vmem>> -> memref<50x32xf32, #tpu.memory_space<vmem>>
        %dma_start3A_671 = arith.constant 0 : i32
        %dma_start3A_672 = tpu.memref_slice %arg6[%dma_start3A_667, %dma_start3A_671] : memref<32x50xi32, #tpu.memory_space<vmem>> -> memref<1x50xi32, #tpu.memory_space<vmem>>
        %dma_start3A_673 = tpu.memref_squeeze %dma_start3A_672 : memref<1x50xi32, #tpu.memory_space<vmem>> -> memref<50xi32, #tpu.memory_space<vmem>>
        %dma_start3A_674 = arith.constant 0 : i32
        %dma_start3A_675 = arith.constant 0 : i32
        %dma_start3A_676 = tpu.memref_slice %arg2[%dma_start3A_674, %dma_start3A_675] : memref<1000000x32xf32, #tpu.memory_space<hbm>> -> memref<1000000x32xf32, #tpu.memory_space<hbm>>
        tpu.enqueue_indirect_dma source(%dma_start3A_676 : memref<1000000x32xf32, #tpu.memory_space<hbm>>) target(%dma_start3A_670 : memref<50x32xf32, #tpu.memory_space<vmem>>) offsets(%dma_start3A_673 : memref<50xi32, #tpu.memory_space<vmem>>) semaphore(%arg12 : memref<!tpu.dma_semaphore, #tpu.memory_space<semaphore_mem>>)
        %dma_start3A_677 = arith.constant 30 : i32
        %dma_start3A_678 = arith.constant 1500 : i32
        %dma_start3A_679 = arith.constant 0 : i32
        %dma_start3A_680 = tpu.memref_slice %arg8[%dma_start3A_678, %dma_start3A_679] : memref<1600x32xf32, #tpu.memory_space<vmem>> -> memref<50x32xf32, #tpu.memory_space<vmem>>
        %dma_start3A_681 = arith.constant 0 : i32
        %dma_start3A_682 = tpu.memref_slice %arg6[%dma_start3A_677, %dma_start3A_681] : memref<32x50xi32, #tpu.memory_space<vmem>> -> memref<1x50xi32, #tpu.memory_space<vmem>>
        %dma_start3A_683 = tpu.memref_squeeze %dma_start3A_682 : memref<1x50xi32, #tpu.memory_space<vmem>> -> memref<50xi32, #tpu.memory_space<vmem>>
        %dma_start3A_684 = arith.constant 0 : i32
        %dma_start3A_685 = arith.constant 0 : i32
        %dma_start3A_686 = tpu.memref_slice %arg2[%dma_start3A_684, %dma_start3A_685] : memref<1000000x32xf32, #tpu.memory_space<hbm>> -> memref<1000000x32xf32, #tpu.memory_space<hbm>>
        tpu.enqueue_indirect_dma source(%dma_start3A_686 : memref<1000000x32xf32, #tpu.memory_space<hbm>>) target(%dma_start3A_680 : memref<50x32xf32, #tpu.memory_space<vmem>>) offsets(%dma_start3A_683 : memref<50xi32, #tpu.memory_space<vmem>>) semaphore(%arg12 : memref<!tpu.dma_semaphore, #tpu.memory_space<semaphore_mem>>)
        %dma_start3A_687 = arith.constant 31 : i32
        %dma_start3A_688 = arith.constant 1550 : i32
        %dma_start3A_689 = arith.constant 0 : i32
        %dma_start3A_690 = tpu.memref_slice %arg8[%dma_start3A_688, %dma_start3A_689] : memref<1600x32xf32, #tpu.memory_space<vmem>> -> memref<50x32xf32, #tpu.memory_space<vmem>>
        %dma_start3A_691 = arith.constant 0 : i32
        %dma_start3A_692 = tpu.memref_slice %arg6[%dma_start3A_687, %dma_start3A_691] : memref<32x50xi32, #tpu.memory_space<vmem>> -> memref<1x50xi32, #tpu.memory_space<vmem>>
        %dma_start3A_693 = tpu.memref_squeeze %dma_start3A_692 : memref<1x50xi32, #tpu.memory_space<vmem>> -> memref<50xi32, #tpu.memory_space<vmem>>
        %dma_start3A_694 = arith.constant 0 : i32
        %dma_start3A_695 = arith.constant 0 : i32
        %dma_start3A_696 = tpu.memref_slice %arg2[%dma_start3A_694, %dma_start3A_695] : memref<1000000x32xf32, #tpu.memory_space<hbm>> -> memref<1000000x32xf32, #tpu.memory_space<hbm>>
        tpu.enqueue_indirect_dma source(%dma_start3A_696 : memref<1000000x32xf32, #tpu.memory_space<hbm>>) target(%dma_start3A_690 : memref<50x32xf32, #tpu.memory_space<vmem>>) offsets(%dma_start3A_693 : memref<50xi32, #tpu.memory_space<vmem>>) semaphore(%arg12 : memref<!tpu.dma_semaphore, #tpu.memory_space<semaphore_mem>>)
      } else {
      }
      %dma_wait3A_360 = arith.constant 0 : i32
      %dma_wait3A_361 = arith.constant 0 : i32
      %dma_wait3A_362 = tpu.memref_slice %arg2[%dma_wait3A_360, %dma_wait3A_361] : memref<1000000x32xf32, #tpu.memory_space<hbm>> -> memref<1600x32xf32, #tpu.memory_space<hbm>>
      %dma_wait3A_363 = arith.constant 0 : i32
      %dma_wait3A_364 = arith.constant 0 : i32
      %dma_wait3A_365 = tpu.memref_slice %arg2[%dma_wait3A_363, %dma_wait3A_364] : memref<1000000x32xf32, #tpu.memory_space<hbm>> -> memref<1600x32xf32, #tpu.memory_space<hbm>>
      tpu.wait_dma2 semaphore(%arg12 : memref<!tpu.dma_semaphore, #tpu.memory_space<semaphore_mem>>) src(%dma_wait3A_365 : memref<1600x32xf32, #tpu.memory_space<hbm>>) dst(%arg9 : memref<1600x32xf32, #tpu.memory_space<vmem>>)
      %mul3A_366 = arith.constant 32 : i32
      %mul3A_367 = arith.muli %add3A_352, %mul3A_366 : i32
      %add3A_368 = arith.addi %mul3A_2, %mul3A_367 : i32
      %parallel_loop3A_369 = arith.constant 0 : i32
      %parallel_loop3A_370 = arith.constant 32 : i32
      %parallel_loop3A_371 = arith.constant 1 : i32
      scf.for %parallel_loop3A_372 = %parallel_loop3A_369 to %parallel_loop3A_370 step %parallel_loop3A_371  : i32 {
        %parallel_loop3A_373 = arith.constant 50 : i32
        %parallel_loop3A_374 = arith.muli %parallel_loop3A_372, %parallel_loop3A_373 : i32
        %parallel_loop3A_375 = arith.constant 0 : i32
        %parallel_loop3A_376 = vector.broadcast %parallel_loop3A_375 : i32 to vector<16xi32>
        %parallel_loop3A_377 = arith.muli %iota3A, %parallel_loop3A_376 : vector<16xi32>
        %parallel_loop3A_378 = vector.broadcast %parallel_loop3A_372 : i32 to vector<16xi32>
        %parallel_loop3A_379 = arith.addi %parallel_loop3A_377, %parallel_loop3A_378 : vector<16xi32>
        %parallel_loop3A_380 = arith.index_cast %parallel_loop3A_374 : i32 to index
        %parallel_loop3A_381 = arith.constant 0 : index
        %parallel_loop3A_382 = tpu.vector_load %arg9[%parallel_loop3A_380, %parallel_loop3A_381] {strides = array<i32>} : memref<1600x32xf32, #tpu.memory_space<vmem>>, vector<16xf32>,
        %parallel_loop3A_383 = arith.index_cast %parallel_loop3A_374 : i32 to index
        %parallel_loop3A_384 = arith.constant 16 : index
        %parallel_loop3A_385 = tpu.vector_load %arg9[%parallel_loop3A_383, %parallel_loop3A_384] {strides = array<i32>} : memref<1600x32xf32, #tpu.memory_space<vmem>>, vector<16xf32>,
        %parallel_loop3A_386 = arith.constant 0 : i32
        %parallel_loop3A_387 = arith.constant 16 : i32
        %parallel_loop3A_388 = arith.constant 1 : i32
        %parallel_loop3A_389:2 = scf.for %parallel_loop3A_454 = %parallel_loop3A_386 to %parallel_loop3A_387 step %parallel_loop3A_388 iter_args(%parallel_loop3A_455 = %broadcast_in_dim3A_3, %parallel_loop3A_456 = %broadcast_in_dim3A_3) -> (vector<16xf32>, vector<16xf32>)  : i32 {
          %parallel_loop3A_457 = arith.constant 0 : i32
          %parallel_loop3A_458 = arith.addi %parallel_loop3A_374, %parallel_loop3A_457 : i32
          %parallel_loop3A_459 = arith.addi %parallel_loop3A_458, %parallel_loop3A_454 : i32
          %parallel_loop3A_460 = arith.index_cast %parallel_loop3A_459 : i32 to index
          %parallel_loop3A_461 = arith.constant 0 : index
          %parallel_loop3A_462 = tpu.vector_load %arg9[%parallel_loop3A_460, %parallel_loop3A_461] {strides = array<i32>} : memref<1600x32xf32, #tpu.memory_space<vmem>>, vector<16xf32>,
          %parallel_loop3A_463 = arith.index_cast %parallel_loop3A_459 : i32 to index
          %parallel_loop3A_464 = arith.constant 16 : index
          %parallel_loop3A_465 = tpu.vector_load %arg9[%parallel_loop3A_463, %parallel_loop3A_464] {strides = array<i32>} : memref<1600x32xf32, #tpu.memory_space<vmem>>, vector<16xf32>,
          %parallel_loop3A_466 = arith.mulf %parallel_loop3A_462, %parallel_loop3A_462 : vector<16xf32>
          %parallel_loop3A_467 = arith.mulf %parallel_loop3A_465, %parallel_loop3A_465 : vector<16xf32>
          %parallel_loop3A_468 = arith.addf %parallel_loop3A_466, %parallel_loop3A_467 : vector<16xf32>
          %parallel_loop3A_469 = arith.constant true
          %parallel_loop3A_470 = vector.broadcast %parallel_loop3A_469 : i1 to vector<16xi1>
          %parallel_loop3A_471 = tpu.scan <sum>, %parallel_loop3A_468 masked %parallel_loop3A_470 : vector<16xf32>, vector<16xi1> -> vector<16xf32>
          %parallel_loop3A_472 = vector.extract %parallel_loop3A_471[15] : f32 from vector<16xf32>
          %parallel_loop3A_473 = arith.mulf %parallel_loop3A_382, %parallel_loop3A_462 : vector<16xf32>
          %parallel_loop3A_474 = arith.mulf %parallel_loop3A_385, %parallel_loop3A_465 : vector<16xf32>
          %parallel_loop3A_475 = arith.addf %parallel_loop3A_473, %parallel_loop3A_474 : vector<16xf32>
          %parallel_loop3A_476 = arith.constant true
          %parallel_loop3A_477 = vector.broadcast %parallel_loop3A_476 : i1 to vector<16xi1>
          %parallel_loop3A_478 = tpu.scan <sum>, %parallel_loop3A_475 masked %parallel_loop3A_477 : vector<16xf32>, vector<16xi1> -> vector<16xf32>
          %parallel_loop3A_479 = vector.extract %parallel_loop3A_478[15] : f32 from vector<16xf32>
          %parallel_loop3A_480 = vector.broadcast %parallel_loop3A_454 : i32 to vector<16xi32>
          %parallel_loop3A_481 = arith.cmpi eq, %iota3A, %parallel_loop3A_480 : vector<16xi32>
          %parallel_loop3A_482 = vector.broadcast %parallel_loop3A_472 : f32 to vector<16xf32>
          %parallel_loop3A_483 = arith.select %parallel_loop3A_481, %parallel_loop3A_482, %parallel_loop3A_455 : vector<16xi1>, vector<16xf32>
          %parallel_loop3A_484 = vector.broadcast %parallel_loop3A_479 : f32 to vector<16xf32>
          %parallel_loop3A_485 = arith.select %parallel_loop3A_481, %parallel_loop3A_484, %parallel_loop3A_456 : vector<16xi1>, vector<16xf32>
          scf.yield %parallel_loop3A_483, %parallel_loop3A_485 : vector<16xf32>, vector<16xf32>
        } {sc.loop_unroll_factor = 16 : i64, sc.parallel_access}
        %parallel_loop3A_390 = arith.constant 0 : i32
        %parallel_loop3A_391 = vector.broadcast %parallel_loop3A_390 : i32 to vector<16xi32>
        %parallel_loop3A_392 = arith.addi %iota3A, %parallel_loop3A_391 : vector<16xi32>
        %parallel_loop3A_393 = arith.constant 16 : i32
        %parallel_loop3A_394 = vector.broadcast %parallel_loop3A_393 : i32 to vector<16xi32>
        %parallel_loop3A_395 = arith.cmpi slt, %iota3A, %parallel_loop3A_394 : vector<16xi32>
        tpu.vector_store_idx %arg10[%parallel_loop3A_379, %parallel_loop3A_392], %parallel_loop3A_389#0 masked %parallel_loop3A_395 : memref<32x50xf32, #tpu.memory_space<vmem>>[vector<16xi32>, vector<16xi32>], vector<16xf32>, vector<16xi1>
        %parallel_loop3A_396 = arith.constant 1 : i32
        %parallel_loop3A_397 = vector.broadcast %parallel_loop3A_396 : i32 to vector<16xi32>
        %parallel_loop3A_398 = arith.subi %parallel_loop3A_392, %parallel_loop3A_397 : vector<16xi32>
        %parallel_loop3A_399 = arith.constant 1 : i32
        %parallel_loop3A_400 = vector.broadcast %parallel_loop3A_399 : i32 to vector<16xi32>
        %parallel_loop3A_401 = arith.cmpi sge, %parallel_loop3A_392, %parallel_loop3A_400 : vector<16xi32>
        %parallel_loop3A_402 = arith.andi %parallel_loop3A_395, %parallel_loop3A_401 : vector<16xi1>
        tpu.vector_store_idx %arg11[%parallel_loop3A_379, %parallel_loop3A_398], %parallel_loop3A_389#1 masked %parallel_loop3A_402 : memref<32x49xf32, #tpu.memory_space<vmem>>[vector<16xi32>, vector<16xi32>], vector<16xf32>, vector<16xi1>
        %parallel_loop3A_403 = arith.constant 0 : i32
        %parallel_loop3A_404 = arith.constant 16 : i32
        %parallel_loop3A_405 = arith.constant 1 : i32
        %parallel_loop3A_406:2 = scf.for %parallel_loop3A_454 = %parallel_loop3A_403 to %parallel_loop3A_404 step %parallel_loop3A_405 iter_args(%parallel_loop3A_455 = %broadcast_in_dim3A_3, %parallel_loop3A_456 = %broadcast_in_dim3A_3) -> (vector<16xf32>, vector<16xf32>)  : i32 {
          %parallel_loop3A_457 = arith.constant 16 : i32
          %parallel_loop3A_458 = arith.addi %parallel_loop3A_374, %parallel_loop3A_457 : i32
          %parallel_loop3A_459 = arith.addi %parallel_loop3A_458, %parallel_loop3A_454 : i32
          %parallel_loop3A_460 = arith.index_cast %parallel_loop3A_459 : i32 to index
          %parallel_loop3A_461 = arith.constant 0 : index
          %parallel_loop3A_462 = tpu.vector_load %arg9[%parallel_loop3A_460, %parallel_loop3A_461] {strides = array<i32>} : memref<1600x32xf32, #tpu.memory_space<vmem>>, vector<16xf32>,
          %parallel_loop3A_463 = arith.index_cast %parallel_loop3A_459 : i32 to index
          %parallel_loop3A_464 = arith.constant 16 : index
          %parallel_loop3A_465 = tpu.vector_load %arg9[%parallel_loop3A_463, %parallel_loop3A_464] {strides = array<i32>} : memref<1600x32xf32, #tpu.memory_space<vmem>>, vector<16xf32>,
          %parallel_loop3A_466 = arith.mulf %parallel_loop3A_462, %parallel_loop3A_462 : vector<16xf32>
          %parallel_loop3A_467 = arith.mulf %parallel_loop3A_465, %parallel_loop3A_465 : vector<16xf32>
          %parallel_loop3A_468 = arith.addf %parallel_loop3A_466, %parallel_loop3A_467 : vector<16xf32>
          %parallel_loop3A_469 = arith.constant true
          %parallel_loop3A_470 = vector.broadcast %parallel_loop3A_469 : i1 to vector<16xi1>
          %parallel_loop3A_471 = tpu.scan <sum>, %parallel_loop3A_468 masked %parallel_loop3A_470 : vector<16xf32>, vector<16xi1> -> vector<16xf32>
          %parallel_loop3A_472 = vector.extract %parallel_loop3A_471[15] : f32 from vector<16xf32>
          %parallel_loop3A_473 = arith.mulf %parallel_loop3A_382, %parallel_loop3A_462 : vector<16xf32>
          %parallel_loop3A_474 = arith.mulf %parallel_loop3A_385, %parallel_loop3A_465 : vector<16xf32>
          %parallel_loop3A_475 = arith.addf %parallel_loop3A_473, %parallel_loop3A_474 : vector<16xf32>
          %parallel_loop3A_476 = arith.constant true
          %parallel_loop3A_477 = vector.broadcast %parallel_loop3A_476 : i1 to vector<16xi1>
          %parallel_loop3A_478 = tpu.scan <sum>, %parallel_loop3A_475 masked %parallel_loop3A_477 : vector<16xf32>, vector<16xi1> -> vector<16xf32>
          %parallel_loop3A_479 = vector.extract %parallel_loop3A_478[15] : f32 from vector<16xf32>
          %parallel_loop3A_480 = vector.broadcast %parallel_loop3A_454 : i32 to vector<16xi32>
          %parallel_loop3A_481 = arith.cmpi eq, %iota3A, %parallel_loop3A_480 : vector<16xi32>
          %parallel_loop3A_482 = vector.broadcast %parallel_loop3A_472 : f32 to vector<16xf32>
          %parallel_loop3A_483 = arith.select %parallel_loop3A_481, %parallel_loop3A_482, %parallel_loop3A_455 : vector<16xi1>, vector<16xf32>
          %parallel_loop3A_484 = vector.broadcast %parallel_loop3A_479 : f32 to vector<16xf32>
          %parallel_loop3A_485 = arith.select %parallel_loop3A_481, %parallel_loop3A_484, %parallel_loop3A_456 : vector<16xi1>, vector<16xf32>
          scf.yield %parallel_loop3A_483, %parallel_loop3A_485 : vector<16xf32>, vector<16xf32>
        } {sc.loop_unroll_factor = 16 : i64, sc.parallel_access}
        %parallel_loop3A_407 = arith.constant 16 : i32
        %parallel_loop3A_408 = vector.broadcast %parallel_loop3A_407 : i32 to vector<16xi32>
        %parallel_loop3A_409 = arith.addi %iota3A, %parallel_loop3A_408 : vector<16xi32>
        %parallel_loop3A_410 = arith.constant 16 : i32
        %parallel_loop3A_411 = vector.broadcast %parallel_loop3A_410 : i32 to vector<16xi32>
        %parallel_loop3A_412 = arith.cmpi slt, %iota3A, %parallel_loop3A_411 : vector<16xi32>
        tpu.vector_store_idx %arg10[%parallel_loop3A_379, %parallel_loop3A_409], %parallel_loop3A_406#0 masked %parallel_loop3A_412 : memref<32x50xf32, #tpu.memory_space<vmem>>[vector<16xi32>, vector<16xi32>], vector<16xf32>, vector<16xi1>
        %parallel_loop3A_413 = arith.constant 1 : i32
        %parallel_loop3A_414 = vector.broadcast %parallel_loop3A_413 : i32 to vector<16xi32>
        %parallel_loop3A_415 = arith.subi %parallel_loop3A_409, %parallel_loop3A_414 : vector<16xi32>
        %parallel_loop3A_416 = arith.constant 1 : i32
        %parallel_loop3A_417 = vector.broadcast %parallel_loop3A_416 : i32 to vector<16xi32>
        %parallel_loop3A_418 = arith.cmpi sge, %parallel_loop3A_409, %parallel_loop3A_417 : vector<16xi32>
        %parallel_loop3A_419 = arith.andi %parallel_loop3A_412, %parallel_loop3A_418 : vector<16xi1>
        tpu.vector_store_idx %arg11[%parallel_loop3A_379, %parallel_loop3A_415], %parallel_loop3A_406#1 masked %parallel_loop3A_419 : memref<32x49xf32, #tpu.memory_space<vmem>>[vector<16xi32>, vector<16xi32>], vector<16xf32>, vector<16xi1>
        %parallel_loop3A_420 = arith.constant 0 : i32
        %parallel_loop3A_421 = arith.constant 16 : i32
        %parallel_loop3A_422 = arith.constant 1 : i32
        %parallel_loop3A_423:2 = scf.for %parallel_loop3A_454 = %parallel_loop3A_420 to %parallel_loop3A_421 step %parallel_loop3A_422 iter_args(%parallel_loop3A_455 = %broadcast_in_dim3A_3, %parallel_loop3A_456 = %broadcast_in_dim3A_3) -> (vector<16xf32>, vector<16xf32>)  : i32 {
          %parallel_loop3A_457 = arith.constant 32 : i32
          %parallel_loop3A_458 = arith.addi %parallel_loop3A_374, %parallel_loop3A_457 : i32
          %parallel_loop3A_459 = arith.addi %parallel_loop3A_458, %parallel_loop3A_454 : i32
          %parallel_loop3A_460 = arith.index_cast %parallel_loop3A_459 : i32 to index
          %parallel_loop3A_461 = arith.constant 0 : index
          %parallel_loop3A_462 = tpu.vector_load %arg9[%parallel_loop3A_460, %parallel_loop3A_461] {strides = array<i32>} : memref<1600x32xf32, #tpu.memory_space<vmem>>, vector<16xf32>,
          %parallel_loop3A_463 = arith.index_cast %parallel_loop3A_459 : i32 to index
          %parallel_loop3A_464 = arith.constant 16 : index
          %parallel_loop3A_465 = tpu.vector_load %arg9[%parallel_loop3A_463, %parallel_loop3A_464] {strides = array<i32>} : memref<1600x32xf32, #tpu.memory_space<vmem>>, vector<16xf32>,
          %parallel_loop3A_466 = arith.mulf %parallel_loop3A_462, %parallel_loop3A_462 : vector<16xf32>
          %parallel_loop3A_467 = arith.mulf %parallel_loop3A_465, %parallel_loop3A_465 : vector<16xf32>
          %parallel_loop3A_468 = arith.addf %parallel_loop3A_466, %parallel_loop3A_467 : vector<16xf32>
          %parallel_loop3A_469 = arith.constant true
          %parallel_loop3A_470 = vector.broadcast %parallel_loop3A_469 : i1 to vector<16xi1>
          %parallel_loop3A_471 = tpu.scan <sum>, %parallel_loop3A_468 masked %parallel_loop3A_470 : vector<16xf32>, vector<16xi1> -> vector<16xf32>
          %parallel_loop3A_472 = vector.extract %parallel_loop3A_471[15] : f32 from vector<16xf32>
          %parallel_loop3A_473 = arith.mulf %parallel_loop3A_382, %parallel_loop3A_462 : vector<16xf32>
          %parallel_loop3A_474 = arith.mulf %parallel_loop3A_385, %parallel_loop3A_465 : vector<16xf32>
          %parallel_loop3A_475 = arith.addf %parallel_loop3A_473, %parallel_loop3A_474 : vector<16xf32>
          %parallel_loop3A_476 = arith.constant true
          %parallel_loop3A_477 = vector.broadcast %parallel_loop3A_476 : i1 to vector<16xi1>
          %parallel_loop3A_478 = tpu.scan <sum>, %parallel_loop3A_475 masked %parallel_loop3A_477 : vector<16xf32>, vector<16xi1> -> vector<16xf32>
          %parallel_loop3A_479 = vector.extract %parallel_loop3A_478[15] : f32 from vector<16xf32>
          %parallel_loop3A_480 = vector.broadcast %parallel_loop3A_454 : i32 to vector<16xi32>
          %parallel_loop3A_481 = arith.cmpi eq, %iota3A, %parallel_loop3A_480 : vector<16xi32>
          %parallel_loop3A_482 = vector.broadcast %parallel_loop3A_472 : f32 to vector<16xf32>
          %parallel_loop3A_483 = arith.select %parallel_loop3A_481, %parallel_loop3A_482, %parallel_loop3A_455 : vector<16xi1>, vector<16xf32>
          %parallel_loop3A_484 = vector.broadcast %parallel_loop3A_479 : f32 to vector<16xf32>
          %parallel_loop3A_485 = arith.select %parallel_loop3A_481, %parallel_loop3A_484, %parallel_loop3A_456 : vector<16xi1>, vector<16xf32>
          scf.yield %parallel_loop3A_483, %parallel_loop3A_485 : vector<16xf32>, vector<16xf32>
        } {sc.loop_unroll_factor = 16 : i64, sc.parallel_access}
        %parallel_loop3A_424 = arith.constant 32 : i32
        %parallel_loop3A_425 = vector.broadcast %parallel_loop3A_424 : i32 to vector<16xi32>
        %parallel_loop3A_426 = arith.addi %iota3A, %parallel_loop3A_425 : vector<16xi32>
        %parallel_loop3A_427 = arith.constant 16 : i32
        %parallel_loop3A_428 = vector.broadcast %parallel_loop3A_427 : i32 to vector<16xi32>
        %parallel_loop3A_429 = arith.cmpi slt, %iota3A, %parallel_loop3A_428 : vector<16xi32>
        tpu.vector_store_idx %arg10[%parallel_loop3A_379, %parallel_loop3A_426], %parallel_loop3A_423#0 masked %parallel_loop3A_429 : memref<32x50xf32, #tpu.memory_space<vmem>>[vector<16xi32>, vector<16xi32>], vector<16xf32>, vector<16xi1>
        %parallel_loop3A_430 = arith.constant 1 : i32
        %parallel_loop3A_431 = vector.broadcast %parallel_loop3A_430 : i32 to vector<16xi32>
        %parallel_loop3A_432 = arith.subi %parallel_loop3A_426, %parallel_loop3A_431 : vector<16xi32>
        %parallel_loop3A_433 = arith.constant 1 : i32
        %parallel_loop3A_434 = vector.broadcast %parallel_loop3A_433 : i32 to vector<16xi32>
        %parallel_loop3A_435 = arith.cmpi sge, %parallel_loop3A_426, %parallel_loop3A_434 : vector<16xi32>
        %parallel_loop3A_436 = arith.andi %parallel_loop3A_429, %parallel_loop3A_435 : vector<16xi1>
        tpu.vector_store_idx %arg11[%parallel_loop3A_379, %parallel_loop3A_432], %parallel_loop3A_423#1 masked %parallel_loop3A_436 : memref<32x49xf32, #tpu.memory_space<vmem>>[vector<16xi32>, vector<16xi32>], vector<16xf32>, vector<16xi1>
        %parallel_loop3A_437 = arith.constant 0 : i32
        %parallel_loop3A_438 = arith.constant 2 : i32
        %parallel_loop3A_439 = arith.constant 1 : i32
        %parallel_loop3A_440:2 = scf.for %parallel_loop3A_454 = %parallel_loop3A_437 to %parallel_loop3A_438 step %parallel_loop3A_439 iter_args(%parallel_loop3A_455 = %broadcast_in_dim3A_3, %parallel_loop3A_456 = %broadcast_in_dim3A_3) -> (vector<16xf32>, vector<16xf32>)  : i32 {
          %parallel_loop3A_457 = arith.constant 48 : i32
          %parallel_loop3A_458 = arith.addi %parallel_loop3A_374, %parallel_loop3A_457 : i32
          %parallel_loop3A_459 = arith.addi %parallel_loop3A_458, %parallel_loop3A_454 : i32
          %parallel_loop3A_460 = arith.index_cast %parallel_loop3A_459 : i32 to index
          %parallel_loop3A_461 = arith.constant 0 : index
          %parallel_loop3A_462 = tpu.vector_load %arg9[%parallel_loop3A_460, %parallel_loop3A_461] {strides = array<i32>} : memref<1600x32xf32, #tpu.memory_space<vmem>>, vector<16xf32>,
          %parallel_loop3A_463 = arith.index_cast %parallel_loop3A_459 : i32 to index
          %parallel_loop3A_464 = arith.constant 16 : index
          %parallel_loop3A_465 = tpu.vector_load %arg9[%parallel_loop3A_463, %parallel_loop3A_464] {strides = array<i32>} : memref<1600x32xf32, #tpu.memory_space<vmem>>, vector<16xf32>,
          %parallel_loop3A_466 = arith.mulf %parallel_loop3A_462, %parallel_loop3A_462 : vector<16xf32>
          %parallel_loop3A_467 = arith.mulf %parallel_loop3A_465, %parallel_loop3A_465 : vector<16xf32>
          %parallel_loop3A_468 = arith.addf %parallel_loop3A_466, %parallel_loop3A_467 : vector<16xf32>
          %parallel_loop3A_469 = arith.constant true
          %parallel_loop3A_470 = vector.broadcast %parallel_loop3A_469 : i1 to vector<16xi1>
          %parallel_loop3A_471 = tpu.scan <sum>, %parallel_loop3A_468 masked %parallel_loop3A_470 : vector<16xf32>, vector<16xi1> -> vector<16xf32>
          %parallel_loop3A_472 = vector.extract %parallel_loop3A_471[15] : f32 from vector<16xf32>
          %parallel_loop3A_473 = arith.mulf %parallel_loop3A_382, %parallel_loop3A_462 : vector<16xf32>
          %parallel_loop3A_474 = arith.mulf %parallel_loop3A_385, %parallel_loop3A_465 : vector<16xf32>
          %parallel_loop3A_475 = arith.addf %parallel_loop3A_473, %parallel_loop3A_474 : vector<16xf32>
          %parallel_loop3A_476 = arith.constant true
          %parallel_loop3A_477 = vector.broadcast %parallel_loop3A_476 : i1 to vector<16xi1>
          %parallel_loop3A_478 = tpu.scan <sum>, %parallel_loop3A_475 masked %parallel_loop3A_477 : vector<16xf32>, vector<16xi1> -> vector<16xf32>
          %parallel_loop3A_479 = vector.extract %parallel_loop3A_478[15] : f32 from vector<16xf32>
          %parallel_loop3A_480 = vector.broadcast %parallel_loop3A_454 : i32 to vector<16xi32>
          %parallel_loop3A_481 = arith.cmpi eq, %iota3A, %parallel_loop3A_480 : vector<16xi32>
          %parallel_loop3A_482 = vector.broadcast %parallel_loop3A_472 : f32 to vector<16xf32>
          %parallel_loop3A_483 = arith.select %parallel_loop3A_481, %parallel_loop3A_482, %parallel_loop3A_455 : vector<16xi1>, vector<16xf32>
          %parallel_loop3A_484 = vector.broadcast %parallel_loop3A_479 : f32 to vector<16xf32>
          %parallel_loop3A_485 = arith.select %parallel_loop3A_481, %parallel_loop3A_484, %parallel_loop3A_456 : vector<16xi1>, vector<16xf32>
          scf.yield %parallel_loop3A_483, %parallel_loop3A_485 : vector<16xf32>, vector<16xf32>
        } {sc.loop_unroll_factor = 16 : i64, sc.parallel_access}
        %parallel_loop3A_441 = arith.constant 48 : i32
        %parallel_loop3A_442 = vector.broadcast %parallel_loop3A_441 : i32 to vector<16xi32>
        %parallel_loop3A_443 = arith.addi %iota3A, %parallel_loop3A_442 : vector<16xi32>
        %parallel_loop3A_444 = arith.constant 2 : i32
        %parallel_loop3A_445 = vector.broadcast %parallel_loop3A_444 : i32 to vector<16xi32>
        %parallel_loop3A_446 = arith.cmpi slt, %iota3A, %parallel_loop3A_445 : vector<16xi32>
        tpu.vector_store_idx %arg10[%parallel_loop3A_379, %parallel_loop3A_443], %parallel_loop3A_440#0 masked %parallel_loop3A_446 : memref<32x50xf32, #tpu.memory_space<vmem>>[vector<16xi32>, vector<16xi32>], vector<16xf32>, vector<16xi1>
        %parallel_loop3A_447 = arith.constant 1 : i32
        %parallel_loop3A_448 = vector.broadcast %parallel_loop3A_447 : i32 to vector<16xi32>
        %parallel_loop3A_449 = arith.subi %parallel_loop3A_443, %parallel_loop3A_448 : vector<16xi32>
        %parallel_loop3A_450 = arith.constant 1 : i32
        %parallel_loop3A_451 = vector.broadcast %parallel_loop3A_450 : i32 to vector<16xi32>
        %parallel_loop3A_452 = arith.cmpi sge, %parallel_loop3A_443, %parallel_loop3A_451 : vector<16xi32>
        %parallel_loop3A_453 = arith.andi %parallel_loop3A_446, %parallel_loop3A_452 : vector<16xi1>
        tpu.vector_store_idx %arg11[%parallel_loop3A_379, %parallel_loop3A_449], %parallel_loop3A_440#1 masked %parallel_loop3A_453 : memref<32x49xf32, #tpu.memory_space<vmem>>[vector<16xi32>, vector<16xi32>], vector<16xf32>, vector<16xi1>
      } {sc.loop_unroll_factor = 2 : i64, sc.parallel_access}
      "tpu.region"() ({
        %run_scoped3A = tpu.sem_alloc : memref<!tpu.dma_semaphore, #tpu.memory_space<semaphore_mem>>
        %dma_start3A_372 = arith.constant 0 : i32
        %dma_start3A_373 = tpu.memref_slice %arg4[%add3A_368, %dma_start3A_372] : memref<16384x50xf32, #tpu.memory_space<hbm>> -> memref<32x50xf32, #tpu.memory_space<hbm>>
        %dma_start3A_374 = arith.constant 0 : i32
        %dma_start3A_375 = tpu.memref_slice %arg4[%add3A_368, %dma_start3A_374] : memref<16384x50xf32, #tpu.memory_space<hbm>> -> memref<32x50xf32, #tpu.memory_space<hbm>>
        tpu.enqueue_dma source(%arg10 : memref<32x50xf32, #tpu.memory_space<vmem>>) target(%dma_start3A_375 : memref<32x50xf32, #tpu.memory_space<hbm>>) target_semaphore(%run_scoped3A : memref<!tpu.dma_semaphore, #tpu.memory_space<semaphore_mem>>)
        %dma_wait3A_376 = arith.constant 0 : i32
        %dma_wait3A_377 = tpu.memref_slice %arg4[%add3A_368, %dma_wait3A_376] : memref<16384x50xf32, #tpu.memory_space<hbm>> -> memref<32x50xf32, #tpu.memory_space<hbm>>
        %dma_wait3A_378 = arith.constant 0 : i32
        %dma_wait3A_379 = tpu.memref_slice %arg4[%add3A_368, %dma_wait3A_378] : memref<16384x50xf32, #tpu.memory_space<hbm>> -> memref<32x50xf32, #tpu.memory_space<hbm>>
        tpu.wait_dma2 semaphore(%run_scoped3A : memref<!tpu.dma_semaphore, #tpu.memory_space<semaphore_mem>>) src(%arg10 : memref<32x50xf32, #tpu.memory_space<vmem>>) dst(%dma_wait3A_379 : memref<32x50xf32, #tpu.memory_space<hbm>>)
        tpu.yield
      }) : () -> ()
      "tpu.region"() ({
        %run_scoped3A = tpu.sem_alloc : memref<!tpu.dma_semaphore, #tpu.memory_space<semaphore_mem>>
        %dma_start3A_372 = arith.constant 0 : i32
        %dma_start3A_373 = tpu.memref_slice %arg5[%add3A_368, %dma_start3A_372] : memref<16384x49xf32, #tpu.memory_space<hbm>> -> memref<32x49xf32, #tpu.memory_space<hbm>>
        %dma_start3A_374 = arith.constant 0 : i32
        %dma_start3A_375 = tpu.memref_slice %arg5[%add3A_368, %dma_start3A_374] : memref<16384x49xf32, #tpu.memory_space<hbm>> -> memref<32x49xf32, #tpu.memory_space<hbm>>
        tpu.enqueue_dma source(%arg11 : memref<32x49xf32, #tpu.memory_space<vmem>>) target(%dma_start3A_375 : memref<32x49xf32, #tpu.memory_space<hbm>>) target_semaphore(%run_scoped3A : memref<!tpu.dma_semaphore, #tpu.memory_space<semaphore_mem>>)
        %dma_wait3A_376 = arith.constant 0 : i32
        %dma_wait3A_377 = tpu.memref_slice %arg5[%add3A_368, %dma_wait3A_376] : memref<16384x49xf32, #tpu.memory_space<hbm>> -> memref<32x49xf32, #tpu.memory_space<hbm>>
        %dma_wait3A_378 = arith.constant 0 : i32
        %dma_wait3A_379 = tpu.memref_slice %arg5[%add3A_368, %dma_wait3A_378] : memref<16384x49xf32, #tpu.memory_space<hbm>> -> memref<32x49xf32, #tpu.memory_space<hbm>>
        tpu.wait_dma2 semaphore(%run_scoped3A : memref<!tpu.dma_semaphore, #tpu.memory_space<semaphore_mem>>) src(%arg11 : memref<32x49xf32, #tpu.memory_space<vmem>>) dst(%dma_wait3A_379 : memref<32x49xf32, #tpu.memory_space<hbm>>)
        tpu.yield
      }) : () -> ()
    }
    %scan3A_329 = arith.constant 8 : i32
    return
  }
}

module attributes {stable_mosaic.version = 14 : i64} {
  func.func @_fin_body(%arg0: i32, %arg1: memref<4096x50xf32, #tpu.memory_space<vmem>>, %arg2: memref<4096x49xf32, #tpu.memory_space<vmem>>, %arg3: memref<4096x49xf32, #tpu.memory_space<vmem>>) attributes {dimension_semantics = [#tpu.dimension_semantics<arbitrary>], iteration_bounds = array<i64: 4>, scalar_prefetch = 0 : i64, scratch_operands = 0 : i64, tpu.core_type = #tpu.core_type<tc>, window_params = [{transform_indices = @transform_0, window_bounds = array<i64: 4096, 50>}, {transform_indices = @transform_1, window_bounds = array<i64: 4096, 49>}, {transform_indices = @transform_2, window_bounds = array<i64: 4096, 49>}]} {
    %get3A = arith.constant 0 : index
    %get3A_0 = arith.constant 0 : index
    %get3A_1 = vector.load %arg1[%get3A, %get3A_0] : memref<4096x50xf32, #tpu.memory_space<vmem>>, vector<4096x50xf32>
    %get3A_2 = arith.constant 0 : index
    %get3A_3 = arith.constant 0 : index
    %get3A_4 = vector.load %arg2[%get3A_2, %get3A_3] : memref<4096x49xf32, #tpu.memory_space<vmem>>, vector<4096x49xf32>
    %sqrt3A = math.sqrt %get3A_1 : vector<4096x50xf32>
    %gt3A = arith.constant 1.000000e+00 : f32
    %gt3A_5 = vector.broadcast %gt3A : f32 to vector<4096x50xf32>
    %gt3A_6 = arith.cmpf ogt, %sqrt3A, %gt3A_5 : vector<4096x50xf32>
    %add3A = arith.constant 1.000000e-07 : f32
    %add3A_7 = vector.broadcast %add3A : f32 to vector<4096x50xf32>
    %add3A_8 = arith.addf %sqrt3A, %add3A_7 : vector<4096x50xf32>
    %div3A = arith.constant 1.000000e+00 : f32
    %div3A_9 = vector.broadcast %div3A : f32 to vector<4096x50xf32>
    %div3A_10 = arith.divf %div3A_9, %add3A_8 : vector<4096x50xf32>
    %jit3A = arith.constant 1.000000e+00 : f32
    %broadcast_in_dim3A = vector.broadcast %jit3A : f32 to vector<4096x50xf32>
    %select_n3A = arith.select %gt3A_6, %div3A_10, %broadcast_in_dim3A : vector<4096x50xi1>, vector<4096x50xf32>
    %mul3A = arith.mulf %get3A_1, %select_n3A : vector<4096x50xf32>
    %mul3A_11 = arith.mulf %mul3A, %select_n3A : vector<4096x50xf32>
    %jit3A_12 = arith.constant 0.000000e+00 : f32
    %jit3A_13 = arith.constant 0.999989986 : f32
    %max3A = vector.broadcast %jit3A_12 : f32 to vector<4096x50xf32>
    %max3A_14 = arith.maximumf %max3A, %mul3A_11 : vector<4096x50xf32>
    %min3A = vector.broadcast %jit3A_13 : f32 to vector<4096x50xf32>
    %min3A_15 = arith.minimumf %min3A, %max3A_14 : vector<4096x50xf32>
    %slice3A = vector.extract_strided_slice %mul3A_11 {offsets = [0, 0], sizes = [4096, 1], strides = [1, 1]} : vector<4096x50xf32> to vector<4096x1xf32>
    %slice3A_16 = vector.extract_strided_slice %mul3A_11 {offsets = [0, 1], sizes = [4096, 49], strides = [1, 1]} : vector<4096x50xf32> to vector<4096x49xf32>
    %slice3A_17 = vector.extract_strided_slice %select_n3A {offsets = [0, 0], sizes = [4096, 1], strides = [1, 1]} : vector<4096x50xf32> to vector<4096x1xf32>
    %slice3A_18 = vector.extract_strided_slice %select_n3A {offsets = [0, 1], sizes = [4096, 49], strides = [1, 1]} : vector<4096x50xf32> to vector<4096x49xf32>
    %add3A_19 = vector.broadcast %slice3A : vector<4096x1xf32> to vector<4096x49xf32>
    %add3A_20 = arith.addf %add3A_19, %slice3A_16 : vector<4096x49xf32>
    %mul3A_21 = vector.broadcast %slice3A_17 : vector<4096x1xf32> to vector<4096x49xf32>
    %mul3A_22 = arith.mulf %mul3A_21, %slice3A_18 : vector<4096x49xf32>
    %mul3A_23 = arith.constant 2.000000e+00 : f32
    %mul3A_24 = vector.broadcast %mul3A_23 : f32 to vector<4096x49xf32>
    %mul3A_25 = arith.mulf %mul3A_24, %mul3A_22 : vector<4096x49xf32>
    %mul3A_26 = arith.mulf %mul3A_25, %get3A_4 : vector<4096x49xf32>
    %sub3A = arith.subf %add3A_20, %mul3A_26 : vector<4096x49xf32>
    %slice3A_27 = vector.extract_strided_slice %min3A_15 {offsets = [0, 0], sizes = [4096, 1], strides = [1, 1]} : vector<4096x50xf32> to vector<4096x1xf32>
    %slice3A_28 = vector.extract_strided_slice %min3A_15 {offsets = [0, 1], sizes = [4096, 49], strides = [1, 1]} : vector<4096x50xf32> to vector<4096x49xf32>
    %sub3A_29 = arith.constant 1.000000e+00 : f32
    %sub3A_30 = vector.broadcast %sub3A_29 : f32 to vector<4096x1xf32>
    %sub3A_31 = arith.subf %sub3A_30, %slice3A_27 : vector<4096x1xf32>
    %sub3A_32 = arith.constant 1.000000e+00 : f32
    %sub3A_33 = vector.broadcast %sub3A_32 : f32 to vector<4096x49xf32>
    %sub3A_34 = arith.subf %sub3A_33, %slice3A_28 : vector<4096x49xf32>
    %mul3A_35 = vector.broadcast %sub3A_31 : vector<4096x1xf32> to vector<4096x49xf32>
    %mul3A_36 = arith.mulf %mul3A_35, %sub3A_34 : vector<4096x49xf32>
    %div3A_37 = arith.divf %sub3A, %mul3A_36 : vector<4096x49xf32>
    %mul3A_38 = arith.constant 2.000000e+00 : f32
    %mul3A_39 = vector.broadcast %mul3A_38 : f32 to vector<4096x49xf32>
    %mul3A_40 = arith.mulf %div3A_37, %mul3A_39 : vector<4096x49xf32>
    %add3A_41 = arith.constant 1.000000e+00 : f32
    %add3A_42 = vector.broadcast %add3A_41 : f32 to vector<4096x49xf32>
    %add3A_43 = arith.addf %mul3A_40, %add3A_42 : vector<4096x49xf32>
    %mul3A_44 = arith.mulf %add3A_43, %add3A_43 : vector<4096x49xf32>
    %sub3A_45 = arith.constant 1.000000e+00 : f32
    %sub3A_46 = vector.broadcast %sub3A_45 : f32 to vector<4096x49xf32>
    %sub3A_47 = arith.subf %mul3A_44, %sub3A_46 : vector<4096x49xf32>
    %max3A_48 = arith.constant 9.99999996E-13 : f32
    %max3A_49 = vector.broadcast %max3A_48 : f32 to vector<4096x49xf32>
    %max3A_50 = arith.maximumf %sub3A_47, %max3A_49 : vector<4096x49xf32>
    %sqrt3A_51 = math.sqrt %max3A_50 : vector<4096x49xf32>
    %add3A_52 = arith.addf %add3A_43, %sqrt3A_51 : vector<4096x49xf32>
    %log3A = math.log %add3A_52 : vector<4096x49xf32>
    %neg3A = arith.constant 0.000000e+00 : f32
    %neg3A_53 = vector.broadcast %neg3A : f32 to vector<4096x49xf32>
    %neg3A_54 = arith.subf %neg3A_53, %log3A : vector<4096x49xf32>
    %swap3A = arith.constant 0 : index
    %swap3A_55 = arith.constant 0 : index
    %swap3A_56 = vector.load %arg3[%swap3A, %swap3A_55] : memref<4096x49xf32, #tpu.memory_space<vmem>>, vector<4096x49xf32>
    tpu.vector_store %arg3[%swap3A, %swap3A_55], %neg3A_54 {strides = array<i32>} : memref<4096x49xf32, #tpu.memory_space<vmem>>, vector<4096x49xf32>,
    return
  }
  func.func @transform_0(%arg0: i32) -> (i32, i32) {
    %c0_i32 = arith.constant 0 : i32
    %c0_i32_0 = arith.constant 0 : i32
    return %arg0, %c0_i32 : i32, i32
  }
  func.func @transform_1(%arg0: i32) -> (i32, i32) {
    %c0_i32 = arith.constant 0 : i32
    %c0_i32_0 = arith.constant 0 : i32
    return %arg0, %c0_i32 : i32, i32
  }
  func.func @transform_2(%arg0: i32) -> (i32, i32) {
    %c0_i32 = arith.constant 0 : i32
    %c0_i32_0 = arith.constant 0 : i32
    return %arg0, %c0_i32 : i32, i32
  }
}

</mosaic_0001>

<sc_bundles>
// kernel: kernel.4.cloned.1.call-start
scs
__scs_entry_jumppad:
0x0: {  	(pc) =	sbr.rel $0x88, $3  }
0x1: {  	(tag) =	ssettag $0x0;
	lr =	simm.s32 $0x1  }
0x2: {  	[smem:$0x3F9F] =	sst lr;
	_ =	strace $0xD0000000  }
0x3: {  	_ = 	snop  }
0x4: {  	_ = 	snop  }
0x5: {  	_ = 	snop  }
0x6: {  	_ = 	snop  }
0x7: {  	_ = 	snop  }
__scs_overlays_trampoline_lowered:
0x8: {  	[smem:$0x3FAE] =	sst s0  }
0x9: {  	[smem:$0x3FAF] =	sst s1  }
0xa: {  	[smem:$0x3FB0] =	sst s2  }
0xb: {  	[smem:$0x3FB1] =	sst s3  }
0xc: {  	[smem:$0x3FB2] =	sst s4  }
0xd: {  	[smem:$0x3FB3] =	sst s5  }
0xe: {  	[smem:$0x3FB4] =	sst s6  }
0xf: {  	[smem:$0x3FB5] =	sst s7  }
0x10: {  	[smem:$0x3FB6] =	sst s8  }
0x11: {  	[smem:$0x3FB7] =	sst s9;
	s0 =	simm.s32 @!p0 $0x0  }
0x12: {  	s1 =	sld [smem:$0x3F9D];
	s0 =	simm.s32 @p0 $0x1  }
0x13: {  	[smem:$0x3FB8] =	sst s0;
	s0 =	simm.s32 @!p1 $0x0  }
0x14: {  	s2 =	sld [smem:$0x3F9C];
	s0 =	simm.s32 @p1 $0x1  }
0x15: {  	[smem:$0x3FB9] =	sst s0;
	s0 =	simm.s32 @!p2 $0x0  }
0x16: {  	s3 =	sld [smem:$0x3FDB];
	s0 =	simm.s32 @p2 $0x1  }
0x17: {  	s4 =	simm.s32 $0x1BF5;
	[smem:$0x3FBB] =	sst s0  }
0x18: {  	s0 =	sld [smem:$0x3F9E];
	_ =	swait.ge [sflag:s4], $0x0  }
0x19: {  	s7 =	sld [smem:$0x3F9F]  }
0x1a: {  	s8 =	sadd.s32 $0xFFFFE003, lr  }
0x1b: {  	s9 =	sadd.s32 $0xFFFFFEF7, lr;
	s5 =	simm.s32 $0xFFFFFFFF;
	p2 =	slt.u32 s8, $0xFFFFF086  }
0x1c: {  	p1 =	slt.u32 s9, $0xF7A;
	s5 =	simm.s32 @!p2 $0x0  }
0x1d: {  	s5 =	simm.s32 @p1 $0x1;
	p0 =	seq.s32 s7, s2  }
0x1e: {  	s7 =	smul.u32 @!p0 $0xF7A, s2;
	p2 =	seq.s32 @!p0 s5, $0x0  }
0x1f: {  	s9 =	smul.u32 $0xF7A, s1;
	s8 =	simm.s32 @!p0 $0x1BF5;
	p2 =	por !p2, p0  }
0x20: {  	[sflag:s8] =	ssyncset.s32 @!p0 $0xFFFFF086;
	s6 =	sadd.s32 @!p0 s3, s7;
	s7 =	simm.s32 @!p0 $0x108  }
0x21: {  	s3 =	sadd.s32 s3, s9;
	s6 =	sadd.s32 @!p0 $0x88, s6;
	s7 =	simm.s32 @p2 $0x1082  }
0x22: {  	[simem:s7], [sflag:s8] =	dma.local @!p0 [hbm:s6], $0xF7A  }
0x23: {  	s9 =	sor.u32 $0xD0000000, s2;
	s6 =	simm.s32 $0x108;
	_ =	swait.ge @!p0 [sflag:s8], $0x0  }
0x24: {  	s3 =	sadd.s32 $0x88, s3;
	s6 =	simm.s32 @!p1 $0x1082;
	[sflag:s4] =	ssyncset.s32 $0xFFFFF086  }
0x25: {  	[simem:s6], [sflag:s4] =	dma.local [hbm:s3], $0xF7A  }
0x26: {  	[smem:$0x3F9F] =	sst s1;
	(tag) =	ssettag s2;
	_ =	strace s9  }
0x27: {  	s1 =	sld [smem:$0x3FAF]  }
0x28: {  	s2 =	sld [smem:$0x3FB0]  }
0x29: {  	s4 =	sld [smem:$0x3FB2]  }
0x2a: {  	p0 =	seq.s32 s5, $0x0;
	s5 =	sld [smem:$0x3FB3]  }
0x2b: {  	s6 =	sld [smem:$0x3FB4]  }
0x2c: {  	s7 =	sld [smem:$0x3FB5]  }
0x2d: {  	s3 =	simm.s32 $0x108;
	s8 =	sld [smem:$0x3FB6]  }
0x2e: {  	s3 =	simm.s32 @!p0 $0x1082;
	s9 =	sld [smem:$0x3FB7]  }
0x2f: {  	lr =	sadd.s32 s0, s3;
	s0 =	sld [smem:$0x3FAE]  }
0x30: {  	s3 =	sld [smem:$0x3FB1]  }
0x31: {  	[smem:$0x3FBA] =	sst s10  }
0x32: {  	s10 =	sld [smem:$0x3FB8];
	_ =	sdelay $0x3  }
0x33: {  	p0 =	seq.s32 s10, $0x1;
	s10 =	sld [smem:$0x3FBA];
	_ =	sdelay $0x3  }
0x34: {  	[smem:$0x3FBA] =	sst s10  }
0x35: {  	s10 =	sld [smem:$0x3FB9];
	_ =	sdelay $0x3  }
0x36: {  	p1 =	seq.s32 s10, $0x1;
	s10 =	sld [smem:$0x3FBA];
	_ =	sdelay $0x3  }
0x37: {  	[smem:$0x3FBA] =	sst s10  }
0x38: {  	s10 =	sld [smem:$0x3FBB]  }
0x39: {  	_ = 	snop;
	(pc) =	sbr.ind lr, $3  }
0x3a: {  	_ = 	snop  }
0x3b: {  	_ = 	snop  }
0x3c: {  	p2 =	seq.s32 s10, $0x1;
	s10 =	sld [smem:$0x3FBA]  }
0x3d: {  	_ =	shalt  }
0x3e: {  	_ =	shalt  }
0x3f: {  	_ =	shalt  }
0x40: {  	_ =	shalt  }
0x41: {  	_ =	shalt  }
0x42: {  	_ =	shalt  }
0x43: {  	_ =	shalt  }
0x44: {  	_ =	shalt  }
0x45: {  	_ =	shalt  }
0x46: {  	_ =	shalt  }
0x47: {  	_ =	shalt  }
0x48: {  	_ =	shalt  }
0x49: {  	_ =	shalt  }
0x4a: {  	_ =	shalt  }
0x4b: {  	_ =	shalt  }
0x4c: {  	_ =	shalt  }
0x4d: {  	_ =	shalt  }
0x4e: {  	_ =	shalt  }
0x4f: {  	_ =	shalt  }
0x50: {  	_ =	shalt  }
0x51: {  	_ =	shalt  }
0x52: {  	_ =	shalt  }
0x53: {  	_ =	shalt  }
0x54: {  	_ =	shalt  }
0x55: {  	_ =	shalt  }
0x56: {  	_ =	shalt  }
0x57: {  	_ =	shalt  }
0x58: {  	_ =	shalt  }
0x59: {  	_ =	shalt  }
0x5a: {  	_ =	shalt  }
0x5b: {  	_ =	shalt  }
0x5c: {  	_ =	shalt  }
0x5d: {  	_ =	shalt  }
0x5e: {  	_ =	shalt  }
0x5f: {  	_ =	shalt  }
0x60: {  	_ =	shalt  }
0x61: {  	_ =	shalt  }
0x62: {  	_ =	shalt  }
0x63: {  	_ =	shalt  }
0x64: {  	_ =	shalt  }
0x65: {  	_ =	shalt  }
0x66: {  	_ =	shalt  }
0x67: {  	_ =	shalt  }
0x68: {  	_ =	shalt  }
0x69: {  	_ =	shalt  }
0x6a: {  	_ =	shalt  }
0x6b: {  	_ =	shalt  }
0x6c: {  	_ =	shalt  }
0x6d: {  	_ =	shalt  }
0x6e: {  	_ =	shalt  }
0x6f: {  	_ =	shalt  }
0x70: {  	_ =	shalt  }
0x71: {  	_ =	shalt  }
0x72: {  	_ =	shalt  }
0x73: {  	_ =	shalt  }
0x74: {  	_ =	shalt  }
0x75: {  	_ =	shalt  }
0x76: {  	_ =	shalt  }
0x77: {  	_ =	shalt  }
0x78: {  	_ =	shalt  }
0x79: {  	_ =	shalt  }
0x7a: {  	_ =	shalt  }
0x7b: {  	_ =	shalt  }
0x7c: {  	_ =	shalt  }
0x7d: {  	_ =	shalt  }
0x7e: {  	_ =	shalt  }
0x7f: {  	_ =	shalt  }
0x80: {  	_ =	shalt  }
0x81: {  	_ =	shalt  }
0x82: {  	_ =	shalt  }
0x83: {  	_ =	shalt  }
0x84: {  	_ =	shalt  }
0x85: {  	_ =	shalt  }
0x86: {  	_ =	shalt  }
0x87: {  	_ =	shalt  }
.Lfunc_end0:
.L_simem_size_0:
called_computation_lowered:
.L_overlay_start_0:
0x88: {  	s2 =	sld [smem:$0x3FD9]  }
0x89: {  	s3 =	sld [smem:$0x3FFE];
	_ =	sdelay $0x1  }
0x8a: {  	s1 =	srdreg.scid  }
0x8b: {  	s0 =	sand.u32 $0x1, s1  }
0x8c: {  	s17 =	sshll.u32 s0, $0xA;
	s2 =	sadd.s32 s3, s2  }
0x8d: {  	s2 =	sadd.s32 s2, s17  }
0x8e: {  	[smem:$0x3FC6] =	sst s2  }
0x8f: {  	_ = 	snop  }
0x90: {  	s2 =	sld [smem:$0x3FD0];
	(tm) =	ssettm $0x1  }
0x91: {  	s18 =	sld [smem:$0x3FFB];
	_ =	sdelay $0x3  }
0x92: {  	_ =	strace s18  }
0x93: {  	s3 =	sld [smem:$0x3FFC];
	_ =	sdelay $0x3  }
0x94: {  	_ =	strace s3  }
0x95: {  	s3 =	sld [smem:$0x3FFD];
	_ =	sdelay $0x3  }
0x96: {  	_ =	strace s3  }
0x97: {  	_ =	strace $0x8FFFFFFF  }
0x98: {  	s19 =	sld [smem:$0x3FDB];
	_ =	sdelay $0x1  }
0x99: {  	s4 =	simm.s32 $_scs_section_size  }
0x9a: {  	s5 =	simm.s32 $_size__tile_overlayer_lowered;
	s6 =	simm.s32 $_tile_overlayer_lowered  }
0x9b: {  	s22 =	simm.s32 $0x1BFF;
	s21 =	sshll.u32 s6, $0x1;
	s3 =	sadd.s32 s4, s19  }
0x9c: {  	s7 =	simm.s32 $0x0;
	s20 =	sshll.u32 s5, $0x1;
	s5 =	sadd.s32 s21, s3  }
0x9d: {  	[timem:s7], [sflag:s22] =	dma.local [hbm:s5], s20  }
0x9e: {  	_ =	swait.ge [sflag:s22], s20  }
0x9f: {  	s4 =	ssub.s32 $0x0, s20;
	[sflag:s22] =	ssyncset.done $0x0  }
0xa0: {  	[sflag:s22] =	ssyncadd.s32 s4;
	_ =	sdelay $0x1  }
0xa1: {  	s23 =	simm.s32 $0x1B8B  }
0xa2: {  	_ =	swait.ge [sflag:s23], $0x1  }
0xa3: {  	[sflag:s23] =	ssyncset.done $0x0  }
0xa4: {  	s25 =	simm.s32 $0x1B8E;
	s24 =	sld [smem:$0x3FFE];
	[sflag:s23] =	ssyncadd.s32 $0xFFFFFFFF  }
0xa5: {  	s26 =	simm.s32 $execute0_lowered;
	[smem:$0x3FD2] =	sst s25  }
0xa6: {  	s5 =	sshll.u32 s26, $0x1;
	_ =	strace $0x80000046;
	[dreg:$0x1] =	wrdreg $0xFFFFFFFF  }
0xa7: {  	s28 =	simm.s32 $_size_execute0_lowered;
	s3 =	sadd.s32 s3, s5;
	[dreg:$0x0] =	wrdreg $0x0  }
0xa8: {  	s5 =	sshll.u32 s28, $0x1;
	[dreg:$0x2] =	wrdreg s3  }
0xa9: {  	[dreg:$0x3] =	wrdreg s5  }
0xaa: {  	[dreg:$0x4] =	wrdreg $0xC0  }
0xab: {  	_ =	task [dreg:s7], $0x5FFFF  }
0xac: {  	[dreg:$0x1] =	wrdreg $0xFFFFFFFF  }
0xad: {  	[dreg:$0x0] =	wrdreg $0x60  }
0xae: {  	[dreg:$0x2] =	wrdreg s24  }
0xaf: {  	[dreg:$0x3] =	wrdreg s2  }
0xb0: {  	[dreg:$0x4] =	wrdreg $0x9  }
0xb1: {  	_ =	task.clear_ibuf [dreg:s7], $0x5FFFF;
	_ =	strace $0x90000046  }
0xb2: {  	s29 =	simm.s32 $0x9;
	_ =	strace $0x80000048  }
0xb3: {  	_ =	swait.ge [sflag:s29], $0x1  }
0xb4: {  	[sflag:s29] =	ssyncadd.s32 $0xFFFFFFFF  }
0xb5: {  	_ =	strace $0x90000048  }
0xb6: {  	_ =	sfence  }
0xb7: {  	s30 =	sld [smem:$0x0];
	_ =	sdelay $0x2  }
0xb8: {  	s31 =	sshll.u32 s1, $0xD;
	s1 =	sshrl.u32 s1, $0x2  }
0xb9: {  	s3 =	sand.u32 $0x4000, s31;
	s1 =	sadd.s32 s1, s30  }
0xba: {  	s0 =	sor.u32 s3, s0;
	s1 =	sshll.u32 s1, $0x11  }
0xbb: {  	s0 =	sor.u32 s1, s0  }
0xbc: {  	s0 =	sadd.s32 $0x8F2B, s0  }
0xbd: {  	[sflag:s0] =	ssyncadd.remote.s32 $0x1  }
0xbe: {  	_ =	sfence.sel $0xFFFF  }
0xbf: {  	[dreg:$0x0] =	wrdreg $0xFFFFFFFF;
	(pc) =	sbr.abs _section_cstart, $3  }
0xc0: {  	[dreg:$0x1] =	wrdreg $0xFFFFFFFF  }
0xc1: {  	_ =	task.clear_ibuf [dreg:s7], $0x2FFFF;
	_ =	strace $0x9FFFFFFF  }
0xc2: {  	(tm) =	ssettm $0x7FFFFFFF  }
0xc3: {  	_ =	shalt  }
tec
execute0_lowered:
.L_overlay_start_1:
0x0: {  	(tag) =	ssettag $0x1  }
0x1: {  	s0 =	rddreg [dreg:$0x0]  }
0x2: {  	s2 =	rddreg [dreg:$0x1];
	s1 =	srdreg.scid;
	s3 =	simm.s32 $0x0  }
0x3: {  	s4 =	stileid.u32;
	s12 =	simm.s32 $0x2;
	s13 =	simm.s32 $0x32  }
0x4: {  	s14 =	simm.s32 $0x700;
	s28 =	simm.s32 $0x17EC0;
	s29 =	simm.s32 $0xD20  }
0x5: {  	s30 =	simm.s32 $0x18500;
	s31 =	simm.s32 $0xD58;
	s11 =	simm.s32 $0xDC8  }
0x6: {  	s10 =	simm.s32 $0x197C0;
	s15 =	simm.s32 $0x1;
	s16 =	simm.s32 $0x19E00  }
0x7: {  	s17 =	simm.s32 $0x1A500;
	s19 =	simm.s32 $0x0;
	s1 =	sand.u32 $0x1, s1  }
0x8: {  	vm0 =	vmmov $0x1;
	vm1 =	vmmov $0x3;
	[smem:$0x7FF] =	sst s3;
	s4 =	sshll.u32 s4, $0xA;
	s6 =	sadd.s32 $0xC00, s0  }
0x9: {  	vm2 =	vmmov $0x7;
	vm3 =	vmmov $0xf;
	vm4 =	vmmov $0x1f;
	s7 =	sadd.s32 $0x1CC00, s0;
	s5 =	sshll.u32 s1, $0x9;
	s1 =	ssub.s32 $0x2, s1  }
0xa: {  	vm5 =	vmmov $0x3f;
	vm6 =	vmmov $0x7f;
	vm7 =	vmmov $0xff;
	_ =	strace $0x80000047;
	s4 =	sor.u32 s5, s4;
	s24 =	sshrl.u32 s1, $0x1  }
0xb: {  	vm8 =	vmmov $0x1ff;
	vm9 =	vmmov $0x3ff;
	vm10 =	vmmov $0x7ff;
	s5 =	sadd.s32 $0xF43000, s0;
	s8 =	smul.u32 $0x7, s4;
	s0 =	ssub.s32 s1, s24  }
0xc: {  	vm11 =	vmmov $0xfff;
	vm12 =	vmmov $0x1fff;
	v0 =	vlaneseq.u32;
	s9 =	sor.u32 $0x20, s4;
	s26 =	sor.u32 $0x40, s4;
	s1 =	simm.s32 $0xD90  }
0xd: {  	vm13 =	vmmov $0x3fff;
	vm14 =	vmmov $0x7fff;
	v1 =	vadd.s32 $0xFFFFFFFF, v0;
	[dreg:$0x4] =	wrdreg s26;
	s0 =	smax.u32 s0, $0x1;
	s26 =	simm.s32 $0xCE8  }
0xe: {  	v2 =	vor.u32 $0x10, v0;
	v3 =	vadd.s32 $0xF, v0;
	v4 =	vor.u32 $0x20, v0;
	s25 =	sadd.s32 s2, s8;
	[dreg:$0x5] =	wrdreg s0;
	s0 =	simm.s32 $0x18B40  }
0xf: {  	v5 =	vadd.s32 $0x1F, v0;
	v6 =	vor.u32 $0x30, v0;
	v7 =	vadd.s32 $0x2F, v0;
	s8 =	simm.s32 $0x19180;
	[dreg:$0x3] =	wrdreg s25;
	s25 =	simm.s32 $0x17880  }
.LBB2_1:
0x10: {  	[dreg:$0x6] =	wrdreg s19  }
0x11: {  	s18 =	rddreg [dreg:$0x3]  }
0x12: {  	[tilespmem:s3], [sflag:$0x2] =	stream.linear.gather [hbm4b:s18+s3], $0x700, $0x38;
	[tilespmem:$0x1AC00] =	vst v63  }
0x13: {  	_ =	swait.ge [sflag:s12], $0x700  }
0x14: {  	[sflag:s12] =	ssyncset.done $0x0  }
0x15: {  	s22 =	simm.s32 $0xE00;
	[sflag:s12] =	ssyncadd.s32 $0xFFFFF900  }
0x16: {  	[tilespmem:s22], [sflag:$0x1] =	stream.indirect.gather [hbm4b:s5+s13], $0x20, s3, s13, $0xb8;
	[tilespmem:$0x1AC00] =	vst v63  }
0x17: {  	s23 =	simm.s32 $0x38;
	s24 =	simm.s32 $0x1440  }
0x18: {  	[tilespmem:s24], [sflag:$0x1] =	stream.indirect.gather [hbm4b:s5+s13], $0x20, s23, s13, $0xb8;
	[tilespmem:$0x1AC00] =	vst v63  }
0x19: {  	s19 =	simm.s32 $0x70;
	s20 =	simm.s32 $0x1A80  }
0x1a: {  	[tilespmem:s20], [sflag:$0x1] =	stream.indirect.gather [hbm4b:s5+s13], $0x20, s19, s13, $0xb8;
	[tilespmem:$0x1AC00] =	vst v63  }
0x1b: {  	s21 =	simm.s32 $0xA8;
	s22 =	simm.s32 $0x20C0  }
0x1c: {  	[tilespmem:s22], [sflag:$0x1] =	stream.indirect.gather [hbm4b:s5+s13], $0x20, s21, s13, $0xb8;
	[tilespmem:$0x1AC00] =	vst v63  }
0x1d: {  	s23 =	simm.s32 $0xE0;
	s24 =	simm.s32 $0x2700  }
0x1e: {  	[tilespmem:s24], [sflag:$0x1] =	stream.indirect.gather [hbm4b:s5+s13], $0x20, s23, s13, $0xb8;
	[tilespmem:$0x1AC00] =	vst v63  }
0x1f: {  	s19 =	simm.s32 $0x118;
	s20 =	simm.s32 $0x2D40  }
0x20: {  	[tilespmem:s20], [sflag:$0x1] =	stream.indirect.gather [hbm4b:s5+s13], $0x20, s19, s13, $0xb8;
	[tilespmem:$0x1AC00] =	vst v63  }
0x21: {  	s21 =	simm.s32 $0x150;
	s22 =	simm.s32 $0x3380  }
0x22: {  	[tilespmem:s22], [sflag:$0x1] =	stream.indirect.gather [hbm4b:s5+s13], $0x20, s21, s13, $0xb8;
	[tilespmem:$0x1AC00] =	vst v63  }
0x23: {  	s23 =	simm.s32 $0x188;
	s24 =	simm.s32 $0x39C0  }
0x24: {  	[tilespmem:s24], [sflag:$0x1] =	stream.indirect.gather [hbm4b:s5+s13], $0x20, s23, s13, $0xb8;
	[tilespmem:$0x1AC00] =	vst v63  }
0x25: {  	s19 =	simm.s32 $0x1C0;
	s20 =	simm.s32 $0x4000  }
0x26: {  	[tilespmem:s20], [sflag:$0x1] =	stream.indirect.gather [hbm4b:s5+s13], $0x20, s19, s13, $0xb8;
	[tilespmem:$0x1AC00] =	vst v63  }
0x27: {  	s21 =	simm.s32 $0x1F8;
	s22 =	simm.s32 $0x4640  }
0x28: {  	[tilespmem:s22], [sflag:$0x1] =	stream.indirect.gather [hbm4b:s5+s13], $0x20, s21, s13, $0xb8;
	[tilespmem:$0x1AC00] =	vst v63  }
0x29: {  	s23 =	simm.s32 $0x230;
	s24 =	simm.s32 $0x4C80  }
0x2a: {  	[tilespmem:s24], [sflag:$0x1] =	stream.indirect.gather [hbm4b:s5+s13], $0x20, s23, s13, $0xb8;
	[tilespmem:$0x1AC00] =	vst v63  }
0x2b: {  	s19 =	simm.s32 $0x268;
	s20 =	simm.s32 $0x52C0  }
0x2c: {  	[tilespmem:s20], [sflag:$0x1] =	stream.indirect.gather [hbm4b:s5+s13], $0x20, s19, s13, $0xb8;
	[tilespmem:$0x1AC00] =	vst v63  }
0x2d: {  	s21 =	simm.s32 $0x2A0;
	s22 =	simm.s32 $0x5900  }
0x2e: {  	[tilespmem:s22], [sflag:$0x1] =	stream.indirect.gather [hbm4b:s5+s13], $0x20, s21, s13, $0xb8;
	[tilespmem:$0x1AC00] =	vst v63  }
0x2f: {  	s23 =	simm.s32 $0x2D8;
	s24 =	simm.s32 $0x5F40  }
0x30: {  	[tilespmem:s24], [sflag:$0x1] =	stream.indirect.gather [hbm4b:s5+s13], $0x20, s23, s13, $0xb8;
	[tilespmem:$0x1AC00] =	vst v63  }
0x31: {  	s19 =	simm.s32 $0x310;
	s20 =	simm.s32 $0x6580  }
0x32: {  	[tilespmem:s20], [sflag:$0x1] =	stream.indirect.gather [hbm4b:s5+s13], $0x20, s19, s13, $0xb8;
	[tilespmem:$0x1AC00] =	vst v63  }
0x33: {  	s21 =	simm.s32 $0x348;
	s22 =	simm.s32 $0x6BC0  }
0x34: {  	[tilespmem:s22], [sflag:$0x1] =	stream.indirect.gather [hbm4b:s5+s13], $0x20, s21, s13, $0xb8;
	[tilespmem:$0x1AC00] =	vst v63  }
0x35: {  	s23 =	simm.s32 $0x380;
	s24 =	simm.s32 $0x7200  }
0x36: {  	[tilespmem:s24], [sflag:$0x1] =	stream.indirect.gather [hbm4b:s5+s13], $0x20, s23, s13, $0xb8;
	[tilespmem:$0x1AC00] =	vst v63  }
0x37: {  	s19 =	simm.s32 $0x3B8;
	s20 =	simm.s32 $0x7840  }
0x38: {  	[tilespmem:s20], [sflag:$0x1] =	stream.indirect.gather [hbm4b:s5+s13], $0x20, s19, s13, $0xb8;
	[tilespmem:$0x1AC00] =	vst v63  }
0x39: {  	s21 =	simm.s32 $0x3F0;
	s22 =	simm.s32 $0x7E80  }
0x3a: {  	[tilespmem:s22], [sflag:$0x1] =	stream.indirect.gather [hbm4b:s5+s13], $0x20, s21, s13, $0xb8;
	[tilespmem:$0x1AC00] =	vst v63  }
0x3b: {  	s23 =	simm.s32 $0x428;
	s24 =	simm.s32 $0x84C0  }
0x3c: {  	[tilespmem:s24], [sflag:$0x1] =	stream.indirect.gather [hbm4b:s5+s13], $0x20, s23, s13, $0xb8;
	[tilespmem:$0x1AC00] =	vst v63  }
0x3d: {  	s19 =	simm.s32 $0x460;
	s20 =	simm.s32 $0x8B00  }
0x3e: {  	[tilespmem:s20], [sflag:$0x1] =	stream.indirect.gather [hbm4b:s5+s13], $0x20, s19, s13, $0xb8;
	[tilespmem:$0x1AC00] =	vst v63  }
0x3f: {  	s21 =	simm.s32 $0x498;
	s22 =	simm.s32 $0x9140  }
0x40: {  	[tilespmem:s22], [sflag:$0x1] =	stream.indirect.gather [hbm4b:s5+s13], $0x20, s21, s13, $0xb8;
	[tilespmem:$0x1AC00] =	vst v63  }
0x41: {  	s23 =	simm.s32 $0x4D0;
	s24 =	simm.s32 $0x9780  }
0x42: {  	[tilespmem:s24], [sflag:$0x1] =	stream.indirect.gather [hbm4b:s5+s13], $0x20, s23, s13, $0xb8;
	[tilespmem:$0x1AC00] =	vst v63  }
0x43: {  	s19 =	simm.s32 $0x508;
	s20 =	simm.s32 $0x9DC0  }
0x44: {  	[tilespmem:s20], [sflag:$0x1] =	stream.indirect.gather [hbm4b:s5+s13], $0x20, s19, s13, $0xb8;
	[tilespmem:$0x1AC00] =	vst v63  }
0x45: {  	s21 =	simm.s32 $0x540;
	s22 =	simm.s32 $0xA400  }
0x46: {  	[tilespmem:s22], [sflag:$0x1] =	stream.indirect.gather [hbm4b:s5+s13], $0x20, s21, s13, $0xb8;
	[tilespmem:$0x1AC00] =	vst v63  }
0x47: {  	s23 =	simm.s32 $0x578;
	s24 =	simm.s32 $0xAA40  }
0x48: {  	[tilespmem:s24], [sflag:$0x1] =	stream.indirect.gather [hbm4b:s5+s13], $0x20, s23, s13, $0xb8;
	[tilespmem:$0x1AC00] =	vst v63  }
0x49: {  	s19 =	simm.s32 $0x5B0;
	s20 =	simm.s32 $0xB080  }
0x4a: {  	[tilespmem:s20], [sflag:$0x1] =	stream.indirect.gather [hbm4b:s5+s13], $0x20, s19, s13, $0xb8;
	[tilespmem:$0x1AC00] =	vst v63  }
0x4b: {  	s21 =	simm.s32 $0x5E8;
	s22 =	simm.s32 $0xB6C0  }
0x4c: {  	[tilespmem:s22], [sflag:$0x1] =	stream.indirect.gather [hbm4b:s5+s13], $0x20, s21, s13, $0xb8;
	[tilespmem:$0x1AC00] =	vst v63  }
0x4d: {  	s23 =	simm.s32 $0x620;
	s24 =	simm.s32 $0xBD00  }
0x4e: {  	[tilespmem:s24], [sflag:$0x1] =	stream.indirect.gather [hbm4b:s5+s13], $0x20, s23, s13, $0xb8;
	[tilespmem:$0x1AC00] =	vst v63  }
0x4f: {  	s19 =	simm.s32 $0x658;
	s20 =	simm.s32 $0xC340  }
0x50: {  	[tilespmem:s20], [sflag:$0x1] =	stream.indirect.gather [hbm4b:s5+s13], $0x20, s19, s13, $0xb8;
	[tilespmem:$0x1AC00] =	vst v63  }
0x51: {  	s21 =	simm.s32 $0x690;
	s22 =	simm.s32 $0xC980  }
0x52: {  	[tilespmem:s22], [sflag:$0x1] =	stream.indirect.gather [hbm4b:s5+s13], $0x20, s21, s13, $0xb8;
	[tilespmem:$0x1AC00] =	vst v63  }
0x53: {  	s18 =	simm.s32 $0x0;
	s23 =	simm.s32 $0x6C8;
	s24 =	simm.s32 $0xCFC0  }
0x54: {  	[tilespmem:s24], [sflag:$0x1] =	stream.indirect.gather [hbm4b:s5+s13], $0x20, s23, s13, $0xb8;
	[tilespmem:$0x1AC00] =	vst v63  }
.LBB2_2:
0x55: {  	s20 =	sshll.u32 s18, $0x6  }
0x56: {  	s19 =	sadd.s32 s9, s20  }
0x57: {  	s19 =	smul.u32 $0x7, s19;
	_ =	sdelay $0x1  }
0x58: {  	s21 =	simm.s32 $0x0;
	s22 =	sadd.s32 s2, s19  }
0x59: {  	[tilespmem:s14], [sflag:$0x2] =	stream.linear.gather [hbm4b:s22+s21], $0x700, $0x38;
	[tilespmem:$0x1AC00] =	vst v63  }
0x5a: {  	_ =	swait.ge [sflag:s12], $0x700  }
0x5b: {  	[sflag:s12] =	ssyncset.done $0x0  }
0x5c: {  	s23 =	simm.s32 $0xD600;
	[sflag:s12] =	ssyncadd.s32 $0xFFFFF900  }
0x5d: {  	[tilespmem:s23], [sflag:$0x1] =	stream.indirect.gather [hbm4b:s5+s13], $0x20, s14, s13, $0xb8;
	[tilespmem:$0x1AC00] =	vst v63  }
0x5e: {  	s24 =	simm.s32 $0x738;
	s23 =	simm.s32 $0xDC40  }
0x5f: {  	[tilespmem:s23], [sflag:$0x1] =	stream.indirect.gather [hbm4b:s5+s13], $0x20, s24, s13, $0xb8;
	[tilespmem:$0x1AC00] =	vst v63  }
0x60: {  	s23 =	simm.s32 $0x770;
	s24 =	simm.s32 $0xE280  }
0x61: {  	[tilespmem:s24], [sflag:$0x1] =	stream.indirect.gather [hbm4b:s5+s13], $0x20, s23, s13, $0xb8;
	[tilespmem:$0x1AC00] =	vst v63  }
0x62: {  	s23 =	simm.s32 $0x7A8;
	s24 =	simm.s32 $0xE8C0  }
0x63: {  	[tilespmem:s24], [sflag:$0x1] =	stream.indirect.gather [hbm4b:s5+s13], $0x20, s23, s13, $0xb8;
	[tilespmem:$0x1AC00] =	vst v63  }
0x64: {  	s23 =	simm.s32 $0x7E0;
	s24 =	simm.s32 $0xEF00  }
0x65: {  	[tilespmem:s24], [sflag:$0x1] =	stream.indirect.gather [hbm4b:s5+s13], $0x20, s23, s13, $0xb8;
	[tilespmem:$0x1AC00] =	vst v63  }
0x66: {  	s23 =	simm.s32 $0x818;
	s24 =	simm.s32 $0xF540  }
0x67: {  	[tilespmem:s24], [sflag:$0x1] =	stream.indirect.gather [hbm4b:s5+s13], $0x20, s23, s13, $0xb8;
	[tilespmem:$0x1AC00] =	vst v63  }
0x68: {  	s23 =	simm.s32 $0x850;
	s24 =	simm.s32 $0xFB80  }
0x69: {  	[tilespmem:s24], [sflag:$0x1] =	stream.indirect.gather [hbm4b:s5+s13], $0x20, s23, s13, $0xb8;
	[tilespmem:$0x1AC00] =	vst v63  }
0x6a: {  	s23 =	simm.s32 $0x888;
	s24 =	simm.s32 $0x101C0  }
0x6b: {  	[tilespmem:s24], [sflag:$0x1] =	stream.indirect.gather [hbm4b:s5+s13], $0x20, s23, s13, $0xb8;
	[tilespmem:$0x1AC00] =	vst v63  }
0x6c: {  	s23 =	simm.s32 $0x8C0;
	s24 =	simm.s32 $0x10800  }
0x6d: {  	[tilespmem:s24], [sflag:$0x1] =	stream.indirect.gather [hbm4b:s5+s13], $0x20, s23, s13, $0xb8;
	[tilespmem:$0x1AC00] =	vst v63  }
0x6e: {  	s23 =	simm.s32 $0x8F8;
	s24 =	simm.s32 $0x10E40  }
0x6f: {  	[tilespmem:s24], [sflag:$0x1] =	stream.indirect.gather [hbm4b:s5+s13], $0x20, s23, s13, $0xb8;
	[tilespmem:$0x1AC00] =	vst v63  }
0x70: {  	s23 =	simm.s32 $0x930;
	s24 =	simm.s32 $0x11480  }
0x71: {  	[tilespmem:s24], [sflag:$0x1] =	stream.indirect.gather [hbm4b:s5+s13], $0x20, s23, s13, $0xb8;
	[tilespmem:$0x1AC00] =	vst v63  }
0x72: {  	s23 =	simm.s32 $0x968;
	s24 =	simm.s32 $0x11AC0  }
0x73: {  	[tilespmem:s24], [sflag:$0x1] =	stream.indirect.gather [hbm4b:s5+s13], $0x20, s23, s13, $0xb8;
	[tilespmem:$0x1AC00] =	vst v63  }
0x74: {  	s23 =	simm.s32 $0x9A0;
	s24 =	simm.s32 $0x12100  }
0x75: {  	[tilespmem:s24], [sflag:$0x1] =	stream.indirect.gather [hbm4b:s5+s13], $0x20, s23, s13, $0xb8;
	[tilespmem:$0x1AC00] =	vst v63  }
0x76: {  	s23 =	simm.s32 $0x9D8;
	s24 =	simm.s32 $0x12740  }
0x77: {  	[tilespmem:s24], [sflag:$0x1] =	stream.indirect.gather [hbm4b:s5+s13], $0x20, s23, s13, $0xb8;
	[tilespmem:$0x1AC00] =	vst v63  }
0x78: {  	s23 =	simm.s32 $0xA10;
	s24 =	simm.s32 $0x12D80  }
0x79: {  	[tilespmem:s24], [sflag:$0x1] =	stream.indirect.gather [hbm4b:s5+s13], $0x20, s23, s13, $0xb8;
	[tilespmem:$0x1AC00] =	vst v63  }
0x7a: {  	s23 =	simm.s32 $0xA48;
	s24 =	simm.s32 $0x133C0  }
0x7b: {  	[tilespmem:s24], [sflag:$0x1] =	stream.indirect.gather [hbm4b:s5+s13], $0x20, s23, s13, $0xb8;
	[tilespmem:$0x1AC00] =	vst v63  }
0x7c: {  	s23 =	simm.s32 $0xA80;
	s24 =	simm.s32 $0x13A00  }
0x7d: {  	[tilespmem:s24], [sflag:$0x1] =	stream.indirect.gather [hbm4b:s5+s13], $0x20, s23, s13, $0xb8;
	[tilespmem:$0x1AC00] =	vst v63  }
0x7e: {  	s23 =	simm.s32 $0xAB8;
	s24 =	simm.s32 $0x14040  }
0x7f: {  	[tilespmem:s24], [sflag:$0x1] =	stream.indirect.gather [hbm4b:s5+s13], $0x20, s23, s13, $0xb8;
	[tilespmem:$0x1AC00] =	vst v63  }
0x80: {  	s23 =	simm.s32 $0xAF0;
	s24 =	simm.s32 $0x14680  }
0x81: {  	[tilespmem:s24], [sflag:$0x1] =	stream.indirect.gather [hbm4b:s5+s13], $0x20, s23, s13, $0xb8;
	[tilespmem:$0x1AC00] =	vst v63  }
0x82: {  	s23 =	simm.s32 $0xB28;
	s24 =	simm.s32 $0x14CC0  }
0x83: {  	[tilespmem:s24], [sflag:$0x1] =	stream.indirect.gather [hbm4b:s5+s13], $0x20, s23, s13, $0xb8;
	[tilespmem:$0x1AC00] =	vst v63  }
0x84: {  	s23 =	simm.s32 $0xB60;
	s24 =	simm.s32 $0x15300  }
0x85: {  	[tilespmem:s24], [sflag:$0x1] =	stream.indirect.gather [hbm4b:s5+s13], $0x20, s23, s13, $0xb8;
	[tilespmem:$0x1AC00] =	vst v63  }
0x86: {  	s23 =	simm.s32 $0xB98;
	s24 =	simm.s32 $0x15940  }
0x87: {  	[tilespmem:s24], [sflag:$0x1] =	stream.indirect.gather [hbm4b:s5+s13], $0x20, s23, s13, $0xb8;
	[tilespmem:$0x1AC00] =	vst v63  }
0x88: {  	s23 =	simm.s32 $0xBD0;
	s24 =	simm.s32 $0x15F80  }
0x89: {  	[tilespmem:s24], [sflag:$0x1] =	stream.indirect.gather [hbm4b:s5+s13], $0x20, s23, s13, $0xb8;
	[tilespmem:$0x1AC00] =	vst v63  }
0x8a: {  	s23 =	simm.s32 $0xC08;
	s24 =	simm.s32 $0x165C0  }
0x8b: {  	[tilespmem:s24], [sflag:$0x1] =	stream.indirect.gather [hbm4b:s5+s13], $0x20, s23, s13, $0xb8;
	[tilespmem:$0x1AC00] =	vst v63  }
0x8c: {  	s23 =	simm.s32 $0xC40;
	s24 =	simm.s32 $0x16C00  }
0x8d: {  	[tilespmem:s24], [sflag:$0x1] =	stream.indirect.gather [hbm4b:s5+s13], $0x20, s23, s13, $0xb8;
	[tilespmem:$0x1AC00] =	vst v63  }
0x8e: {  	s23 =	simm.s32 $0xC78;
	s24 =	simm.s32 $0x17240  }
0x8f: {  	[tilespmem:s24], [sflag:$0x1] =	stream.indirect.gather [hbm4b:s5+s13], $0x20, s23, s13, $0xb8;
	[tilespmem:$0x1AC00] =	vst v63  }
0x90: {  	s24 =	simm.s32 $0xCB0  }
0x91: {  	[tilespmem:s25], [sflag:$0x1] =	stream.indirect.gather [hbm4b:s5+s13], $0x20, s24, s13, $0xb8;
	[tilespmem:$0x1AC00] =	vst v63  }
0x92: {  	_ = 	snop  }
0x93: {  	[tilespmem:s28], [sflag:$0x1] =	stream.indirect.gather [hbm4b:s5+s13], $0x20, s26, s13, $0xb8;
	[tilespmem:$0x1AC00] =	vst v63  }
0x94: {  	_ = 	snop  }
0x95: {  	[tilespmem:s30], [sflag:$0x1] =	stream.indirect.gather [hbm4b:s5+s13], $0x20, s29, s13, $0xb8;
	[tilespmem:$0x1AC00] =	vst v63  }
0x96: {  	_ = 	snop  }
0x97: {  	[tilespmem:s0], [sflag:$0x1] =	stream.indirect.gather [hbm4b:s5+s13], $0x20, s31, s13, $0xb8;
	[tilespmem:$0x1AC00] =	vst v63  }
0x98: {  	_ = 	snop  }
0x99: {  	[tilespmem:s8], [sflag:$0x1] =	stream.indirect.gather [hbm4b:s5+s13], $0x20, s1, s13, $0xb8;
	[tilespmem:$0x1AC00] =	vst v63  }
0x9a: {  	_ = 	snop  }
0x9b: {  	[tilespmem:s10], [sflag:$0x1] =	stream.indirect.gather [hbm4b:s5+s13], $0x20, s11, s13, $0xb8;
	[tilespmem:$0x1AC00] =	vst v63  }
0x9c: {  	_ =	swait.ge [sflag:s15], $0xC800  }
0x9d: {  	[sflag:s15] =	ssyncset.done $0x0  }
0x9e: {  	[sflag:s15] =	ssyncadd.s32 $0xFFFF3800  }
.LBB2_3:
0x9f: {  	s22 =	smul.u32 $0x1900, s21;
	_ =	sdelay $0x1  }
0xa0: {  	s22 =	sshra.s32 s22, $0x2  }
0xa1: {  	v11 =	vld [tilespmem:s22+$0xE00]  }
0xa2: {  	v12 =	vld [tilespmem:s22+$0xE10]  }
0xa3: {  	v8 =	vld [tilespmem:s22+$0xE20]  }
0xa4: {  	v9 =	vld [tilespmem:s22+$0xE30]  }
0xa5: {  	v10 =	vld [tilespmem:s22+$0xE40]  }
0xa6: {  	v13 =	vld [tilespmem:s22+$0xE50]  }
0xa7: {  	v14 =	vld [tilespmem:s22+$0xE60];
	v15 =	vmul.f32 v11, v11  }
0xa8: {  	v17 =	vld [tilespmem:s22+$0xE70];
	v16 =	vmul.f32 v12, v12;
	v18 =	vmul.f32 v8, v8  }
0xa9: {  	v20 =	vld [tilespmem:s22+$0xE80];
	v19 =	vmul.f32 v9, v9;
	v8 =	vmul.f32 v8, v11  }
0xaa: {  	v49 =	vld [tilespmem:s22+$0xE90];
	v9 =	vmul.f32 v9, v12;
	v50 =	vmul.f32 v10, v10;
	v15 =	vadd.f32 v16, v15  }
0xab: {  	v22 =	vld [tilespmem:s22+$0xEA0];
	v21 =	vmul.f32 v13, v13;
	v51 =	vmul.f32 v10, v11;
	v18 =	vadd.f32 v19, v18  }
0xac: {  	v53 =	vld [tilespmem:s22+$0xEB0];
	v52 =	vmul.f32 v13, v12;
	v55 =	vmul.f32 v14, v14;
	v8 =	vadd.f32 v9, v8;
	(xrf2) =	vadd.scan.msk.f32 $0xffff, v15  }
0xad: {  	v59 =	vld [tilespmem:s22+$0xEC0];
	v56 =	vmul.f32 v17, v17;
	v57 =	vmul.f32 v14, v11;
	v54 =	vadd.f32 v21, v50;
	(xrf2) =	vadd.scan.msk.f32 $0xffff, v18  }
0xae: {  	v63 =	vld [tilespmem:s22+$0xED0];
	v58 =	vmul.f32 v17, v12;
	v61 =	vmul.f32 v20, v20;
	(xrf2) =	vadd.scan.msk.f32 $0xffff, v8;
	v8 =	vadd.f32 v52, v51  }
0xaf: {  	v47 =	vld [tilespmem:s22+$0xEF0];
	v62 =	vmul.f32 v49, v49;
	v23 =	vmul.f32 v20, v11;
	v60 =	vadd.f32 v56, v55;
	(xrf2) =	vadd.scan.msk.f32 $0xffff, v54  }
0xb0: {  	v43 =	vld [tilespmem:s22+$0xEE0];
	v24 =	vmul.f32 v49, v12;
	v26 =	vmul.f32 v22, v22;
	(xrf2) =	vadd.scan.msk.f32 $0xffff, v8;
	v8 =	vadd.f32 v58, v57  }
0xb1: {  	v27 =	vmul.f32 v53, v53;
	v29 =	vmul.f32 v53, v12;
	v53 =	vld [tilespmem:s22+$0xF10];
	v25 =	vadd.f32 v62, v61;
	(xrf2) =	vadd.scan.msk.f32 $0xffff, v60  }
0xb2: {  	v28 =	vmul.f32 v22, v11;
	v50 =	vld [tilespmem:s22+$0xF00];
	(xrf2) =	vadd.scan.msk.f32 $0xffff, v8;
	v8 =	vadd.f32 v24, v23  }
0xb3: {  	v31 =	vmul.f32 v59, v59;
	v32 =	vmul.f32 v63, v63;
	v30 =	vadd.f32 v27, v26;
	(xrf2) =	vadd.scan.msk.f32 $0xffff, v25  }
0xb4: {  	v14 =	vmul.f32 v59, v11;
	v59 =	vmul.f32 v47, v47;
	v55 =	vld [tilespmem:s22+$0xF20];
	(xrf2) =	vadd.scan.msk.f32 $0xffff, v8;
	v8 =	vadd.f32 v29, v28  }
0xb5: {  	v19 =	vmul.f32 v63, v12;
	v61 =	vmul.f32 v43, v11;
	v57 =	vld [tilespmem:s22+$0xF30];
	(xrf2) =	vadd.scan.msk.f32 $0xffff, v30  }
0xb6: {  	v18 =	vmul.f32 v47, v12;
	v16 =	vmul.f32 v53, v12;
	v33, _, _ =	vpop (xrf2);
	(xrf2) =	vadd.scan.msk.f32 $0xffff, v8;
	v8 =	vadd.f32 v32, v31  }
0xb7: {  	v63 =	vmul.f32 v50, v50;
	v27 =	vmul.f32 v50, v11;
	v28 =	vld [tilespmem:s22+$0xF70]  }
0xb8: {  	v58 =	vmul.f32 v43, v43;
	v23 =	vmul.f32 v53, v53;
	v34, _, _ =	vpop (xrf2)  }
0xb9: {  	v14 =	vadd.f32 v19, v14;
	v30 =	vmul.f32 v55, v55;
	v32 =	vld [tilespmem:s22+$0xF80];
	v13 =	vbroadcast v33, $0xF;
	v35, _, _ =	vpop (xrf2);
	(xrf2) =	vadd.scan.msk.f32 $0xffff, v8  }
0xba: {  	v60 =	vld [tilespmem:s22+$0xF40];
	v29 =	vadd.f32 v23, v63;
	v31 =	vmul.f32 v57, v57;
	v9 =	vbroadcast v34, $0xF;
	v8, _, _ =	vpop (xrf2)  }
0xbb: {  	v62 =	vld [tilespmem:s22+$0xF50];
	v33 =	vadd.f32 v16, v27;
	v13 =	vnsel vm0, $0x0, v13;
	v10 =	vbroadcast v35, $0xF;
	v36, _, _ =	vpop (xrf2)  }
0xbc: {  	v34 =	vmul.f32 v55, v11;
	v35 =	vld [tilespmem:s22+$0xF90];
	v50 =	vmul.f32 v28, v12;
	v9 =	vsel vm0, v13, v9;
	v37, _, _ =	vpop (xrf2)  }
0xbd: {  	v8 =	vbroadcast v8, $0xF;
	v10 =	vsel vm0, v13, v10;
	v13 =	vmul.f32 v57, v12;
	v38, _, _ =	vpop (xrf2)  }
0xbe: {  	v53 =	vmul.f32 v32, v32;
	v15 =	vbroadcast v36, $0xF;
	v36 =	vadd.f32 v31, v30;
	v39, _, _ =	vpop (xrf2)  }
0xbf: {  	v40 =	vbroadcast v37, $0xF;
	v8 =	vsel vm1, v9, v8;
	v37 =	vmul.f32 v60, v60;
	v42, _, _ =	vpop (xrf2)  }
0xc0: {  	v24 =	vld [tilespmem:s22+$0xF60];
	v41 =	vbroadcast v38, $0xF;
	v44 =	vsel vm1, v10, v15;
	v15 =	vadd.f32 v59, v58;
	v46, _, _ =	vpop (xrf2)  }
0xc1: {  	v10 =	vadd.f32 v18, v61;
	v38 =	vmul.f32 v62, v62;
	v57 =	vmul.f32 v35, v12;
	v49, _, _ =	vpop (xrf2);
	(xrf2) =	vadd.scan.msk.f32 $0xffff, v14  }
0xc2: {  	v45 =	vbroadcast v39, $0xF;
	v8 =	vsel vm2, v8, v40;
	v40 =	vadd.f32 v13, v34;
	(xrf2) =	vadd.scan.msk.f32 $0xffff, v15  }
0xc3: {  	v9 =	vsel vm2, v44, v41;
	v48 =	vbroadcast v42, $0xF;
	v41 =	vmul.f32 v60, v11;
	v54, _, _ =	vpop (xrf2);
	(xrf2) =	vadd.scan.msk.f32 $0xffff, v10  }
0xc4: {  	v43 =	vld [tilespmem:s22+$0xFB0];
	v42 =	vmul.f32 v62, v12;
	v44 =	vadd.f32 v38, v37;
	v51 =	vbroadcast v46, $0xF;
	(xrf2) =	vadd.scan.msk.f32 $0xffff, v29  }
0xc5: {  	v39 =	vld [tilespmem:s22+$0xFA0];
	v8 =	vsel vm3, v8, v45;
	v45 =	vmul.f32 v24, v24;
	v46 =	vmul.f32 v28, v28;
	(xrf2) =	vadd.scan.msk.f32 $0xffff, v33  }
0xc6: {  	v47 =	vld [tilespmem:s22+$0xFC0];
	v52 =	vbroadcast v49, $0xF;
	v9 =	vsel vm3, v9, v48;
	v48 =	vadd.f32 v42, v41;
	(xrf2) =	vadd.scan.msk.f32 $0xffff, v36  }
0xc7: {  	v49 =	vmul.f32 v24, v11;
	v8 =	vsel vm4, v8, v51;
	v56 =	vbroadcast v54, $0xF;
	v51 =	vld [tilespmem:s22+$0xFD0];
	(xrf2) =	vadd.scan.msk.f32 $0xffff, v40  }
0xc8: {  	v58 =	vld [tilespmem:s22+$0xFE0];
	v54 =	vmul.f32 v35, v35;
	v9 =	vsel vm4, v9, v52;
	v52 =	vadd.f32 v46, v45;
	(xrf2) =	vadd.scan.msk.f32 $0xffff, v44  }
0xc9: {  	v62 =	vld [tilespmem:s22+$0xFF0];
	v55 =	vadd.f32 v50, v49;
	v8 =	vsel vm5, v8, v56;
	v56 =	vmul.f32 v32, v11;
	(xrf2) =	vadd.scan.msk.f32 $0xffff, v48  }
0xca: {  	v61 =	vmul.f32 v43, v43;
	v60 =	vmul.f32 v39, v39;
	v59 =	vadd.f32 v54, v53;
	(xrf2) =	vadd.scan.msk.f32 $0xffff, v52  }
0xcb: {  	v28 =	vmul.f32 v39, v11;
	v29 =	vmul.f32 v43, v12;
	v27 =	vadd.f32 v57, v56;
	v63, _, _ =	vpop (xrf2);
	(xrf2) =	vadd.scan.msk.f32 $0xffff, v55  }
0xcc: {  	v32 =	vmul.f32 v47, v47;
	v31 =	vadd.f32 v61, v60;
	v33 =	vmul.f32 v51, v51;
	v30, _, _ =	vpop (xrf2);
	(xrf2) =	vadd.scan.msk.f32 $0xffff, v59  }
0xcd: {  	v35 =	vadd.f32 v29, v28;
	v36 =	vmul.f32 v47, v11;
	v37 =	vmul.f32 v51, v12;
	v34, _, _ =	vpop (xrf2);
	(xrf2) =	vadd.scan.msk.f32 $0xffff, v27  }
0xce: {  	v46 =	vmul.f32 v58, v11;
	v47 =	vmul.f32 v62, v12;
	v40 =	vadd.f32 v33, v32;
	v39, _, _ =	vpop (xrf2);
	(xrf2) =	vadd.scan.msk.f32 $0xffff, v31  }
0xcf: {  	v43 =	vmul.f32 v58, v58;
	v44 =	vmul.f32 v62, v62;
	v42 =	vadd.f32 v37, v36;
	v41, _, _ =	vpop (xrf2);
	(xrf2) =	vadd.scan.msk.f32 $0xffff, v35  }
0xd0: {  	v57 =	vmov s21;
	v15 =	vadd.f32 v47, v46;
	v38 =	vbroadcast v63, $0xF;
	v45, _, _ =	vpop (xrf2);
	(xrf2) =	vadd.scan.msk.f32 $0xffff, v40  }
0xd1: {  	v50 =	vadd.f32 v44, v43;
	v20 =	vbroadcast v30, $0xF;
	v48 =	vbroadcast v34, $0xF;
	v49, _, _ =	vpop (xrf2);
	(xrf2) =	vadd.scan.msk.f32 $0xffff, v42  }
0xd2: {  	v10 =	vmul.u32 $0x38, v57;
	v9 =	vsel vm5, v9, v38;
	v51 =	vbroadcast v39, $0xF;
	v53, _, _ =	vpop (xrf2)  }
0xd3: {  	v8 =	vsel vm6, v8, v20;
	v52 =	vbroadcast v41, $0xF;
	v9 =	vsel vm6, v9, v48;
	v56, _, _ =	vpop (xrf2);
	(xrf2) =	vadd.scan.msk.f32 $0xffff, v50  }
0xd4: {  	v54 =	vbroadcast v45, $0xF;
	v8 =	vsel vm7, v8, v51;
	v55 =	vbroadcast v49, $0xF;
	v58, _, _ =	vpop (xrf2);
	(xrf2) =	vadd.scan.msk.f32 $0xffff, v15  }
0xd5: {  	v9 =	vsel vm7, v9, v52;
	v59 =	vbroadcast v53, $0xF;
	v61 =	vbroadcast v56, $0xF;
	v60, _, _ =	vpop (xrf2)  }
0xd6: {  	v8 =	vsel vm8, v8, v54;
	v9 =	vsel vm8, v9, v55;
	v13 =	vbroadcast v58, $0xF;
	v62, _, _ =	vpop (xrf2)  }
0xd7: {  	v8 =	vsel vm9, v8, v59;
	v63 =	vbroadcast v60, $0xF;
	v9 =	vsel vm9, v9, v61;
	v20, _, _ =	vpop (xrf2)  }
0xd8: {  	v17 =	vbroadcast v62, $0xF;
	v13 =	vsel vm10, v8, v13;
	v8 =	vbroadcast v10, $0x0;
	v21, _, _ =	vpop (xrf2)  }
0xd9: {  	vm15 =	vcmask $0x3F04;
	v9 =	vsel vm10, v9, v63;
	v24 =	vbroadcast v20, $0xF;
	v23, _, _ =	vpop (xrf2)  }
0xda: {  	v22 =	vsel vm11, v13, v17;
	v25 =	vbroadcast v21, $0xF;
	v27 =	vor.u32 v0, v8;
	v26, _, _ =	vpop (xrf2)  }
0xdb: {  	v29 =	vadd.s32 v1, v8;
	v13 =	vbroadcast v23, $0xF;
	v28, _, _ =	vpop (xrf2);
	v16 =	vbroadcast v26, $0xF  }
0xdc: {  	v9 =	vsel vm11, v9, v24;
	v10 =	vsel vm12, v22, v25;
	v30 =	vbroadcast v28, $0xF  }
0xdd: {  	v9 =	vsel vm12, v9, v13;
	v10 =	vsel vm13, v10, v16;
	v31, _, _ =	vpop (xrf2)  }
0xde: {  	v9 =	vsel vm13, v9, v30;
	v32, _, _ =	vpop (xrf2);
	v10 =	vsel vm14, v10, v31  }
0xdf: {  	v9 =	vsel vm14, v9, v32;
	[tilespmem:v27+s16+$0x0] =	vst.idx.msk $0xffff, v10  }
0xe0: {  	[tilespmem:v29+s17+$0x0] =	vst.idx.msk vm15, v9  }
0xe1: {  	v9 =	vld [tilespmem:s22+$0x1000]  }
0xe2: {  	v10 =	vld [tilespmem:s22+$0x1010]  }
0xe3: {  	v33 =	vld [tilespmem:s22+$0x1020]  }
0xe4: {  	v34 =	vld [tilespmem:s22+$0x1030]  }
0xe5: {  	v35 =	vld [tilespmem:s22+$0x1040]  }
0xe6: {  	v36 =	vld [tilespmem:s22+$0x1050]  }
0xe7: {  	v37 =	vmul.f32 v9, v9;
	v38 =	vmul.f32 v10, v10  }
0xe8: {  	v9 =	vmul.f32 v9, v11;
	v10 =	vmul.f32 v10, v12  }
0xe9: {  	v39 =	vmul.f32 v33, v33;
	v40 =	vmul.f32 v34, v34;
	v17 =	vadd.f32 v38, v37  }
0xea: {  	v41 =	vmul.f32 v33, v11;
	v42 =	vmul.f32 v34, v12;
	v9 =	vadd.f32 v10, v9  }
0xeb: {  	v44 =	vmul.f32 v35, v35;
	v45 =	vmul.f32 v36, v36;
	v43 =	vadd.f32 v40, v39;
	(xrf2) =	vadd.scan.msk.f32 $0xffff, v17  }
0xec: {  	v46 =	vadd.f32 v42, v41;
	(xrf2) =	vadd.scan.msk.f32 $0xffff, v9  }
0xed: {  	v47 =	vadd.f32 v45, v44;
	(xrf2) =	vadd.scan.msk.f32 $0xffff, v43  }
0xee: {  	(xrf2) =	vadd.scan.msk.f32 $0xffff, v46  }
0xef: {  	(xrf2) =	vadd.scan.msk.f32 $0xffff, v47;
	_ =	sdelay $0x5  }
0xf0: {  	v48, _, _ =	vpop (xrf2)  }
0xf1: {  	v50 =	vmul.f32 v35, v11;
	v51 =	vmul.f32 v36, v12;
	v49, _, _ =	vpop (xrf2)  }
0xf2: {  	v52, _, _ =	vpop (xrf2)  }
0xf3: {  	v13 =	vadd.f32 v51, v50;
	v53, _, _ =	vpop (xrf2)  }
0xf4: {  	v54, _, _ =	vpop (xrf2)  }
0xf5: {  	(xrf2) =	vadd.scan.msk.f32 $0xffff, v13  }
0xf6: {  	v13 =	vld [tilespmem:s22+$0x1060]  }
0xf7: {  	v55 =	vld [tilespmem:s22+$0x1070]  }
0xf8: {  	v56 =	vld [tilespmem:s22+$0x1080]  }
0xf9: {  	v9 =	vbroadcast v48, $0xF;
	v57 =	vld [tilespmem:s22+$0x1090]  }
0xfa: {  	v10 =	vbroadcast v49, $0xF;
	v15 =	vbroadcast v52, $0xF;
	v58 =	vld [tilespmem:s22+$0x10A0]  }
0xfb: {  	v16 =	vbroadcast v53, $0xF;
	v14 =	vbroadcast v54, $0xF;
	v59 =	vld [tilespmem:s22+$0x10B0]  }
0xfc: {  	v38 =	vld [tilespmem:s22+$0x10C0];
	v60 =	vmul.f32 v13, v13;
	v61 =	vmul.f32 v55, v55  }
0xfd: {  	v40 =	vld [tilespmem:s22+$0x10D0];
	v13 =	vmul.f32 v13, v11;
	v17 =	vmul.f32 v55, v12  }
0xfe: {  	v44 =	vld [tilespmem:s22+$0x10E0];
	v62 =	vmul.f32 v56, v56;
	v63 =	vmul.f32 v57, v57;
	v22 =	vadd.f32 v61, v60  }
0xff: {  	v48 =	vld [tilespmem:s22+$0x10F0];
	v25 =	vmul.f32 v56, v11;
	v26 =	vmul.f32 v57, v12;
	v13 =	vadd.f32 v17, v13  }
0x100: {  	v53 =	vld [tilespmem:s22+$0x1110];
	v28 =	vmul.f32 v58, v58;
	v29 =	vmul.f32 v59, v59;
	v27 =	vadd.f32 v63, v62;
	(xrf2) =	vadd.scan.msk.f32 $0xffff, v22  }
0x101: {  	v31 =	vmul.f32 v58, v11;
	v32 =	vmul.f32 v59, v12;
	v30 =	vadd.f32 v26, v25;
	(xrf2) =	vadd.scan.msk.f32 $0xffff, v13  }
0x102: {  	v9 =	vsel vm0, v9, v15;
	v51 =	vld [tilespmem:s22+$0x1100];
	v54 =	vmul.f32 v38, v38;
	v33 =	vadd.f32 v29, v28;
	(xrf2) =	vadd.scan.msk.f32 $0xffff, v27  }
0x103: {  	v55 =	vmul.f32 v40, v40;
	v56 =	vld [tilespmem:s22+$0x1120];
	v57 =	vmul.f32 v38, v11;
	v34 =	vadd.f32 v32, v31;
	(xrf2) =	vadd.scan.msk.f32 $0xffff, v30  }
0x104: {  	v10 =	vsel vm0, v10, v16;
	v16 =	vmul.f32 v40, v12;
	v59 =	vmul.f32 v44, v44;
	v61 =	vld [tilespmem:s22+$0x1140];
	(xrf2) =	vadd.scan.msk.f32 $0xffff, v33  }
0x105: {  	v9 =	vsel vm1, v9, v14;
	v14 =	vmul.f32 v53, v12;
	v60 =	vmul.f32 v48, v48;
	(xrf2) =	vadd.scan.msk.f32 $0xffff, v34;
	v34 =	vld [tilespmem:s22+$0x1170]  }
0x106: {  	v62 =	vmul.f32 v44, v11;
	v63 =	vmul.f32 v48, v12;
	v35, _, _ =	vpop (xrf2)  }
0x107: {  	v58 =	vld [tilespmem:s22+$0x1130];
	v15 =	vadd.f32 v55, v54;
	v31 =	vmul.f32 v53, v53;
	v13 =	vbroadcast v35, $0xF  }
0x108: {  	v29 =	vadd.f32 v60, v59;
	v40 =	vmul.f32 v56, v11;
	v30 =	vmul.f32 v51, v51  }
0x109: {  	v32 =	vadd.f32 v63, v62;
	v44 =	vmul.f32 v61, v61;
	v48 =	vmul.f32 v61, v11  }
0x10a: {  	v10 =	vsel vm1, v10, v13;
	v33 =	vmul.f32 v51, v11;
	v36, _, _ =	vpop (xrf2);
	v53 =	vmul.f32 v34, v34  }
0x10b: {  	v28 =	vld [tilespmem:s22+$0x1150];
	v13 =	vadd.f32 v16, v57;
	v37, _, _ =	vpop (xrf2);
	v41 =	vbroadcast v36, $0xF;
	v36 =	vmul.f32 v56, v56  }
0x10c: {  	v35 =	vadd.f32 v31, v30;
	(xrf2) =	vadd.scan.msk.f32 $0xffff, v15;
	v39, _, _ =	vpop (xrf2);
	v42 =	vbroadcast v37, $0xF;
	v37 =	vmul.f32 v58, v58  }
0x10d: {  	v25 =	vld [tilespmem:s22+$0x1160];
	(xrf2) =	vadd.scan.msk.f32 $0xffff, v13;
	v43, _, _ =	vpop (xrf2);
	v45 =	vbroadcast v39, $0xF;
	v9 =	vsel vm2, v9, v41;
	v39 =	vadd.f32 v14, v33  }
0x10e: {  	v38 =	vld [tilespmem:s22+$0x1180];
	(xrf2) =	vadd.scan.msk.f32 $0xffff, v29;
	v41 =	vmul.f32 v58, v12;
	v46 =	vbroadcast v43, $0xF;
	v47, _, _ =	vpop (xrf2);
	v10 =	vsel vm2, v10, v42  }
0x10f: {  	(xrf2) =	vadd.scan.msk.f32 $0xffff, v32;
	v42 =	vld [tilespmem:s22+$0x1190];
	v43 =	vadd.f32 v37, v36;
	v49, _, _ =	vpop (xrf2);
	v50 =	vbroadcast v47, $0xF;
	v9 =	vsel vm3, v9, v45  }
0x110: {  	(xrf2) =	vadd.scan.msk.f32 $0xffff, v35;
	v45 =	vmul.f32 v28, v28;
	v10 =	vsel vm3, v10, v46;
	v52 =	vbroadcast v49, $0xF;
	v46 =	vld [tilespmem:s22+$0x11A0]  }
0x111: {  	(xrf2) =	vadd.scan.msk.f32 $0xffff, v39;
	v47 =	vadd.f32 v41, v40;
	v49 =	vmul.f32 v28, v12;
	v9 =	vsel vm4, v9, v50;
	v50 =	vld [tilespmem:s22+$0x11B0]  }
0x112: {  	v54 =	vld [tilespmem:s22+$0x11C0];
	(xrf2) =	vadd.scan.msk.f32 $0xffff, v43;
	v51 =	vadd.f32 v45, v44;
	v10 =	vsel vm4, v10, v52;
	v52 =	vmul.f32 v25, v25  }
0x113: {  	v57 =	vmul.f32 v34, v12;
	v56 =	vmul.f32 v25, v11;
	v58 =	vld [tilespmem:s22+$0x11D0];
	(xrf2) =	vadd.scan.msk.f32 $0xffff, v47;
	v55 =	vadd.f32 v49, v48  }
0x114: {  	v60 =	vmul.f32 v38, v38;
	(xrf2) =	vadd.scan.msk.f32 $0xffff, v51;
	v61 =	vmul.f32 v42, v42;
	v59 =	vadd.f32 v53, v52  }
0x115: {  	v63 =	vmul.f32 v38, v11;
	v29 =	vld [tilespmem:s22+$0x11E0];
	v62 =	vadd.f32 v57, v56;
	v28 =	vmul.f32 v42, v12;
	(xrf2) =	vadd.scan.msk.f32 $0xffff, v55  }
0x116: {  	v34 =	vld [tilespmem:s22+$0x11F0];
	v30, _, _ =	vpop (xrf2);
	v31 =	vadd.f32 v61, v60;
	v32 =	vmul.f32 v46, v46;
	(xrf2) =	vadd.scan.msk.f32 $0xffff, v59;
	v33 =	vmul.f32 v50, v50  }
0x117: {  	v26, _, _ =	vpop (xrf2);
	v35 =	vadd.f32 v28, v63;
	v36 =	vmul.f32 v46, v11;
	v37 =	vmul.f32 v50, v12;
	(xrf2) =	vadd.scan.msk.f32 $0xffff, v62  }
0x118: {  	v40 =	vmul.f32 v54, v54;
	v41 =	vmul.f32 v58, v58;
	v38, _, _ =	vpop (xrf2);
	(xrf2) =	vadd.scan.msk.f32 $0xffff, v31;
	v39 =	vadd.f32 v33, v32  }
0x119: {  	v44 =	vmul.f32 v54, v11;
	v45 =	vmul.f32 v58, v12;
	v42, _, _ =	vpop (xrf2);
	v43 =	vadd.f32 v37, v36;
	(xrf2) =	vadd.scan.msk.f32 $0xffff, v35  }
0x11a: {  	v47 =	vbroadcast v26, $0xF;
	v49 =	vadd.f32 v41, v40;
	v48, _, _ =	vpop (xrf2);
	(xrf2) =	vadd.scan.msk.f32 $0xffff, v39  }
0x11b: {  	v51 =	vadd.f32 v45, v44;
	v52 =	vmul.f32 v29, v29;
	v53 =	vmul.f32 v34, v34;
	v50, _, _ =	vpop (xrf2);
	(xrf2) =	vadd.scan.msk.f32 $0xffff, v43  }
0x11c: {  	v56 =	vmul.f32 v34, v12;
	v55 =	vmul.f32 v29, v11;
	v54, _, _ =	vpop (xrf2);
	(xrf2) =	vadd.scan.msk.f32 $0xffff, v49  }
0x11d: {  	v10 =	vsel vm5, v10, v47;
	v46 =	vbroadcast v30, $0xF;
	v59 =	vadd.f32 v53, v52;
	v58, _, _ =	vpop (xrf2);
	(xrf2) =	vadd.scan.msk.f32 $0xffff, v51  }
0x11e: {  	v57 =	vbroadcast v38, $0xF;
	v60 =	vbroadcast v42, $0xF;
	v15 =	vadd.f32 v56, v55;
	v62, _, _ =	vpop (xrf2)  }
0x11f: {  	v34 =	vadd.s32 v2, v8;
	v9 =	vsel vm5, v9, v46;
	v61 =	vbroadcast v48, $0xF;
	v63, _, _ =	vpop (xrf2);
	(xrf2) =	vadd.scan.msk.f32 $0xffff, v59  }
0x120: {  	v9 =	vsel vm6, v9, v57;
	v10 =	vsel vm6, v10, v60;
	v17 =	vbroadcast v50, $0xF;
	(xrf2) =	vadd.scan.msk.f32 $0xffff, v15;
	v23, _, _ =	vpop (xrf2)  }
0x121: {  	v36 =	vadd.s32 v3, v8;
	v9 =	vsel vm7, v9, v61;
	v18 =	vbroadcast v54, $0xF;
	v25, _, _ =	vpop (xrf2)  }
0x122: {  	v21 =	vbroadcast v58, $0xF;
	v10 =	vsel vm7, v10, v17;
	v24 =	vbroadcast v62, $0xF;
	v27, _, _ =	vpop (xrf2)  }
0x123: {  	v9 =	vsel vm8, v9, v18;
	v26 =	vbroadcast v63, $0xF;
	v14 =	vbroadcast v23, $0xF;
	v29, _, _ =	vpop (xrf2)  }
0x124: {  	v10 =	vsel vm8, v10, v21;
	v9 =	vsel vm9, v9, v24;
	v28 =	vbroadcast v25, $0xF;
	v30, _, _ =	vpop (xrf2)  }
0x125: {  	v10 =	vsel vm9, v10, v26;
	v17 =	vbroadcast v27, $0xF;
	v9 =	vsel vm10, v9, v14;
	v31, _, _ =	vpop (xrf2)  }
0x126: {  	v10 =	vsel vm10, v10, v28;
	v32 =	vbroadcast v29, $0xF;
	v13 =	vbroadcast v30, $0xF;
	v33, _, _ =	vpop (xrf2)  }
0x127: {  	v9 =	vsel vm11, v9, v17;
	v14 =	vbroadcast v31, $0xF;
	v35, _, _ =	vpop (xrf2);
	v16 =	vbroadcast v33, $0xF  }
0x128: {  	v10 =	vsel vm11, v10, v32;
	v9 =	vsel vm12, v9, v13;
	v37 =	vbroadcast v35, $0xF  }
0x129: {  	v10 =	vsel vm12, v10, v14;
	v38, _, _ =	vpop (xrf2);
	v9 =	vsel vm13, v9, v16  }
0x12a: {  	v39, _, _ =	vpop (xrf2);
	v10 =	vsel vm13, v10, v37;
	v9 =	vsel vm14, v9, v38  }
0x12b: {  	v10 =	vsel vm14, v10, v39;
	[tilespmem:v34+s16+$0x0] =	vst.idx.msk $0xffff, v9  }
0x12c: {  	[tilespmem:v36+s17+$0x0] =	vst.idx.msk $0xffff, v10  }
0x12d: {  	v9 =	vld [tilespmem:s22+$0x1200]  }
0x12e: {  	v10 =	vld [tilespmem:s22+$0x1210]  }
0x12f: {  	v40 =	vld [tilespmem:s22+$0x1220]  }
0x130: {  	v41 =	vld [tilespmem:s22+$0x1230]  }
0x131: {  	v42 =	vld [tilespmem:s22+$0x1240]  }
0x132: {  	v43 =	vld [tilespmem:s22+$0x1250]  }
0x133: {  	v19 =	vld [tilespmem:s22+$0x1260];
	v44 =	vmul.f32 v9, v9;
	v45 =	vmul.f32 v10, v10  }
0x134: {  	v46 =	vld [tilespmem:s22+$0x1270];
	v9 =	vmul.f32 v9, v11;
	v10 =	vmul.f32 v10, v12  }
0x135: {  	v52 =	vld [tilespmem:s22+$0x1290];
	v47 =	vmul.f32 v40, v40;
	v48 =	vmul.f32 v41, v41  }
0x136: {  	v49 =	vld [tilespmem:s22+$0x1280];
	v50 =	vmul.f32 v40, v11;
	v51 =	vmul.f32 v41, v12  }
0x137: {  	v56 =	vld [tilespmem:s22+$0x12A0];
	v54 =	vmul.f32 v42, v42;
	v55 =	vmul.f32 v43, v43  }
0x138: {  	v60 =	vld [tilespmem:s22+$0x12B0];
	v58 =	vmul.f32 v42, v11;
	v59 =	vmul.f32 v43, v12;
	v17 =	vadd.f32 v45, v44  }
0x139: {  	v62 =	vmul.f32 v19, v19;
	v63 =	vmul.f32 v46, v46;
	v9 =	vadd.f32 v10, v9  }
0x13a: {  	v24 =	vmul.f32 v19, v11;
	v28 =	vmul.f32 v52, v52;
	v53 =	vadd.f32 v48, v47;
	(xrf2) =	vadd.scan.msk.f32 $0xffff, v17  }
0x13b: {  	v30 =	vmul.f32 v49, v11;
	v31 =	vmul.f32 v52, v12;
	v52 =	vld [tilespmem:s22+$0x12D0];
	v57 =	vadd.f32 v51, v50;
	(xrf2) =	vadd.scan.msk.f32 $0xffff, v9  }
0x13c: {  	v33 =	vmul.f32 v56, v56;
	v36 =	vmul.f32 v56, v11;
	v56 =	vld [tilespmem:s22+$0x12E0];
	v61 =	vadd.f32 v55, v54;
	(xrf2) =	vadd.scan.msk.f32 $0xffff, v53  }
0x13d: {  	v25 =	vmul.f32 v46, v12;
	v37 =	vmul.f32 v60, v12;
	v21 =	vadd.f32 v59, v58;
	v48 =	vld [tilespmem:s22+$0x12C0];
	(xrf2) =	vadd.scan.msk.f32 $0xffff, v57  }
0x13e: {  	v27 =	vmul.f32 v49, v49;
	v26 =	vadd.f32 v63, v62;
	v35 =	vadd.f32 v31, v30;
	v31 =	vld [tilespmem:s22+$0x1320];
	(xrf2) =	vadd.scan.msk.f32 $0xffff, v61  }
0x13f: {  	v29 =	vadd.f32 v25, v24;
	v39 =	vadd.f32 v37, v36;
	v36 =	vld [tilespmem:s22+$0x1340];
	(xrf2) =	vadd.scan.msk.f32 $0xffff, v21  }
0x140: {  	v34 =	vmul.f32 v60, v60;
	v32 =	vadd.f32 v28, v27;
	(xrf2) =	vadd.scan.msk.f32 $0xffff, v26  }
0x141: {  	v60 =	vld [tilespmem:s22+$0x12F0];
	v30 =	vmul.f32 v52, v52;
	(xrf2) =	vadd.scan.msk.f32 $0xffff, v29  }
0x142: {  	v38 =	vadd.f32 v34, v33;
	v16 =	vmul.f32 v52, v12;
	v34 =	vmul.f32 v56, v56;
	(xrf2) =	vadd.scan.msk.f32 $0xffff, v32  }
0x143: {  	v63 =	vld [tilespmem:s22+$0x1300];
	v37 =	vmul.f32 v56, v11;
	v52 =	vmul.f32 v31, v11;
	(xrf2) =	vadd.scan.msk.f32 $0xffff, v35  }
0x144: {  	v56 =	vmul.f32 v36, v36;
	v29 =	vmul.f32 v48, v48;
	v40, _, _ =	vpop (xrf2);
	(xrf2) =	vadd.scan.msk.f32 $0xffff, v38  }
0x145: {  	v28 =	vld [tilespmem:s22+$0x1310];
	v32 =	vmul.f32 v48, v11;
	v48 =	vmul.f32 v31, v31;
	v41, _, _ =	vpop (xrf2);
	(xrf2) =	vadd.scan.msk.f32 $0xffff, v39  }
0x146: {  	v35 =	vmul.f32 v60, v60;
	v38 =	vmul.f32 v60, v12;
	v42, _, _ =	vpop (xrf2)  }
0x147: {  	v60 =	vmul.f32 v36, v11;
	v10 =	vbroadcast v40, $0xF;
	v43, _, _ =	vpop (xrf2)  }
0x148: {  	v13 =	vbroadcast v41, $0xF;
	v41 =	vmul.f32 v63, v63;
	v44, _, _ =	vpop (xrf2)  }
0x149: {  	v9 =	vbroadcast v42, $0xF;
	v14 =	vbroadcast v43, $0xF;
	v45, _, _ =	vpop (xrf2)  }
0x14a: {  	v33 =	vld [tilespmem:s22+$0x1330];
	v40 =	vadd.f32 v35, v34;
	v42 =	vmul.f32 v28, v28;
	v15 =	vbroadcast v44, $0xF;
	v46, _, _ =	vpop (xrf2)  }
0x14b: {  	v9 =	vsel vm0, v10, v9;
	v44 =	vadd.f32 v38, v37;
	v49 =	vsel vm0, v13, v14;
	v47, _, _ =	vpop (xrf2)  }
0x14c: {  	v43 =	vld [tilespmem:s22+$0x1360];
	v50 =	vbroadcast v45, $0xF;
	v13 =	vadd.f32 v16, v32;
	v45 =	vmul.f32 v63, v11;
	v51, _, _ =	vpop (xrf2)  }
0x14d: {  	v14 =	vmul.f32 v28, v12;
	v9 =	vsel vm1, v9, v15;
	v15 =	vadd.f32 v30, v29;
	v55, _, _ =	vpop (xrf2)  }
0x14e: {  	v39 =	vld [tilespmem:s22+$0x1350];
	v53 =	vbroadcast v46, $0xF;
	v54 =	vbroadcast v47, $0xF;
	v10 =	vsel vm1, v49, v50;
	v59, _, _ =	vpop (xrf2)  }
0x14f: {  	v46 =	vld [tilespmem:s22+$0x1370];
	v47 =	vadd.f32 v42, v41;
	v49 =	vmul.f32 v33, v33;
	v57 =	vbroadcast v51, $0xF;
	v61, _, _ =	vpop (xrf2);
	(xrf2) =	vadd.scan.msk.f32 $0xffff, v15  }
0x150: {  	v30 =	vld [tilespmem:s22+$0x13C0];
	v9 =	vsel vm2, v9, v53;
	v51 =	vadd.f32 v14, v45;
	v53 =	vmul.f32 v33, v12;
	(xrf2) =	vadd.scan.msk.f32 $0xffff, v13  }
0x151: {  	v50 =	vld [tilespmem:s22+$0x1380];
	v28 =	vmul.f32 v43, v43;
	v58 =	vbroadcast v55, $0xF;
	v10 =	vsel vm2, v10, v54;
	(xrf2) =	vadd.scan.msk.f32 $0xffff, v40  }
0x152: {  	v54 =	vld [tilespmem:s22+$0x1390];
	v55 =	vadd.f32 v49, v48;
	v62 =	vbroadcast v59, $0xF;
	v9 =	vsel vm3, v9, v57;
	(xrf2) =	vadd.scan.msk.f32 $0xffff, v44  }
0x153: {  	v57 =	vmul.f32 v39, v39;
	v59 =	vadd.f32 v53, v52;
	v10 =	vsel vm3, v10, v58;
	v58 =	vld [tilespmem:s22+$0x13A0];
	(xrf2) =	vadd.scan.msk.f32 $0xffff, v47  }
0x154: {  	v27 =	vbroadcast v61, $0xF;
	v61 =	vmul.f32 v39, v12;
	v9 =	vsel vm4, v9, v62;
	v62 =	vld [tilespmem:s22+$0x13B0];
	(xrf2) =	vadd.scan.msk.f32 $0xffff, v51  }
0x155: {  	v32 =	vmul.f32 v43, v11;
	v29 =	vmul.f32 v46, v46;
	v63 =	vadd.f32 v57, v56;
	(xrf2) =	vadd.scan.msk.f32 $0xffff, v55  }
0x156: {  	v34 =	vld [tilespmem:s22+$0x13D0];
	v33 =	vmul.f32 v46, v12;
	v53 =	vmul.f32 v30, v30;
	v31 =	vadd.f32 v61, v60;
	(xrf2) =	vadd.scan.msk.f32 $0xffff, v59  }
0x157: {  	v41 =	vld [tilespmem:s22+$0x13E0];
	v36 =	vmul.f32 v50, v50;
	v35 =	vadd.f32 v29, v28;
	v37 =	vmul.f32 v54, v54;
	(xrf2) =	vadd.scan.msk.f32 $0xffff, v63  }
0x158: {  	v39 =	vmul.f32 v50, v11;
	v38 =	vadd.f32 v33, v32;
	v40 =	vmul.f32 v54, v12;
	(xrf2) =	vadd.scan.msk.f32 $0xffff, v31  }
0x159: {  	v46 =	vld [tilespmem:s22+$0x13F0];
	v43 =	vadd.f32 v37, v36;
	v44 =	vmul.f32 v58, v58;
	v45 =	vmul.f32 v62, v62;
	v42, _, _ =	vpop (xrf2);
	(xrf2) =	vadd.scan.msk.f32 $0xffff, v35  }
0x15a: {  	v48 =	vadd.f32 v40, v39;
	v49 =	vmul.f32 v58, v11;
	v50 =	vmul.f32 v62, v12;
	v47, _, _ =	vpop (xrf2);
	(xrf2) =	vadd.scan.msk.f32 $0xffff, v38  }
0x15b: {  	v57 =	vmul.f32 v30, v11;
	v54 =	vmul.f32 v34, v34;
	v52 =	vadd.f32 v45, v44;
	v51, _, _ =	vpop (xrf2);
	(xrf2) =	vadd.scan.msk.f32 $0xffff, v43  }
0x15c: {  	v30 =	vmul.f32 v41, v11;
	v58 =	vmul.f32 v34, v12;
	v56 =	vadd.f32 v50, v49;
	v55, _, _ =	vpop (xrf2);
	(xrf2) =	vadd.scan.msk.f32 $0xffff, v48  }
0x15d: {  	v10 =	vsel vm4, v10, v27;
	v27 =	vmul.f32 v41, v41;
	v62 =	vadd.f32 v54, v53;
	v61, _, _ =	vpop (xrf2);
	(xrf2) =	vadd.scan.msk.f32 $0xffff, v52  }
0x15e: {  	v28 =	vmul.f32 v46, v46;
	v26 =	vadd.f32 v58, v57;
	v31 =	vmul.f32 v46, v12;
	v63, _, _ =	vpop (xrf2);
	(xrf2) =	vadd.scan.msk.f32 $0xffff, v56  }
0x15f: {  	v59 =	vbroadcast v42, $0xF;
	v29, _, _ =	vpop (xrf2);
	(xrf2) =	vadd.scan.msk.f32 $0xffff, v62  }
0x160: {  	v53 =	vadd.s32 v5, v8;
	v34 =	vadd.f32 v28, v27;
	v15 =	vadd.f32 v31, v30;
	v33, _, _ =	vpop (xrf2);
	(xrf2) =	vadd.scan.msk.f32 $0xffff, v26  }
0x161: {  	v60 =	vbroadcast v47, $0xF;
	v9 =	vsel vm5, v9, v59;
	v32 =	vbroadcast v51, $0xF;
	v37, _, _ =	vpop (xrf2)  }
0x162: {  	v51 =	vadd.s32 v4, v8;
	v35 =	vbroadcast v55, $0xF;
	v36 =	vbroadcast v61, $0xF;
	v38, _, _ =	vpop (xrf2);
	(xrf2) =	vadd.scan.msk.f32 $0xffff, v34  }
0x163: {  	v10 =	vsel vm5, v10, v60;
	v9 =	vsel vm6, v9, v32;
	v17 =	vbroadcast v63, $0xF;
	v40, _, _ =	vpop (xrf2);
	(xrf2) =	vadd.scan.msk.f32 $0xffff, v15  }
0x164: {  	v10 =	vsel vm6, v10, v35;
	v18 =	vbroadcast v29, $0xF;
	v9 =	vsel vm7, v9, v36;
	v42, _, _ =	vpop (xrf2)  }
0x165: {  	v39 =	vbroadcast v33, $0xF;
	v10 =	vsel vm7, v10, v17;
	v41 =	vbroadcast v37, $0xF;
	v44, _, _ =	vpop (xrf2)  }
0x166: {  	v9 =	vsel vm8, v9, v18;
	v43 =	vbroadcast v38, $0xF;
	v14 =	vbroadcast v40, $0xF;
	v46, _, _ =	vpop (xrf2)  }
0x167: {  	s23 =	sor.u32 $0x1, s21;
	v10 =	vsel vm8, v10, v39;
	v9 =	vsel vm9, v9, v41;
	v45 =	vbroadcast v42, $0xF;
	v47, _, _ =	vpop (xrf2)  }
0x168: {  	s24 =	smul.u32 $0x1900, s23;
	v10 =	vsel vm9, v10, v43;
	v17 =	vbroadcast v44, $0xF;
	v9 =	vsel vm10, v9, v14;
	v48, _, _ =	vpop (xrf2)  }
0x169: {  	v10 =	vsel vm10, v10, v45;
	v49 =	vbroadcast v46, $0xF;
	v13 =	vbroadcast v47, $0xF;
	v50, _, _ =	vpop (xrf2)  }
0x16a: {  	s24 =	sshra.s32 s24, $0x2;
	v9 =	vsel vm11, v9, v17;
	v14 =	vbroadcast v48, $0xF;
	v52, _, _ =	vpop (xrf2);
	v16 =	vbroadcast v50, $0xF  }
0x16b: {  	v24 =	vld [tilespmem:s24+$0xE30];
	v10 =	vsel vm11, v10, v49;
	v9 =	vsel vm12, v9, v13;
	v54 =	vbroadcast v52, $0xF  }
0x16c: {  	v25 =	vld [tilespmem:s24+$0xE40];
	v10 =	vsel vm12, v10, v14;
	v9 =	vsel vm13, v9, v16;
	v55, _, _ =	vpop (xrf2)  }
0x16d: {  	v28 =	vld [tilespmem:s24+$0xE50];
	v10 =	vsel vm13, v10, v54;
	v56, _, _ =	vpop (xrf2);
	v9 =	vsel vm14, v9, v55  }
0x16e: {  	v61 =	vld [tilespmem:s24+$0xE20];
	v10 =	vsel vm14, v10, v56;
	[tilespmem:v51+s16+$0x0] =	vst.idx.msk $0xffff, v9  }
0x16f: {  	v29 =	vld [tilespmem:s24+$0xE60];
	[tilespmem:v53+s17+$0x0] =	vst.idx.msk $0xffff, v10  }
0x170: {  	v57 =	vld [tilespmem:s22+$0x1400]  }
0x171: {  	v58 =	vld [tilespmem:s22+$0x1410]  }
0x172: {  	v59 =	vld [tilespmem:s22+$0x1420]  }
0x173: {  	v60 =	vld [tilespmem:s22+$0x1430]  }
0x174: {  	v35 =	vmul.f32 v24, v24;
	v34 =	vmul.f32 v61, v61;
	v9 =	vld [tilespmem:s24+$0xE00]  }
0x175: {  	v42 =	vmul.f32 v25, v25;
	v43 =	vmul.f32 v28, v28;
	v10 =	vld [tilespmem:s24+$0xE10]  }
0x176: {  	v33 =	vld [tilespmem:s24+$0xE70];
	v62 =	vmul.f32 v57, v57;
	v63 =	vmul.f32 v58, v58  }
0x177: {  	v41 =	vadd.f32 v35, v34;
	v13 =	vmul.f32 v57, v11;
	v14 =	vmul.f32 v58, v12  }
0x178: {  	v36 =	vld [tilespmem:s24+$0xE80];
	v26 =	vmul.f32 v59, v59;
	v27 =	vmul.f32 v60, v60;
	v18 =	vadd.f32 v63, v62  }
0x179: {  	v44 =	vld [tilespmem:s24+$0xEA0];
	v11 =	vmul.f32 v59, v11;
	v12 =	vmul.f32 v60, v12;
	v13 =	vadd.f32 v14, v13  }
0x17a: {  	v40 =	vld [tilespmem:s24+$0xE90];
	v31 =	vmul.f32 v9, v9;
	v32 =	vmul.f32 v10, v10;
	v30 =	vadd.f32 v27, v26;
	(xrf2) =	vadd.scan.msk.f32 $0xffff, v18  }
0x17b: {  	v48 =	vld [tilespmem:s24+$0xEB0];
	v50 =	vmul.f32 v29, v29;
	v51 =	vmul.f32 v33, v33;
	v11 =	vadd.f32 v12, v11;
	(xrf2) =	vadd.scan.msk.f32 $0xffff, v13  }
0x17c: {  	v54 =	vld [tilespmem:s24+$0xEC0];
	v38 =	vmul.f32 v61, v9;
	v39 =	vmul.f32 v24, v10;
	v37 =	vadd.f32 v32, v31;
	(xrf2) =	vadd.scan.msk.f32 $0xffff, v30  }
0x17d: {  	v56 =	vmul.f32 v36, v36;
	v55 =	vadd.f32 v51, v50;
	v46 =	vmul.f32 v25, v9;
	(xrf2) =	vadd.scan.msk.f32 $0xffff, v11  }
0x17e: {  	v50 =	vld [tilespmem:s24+$0xF10];
	v61 =	vmul.f32 v44, v44;
	v47 =	vmul.f32 v28, v10;
	v45 =	vadd.f32 v39, v38;
	(xrf2) =	vadd.scan.msk.f32 $0xffff, v37  }
0x17f: {  	v49 =	vadd.f32 v43, v42;
	v53 =	vmul.f32 v33, v10;
	v58 =	vld [tilespmem:s24+$0xED0];
	v14 =	vmul.f32 v29, v9;
	(xrf2) =	vadd.scan.msk.f32 $0xffff, v41  }
0x180: {  	v57 =	vmul.f32 v40, v40;
	v60 =	vmul.f32 v40, v10;
	v40 =	vld [tilespmem:s24+$0xEE0];
	v52 =	vadd.f32 v47, v46;
	(xrf2) =	vadd.scan.msk.f32 $0xffff, v45  }
0x181: {  	v17 =	vmul.f32 v54, v9;
	v24 =	vmul.f32 v48, v10;
	v47 =	vld [tilespmem:s24+$0xF00];
	v14 =	vadd.f32 v53, v14;
	(xrf2) =	vadd.scan.msk.f32 $0xffff, v49  }
0x182: {  	v59 =	vmul.f32 v36, v9;
	v12 =	vadd.f32 v57, v56;
	v63 =	vmul.f32 v44, v9;
	v44 =	vld [tilespmem:s24+$0xEF0];
	(xrf2) =	vadd.scan.msk.f32 $0xffff, v52  }
0x183: {  	v22 =	vmul.f32 v50, v10;
	v62 =	vmul.f32 v48, v48;
	(xrf2) =	vadd.scan.msk.f32 $0xffff, v55  }
0x184: {  	v27 =	vmul.f32 v58, v58;
	v19 =	vmul.f32 v58, v10;
	v58 =	vld [tilespmem:s24+$0xF50];
	v11, _, _ =	vpop (xrf2);
	(xrf2) =	vadd.scan.msk.f32 $0xffff, v14  }
0x185: {  	v15 =	vadd.f32 v60, v59;
	v26 =	vmul.f32 v54, v54;
	v18 =	vadd.f32 v62, v61;
	v14, _, _ =	vpop (xrf2);
	(xrf2) =	vadd.scan.msk.f32 $0xffff, v12  }
0x186: {  	v25 =	vadd.f32 v24, v63;
	v57 =	vmul.f32 v40, v9;
	v59 =	vmul.f32 v47, v47;
	v12, _, _ =	vpop (xrf2)  }
0x187: {  	v61 =	vmul.f32 v47, v9;
	v29 =	vadd.f32 v27, v26;
	v24 =	vmul.f32 v44, v10;
	v52 =	vld [tilespmem:s24+$0xF20];
	(xrf2) =	vadd.scan.msk.f32 $0xffff, v15;
	v13, _, _ =	vpop (xrf2)  }
0x188: {  	v54 =	vld [tilespmem:s24+$0xF30];
	v17 =	vadd.f32 v19, v17;
	v56 =	vmul.f32 v44, v44;
	v55 =	vmul.f32 v40, v40;
	(xrf2) =	vadd.scan.msk.f32 $0xffff, v18;
	v28, _, _ =	vpop (xrf2)  }
0x189: {  	v60 =	vadd.f32 v24, v57;
	v44 =	vmul.f32 v58, v10;
	(xrf2) =	vadd.scan.msk.f32 $0xffff, v25;
	v30, _, _ =	vpop (xrf2);
	v18 =	vbroadcast v28, $0xF  }
0x18a: {  	v40 =	vmul.f32 v58, v58;
	v19 =	vadd.f32 v56, v55;
	v28 =	vmul.f32 v50, v50;
	v31, _, _ =	vpop (xrf2);
	(xrf2) =	vadd.scan.msk.f32 $0xffff, v29  }
0x18b: {  	v16 =	vbroadcast v30, $0xF;
	v29 =	vld [tilespmem:s24+$0xF60];
	v32, _, _ =	vpop (xrf2);
	v18 =	vnsel vm0, $0x0, v18;
	v20 =	vbroadcast v31, $0xF  }
0x18c: {  	v62 =	vld [tilespmem:s24+$0xF70];
	v63 =	vadd.f32 v28, v59;
	v33, _, _ =	vpop (xrf2);
	v15 =	vbroadcast v32, $0xF;
	v32 =	vmul.f32 v52, v52  }
0x18d: {  	v16 =	vsel vm0, v18, v16;
	v34, _, _ =	vpop (xrf2);
	v21 =	vbroadcast v33, $0xF;
	v33 =	vmul.f32 v54, v54  }
0x18e: {  	v27 =	vld [tilespmem:s24+$0xF40];
	v18 =	vsel vm0, v18, v20;
	v20 =	vmul.f32 v54, v10;
	v35, _, _ =	vpop (xrf2);
	v37 =	vbroadcast v34, $0xF  }
0x18f: {  	v15 =	vsel vm1, v16, v15;
	v36, _, _ =	vpop (xrf2);
	v38 =	vbroadcast v35, $0xF;
	v41 =	vsel vm1, v18, v21  }
0x190: {  	v35 =	vadd.f32 v22, v61;
	v47 =	vmul.f32 v29, v29;
	v42 =	vbroadcast v36, $0xF  }
0x191: {  	(xrf2) =	vadd.scan.msk.f32 $0xffff, v17;
	v39, _, _ =	vpop (xrf2);
	v15 =	vsel vm2, v15, v37;
	v36 =	vmul.f32 v52, v9;
	v52 =	vmul.f32 v62, v10  }
0x192: {  	v34 =	vld [tilespmem:s24+$0xF80];
	(xrf2) =	vadd.scan.msk.f32 $0xffff, v19;
	v43, _, _ =	vpop (xrf2);
	v16 =	vsel vm2, v41, v38;
	v45 =	vbroadcast v39, $0xF;
	v38 =	vadd.f32 v33, v32  }
0x193: {  	(xrf2) =	vadd.scan.msk.f32 $0xffff, v60;
	v37 =	vld [tilespmem:s24+$0xF90];
	v39 =	vmul.f32 v27, v27;
	v46, _, _ =	vpop (xrf2);
	v15 =	vsel vm3, v15, v42;
	v48 =	vbroadcast v43, $0xF  }
0x194: {  	(xrf2) =	vadd.scan.msk.f32 $0xffff, v63;
	v41 =	vld [tilespmem:s24+$0xFA0];
	v42 =	vadd.f32 v20, v36;
	v43 =	vmul.f32 v27, v9;
	v49 =	vbroadcast v46, $0xF;
	v51, _, _ =	vpop (xrf2)  }
0x195: {  	(xrf2) =	vadd.scan.msk.f32 $0xffff, v35;
	v16 =	vsel vm3, v16, v45;
	v45 =	vld [tilespmem:s24+$0xFB0];
	v46 =	vadd.f32 v40, v39;
	v53 =	vbroadcast v51, $0xF  }
0x196: {  	(xrf2) =	vadd.scan.msk.f32 $0xffff, v38;
	v15 =	vsel vm4, v15, v48;
	v48 =	vmul.f32 v62, v62;
	v16 =	vsel vm4, v16, v49;
	v49 =	vld [tilespmem:s24+$0xFC0]  }
0x197: {  	(xrf2) =	vadd.scan.msk.f32 $0xffff, v42;
	v50 =	vadd.f32 v44, v43;
	v51 =	vmul.f32 v29, v9;
	v15 =	vsel vm5, v15, v53;
	v53 =	vld [tilespmem:s24+$0xFD0]  }
0x198: {  	v55 =	vmul.f32 v34, v34;
	(xrf2) =	vadd.scan.msk.f32 $0xffff, v46;
	v56 =	vmul.f32 v37, v37;
	v54 =	vadd.f32 v48, v47  }
0x199: {  	v60 =	vld [tilespmem:s24+$0xFE0];
	v58 =	vmul.f32 v34, v9;
	v59 =	vmul.f32 v37, v10;
	(xrf2) =	vadd.scan.msk.f32 $0xffff, v50;
	v57 =	vadd.f32 v52, v51  }
0x19a: {  	v32 =	vld [tilespmem:s24+$0xFF0];
	v62 =	vmul.f32 v41, v41;
	v61 =	vadd.f32 v56, v55;
	(xrf2) =	vadd.scan.msk.f32 $0xffff, v54;
	v63 =	vmul.f32 v45, v45  }
0x19b: {  	v35 =	vmul.f32 v41, v9;
	v34 =	vadd.f32 v59, v58;
	v33, _, _ =	vpop (xrf2);
	v36 =	vmul.f32 v45, v10;
	(xrf2) =	vadd.scan.msk.f32 $0xffff, v57  }
0x19c: {  	v37, _, _ =	vpop (xrf2);
	(xrf2) =	vadd.scan.msk.f32 $0xffff, v61;
	v38 =	vadd.f32 v63, v62;
	v39 =	vmul.f32 v49, v49;
	v40 =	vmul.f32 v53, v53  }
0x19d: {  	v41, _, _ =	vpop (xrf2);
	v42 =	vadd.f32 v36, v35;
	v43 =	vmul.f32 v49, v9;
	(xrf2) =	vadd.scan.msk.f32 $0xffff, v34;
	v44 =	vmul.f32 v53, v10  }
0x19e: {  	v27 =	vmov s23;
	v50 =	vmul.f32 v60, v60;
	v46, _, _ =	vpop (xrf2);
	(xrf2) =	vadd.scan.msk.f32 $0xffff, v38;
	v47 =	vadd.f32 v40, v39  }
0x19f: {  	v51 =	vmul.f32 v32, v32;
	v54 =	vmul.f32 v32, v10;
	v48, _, _ =	vpop (xrf2);
	(xrf2) =	vadd.scan.msk.f32 $0xffff, v42;
	v49 =	vadd.f32 v44, v43  }
0x1a0: {  	v17 =	vmul.u32 $0x38, v27;
	v45 =	vbroadcast v33, $0xF;
	v53 =	vmul.f32 v60, v9;
	v52, _, _ =	vpop (xrf2);
	(xrf2) =	vadd.scan.msk.f32 $0xffff, v47  }
0x1a1: {  	v57 =	vadd.f32 v51, v50;
	v25 =	vbroadcast v37, $0xF;
	v55 =	vbroadcast v41, $0xF;
	v56, _, _ =	vpop (xrf2);
	(xrf2) =	vadd.scan.msk.f32 $0xffff, v49  }
0x1a2: {  	v16 =	vsel vm5, v16, v45;
	v58 =	vbroadcast v46, $0xF;
	v19 =	vadd.f32 v54, v53;
	v60, _, _ =	vpop (xrf2)  }
0x1a3: {  	v15 =	vsel vm6, v15, v25;
	v59 =	vbroadcast v48, $0xF;
	v16 =	vsel vm6, v16, v55;
	v63, _, _ =	vpop (xrf2);
	(xrf2) =	vadd.scan.msk.f32 $0xffff, v57  }
0x1a4: {  	v61 =	vbroadcast v52, $0xF;
	v15 =	vsel vm7, v15, v58;
	v62 =	vbroadcast v56, $0xF;
	v28, _, _ =	vpop (xrf2);
	(xrf2) =	vadd.scan.msk.f32 $0xffff, v19  }
0x1a5: {  	v16 =	vsel vm7, v16, v59;
	v29 =	vbroadcast v60, $0xF;
	v31 =	vbroadcast v63, $0xF;
	v30, _, _ =	vpop (xrf2)  }
0x1a6: {  	v15 =	vsel vm8, v15, v61;
	v16 =	vsel vm8, v16, v62;
	v18 =	vbroadcast v28, $0xF;
	v32, _, _ =	vpop (xrf2)  }
0x1a7: {  	v15 =	vsel vm9, v15, v29;
	v16 =	vsel vm9, v16, v31;
	v33 =	vbroadcast v30, $0xF;
	v34, _, _ =	vpop (xrf2)  }
0x1a8: {  	v22 =	vbroadcast v32, $0xF;
	v18 =	vsel vm10, v15, v18;
	v15 =	vbroadcast v17, $0x0;
	v35, _, _ =	vpop (xrf2)  }
0x1a9: {  	v16 =	vsel vm10, v16, v33;
	v38 =	vbroadcast v34, $0xF;
	v37, _, _ =	vpop (xrf2)  }
0x1aa: {  	v36 =	vsel vm11, v18, v22;
	v39 =	vbroadcast v35, $0xF;
	v41 =	vadd.s32 v0, v15;
	v40, _, _ =	vpop (xrf2)  }
0x1ab: {  	v43 =	vadd.s32 v1, v15;
	v18 =	vbroadcast v37, $0xF;
	v42, _, _ =	vpop (xrf2);
	v21 =	vbroadcast v40, $0xF  }
0x1ac: {  	v16 =	vsel vm11, v16, v38;
	v17 =	vsel vm12, v36, v39;
	v44 =	vbroadcast v42, $0xF  }
0x1ad: {  	v16 =	vsel vm12, v16, v18;
	v45, _, _ =	vpop (xrf2);
	v17 =	vsel vm13, v17, v21  }
0x1ae: {  	v46, _, _ =	vpop (xrf2);
	v16 =	vsel vm13, v16, v44;
	v17 =	vsel vm14, v17, v45  }
0x1af: {  	v16 =	vsel vm14, v16, v46;
	[tilespmem:v41+s16+$0x0] =	vst.idx.msk $0xffff, v17  }
0x1b0: {  	[tilespmem:v43+s17+$0x0] =	vst.idx.msk vm15, v16  }
0x1b1: {  	v16 =	vld [tilespmem:s24+$0x1000]  }
0x1b2: {  	v17 =	vld [tilespmem:s24+$0x1010]  }
0x1b3: {  	v47 =	vld [tilespmem:s24+$0x1020]  }
0x1b4: {  	v48 =	vld [tilespmem:s24+$0x1030]  }
0x1b5: {  	v49 =	vld [tilespmem:s24+$0x1040]  }
0x1b6: {  	v50 =	vld [tilespmem:s24+$0x1050]  }
0x1b7: {  	v24 =	vld [tilespmem:s24+$0x1060];
	v51 =	vmul.f32 v16, v16;
	v52 =	vmul.f32 v17, v17  }
0x1b8: {  	v53 =	vld [tilespmem:s24+$0x1070];
	v16 =	vmul.f32 v16, v9;
	v17 =	vmul.f32 v17, v10  }
0x1b9: {  	v54 =	vmul.f32 v47, v47;
	v55 =	vmul.f32 v48, v48  }
0x1ba: {  	v63 =	vld [tilespmem:s24+$0x10A0];
	v57 =	vmul.f32 v47, v9;
	v58 =	vmul.f32 v48, v10  }
0x1bb: {  	v56 =	vld [tilespmem:s24+$0x1080];
	v61 =	vmul.f32 v49, v49;
	v62 =	vmul.f32 v50, v50;
	v22 =	vadd.f32 v52, v51  }
0x1bc: {  	v59 =	vld [tilespmem:s24+$0x1090];
	v32 =	vmul.f32 v49, v9;
	v33 =	vmul.f32 v50, v10;
	v16 =	vadd.f32 v17, v16  }
0x1bd: {  	v34 =	vld [tilespmem:s24+$0x10B0];
	v36 =	vmul.f32 v24, v24;
	v37 =	vmul.f32 v53, v53;
	v60 =	vadd.f32 v55, v54;
	(xrf2) =	vadd.scan.msk.f32 $0xffff, v22  }
0x1be: {  	v39 =	vmul.f32 v24, v9;
	v40 =	vmul.f32 v53, v10;
	v31 =	vadd.f32 v58, v57;
	(xrf2) =	vadd.scan.msk.f32 $0xffff, v16  }
0x1bf: {  	v48 =	vmul.f32 v63, v63;
	v35 =	vadd.f32 v62, v61;
	v51 =	vmul.f32 v63, v9;
	v63 =	vld [tilespmem:s24+$0x10C0];
	(xrf2) =	vadd.scan.msk.f32 $0xffff, v60  }
0x1c0: {  	v42 =	vmul.f32 v56, v56;
	v38 =	vadd.f32 v33, v32;
	v44 =	vadd.f32 v40, v39;
	v39 =	vld [tilespmem:s24+$0x10F0];
	(xrf2) =	vadd.scan.msk.f32 $0xffff, v31  }
0x1c1: {  	v43 =	vmul.f32 v59, v59;
	v45 =	vmul.f32 v56, v9;
	v41 =	vadd.f32 v37, v36;
	v31 =	vld [tilespmem:s24+$0x10D0];
	(xrf2) =	vadd.scan.msk.f32 $0xffff, v35  }
0x1c2: {  	v46 =	vmul.f32 v59, v10;
	v52 =	vmul.f32 v34, v10;
	v35 =	vld [tilespmem:s24+$0x10E0];
	(xrf2) =	vadd.scan.msk.f32 $0xffff, v38  }
0x1c3: {  	v49 =	vmul.f32 v34, v34;
	v47 =	vadd.f32 v43, v42;
	(xrf2) =	vadd.scan.msk.f32 $0xffff, v41  }
0x1c4: {  	v50 =	vadd.f32 v46, v45;
	v54 =	vadd.f32 v52, v51;
	v52 =	vld [tilespmem:s24+$0x1140];
	(xrf2) =	vadd.scan.msk.f32 $0xffff, v44  }
0x1c5: {  	v53 =	vadd.f32 v49, v48;
	v42 =	vld [tilespmem:s24+$0x1100];
	v45 =	vmul.f32 v63, v63;
	v48 =	vmul.f32 v63, v9;
	(xrf2) =	vadd.scan.msk.f32 $0xffff, v47  }
0x1c6: {  	v51 =	vmul.f32 v39, v39;
	v46 =	vmul.f32 v31, v31;
	v47 =	vld [tilespmem:s24+$0x1120];
	(xrf2) =	vadd.scan.msk.f32 $0xffff, v50  }
0x1c7: {  	v21 =	vmul.f32 v31, v10;
	v50 =	vmul.f32 v35, v35;
	v55, _, _ =	vpop (xrf2);
	(xrf2) =	vadd.scan.msk.f32 $0xffff, v53  }
0x1c8: {  	v44 =	vld [tilespmem:s24+$0x1110];
	v53 =	vmul.f32 v35, v9;
	v56, _, _ =	vpop (xrf2);
	(xrf2) =	vadd.scan.msk.f32 $0xffff, v54;
	v17 =	vbroadcast v55, $0xF  }
0x1c9: {  	v54 =	vmul.f32 v39, v10;
	v39 =	vmul.f32 v52, v52;
	v57, _, _ =	vpop (xrf2)  }
0x1ca: {  	v18 =	vbroadcast v56, $0xF;
	v58, _, _ =	vpop (xrf2);
	v16 =	vbroadcast v57, $0xF  }
0x1cb: {  	v57 =	vmul.f32 v42, v42;
	v63 =	vmul.f32 v47, v47;
	v59, _, _ =	vpop (xrf2)  }
0x1cc: {  	v55 =	vld [tilespmem:s24+$0x1150];
	v56 =	vadd.f32 v51, v50;
	v35 =	vmul.f32 v47, v9;
	v19 =	vbroadcast v58, $0xF;
	v60, _, _ =	vpop (xrf2)  }
0x1cd: {  	v58 =	vmul.f32 v44, v44;
	v20 =	vbroadcast v59, $0xF;
	v16 =	vsel vm0, v17, v16;
	v61, _, _ =	vpop (xrf2)  }
0x1ce: {  	v49 =	vld [tilespmem:s24+$0x1130];
	v59 =	vadd.f32 v54, v53;
	v28 =	vsel vm0, v18, v19;
	v29 =	vbroadcast v60, $0xF;
	v62, _, _ =	vpop (xrf2)  }
0x1cf: {  	v18 =	vadd.f32 v21, v48;
	v60 =	vmul.f32 v42, v9;
	v19 =	vmul.f32 v44, v10;
	v30, _, _ =	vpop (xrf2)  }
0x1d0: {  	v16 =	vsel vm1, v16, v20;
	v32 =	vbroadcast v61, $0xF;
	v20 =	vadd.f32 v46, v45;
	v34, _, _ =	vpop (xrf2)  }
0x1d1: {  	v44 =	vmul.f32 v55, v10;
	v33 =	vbroadcast v62, $0xF;
	v17 =	vsel vm1, v28, v29;
	v38, _, _ =	vpop (xrf2)  }
0x1d2: {  	v61 =	vld [tilespmem:s24+$0x1170];
	v62 =	vadd.f32 v58, v57;
	v36 =	vbroadcast v30, $0xF;
	v16 =	vsel vm2, v16, v32;
	v40, _, _ =	vpop (xrf2);
	(xrf2) =	vadd.scan.msk.f32 $0xffff, v20  }
0x1d3: {  	v30 =	vld [tilespmem:s24+$0x1160];
	v32 =	vmul.f32 v49, v49;
	v37 =	vbroadcast v34, $0xF;
	v17 =	vsel vm2, v17, v33;
	(xrf2) =	vadd.scan.msk.f32 $0xffff, v18  }
0x1d4: {  	v33 =	vld [tilespmem:s24+$0x1180];
	v34 =	vadd.f32 v19, v60;
	v41 =	vbroadcast v38, $0xF;
	v16 =	vsel vm3, v16, v36;
	(xrf2) =	vadd.scan.msk.f32 $0xffff, v56  }
0x1d5: {  	v36 =	vmul.f32 v49, v10;
	v17 =	vsel vm3, v17, v37;
	v43 =	vbroadcast v40, $0xF;
	v37 =	vld [tilespmem:s24+$0x1190];
	(xrf2) =	vadd.scan.msk.f32 $0xffff, v59  }
0x1d6: {  	v45 =	vld [tilespmem:s24+$0x11B0];
	v38 =	vadd.f32 v32, v63;
	v40 =	vmul.f32 v55, v55;
	v16 =	vsel vm4, v16, v41;
	(xrf2) =	vadd.scan.msk.f32 $0xffff, v62  }
0x1d7: {  	v41 =	vld [tilespmem:s24+$0x11A0];
	v42 =	vadd.f32 v36, v35;
	v17 =	vsel vm4, v17, v43;
	v43 =	vmul.f32 v52, v9;
	(xrf2) =	vadd.scan.msk.f32 $0xffff, v34  }
0x1d8: {  	v53 =	vld [tilespmem:s24+$0x11D0];
	v48 =	vmul.f32 v61, v61;
	v46 =	vadd.f32 v40, v39;
	v47 =	vmul.f32 v30, v30;
	(xrf2) =	vadd.scan.msk.f32 $0xffff, v38  }
0x1d9: {  	v49 =	vld [tilespmem:s24+$0x11C0];
	v51 =	vmul.f32 v30, v9;
	v52 =	vmul.f32 v61, v10;
	v50 =	vadd.f32 v44, v43;
	(xrf2) =	vadd.scan.msk.f32 $0xffff, v42  }
0x1da: {  	v55 =	vmul.f32 v33, v33;
	v54 =	vadd.f32 v48, v47;
	v56 =	vmul.f32 v37, v37;
	(xrf2) =	vadd.scan.msk.f32 $0xffff, v46  }
0x1db: {  	v60 =	vld [tilespmem:s24+$0x11E0];
	v58 =	vmul.f32 v33, v9;
	v57 =	vadd.f32 v52, v51;
	v59 =	vmul.f32 v37, v10;
	(xrf2) =	vadd.scan.msk.f32 $0xffff, v50  }
0x1dc: {  	v33 =	vmul.f32 v45, v45;
	v34 =	vld [tilespmem:s24+$0x11F0];
	v63 =	vmul.f32 v41, v41;
	v62 =	vadd.f32 v56, v55;
	v61, _, _ =	vpop (xrf2);
	(xrf2) =	vadd.scan.msk.f32 $0xffff, v54  }
0x1dd: {  	v37 =	vmul.f32 v45, v10;
	v36 =	vmul.f32 v41, v9;
	v35 =	vadd.f32 v59, v58;
	v31, _, _ =	vpop (xrf2);
	(xrf2) =	vadd.scan.msk.f32 $0xffff, v57  }
0x1de: {  	v40 =	vmul.f32 v49, v49;
	v41 =	vmul.f32 v53, v53;
	v39 =	vadd.f32 v33, v63;
	v38, _, _ =	vpop (xrf2);
	(xrf2) =	vadd.scan.msk.f32 $0xffff, v62  }
0x1df: {  	v44 =	vmul.f32 v49, v9;
	v45 =	vmul.f32 v53, v10;
	v43 =	vadd.f32 v37, v36;
	v42, _, _ =	vpop (xrf2);
	(xrf2) =	vadd.scan.msk.f32 $0xffff, v35  }
0x1e0: {  	v52 =	vmul.f32 v60, v60;
	v49 =	vadd.f32 v41, v40;
	v48, _, _ =	vpop (xrf2);
	(xrf2) =	vadd.scan.msk.f32 $0xffff, v39  }
0x1e1: {  	v51 =	vadd.f32 v45, v44;
	v55 =	vmul.f32 v60, v9;
	v53 =	vmul.f32 v34, v34;
	v50, _, _ =	vpop (xrf2);
	(xrf2) =	vadd.scan.msk.f32 $0xffff, v43  }
0x1e2: {  	v56 =	vmul.f32 v34, v10;
	v46 =	vbroadcast v61, $0xF;
	v54, _, _ =	vpop (xrf2);
	(xrf2) =	vadd.scan.msk.f32 $0xffff, v49  }
0x1e3: {  	v41 =	vadd.s32 v3, v15;
	v47 =	vbroadcast v31, $0xF;
	v59 =	vadd.f32 v53, v52;
	v58, _, _ =	vpop (xrf2);
	(xrf2) =	vadd.scan.msk.f32 $0xffff, v51  }
0x1e4: {  	v20 =	vadd.f32 v56, v55;
	v16 =	vsel vm5, v16, v46;
	v57 =	vbroadcast v38, $0xF;
	v62, _, _ =	vpop (xrf2)  }
0x1e5: {  	v17 =	vsel vm5, v17, v47;
	v60 =	vbroadcast v42, $0xF;
	v61 =	vbroadcast v48, $0xF;
	v63, _, _ =	vpop (xrf2);
	(xrf2) =	vadd.scan.msk.f32 $0xffff, v59  }
0x1e6: {  	v39 =	vadd.s32 v2, v15;
	v16 =	vsel vm6, v16, v57;
	v22 =	vbroadcast v50, $0xF;
	v28, _, _ =	vpop (xrf2);
	(xrf2) =	vadd.scan.msk.f32 $0xffff, v20  }
0x1e7: {  	v17 =	vsel vm6, v17, v60;
	v23 =	vbroadcast v54, $0xF;
	v16 =	vsel vm7, v16, v61;
	v30, _, _ =	vpop (xrf2)  }
0x1e8: {  	v26 =	vbroadcast v58, $0xF;
	v17 =	vsel vm7, v17, v22;
	v29 =	vbroadcast v62, $0xF;
	v32, _, _ =	vpop (xrf2)  }
0x1e9: {  	v16 =	vsel vm8, v16, v23;
	v31 =	vbroadcast v63, $0xF;
	v19 =	vbroadcast v28, $0xF;
	v34, _, _ =	vpop (xrf2)  }
0x1ea: {  	v17 =	vsel vm8, v17, v26;
	v16 =	vsel vm9, v16, v29;
	v33 =	vbroadcast v30, $0xF;
	v35, _, _ =	vpop (xrf2)  }
0x1eb: {  	v17 =	vsel vm9, v17, v31;
	v22 =	vbroadcast v32, $0xF;
	v16 =	vsel vm10, v16, v19;
	v36, _, _ =	vpop (xrf2)  }
0x1ec: {  	v17 =	vsel vm10, v17, v33;
	v37 =	vbroadcast v34, $0xF;
	v18 =	vbroadcast v35, $0xF;
	v38, _, _ =	vpop (xrf2)  }
0x1ed: {  	v16 =	vsel vm11, v16, v22;
	v19 =	vbroadcast v36, $0xF;
	v40, _, _ =	vpop (xrf2);
	v21 =	vbroadcast v38, $0xF  }
0x1ee: {  	v17 =	vsel vm11, v17, v37;
	v16 =	vsel vm12, v16, v18;
	v42 =	vbroadcast v40, $0xF  }
0x1ef: {  	v17 =	vsel vm12, v17, v19;
	v16 =	vsel vm13, v16, v21;
	v43, _, _ =	vpop (xrf2)  }
0x1f0: {  	v17 =	vsel vm13, v17, v42;
	v44, _, _ =	vpop (xrf2);
	v16 =	vsel vm14, v16, v43  }
0x1f1: {  	v17 =	vsel vm14, v17, v44;
	[tilespmem:v39+s16+$0x0] =	vst.idx.msk $0xffff, v16  }
0x1f2: {  	[tilespmem:v41+s17+$0x0] =	vst.idx.msk $0xffff, v17  }
0x1f3: {  	v16 =	vld [tilespmem:s24+$0x1200]  }
0x1f4: {  	v17 =	vld [tilespmem:s24+$0x1210]  }
0x1f5: {  	v45 =	vld [tilespmem:s24+$0x1220]  }
0x1f6: {  	v46 =	vld [tilespmem:s24+$0x1230]  }
0x1f7: {  	v47 =	vld [tilespmem:s24+$0x1240]  }
0x1f8: {  	v48 =	vld [tilespmem:s24+$0x1250]  }
0x1f9: {  	v24 =	vld [tilespmem:s24+$0x1260];
	v49 =	vmul.f32 v16, v16  }
0x1fa: {  	v51 =	vld [tilespmem:s24+$0x1270];
	v50 =	vmul.f32 v17, v17;
	v16 =	vmul.f32 v16, v9  }
0x1fb: {  	v61 =	vld [tilespmem:s24+$0x12A0];
	v17 =	vmul.f32 v17, v10;
	v52 =	vmul.f32 v45, v45  }
0x1fc: {  	v30 =	vld [tilespmem:s24+$0x12B0];
	v53 =	vmul.f32 v46, v46;
	v55 =	vmul.f32 v45, v9  }
0x1fd: {  	v54 =	vld [tilespmem:s24+$0x1280];
	v56 =	vmul.f32 v46, v10;
	v59 =	vmul.f32 v47, v47;
	v22 =	vadd.f32 v50, v49  }
0x1fe: {  	v57 =	vld [tilespmem:s24+$0x1290];
	v60 =	vmul.f32 v48, v48;
	v63 =	vmul.f32 v47, v9;
	v16 =	vadd.f32 v17, v16  }
0x1ff: {  	v29 =	vmul.f32 v48, v10;
	v32 =	vmul.f32 v24, v24;
	v58 =	vadd.f32 v53, v52;
	(xrf2) =	vadd.scan.msk.f32 $0xffff, v22  }
0x200: {  	v33 =	vmul.f32 v51, v51;
	v47 =	vmul.f32 v61, v9;
	v62 =	vadd.f32 v56, v55;
	(xrf2) =	vadd.scan.msk.f32 $0xffff, v16  }
0x201: {  	v48 =	vmul.f32 v30, v10;
	v31 =	vadd.f32 v60, v59;
	v34 =	vadd.f32 v29, v63;
	v63 =	vld [tilespmem:s24+$0x12D0];
	(xrf2) =	vadd.scan.msk.f32 $0xffff, v58  }
0x202: {  	v35 =	vmul.f32 v24, v9;
	v36 =	vmul.f32 v51, v10;
	v37 =	vadd.f32 v33, v32;
	v33 =	vld [tilespmem:s24+$0x12E0];
	(xrf2) =	vadd.scan.msk.f32 $0xffff, v62  }
0x203: {  	v38 =	vmul.f32 v54, v54;
	v39 =	vmul.f32 v57, v57;
	v50 =	vadd.f32 v48, v47;
	v47 =	vld [tilespmem:s24+$0x1330];
	(xrf2) =	vadd.scan.msk.f32 $0xffff, v31  }
0x204: {  	v41 =	vmul.f32 v54, v9;
	v42 =	vmul.f32 v57, v10;
	v59 =	vld [tilespmem:s24+$0x12C0];
	(xrf2) =	vadd.scan.msk.f32 $0xffff, v34  }
0x205: {  	v44 =	vmul.f32 v61, v61;
	v45 =	vmul.f32 v30, v30;
	v40 =	vadd.f32 v36, v35;
	(xrf2) =	vadd.scan.msk.f32 $0xffff, v37;
	v37 =	vld [tilespmem:s24+$0x12F0]  }
0x206: {  	v43 =	vadd.f32 v39, v38;
	v46 =	vadd.f32 v42, v41  }
0x207: {  	v49 =	vadd.f32 v45, v44;
	v44 =	vmul.f32 v63, v63;
	v21 =	vmul.f32 v63, v10;
	(xrf2) =	vadd.scan.msk.f32 $0xffff, v40  }
0x208: {  	v48 =	vmul.f32 v33, v33;
	v63 =	vmul.f32 v47, v47;
	v40 =	vld [tilespmem:s24+$0x1300];
	(xrf2) =	vadd.scan.msk.f32 $0xffff, v43  }
0x209: {  	v43 =	vmul.f32 v59, v59;
	(xrf2) =	vadd.scan.msk.f32 $0xffff, v46;
	v46 =	vmul.f32 v59, v9;
	v51, _, _ =	vpop (xrf2)  }
0x20a: {  	(xrf2) =	vadd.scan.msk.f32 $0xffff, v49;
	v52, _, _ =	vpop (xrf2);
	v17 =	vbroadcast v51, $0xF;
	v49 =	vmul.f32 v37, v37  }
0x20b: {  	v42 =	vld [tilespmem:s24+$0x1310];
	(xrf2) =	vadd.scan.msk.f32 $0xffff, v50;
	v51 =	vmul.f32 v33, v9;
	v53, _, _ =	vpop (xrf2);
	v18 =	vbroadcast v52, $0xF  }
0x20c: {  	v50 =	vld [tilespmem:s24+$0x1340];
	v52 =	vmul.f32 v37, v10;
	v54, _, _ =	vpop (xrf2);
	v16 =	vbroadcast v53, $0xF  }
0x20d: {  	v59 =	vmul.f32 v40, v9;
	v55, _, _ =	vpop (xrf2);
	v19 =	vbroadcast v54, $0xF  }
0x20e: {  	v54 =	vadd.f32 v49, v48;
	v56, _, _ =	vpop (xrf2);
	v20 =	vbroadcast v55, $0xF;
	v16 =	vsel vm0, v17, v16  }
0x20f: {  	v45 =	vld [tilespmem:s24+$0x1320];
	v55 =	vmul.f32 v40, v40;
	v60 =	vsel vm0, v18, v19;
	v61 =	vbroadcast v56, $0xF  }
0x210: {  	v57, _, _ =	vpop (xrf2);
	v18 =	vadd.f32 v21, v46;
	v56 =	vmul.f32 v42, v42;
	v19 =	vmul.f32 v42, v10  }
0x211: {  	v42 =	vmul.f32 v50, v9;
	v58, _, _ =	vpop (xrf2);
	v16 =	vsel vm1, v16, v20;
	v30 =	vbroadcast v57, $0xF  }
0x212: {  	v20 =	vadd.f32 v44, v43;
	v62, _, _ =	vpop (xrf2);
	v31 =	vbroadcast v58, $0xF;
	v58 =	vadd.f32 v52, v51  }
0x213: {  	v53 =	vld [tilespmem:s24+$0x1350];
	v17 =	vsel vm1, v60, v61;
	v61 =	vadd.f32 v56, v55;
	v33 =	vadd.f32 v19, v59;
	v32, _, _ =	vpop (xrf2)  }
0x214: {  	v57 =	vld [tilespmem:s24+$0x1360];
	v34 =	vbroadcast v62, $0xF;
	v16 =	vsel vm2, v16, v30;
	v62 =	vmul.f32 v45, v45;
	v36, _, _ =	vpop (xrf2);
	(xrf2) =	vadd.scan.msk.f32 $0xffff, v20  }
0x215: {  	v60 =	vld [tilespmem:s24+$0x1370];
	v35 =	vbroadcast v32, $0xF;
	v17 =	vsel vm2, v17, v31;
	v38, _, _ =	vpop (xrf2);
	v39 =	vbroadcast v36, $0xF;
	(xrf2) =	vadd.scan.msk.f32 $0xffff, v18  }
0x216: {  	v32 =	vld [tilespmem:s24+$0x1380];
	v16 =	vsel vm3, v16, v34;
	v34 =	vmul.f32 v45, v9;
	v37 =	vadd.f32 v63, v62;
	(xrf2) =	vadd.scan.msk.f32 $0xffff, v54  }
0x217: {  	v36 =	vld [tilespmem:s24+$0x1390];
	v17 =	vsel vm3, v17, v35;
	v41 =	vbroadcast v38, $0xF;
	v35 =	vmul.f32 v47, v10;
	(xrf2) =	vadd.scan.msk.f32 $0xffff, v58  }
0x218: {  	v40 =	vld [tilespmem:s24+$0x13A0];
	v38 =	vmul.f32 v50, v50;
	v16 =	vsel vm4, v16, v39;
	v39 =	vmul.f32 v53, v53;
	(xrf2) =	vadd.scan.msk.f32 $0xffff, v61  }
0x219: {  	v44 =	vld [tilespmem:s24+$0x13B0];
	v43 =	vmul.f32 v53, v10;
	v17 =	vsel vm4, v17, v41;
	v41 =	vadd.f32 v35, v34;
	(xrf2) =	vadd.scan.msk.f32 $0xffff, v33  }
0x21a: {  	v48 =	vld [tilespmem:s24+$0x13C0];
	v46 =	vmul.f32 v57, v57;
	v47 =	vmul.f32 v60, v60;
	v45 =	vadd.f32 v39, v38;
	(xrf2) =	vadd.scan.msk.f32 $0xffff, v37  }
0x21b: {  	v52 =	vld [tilespmem:s24+$0x13D0];
	v49 =	vadd.f32 v43, v42;
	v50 =	vmul.f32 v57, v9;
	v51 =	vmul.f32 v60, v10;
	(xrf2) =	vadd.scan.msk.f32 $0xffff, v41  }
0x21c: {  	v53 =	vadd.f32 v47, v46;
	v54 =	vmul.f32 v32, v32;
	v55 =	vmul.f32 v36, v36;
	(xrf2) =	vadd.scan.msk.f32 $0xffff, v45  }
0x21d: {  	v59 =	vld [tilespmem:s24+$0x13E0];
	v56 =	vadd.f32 v51, v50;
	v57 =	vmul.f32 v32, v9;
	v58 =	vmul.f32 v36, v10;
	(xrf2) =	vadd.scan.msk.f32 $0xffff, v49  }
0x21e: {  	v62 =	vmul.f32 v40, v40;
	v63 =	vmul.f32 v44, v44;
	v33 =	vld [tilespmem:s24+$0x13F0];
	v61 =	vadd.f32 v55, v54;
	v60, _, _ =	vpop (xrf2);
	(xrf2) =	vadd.scan.msk.f32 $0xffff, v53  }
0x21f: {  	v36 =	vmul.f32 v40, v9;
	v37 =	vmul.f32 v44, v10;
	v35 =	vadd.f32 v58, v57;
	v34, _, _ =	vpop (xrf2);
	(xrf2) =	vadd.scan.msk.f32 $0xffff, v56  }
0x220: {  	v39 =	vadd.f32 v63, v62;
	v40 =	vmul.f32 v48, v48;
	v41 =	vmul.f32 v52, v52;
	v38, _, _ =	vpop (xrf2);
	(xrf2) =	vadd.scan.msk.f32 $0xffff, v61  }
0x221: {  	v44 =	vmul.f32 v48, v9;
	v43 =	vadd.f32 v37, v36;
	v45 =	vmul.f32 v52, v10;
	v42, _, _ =	vpop (xrf2);
	(xrf2) =	vadd.scan.msk.f32 $0xffff, v35  }
0x222: {  	v51 =	vmul.f32 v59, v59;
	v22 =	vadd.f32 v41, v40;
	v46, _, _ =	vpop (xrf2);
	(xrf2) =	vadd.scan.msk.f32 $0xffff, v39  }
0x223: {  	v54 =	vmul.f32 v59, v9;
	v50 =	vadd.f32 v45, v44;
	v52 =	vmul.f32 v33, v33;
	v49, _, _ =	vpop (xrf2);
	(xrf2) =	vadd.scan.msk.f32 $0xffff, v43  }
0x224: {  	v55 =	vmul.f32 v33, v10;
	v47 =	vbroadcast v60, $0xF;
	v53, _, _ =	vpop (xrf2);
	(xrf2) =	vadd.scan.msk.f32 $0xffff, v22  }
0x225: {  	v41 =	vadd.s32 v5, v15;
	v48 =	vbroadcast v34, $0xF;
	v19 =	vadd.f32 v52, v51;
	v56, _, _ =	vpop (xrf2);
	(xrf2) =	vadd.scan.msk.f32 $0xffff, v50  }
0x226: {  	v16 =	vsel vm5, v16, v47;
	v57 =	vbroadcast v38, $0xF;
	v22 =	vadd.f32 v55, v54;
	v58, _, _ =	vpop (xrf2)  }
0x227: {  	v17 =	vsel vm5, v17, v48;
	v59 =	vbroadcast v42, $0xF;
	v23 =	vbroadcast v46, $0xF;
	(xrf2) =	vadd.scan.msk.f32 $0xffff, v19;
	v60, _, _ =	vpop (xrf2)  }
0x228: {  	v39 =	vadd.s32 v4, v15;
	v16 =	vsel vm6, v16, v57;
	v61 =	vbroadcast v49, $0xF;
	v63, _, _ =	vpop (xrf2);
	(xrf2) =	vadd.scan.msk.f32 $0xffff, v22  }
0x229: {  	v17 =	vsel vm6, v17, v59;
	v20 =	vbroadcast v53, $0xF;
	v16 =	vsel vm7, v16, v23;
	v28, _, _ =	vpop (xrf2)  }
0x22a: {  	v62 =	vbroadcast v56, $0xF;
	v17 =	vsel vm7, v17, v61;
	v29 =	vbroadcast v58, $0xF;
	v30, _, _ =	vpop (xrf2)  }
0x22b: {  	v16 =	vsel vm8, v16, v20;
	v18 =	vbroadcast v60, $0xF;
	v31 =	vbroadcast v63, $0xF;
	v32, _, _ =	vpop (xrf2)  }
0x22c: {  	v17 =	vsel vm8, v17, v62;
	v16 =	vsel vm9, v16, v29;
	v33 =	vbroadcast v28, $0xF;
	v34, _, _ =	vpop (xrf2)  }
0x22d: {  	v17 =	vsel vm9, v17, v18;
	v20 =	vbroadcast v30, $0xF;
	v16 =	vsel vm10, v16, v31;
	v35, _, _ =	vpop (xrf2)  }
0x22e: {  	v17 =	vsel vm10, v17, v33;
	v36 =	vbroadcast v32, $0xF;
	v37 =	vbroadcast v34, $0xF;
	v38, _, _ =	vpop (xrf2)  }
0x22f: {  	v16 =	vsel vm11, v16, v20;
	v18 =	vbroadcast v35, $0xF;
	v40, _, _ =	vpop (xrf2);
	v21 =	vbroadcast v38, $0xF  }
0x230: {  	v17 =	vsel vm11, v17, v36;
	v16 =	vsel vm12, v16, v37;
	v42 =	vbroadcast v40, $0xF  }
0x231: {  	v17 =	vsel vm12, v17, v18;
	v43, _, _ =	vpop (xrf2);
	v16 =	vsel vm13, v16, v21  }
0x232: {  	v17 =	vsel vm13, v17, v42;
	v44, _, _ =	vpop (xrf2);
	v16 =	vsel vm14, v16, v43  }
0x233: {  	v17 =	vsel vm14, v17, v44;
	[tilespmem:v39+s16+$0x0] =	vst.idx.msk $0xffff, v16  }
0x234: {  	[tilespmem:v41+s17+$0x0] =	vst.idx.msk $0xffff, v17  }
0x235: {  	v16 =	vld [tilespmem:s24+$0x1400]  }
0x236: {  	v17 =	vld [tilespmem:s24+$0x1410]  }
0x237: {  	v45 =	vld [tilespmem:s24+$0x1420]  }
0x238: {  	v46 =	vld [tilespmem:s24+$0x1430];
	_ =	sdelay $0x2  }
0x239: {  	v47 =	vmul.f32 v16, v16;
	v48 =	vmul.f32 v17, v17  }
0x23a: {  	v16 =	vmul.f32 v16, v9;
	v17 =	vmul.f32 v17, v10  }
0x23b: {  	v49 =	vmul.f32 v45, v45;
	v50 =	vmul.f32 v46, v46;
	v20 =	vadd.f32 v48, v47  }
0x23c: {  	v9 =	vmul.f32 v45, v9;
	v10 =	vmul.f32 v46, v10;
	v16 =	vadd.f32 v17, v16  }
0x23d: {  	v51 =	vadd.f32 v50, v49;
	(xrf2) =	vadd.scan.msk.f32 $0xffff, v20  }
0x23e: {  	v9 =	vadd.f32 v10, v9;
	(xrf2) =	vadd.scan.msk.f32 $0xffff, v16  }
0x23f: {  	(xrf2) =	vadd.scan.msk.f32 $0xffff, v51  }
0x240: {  	(xrf2) =	vadd.scan.msk.f32 $0xffff, v9;
	_ =	sdelay $0x5  }
0x241: {  	v12 =	vbroadcast v12, $0xF;
	v13 =	vbroadcast v13, $0xF;
	v54 =	vadd.s32 v6, v8  }
0x242: {  	v52 =	vbroadcast v11, $0xF;
	v8 =	vadd.s32 v7, v8;
	v53 =	vbroadcast v14, $0xF;
	v55, _, _ =	vpop (xrf2)  }
0x243: {  	vm15 =	vcmask $0x308;
	v56 =	vadd.s32 v6, v15;
	v15 =	vadd.s32 v7, v15;
	v16, _, _ =	vpop (xrf2)  }
0x244: {  	p0 =	slt.u32 s21, $0x1E;
	v10 =	vnsel vm0, $0x0, v53;
	v9 =	vnsel vm0, $0x0, v52;
	v14 =	vbroadcast v55, $0xF;
	v57, _, _ =	vpop (xrf2)  }
.Ltmp0:
0x245: {  	v9 =	vsel vm15, v9, v12;
	v58 =	vbroadcast v16, $0xF;
	v59, _, _ =	vpop (xrf2);
	v18 =	vbroadcast v57, $0xF;
	(pc) =	sbr.rel @p0 .LBB2_3-.Ltmp0, $4  }
0x246: {  	v60 =	vsel vm15, v10, v13;
	[tilespmem:v54+s16+$0x0] =	vst.idx.msk $0x3, v9;
	v61 =	vnsel vm0, $0x0, v14;
	v62 =	vbroadcast v59, $0xF  }
0x247: {  	[tilespmem:v8+s17+$0x0] =	vst.idx.msk $0x3, v60;
	v8 =	vnsel vm0, $0x0, v58;
	v63 =	vsel vm15, v61, v18  }
0x248: {  	s24 =	sadd.s32 $0x2, s21;
	v8 =	vsel vm15, v8, v62;
	[tilespmem:v56+s16+$0x0] =	vst.idx.msk $0x3, v63  }
0x249: {  	s21 =	smov.u32 s24;
	[tilespmem:v15+s17+$0x0] =	vst.idx.msk $0x3, v8  }
0x24a: {  	s21 =	sor.u32 s4, s20  }
0x24b: {  	s21 =	smul.u32 $0x7, s21;
	_ =	sdelay $0x1  }
0x24c: {  	s22 =	sadd.s32 s6, s21  }
0x24d: {  	[hbm4b:s22+s3] =	stream.linear.scatter [tilespmem:s16], [sflag:$0x2], $0x700, $0x38;
	[tilespmem:$0x1AC00] =	vst v63  }
0x24e: {  	_ =	swait.ge [sflag:s12], $0x700  }
0x24f: {  	p0 =	seq.s32 s18, $0x7;
	[sflag:s12] =	ssyncset.done $0x0  }
.Ltmp1:
0x250: {  	s21 =	sadd.s32 s7, s21;
	[sflag:s12] =	ssyncadd.s32 $0xFFFFF900;
	(pc) =	sbr.rel @p0 .LBB2_6-.Ltmp1, $4  }
0x251: {  	[hbm4b:s21+s3] =	stream.linear.scatter [tilespmem:s17], [sflag:$0x2], $0x700, $0x38;
	[tilespmem:$0x1AC00] =	vst v63  }
0x252: {  	_ =	swait.ge [sflag:s12], $0x700  }
0x253: {  	[sflag:s12] =	ssyncset.done $0x0  }
0x254: {  	[sflag:s12] =	ssyncadd.s32 $0xFFFFF900  }
0x255: {  	s21 =	rddreg [dreg:$0x4]  }
0x256: {  	s20 =	sadd.s32 s20, s21  }
0x257: {  	s20 =	smul.u32 $0x7, s20;
	_ =	sdelay $0x1  }
0x258: {  	s20 =	sadd.s32 s2, s20  }
0x259: {  	[tilespmem:s3], [sflag:$0x2] =	stream.linear.gather [hbm4b:s20+s3], $0x700, $0x38;
	[tilespmem:$0x1AC00] =	vst v63  }
0x25a: {  	_ =	swait.ge [sflag:s12], $0x700  }
0x25b: {  	[sflag:s12] =	ssyncset.done $0x0  }
0x25c: {  	s22 =	simm.s32 $0xE00;
	[sflag:s12] =	ssyncadd.s32 $0xFFFFF900  }
0x25d: {  	[tilespmem:s22], [sflag:$0x1] =	stream.indirect.gather [hbm4b:s5+s13], $0x20, s3, s13, $0xb8;
	[tilespmem:$0x1AC00] =	vst v63  }
0x25e: {  	s23 =	simm.s32 $0x38;
	s24 =	simm.s32 $0x1440  }
0x25f: {  	[tilespmem:s24], [sflag:$0x1] =	stream.indirect.gather [hbm4b:s5+s13], $0x20, s23, s13, $0xb8;
	[tilespmem:$0x1AC00] =	vst v63  }
0x260: {  	s21 =	simm.s32 $0x70;
	s22 =	simm.s32 $0x1A80  }
0x261: {  	[tilespmem:s22], [sflag:$0x1] =	stream.indirect.gather [hbm4b:s5+s13], $0x20, s21, s13, $0xb8;
	[tilespmem:$0x1AC00] =	vst v63  }
0x262: {  	s23 =	simm.s32 $0xA8;
	s24 =	simm.s32 $0x20C0  }
0x263: {  	[tilespmem:s24], [sflag:$0x1] =	stream.indirect.gather [hbm4b:s5+s13], $0x20, s23, s13, $0xb8;
	[tilespmem:$0x1AC00] =	vst v63  }
0x264: {  	s21 =	simm.s32 $0xE0;
	s22 =	simm.s32 $0x2700  }
0x265: {  	[tilespmem:s22], [sflag:$0x1] =	stream.indirect.gather [hbm4b:s5+s13], $0x20, s21, s13, $0xb8;
	[tilespmem:$0x1AC00] =	vst v63  }
0x266: {  	s23 =	simm.s32 $0x118;
	s24 =	simm.s32 $0x2D40  }
0x267: {  	[tilespmem:s24], [sflag:$0x1] =	stream.indirect.gather [hbm4b:s5+s13], $0x20, s23, s13, $0xb8;
	[tilespmem:$0x1AC00] =	vst v63  }
0x268: {  	s21 =	simm.s32 $0x150;
	s22 =	simm.s32 $0x3380  }
0x269: {  	[tilespmem:s22], [sflag:$0x1] =	stream.indirect.gather [hbm4b:s5+s13], $0x20, s21, s13, $0xb8;
	[tilespmem:$0x1AC00] =	vst v63  }
0x26a: {  	s23 =	simm.s32 $0x188;
	s24 =	simm.s32 $0x39C0  }
0x26b: {  	[tilespmem:s24], [sflag:$0x1] =	stream.indirect.gather [hbm4b:s5+s13], $0x20, s23, s13, $0xb8;
	[tilespmem:$0x1AC00] =	vst v63  }
0x26c: {  	s21 =	simm.s32 $0x1C0;
	s22 =	simm.s32 $0x4000  }
0x26d: {  	[tilespmem:s22], [sflag:$0x1] =	stream.indirect.gather [hbm4b:s5+s13], $0x20, s21, s13, $0xb8;
	[tilespmem:$0x1AC00] =	vst v63  }
0x26e: {  	s23 =	simm.s32 $0x1F8;
	s24 =	simm.s32 $0x4640  }
0x26f: {  	[tilespmem:s24], [sflag:$0x1] =	stream.indirect.gather [hbm4b:s5+s13], $0x20, s23, s13, $0xb8;
	[tilespmem:$0x1AC00] =	vst v63  }
0x270: {  	s21 =	simm.s32 $0x230;
	s22 =	simm.s32 $0x4C80  }
0x271: {  	[tilespmem:s22], [sflag:$0x1] =	stream.indirect.gather [hbm4b:s5+s13], $0x20, s21, s13, $0xb8;
	[tilespmem:$0x1AC00] =	vst v63  }
0x272: {  	s23 =	simm.s32 $0x268;
	s24 =	simm.s32 $0x52C0  }
0x273: {  	[tilespmem:s24], [sflag:$0x1] =	stream.indirect.gather [hbm4b:s5+s13], $0x20, s23, s13, $0xb8;
	[tilespmem:$0x1AC00] =	vst v63  }
0x274: {  	s21 =	simm.s32 $0x2A0;
	s22 =	simm.s32 $0x5900  }
0x275: {  	[tilespmem:s22], [sflag:$0x1] =	stream.indirect.gather [hbm4b:s5+s13], $0x20, s21, s13, $0xb8;
	[tilespmem:$0x1AC00] =	vst v63  }
0x276: {  	s23 =	simm.s32 $0x2D8;
	s24 =	simm.s32 $0x5F40  }
0x277: {  	[tilespmem:s24], [sflag:$0x1] =	stream.indirect.gather [hbm4b:s5+s13], $0x20, s23, s13, $0xb8;
	[tilespmem:$0x1AC00] =	vst v63  }
0x278: {  	s21 =	simm.s32 $0x310;
	s22 =	simm.s32 $0x6580  }
0x279: {  	[tilespmem:s22], [sflag:$0x1] =	stream.indirect.gather [hbm4b:s5+s13], $0x20, s21, s13, $0xb8;
	[tilespmem:$0x1AC00] =	vst v63  }
0x27a: {  	s23 =	simm.s32 $0x348;
	s24 =	simm.s32 $0x6BC0  }
0x27b: {  	[tilespmem:s24], [sflag:$0x1] =	stream.indirect.gather [hbm4b:s5+s13], $0x20, s23, s13, $0xb8;
	[tilespmem:$0x1AC00] =	vst v63  }
0x27c: {  	s21 =	simm.s32 $0x380;
	s22 =	simm.s32 $0x7200  }
0x27d: {  	[tilespmem:s22], [sflag:$0x1] =	stream.indirect.gather [hbm4b:s5+s13], $0x20, s21, s13, $0xb8;
	[tilespmem:$0x1AC00] =	vst v63  }
0x27e: {  	s23 =	simm.s32 $0x3B8;
	s24 =	simm.s32 $0x7840  }
0x27f: {  	[tilespmem:s24], [sflag:$0x1] =	stream.indirect.gather [hbm4b:s5+s13], $0x20, s23, s13, $0xb8;
	[tilespmem:$0x1AC00] =	vst v63  }
0x280: {  	s21 =	simm.s32 $0x3F0;
	s22 =	simm.s32 $0x7E80  }
0x281: {  	[tilespmem:s22], [sflag:$0x1] =	stream.indirect.gather [hbm4b:s5+s13], $0x20, s21, s13, $0xb8;
	[tilespmem:$0x1AC00] =	vst v63  }
0x282: {  	s23 =	simm.s32 $0x428;
	s24 =	simm.s32 $0x84C0  }
0x283: {  	[tilespmem:s24], [sflag:$0x1] =	stream.indirect.gather [hbm4b:s5+s13], $0x20, s23, s13, $0xb8;
	[tilespmem:$0x1AC00] =	vst v63  }
0x284: {  	s21 =	simm.s32 $0x460;
	s22 =	simm.s32 $0x8B00  }
0x285: {  	[tilespmem:s22], [sflag:$0x1] =	stream.indirect.gather [hbm4b:s5+s13], $0x20, s21, s13, $0xb8;
	[tilespmem:$0x1AC00] =	vst v63  }
0x286: {  	s23 =	simm.s32 $0x498;
	s24 =	simm.s32 $0x9140  }
0x287: {  	[tilespmem:s24], [sflag:$0x1] =	stream.indirect.gather [hbm4b:s5+s13], $0x20, s23, s13, $0xb8;
	[tilespmem:$0x1AC00] =	vst v63  }
0x288: {  	s21 =	simm.s32 $0x4D0;
	s22 =	simm.s32 $0x9780  }
0x289: {  	[tilespmem:s22], [sflag:$0x1] =	stream.indirect.gather [hbm4b:s5+s13], $0x20, s21, s13, $0xb8;
	[tilespmem:$0x1AC00] =	vst v63  }
0x28a: {  	s23 =	simm.s32 $0x508;
	s24 =	simm.s32 $0x9DC0  }
0x28b: {  	[tilespmem:s24], [sflag:$0x1] =	stream.indirect.gather [hbm4b:s5+s13], $0x20, s23, s13, $0xb8;
	[tilespmem:$0x1AC00] =	vst v63  }
0x28c: {  	s21 =	simm.s32 $0x540;
	s22 =	simm.s32 $0xA400  }
0x28d: {  	[tilespmem:s22], [sflag:$0x1] =	stream.indirect.gather [hbm4b:s5+s13], $0x20, s21, s13, $0xb8;
	[tilespmem:$0x1AC00] =	vst v63  }
0x28e: {  	s23 =	simm.s32 $0x578;
	s24 =	simm.s32 $0xAA40  }
0x28f: {  	[tilespmem:s24], [sflag:$0x1] =	stream.indirect.gather [hbm4b:s5+s13], $0x20, s23, s13, $0xb8;
	[tilespmem:$0x1AC00] =	vst v63  }
0x290: {  	s21 =	simm.s32 $0x5B0;
	s22 =	simm.s32 $0xB080  }
0x291: {  	[tilespmem:s22], [sflag:$0x1] =	stream.indirect.gather [hbm4b:s5+s13], $0x20, s21, s13, $0xb8;
	[tilespmem:$0x1AC00] =	vst v63  }
0x292: {  	s23 =	simm.s32 $0x5E8;
	s24 =	simm.s32 $0xB6C0  }
0x293: {  	[tilespmem:s24], [sflag:$0x1] =	stream.indirect.gather [hbm4b:s5+s13], $0x20, s23, s13, $0xb8;
	[tilespmem:$0x1AC00] =	vst v63  }
0x294: {  	s21 =	simm.s32 $0x620;
	s22 =	simm.s32 $0xBD00  }
0x295: {  	[tilespmem:s22], [sflag:$0x1] =	stream.indirect.gather [hbm4b:s5+s13], $0x20, s21, s13, $0xb8;
	[tilespmem:$0x1AC00] =	vst v63  }
0x296: {  	s23 =	simm.s32 $0x658;
	s24 =	simm.s32 $0xC340  }
0x297: {  	[tilespmem:s24], [sflag:$0x1] =	stream.indirect.gather [hbm4b:s5+s13], $0x20, s23, s13, $0xb8;
	[tilespmem:$0x1AC00] =	vst v63  }
0x298: {  	s21 =	simm.s32 $0x690;
	s22 =	simm.s32 $0xC980  }
0x299: {  	[tilespmem:s22], [sflag:$0x1] =	stream.indirect.gather [hbm4b:s5+s13], $0x20, s21, s13, $0xb8;
	[tilespmem:$0x1AC00] =	vst v63  }
0x29a: {  	s23 =	simm.s32 $0x6C8;
	s24 =	simm.s32 $0xCFC0  }
0x29b: {  	[tilespmem:s24], [sflag:$0x1] =	stream.indirect.gather [hbm4b:s5+s13], $0x20, s23, s13, $0xb8;
	[tilespmem:$0x1AC00] =	vst v63  }
.LBB2_6:
0x29c: {  	_ =	swait.ge [sflag:s15], $0xC800  }
0x29d: {  	[sflag:s15] =	ssyncset.done $0x0  }
0x29e: {  	s20 =	simm.s32 $0x0;
	[sflag:s15] =	ssyncadd.s32 $0xFFFF3800  }
.LBB2_7:
0x29f: {  	s21 =	smul.u32 $0x1900, s20;
	_ =	sdelay $0x1  }
0x2a0: {  	s21 =	sshra.s32 s21, $0x2  }
0x2a1: {  	v11 =	vld [tilespmem:s21+$0xD600]  }
0x2a2: {  	v12 =	vld [tilespmem:s21+$0xD610]  }
0x2a3: {  	v8 =	vld [tilespmem:s21+$0xD620]  }
0x2a4: {  	v9 =	vld [tilespmem:s21+$0xD630]  }
0x2a5: {  	v10 =	vld [tilespmem:s21+$0xD640]  }
0x2a6: {  	v13 =	vld [tilespmem:s21+$0xD650]  }
0x2a7: {  	v14 =	vld [tilespmem:s21+$0xD660];
	v15 =	vmul.f32 v11, v11  }
0x2a8: {  	v17 =	vld [tilespmem:s21+$0xD670];
	v16 =	vmul.f32 v12, v12;
	v18 =	vmul.f32 v8, v8  }
0x2a9: {  	v20 =	vld [tilespmem:s21+$0xD680];
	v19 =	vmul.f32 v9, v9;
	v8 =	vmul.f32 v8, v11  }
0x2aa: {  	v49 =	vld [tilespmem:s21+$0xD690];
	v9 =	vmul.f32 v9, v12;
	v50 =	vmul.f32 v10, v10;
	v15 =	vadd.f32 v16, v15  }
0x2ab: {  	v22 =	vld [tilespmem:s21+$0xD6A0];
	v21 =	vmul.f32 v13, v13;
	v51 =	vmul.f32 v10, v11;
	v18 =	vadd.f32 v19, v18  }
0x2ac: {  	v53 =	vld [tilespmem:s21+$0xD6B0];
	v52 =	vmul.f32 v13, v12;
	v55 =	vmul.f32 v14, v14;
	v8 =	vadd.f32 v9, v8;
	(xrf2) =	vadd.scan.msk.f32 $0xffff, v15  }
0x2ad: {  	v59 =	vld [tilespmem:s21+$0xD6C0];
	v56 =	vmul.f32 v17, v17;
	v57 =	vmul.f32 v14, v11;
	v54 =	vadd.f32 v21, v50;
	(xrf2) =	vadd.scan.msk.f32 $0xffff, v18  }
0x2ae: {  	v63 =	vld [tilespmem:s21+$0xD6D0];
	v58 =	vmul.f32 v17, v12;
	v61 =	vmul.f32 v20, v20;
	(xrf2) =	vadd.scan.msk.f32 $0xffff, v8;
	v8 =	vadd.f32 v52, v51  }
0x2af: {  	v47 =	vld [tilespmem:s21+$0xD6F0];
	v62 =	vmul.f32 v49, v49;
	v23 =	vmul.f32 v20, v11;
	v60 =	vadd.f32 v56, v55;
	(xrf2) =	vadd.scan.msk.f32 $0xffff, v54  }
0x2b0: {  	v43 =	vld [tilespmem:s21+$0xD6E0];
	v24 =	vmul.f32 v49, v12;
	v26 =	vmul.f32 v22, v22;
	(xrf2) =	vadd.scan.msk.f32 $0xffff, v8;
	v8 =	vadd.f32 v58, v57  }
0x2b1: {  	v27 =	vmul.f32 v53, v53;
	v29 =	vmul.f32 v53, v12;
	v53 =	vld [tilespmem:s21+$0xD710];
	v25 =	vadd.f32 v62, v61;
	(xrf2) =	vadd.scan.msk.f32 $0xffff, v60  }
0x2b2: {  	v28 =	vmul.f32 v22, v11;
	v50 =	vld [tilespmem:s21+$0xD700];
	(xrf2) =	vadd.scan.msk.f32 $0xffff, v8;
	v8 =	vadd.f32 v24, v23  }
0x2b3: {  	v31 =	vmul.f32 v59, v59;
	v32 =	vmul.f32 v63, v63;
	v30 =	vadd.f32 v27, v26;
	(xrf2) =	vadd.scan.msk.f32 $0xffff, v25  }
0x2b4: {  	v14 =	vmul.f32 v59, v11;
	v59 =	vmul.f32 v47, v47;
	v55 =	vld [tilespmem:s21+$0xD720];
	(xrf2) =	vadd.scan.msk.f32 $0xffff, v8;
	v8 =	vadd.f32 v29, v28  }
0x2b5: {  	v19 =	vmul.f32 v63, v12;
	v61 =	vmul.f32 v43, v11;
	v57 =	vld [tilespmem:s21+$0xD730];
	(xrf2) =	vadd.scan.msk.f32 $0xffff, v30  }
0x2b6: {  	v18 =	vmul.f32 v47, v12;
	v16 =	vmul.f32 v53, v12;
	v33, _, _ =	vpop (xrf2);
	(xrf2) =	vadd.scan.msk.f32 $0xffff, v8;
	v8 =	vadd.f32 v32, v31  }
0x2b7: {  	v63 =	vmul.f32 v50, v50;
	v27 =	vmul.f32 v50, v11;
	v28 =	vld [tilespmem:s21+$0xD770]  }
0x2b8: {  	v58 =	vmul.f32 v43, v43;
	v23 =	vmul.f32 v53, v53;
	v34, _, _ =	vpop (xrf2)  }
0x2b9: {  	v14 =	vadd.f32 v19, v14;
	v30 =	vmul.f32 v55, v55;
	v32 =	vld [tilespmem:s21+$0xD780];
	v13 =	vbroadcast v33, $0xF;
	v35, _, _ =	vpop (xrf2);
	(xrf2) =	vadd.scan.msk.f32 $0xffff, v8  }
0x2ba: {  	v60 =	vld [tilespmem:s21+$0xD740];
	v29 =	vadd.f32 v23, v63;
	v31 =	vmul.f32 v57, v57;
	v9 =	vbroadcast v34, $0xF;
	v8, _, _ =	vpop (xrf2)  }
0x2bb: {  	v62 =	vld [tilespmem:s21+$0xD750];
	v33 =	vadd.f32 v16, v27;
	v13 =	vnsel vm0, $0x0, v13;
	v10 =	vbroadcast v35, $0xF;
	v36, _, _ =	vpop (xrf2)  }
0x2bc: {  	v34 =	vmul.f32 v55, v11;
	v35 =	vld [tilespmem:s21+$0xD790];
	v50 =	vmul.f32 v28, v12;
	v9 =	vsel vm0, v13, v9;
	v37, _, _ =	vpop (xrf2)  }
0x2bd: {  	v8 =	vbroadcast v8, $0xF;
	v10 =	vsel vm0, v13, v10;
	v13 =	vmul.f32 v57, v12;
	v38, _, _ =	vpop (xrf2)  }
0x2be: {  	v53 =	vmul.f32 v32, v32;
	v15 =	vbroadcast v36, $0xF;
	v36 =	vadd.f32 v31, v30;
	v39, _, _ =	vpop (xrf2)  }
0x2bf: {  	v40 =	vbroadcast v37, $0xF;
	v8 =	vsel vm1, v9, v8;
	v37 =	vmul.f32 v60, v60;
	v42, _, _ =	vpop (xrf2)  }
0x2c0: {  	v24 =	vld [tilespmem:s21+$0xD760];
	v41 =	vbroadcast v38, $0xF;
	v44 =	vsel vm1, v10, v15;
	v15 =	vadd.f32 v59, v58;
	v46, _, _ =	vpop (xrf2)  }
0x2c1: {  	v10 =	vadd.f32 v18, v61;
	v38 =	vmul.f32 v62, v62;
	v57 =	vmul.f32 v35, v12;
	v49, _, _ =	vpop (xrf2);
	(xrf2) =	vadd.scan.msk.f32 $0xffff, v14  }
0x2c2: {  	v45 =	vbroadcast v39, $0xF;
	v8 =	vsel vm2, v8, v40;
	v40 =	vadd.f32 v13, v34;
	(xrf2) =	vadd.scan.msk.f32 $0xffff, v15  }
0x2c3: {  	v9 =	vsel vm2, v44, v41;
	v48 =	vbroadcast v42, $0xF;
	v41 =	vmul.f32 v60, v11;
	v54, _, _ =	vpop (xrf2);
	(xrf2) =	vadd.scan.msk.f32 $0xffff, v10  }
0x2c4: {  	v43 =	vld [tilespmem:s21+$0xD7B0];
	v42 =	vmul.f32 v62, v12;
	v44 =	vadd.f32 v38, v37;
	v51 =	vbroadcast v46, $0xF;
	(xrf2) =	vadd.scan.msk.f32 $0xffff, v29  }
0x2c5: {  	v39 =	vld [tilespmem:s21+$0xD7A0];
	v8 =	vsel vm3, v8, v45;
	v45 =	vmul.f32 v24, v24;
	v46 =	vmul.f32 v28, v28;
	(xrf2) =	vadd.scan.msk.f32 $0xffff, v33  }
0x2c6: {  	v47 =	vld [tilespmem:s21+$0xD7C0];
	v52 =	vbroadcast v49, $0xF;
	v9 =	vsel vm3, v9, v48;
	v48 =	vadd.f32 v42, v41;
	(xrf2) =	vadd.scan.msk.f32 $0xffff, v36  }
0x2c7: {  	v49 =	vmul.f32 v24, v11;
	v8 =	vsel vm4, v8, v51;
	v56 =	vbroadcast v54, $0xF;
	v51 =	vld [tilespmem:s21+$0xD7D0];
	(xrf2) =	vadd.scan.msk.f32 $0xffff, v40  }
0x2c8: {  	v58 =	vld [tilespmem:s21+$0xD7E0];
	v54 =	vmul.f32 v35, v35;
	v9 =	vsel vm4, v9, v52;
	v52 =	vadd.f32 v46, v45;
	(xrf2) =	vadd.scan.msk.f32 $0xffff, v44  }
0x2c9: {  	v62 =	vld [tilespmem:s21+$0xD7F0];
	v55 =	vadd.f32 v50, v49;
	v8 =	vsel vm5, v8, v56;
	v56 =	vmul.f32 v32, v11;
	(xrf2) =	vadd.scan.msk.f32 $0xffff, v48  }
0x2ca: {  	v61 =	vmul.f32 v43, v43;
	v60 =	vmul.f32 v39, v39;
	v59 =	vadd.f32 v54, v53;
	(xrf2) =	vadd.scan.msk.f32 $0xffff, v52  }
0x2cb: {  	v28 =	vmul.f32 v39, v11;
	v29 =	vmul.f32 v43, v12;
	v27 =	vadd.f32 v57, v56;
	v63, _, _ =	vpop (xrf2);
	(xrf2) =	vadd.scan.msk.f32 $0xffff, v55  }
0x2cc: {  	v32 =	vmul.f32 v47, v47;
	v31 =	vadd.f32 v61, v60;
	v33 =	vmul.f32 v51, v51;
	v30, _, _ =	vpop (xrf2);
	(xrf2) =	vadd.scan.msk.f32 $0xffff, v59  }
0x2cd: {  	v35 =	vadd.f32 v29, v28;
	v36 =	vmul.f32 v47, v11;
	v37 =	vmul.f32 v51, v12;
	v34, _, _ =	vpop (xrf2);
	(xrf2) =	vadd.scan.msk.f32 $0xffff, v27  }
0x2ce: {  	v46 =	vmul.f32 v58, v11;
	v47 =	vmul.f32 v62, v12;
	v40 =	vadd.f32 v33, v32;
	v39, _, _ =	vpop (xrf2);
	(xrf2) =	vadd.scan.msk.f32 $0xffff, v31  }
0x2cf: {  	v43 =	vmul.f32 v58, v58;
	v44 =	vmul.f32 v62, v62;
	v42 =	vadd.f32 v37, v36;
	v41, _, _ =	vpop (xrf2);
	(xrf2) =	vadd.scan.msk.f32 $0xffff, v35  }
0x2d0: {  	v57 =	vmov s20;
	v15 =	vadd.f32 v47, v46;
	v38 =	vbroadcast v63, $0xF;
	v45, _, _ =	vpop (xrf2);
	(xrf2) =	vadd.scan.msk.f32 $0xffff, v40  }
0x2d1: {  	v50 =	vadd.f32 v44, v43;
	v20 =	vbroadcast v30, $0xF;
	v48 =	vbroadcast v34, $0xF;
	v49, _, _ =	vpop (xrf2);
	(xrf2) =	vadd.scan.msk.f32 $0xffff, v42  }
0x2d2: {  	v10 =	vmul.u32 $0x38, v57;
	v9 =	vsel vm5, v9, v38;
	v51 =	vbroadcast v39, $0xF;
	v53, _, _ =	vpop (xrf2)  }
0x2d3: {  	v8 =	vsel vm6, v8, v20;
	v52 =	vbroadcast v41, $0xF;
	v9 =	vsel vm6, v9, v48;
	v56, _, _ =	vpop (xrf2);
	(xrf2) =	vadd.scan.msk.f32 $0xffff, v50  }
0x2d4: {  	v54 =	vbroadcast v45, $0xF;
	v8 =	vsel vm7, v8, v51;
	v55 =	vbroadcast v49, $0xF;
	v58, _, _ =	vpop (xrf2);
	(xrf2) =	vadd.scan.msk.f32 $0xffff, v15  }
0x2d5: {  	v9 =	vsel vm7, v9, v52;
	v59 =	vbroadcast v53, $0xF;
	v61 =	vbroadcast v56, $0xF;
	v60, _, _ =	vpop (xrf2)  }
0x2d6: {  	v8 =	vsel vm8, v8, v54;
	v9 =	vsel vm8, v9, v55;
	v13 =	vbroadcast v58, $0xF;
	v62, _, _ =	vpop (xrf2)  }
0x2d7: {  	v8 =	vsel vm9, v8, v59;
	v63 =	vbroadcast v60, $0xF;
	v9 =	vsel vm9, v9, v61;
	v20, _, _ =	vpop (xrf2)  }
0x2d8: {  	v17 =	vbroadcast v62, $0xF;
	v13 =	vsel vm10, v8, v13;
	v8 =	vbroadcast v10, $0x0;
	v21, _, _ =	vpop (xrf2)  }
0x2d9: {  	vm15 =	vcmask $0x3F04;
	v9 =	vsel vm10, v9, v63;
	v24 =	vbroadcast v20, $0xF;
	v23, _, _ =	vpop (xrf2)  }
0x2da: {  	v22 =	vsel vm11, v13, v17;
	v25 =	vbroadcast v21, $0xF;
	v27 =	vor.u32 v0, v8;
	v26, _, _ =	vpop (xrf2)  }
0x2db: {  	v29 =	vadd.s32 v1, v8;
	v13 =	vbroadcast v23, $0xF;
	v28, _, _ =	vpop (xrf2);
	v16 =	vbroadcast v26, $0xF  }
0x2dc: {  	v9 =	vsel vm11, v9, v24;
	v10 =	vsel vm12, v22, v25;
	v30 =	vbroadcast v28, $0xF  }
0x2dd: {  	v9 =	vsel vm12, v9, v13;
	v10 =	vsel vm13, v10, v16;
	v31, _, _ =	vpop (xrf2)  }
0x2de: {  	v9 =	vsel vm13, v9, v30;
	v32, _, _ =	vpop (xrf2);
	v10 =	vsel vm14, v10, v31  }
0x2df: {  	v9 =	vsel vm14, v9, v32;
	[tilespmem:v27+s16+$0x0] =	vst.idx.msk $0xffff, v10  }
0x2e0: {  	[tilespmem:v29+s17+$0x0] =	vst.idx.msk vm15, v9  }
0x2e1: {  	v9 =	vld [tilespmem:s21+$0xD800]  }
0x2e2: {  	v10 =	vld [tilespmem:s21+$0xD810]  }
0x2e3: {  	v33 =	vld [tilespmem:s21+$0xD820]  }
0x2e4: {  	v34 =	vld [tilespmem:s21+$0xD830]  }
0x2e5: {  	v35 =	vld [tilespmem:s21+$0xD840]  }
0x2e6: {  	v36 =	vld [tilespmem:s21+$0xD850]  }
0x2e7: {  	v37 =	vmul.f32 v9, v9;
	v38 =	vmul.f32 v10, v10  }
0x2e8: {  	v9 =	vmul.f32 v9, v11;
	v10 =	vmul.f32 v10, v12  }
0x2e9: {  	v39 =	vmul.f32 v33, v33;
	v40 =	vmul.f32 v34, v34;
	v17 =	vadd.f32 v38, v37  }
0x2ea: {  	v41 =	vmul.f32 v33, v11;
	v42 =	vmul.f32 v34, v12;
	v9 =	vadd.f32 v10, v9  }
0x2eb: {  	v44 =	vmul.f32 v35, v35;
	v45 =	vmul.f32 v36, v36;
	v43 =	vadd.f32 v40, v39;
	(xrf2) =	vadd.scan.msk.f32 $0xffff, v17  }
0x2ec: {  	v46 =	vadd.f32 v42, v41;
	(xrf2) =	vadd.scan.msk.f32 $0xffff, v9  }
0x2ed: {  	v47 =	vadd.f32 v45, v44;
	(xrf2) =	vadd.scan.msk.f32 $0xffff, v43  }
0x2ee: {  	(xrf2) =	vadd.scan.msk.f32 $0xffff, v46  }
0x2ef: {  	(xrf2) =	vadd.scan.msk.f32 $0xffff, v47;
	_ =	sdelay $0x5  }
0x2f0: {  	v48, _, _ =	vpop (xrf2)  }
0x2f1: {  	v50 =	vmul.f32 v35, v11;
	v51 =	vmul.f32 v36, v12;
	v49, _, _ =	vpop (xrf2)  }
0x2f2: {  	v52, _, _ =	vpop (xrf2)  }
0x2f3: {  	v13 =	vadd.f32 v51, v50;
	v53, _, _ =	vpop (xrf2)  }
0x2f4: {  	v54, _, _ =	vpop (xrf2)  }
0x2f5: {  	(xrf2) =	vadd.scan.msk.f32 $0xffff, v13  }
0x2f6: {  	v13 =	vld [tilespmem:s21+$0xD860]  }
0x2f7: {  	v55 =	vld [tilespmem:s21+$0xD870]  }
0x2f8: {  	v56 =	vld [tilespmem:s21+$0xD880]  }
0x2f9: {  	v9 =	vbroadcast v48, $0xF;
	v57 =	vld [tilespmem:s21+$0xD890]  }
0x2fa: {  	v10 =	vbroadcast v49, $0xF;
	v15 =	vbroadcast v52, $0xF;
	v58 =	vld [tilespmem:s21+$0xD8A0]  }
0x2fb: {  	v16 =	vbroadcast v53, $0xF;
	v14 =	vbroadcast v54, $0xF;
	v59 =	vld [tilespmem:s21+$0xD8B0]  }
0x2fc: {  	v38 =	vld [tilespmem:s21+$0xD8C0];
	v60 =	vmul.f32 v13, v13;
	v61 =	vmul.f32 v55, v55  }
0x2fd: {  	v40 =	vld [tilespmem:s21+$0xD8D0];
	v13 =	vmul.f32 v13, v11;
	v17 =	vmul.f32 v55, v12  }
0x2fe: {  	v44 =	vld [tilespmem:s21+$0xD8E0];
	v62 =	vmul.f32 v56, v56;
	v63 =	vmul.f32 v57, v57;
	v22 =	vadd.f32 v61, v60  }
0x2ff: {  	v48 =	vld [tilespmem:s21+$0xD8F0];
	v25 =	vmul.f32 v56, v11;
	v26 =	vmul.f32 v57, v12;
	v13 =	vadd.f32 v17, v13  }
0x300: {  	v53 =	vld [tilespmem:s21+$0xD910];
	v28 =	vmul.f32 v58, v58;
	v29 =	vmul.f32 v59, v59;
	v27 =	vadd.f32 v63, v62;
	(xrf2) =	vadd.scan.msk.f32 $0xffff, v22  }
0x301: {  	v31 =	vmul.f32 v58, v11;
	v32 =	vmul.f32 v59, v12;
	v30 =	vadd.f32 v26, v25;
	(xrf2) =	vadd.scan.msk.f32 $0xffff, v13  }
0x302: {  	v9 =	vsel vm0, v9, v15;
	v51 =	vld [tilespmem:s21+$0xD900];
	v54 =	vmul.f32 v38, v38;
	v33 =	vadd.f32 v29, v28;
	(xrf2) =	vadd.scan.msk.f32 $0xffff, v27  }
0x303: {  	v55 =	vmul.f32 v40, v40;
	v56 =	vld [tilespmem:s21+$0xD920];
	v57 =	vmul.f32 v38, v11;
	v34 =	vadd.f32 v32, v31;
	(xrf2) =	vadd.scan.msk.f32 $0xffff, v30  }
0x304: {  	v10 =	vsel vm0, v10, v16;
	v16 =	vmul.f32 v40, v12;
	v59 =	vmul.f32 v44, v44;
	v61 =	vld [tilespmem:s21+$0xD940];
	(xrf2) =	vadd.scan.msk.f32 $0xffff, v33  }
0x305: {  	v9 =	vsel vm1, v9, v14;
	v14 =	vmul.f32 v53, v12;
	v60 =	vmul.f32 v48, v48;
	(xrf2) =	vadd.scan.msk.f32 $0xffff, v34;
	v34 =	vld [tilespmem:s21+$0xD970]  }
0x306: {  	v62 =	vmul.f32 v44, v11;
	v63 =	vmul.f32 v48, v12;
	v35, _, _ =	vpop (xrf2)  }
0x307: {  	v58 =	vld [tilespmem:s21+$0xD930];
	v15 =	vadd.f32 v55, v54;
	v31 =	vmul.f32 v53, v53;
	v13 =	vbroadcast v35, $0xF  }
0x308: {  	v29 =	vadd.f32 v60, v59;
	v40 =	vmul.f32 v56, v11;
	v30 =	vmul.f32 v51, v51  }
0x309: {  	v32 =	vadd.f32 v63, v62;
	v44 =	vmul.f32 v61, v61;
	v48 =	vmul.f32 v61, v11  }
0x30a: {  	v10 =	vsel vm1, v10, v13;
	v33 =	vmul.f32 v51, v11;
	v36, _, _ =	vpop (xrf2);
	v53 =	vmul.f32 v34, v34  }
0x30b: {  	v28 =	vld [tilespmem:s21+$0xD950];
	v13 =	vadd.f32 v16, v57;
	v37, _, _ =	vpop (xrf2);
	v41 =	vbroadcast v36, $0xF;
	v36 =	vmul.f32 v56, v56  }
0x30c: {  	v35 =	vadd.f32 v31, v30;
	(xrf2) =	vadd.scan.msk.f32 $0xffff, v15;
	v39, _, _ =	vpop (xrf2);
	v42 =	vbroadcast v37, $0xF;
	v37 =	vmul.f32 v58, v58  }
0x30d: {  	v25 =	vld [tilespmem:s21+$0xD960];
	(xrf2) =	vadd.scan.msk.f32 $0xffff, v13;
	v43, _, _ =	vpop (xrf2);
	v45 =	vbroadcast v39, $0xF;
	v9 =	vsel vm2, v9, v41;
	v39 =	vadd.f32 v14, v33  }
0x30e: {  	v38 =	vld [tilespmem:s21+$0xD980];
	(xrf2) =	vadd.scan.msk.f32 $0xffff, v29;
	v41 =	vmul.f32 v58, v12;
	v46 =	vbroadcast v43, $0xF;
	v47, _, _ =	vpop (xrf2);
	v10 =	vsel vm2, v10, v42  }
0x30f: {  	(xrf2) =	vadd.scan.msk.f32 $0xffff, v32;
	v42 =	vld [tilespmem:s21+$0xD990];
	v43 =	vadd.f32 v37, v36;
	v49, _, _ =	vpop (xrf2);
	v50 =	vbroadcast v47, $0xF;
	v9 =	vsel vm3, v9, v45  }
0x310: {  	(xrf2) =	vadd.scan.msk.f32 $0xffff, v35;
	v45 =	vmul.f32 v28, v28;
	v10 =	vsel vm3, v10, v46;
	v52 =	vbroadcast v49, $0xF;
	v46 =	vld [tilespmem:s21+$0xD9A0]  }
0x311: {  	(xrf2) =	vadd.scan.msk.f32 $0xffff, v39;
	v47 =	vadd.f32 v41, v40;
	v49 =	vmul.f32 v28, v12;
	v9 =	vsel vm4, v9, v50;
	v50 =	vld [tilespmem:s21+$0xD9B0]  }
0x312: {  	v54 =	vld [tilespmem:s21+$0xD9C0];
	(xrf2) =	vadd.scan.msk.f32 $0xffff, v43;
	v51 =	vadd.f32 v45, v44;
	v10 =	vsel vm4, v10, v52;
	v52 =	vmul.f32 v25, v25  }
0x313: {  	v57 =	vmul.f32 v34, v12;
	v56 =	vmul.f32 v25, v11;
	v58 =	vld [tilespmem:s21+$0xD9D0];
	(xrf2) =	vadd.scan.msk.f32 $0xffff, v47;
	v55 =	vadd.f32 v49, v48  }
0x314: {  	v60 =	vmul.f32 v38, v38;
	(xrf2) =	vadd.scan.msk.f32 $0xffff, v51;
	v61 =	vmul.f32 v42, v42;
	v59 =	vadd.f32 v53, v52  }
0x315: {  	v63 =	vmul.f32 v38, v11;
	v29 =	vld [tilespmem:s21+$0xD9E0];
	v62 =	vadd.f32 v57, v56;
	v28 =	vmul.f32 v42, v12;
	(xrf2) =	vadd.scan.msk.f32 $0xffff, v55  }
0x316: {  	v34 =	vld [tilespmem:s21+$0xD9F0];
	v30, _, _ =	vpop (xrf2);
	v31 =	vadd.f32 v61, v60;
	v32 =	vmul.f32 v46, v46;
	(xrf2) =	vadd.scan.msk.f32 $0xffff, v59;
	v33 =	vmul.f32 v50, v50  }
0x317: {  	v26, _, _ =	vpop (xrf2);
	v35 =	vadd.f32 v28, v63;
	v36 =	vmul.f32 v46, v11;
	v37 =	vmul.f32 v50, v12;
	(xrf2) =	vadd.scan.msk.f32 $0xffff, v62  }
0x318: {  	v40 =	vmul.f32 v54, v54;
	v41 =	vmul.f32 v58, v58;
	v38, _, _ =	vpop (xrf2);
	(xrf2) =	vadd.scan.msk.f32 $0xffff, v31;
	v39 =	vadd.f32 v33, v32  }
0x319: {  	v44 =	vmul.f32 v54, v11;
	v45 =	vmul.f32 v58, v12;
	v42, _, _ =	vpop (xrf2);
	v43 =	vadd.f32 v37, v36;
	(xrf2) =	vadd.scan.msk.f32 $0xffff, v35  }
0x31a: {  	v47 =	vbroadcast v26, $0xF;
	v49 =	vadd.f32 v41, v40;
	v48, _, _ =	vpop (xrf2);
	(xrf2) =	vadd.scan.msk.f32 $0xffff, v39  }
0x31b: {  	v51 =	vadd.f32 v45, v44;
	v52 =	vmul.f32 v29, v29;
	v53 =	vmul.f32 v34, v34;
	v50, _, _ =	vpop (xrf2);
	(xrf2) =	vadd.scan.msk.f32 $0xffff, v43  }
0x31c: {  	v56 =	vmul.f32 v34, v12;
	v55 =	vmul.f32 v29, v11;
	v54, _, _ =	vpop (xrf2);
	(xrf2) =	vadd.scan.msk.f32 $0xffff, v49  }
0x31d: {  	v10 =	vsel vm5, v10, v47;
	v46 =	vbroadcast v30, $0xF;
	v59 =	vadd.f32 v53, v52;
	v58, _, _ =	vpop (xrf2);
	(xrf2) =	vadd.scan.msk.f32 $0xffff, v51  }
0x31e: {  	v57 =	vbroadcast v38, $0xF;
	v60 =	vbroadcast v42, $0xF;
	v15 =	vadd.f32 v56, v55;
	v62, _, _ =	vpop (xrf2)  }
0x31f: {  	v34 =	vadd.s32 v2, v8;
	v9 =	vsel vm5, v9, v46;
	v61 =	vbroadcast v48, $0xF;
	v63, _, _ =	vpop (xrf2);
	(xrf2) =	vadd.scan.msk.f32 $0xffff, v59  }
0x320: {  	v9 =	vsel vm6, v9, v57;
	v10 =	vsel vm6, v10, v60;
	v17 =	vbroadcast v50, $0xF;
	(xrf2) =	vadd.scan.msk.f32 $0xffff, v15;
	v23, _, _ =	vpop (xrf2)  }
0x321: {  	v36 =	vadd.s32 v3, v8;
	v9 =	vsel vm7, v9, v61;
	v18 =	vbroadcast v54, $0xF;
	v25, _, _ =	vpop (xrf2)  }
0x322: {  	v21 =	vbroadcast v58, $0xF;
	v10 =	vsel vm7, v10, v17;
	v24 =	vbroadcast v62, $0xF;
	v27, _, _ =	vpop (xrf2)  }
0x323: {  	v9 =	vsel vm8, v9, v18;
	v26 =	vbroadcast v63, $0xF;
	v14 =	vbroadcast v23, $0xF;
	v29, _, _ =	vpop (xrf2)  }
0x324: {  	v10 =	vsel vm8, v10, v21;
	v9 =	vsel vm9, v9, v24;
	v28 =	vbroadcast v25, $0xF;
	v30, _, _ =	vpop (xrf2)  }
0x325: {  	v10 =	vsel vm9, v10, v26;
	v17 =	vbroadcast v27, $0xF;
	v9 =	vsel vm10, v9, v14;
	v31, _, _ =	vpop (xrf2)  }
0x326: {  	v10 =	vsel vm10, v10, v28;
	v32 =	vbroadcast v29, $0xF;
	v13 =	vbroadcast v30, $0xF;
	v33, _, _ =	vpop (xrf2)  }
0x327: {  	v9 =	vsel vm11, v9, v17;
	v14 =	vbroadcast v31, $0xF;
	v35, _, _ =	vpop (xrf2);
	v16 =	vbroadcast v33, $0xF  }
0x328: {  	v10 =	vsel vm11, v10, v32;
	v9 =	vsel vm12, v9, v13;
	v37 =	vbroadcast v35, $0xF  }
0x329: {  	v10 =	vsel vm12, v10, v14;
	v38, _, _ =	vpop (xrf2);
	v9 =	vsel vm13, v9, v16  }
0x32a: {  	v39, _, _ =	vpop (xrf2);
	v10 =	vsel vm13, v10, v37;
	v9 =	vsel vm14, v9, v38  }
0x32b: {  	v10 =	vsel vm14, v10, v39;
	[tilespmem:v34+s16+$0x0] =	vst.idx.msk $0xffff, v9  }
0x32c: {  	[tilespmem:v36+s17+$0x0] =	vst.idx.msk $0xffff, v10  }
0x32d: {  	v9 =	vld [tilespmem:s21+$0xDA00]  }
0x32e: {  	v10 =	vld [tilespmem:s21+$0xDA10]  }
0x32f: {  	v40 =	vld [tilespmem:s21+$0xDA20]  }
0x330: {  	v41 =	vld [tilespmem:s21+$0xDA30]  }
0x331: {  	v42 =	vld [tilespmem:s21+$0xDA40]  }
0x332: {  	v43 =	vld [tilespmem:s21+$0xDA50]  }
0x333: {  	v19 =	vld [tilespmem:s21+$0xDA60];
	v44 =	vmul.f32 v9, v9;
	v45 =	vmul.f32 v10, v10  }
0x334: {  	v46 =	vld [tilespmem:s21+$0xDA70];
	v9 =	vmul.f32 v9, v11;
	v10 =	vmul.f32 v10, v12  }
0x335: {  	v52 =	vld [tilespmem:s21+$0xDA90];
	v47 =	vmul.f32 v40, v40;
	v48 =	vmul.f32 v41, v41  }
0x336: {  	v49 =	vld [tilespmem:s21+$0xDA80];
	v50 =	vmul.f32 v40, v11;
	v51 =	vmul.f32 v41, v12  }
0x337: {  	v56 =	vld [tilespmem:s21+$0xDAA0];
	v54 =	vmul.f32 v42, v42;
	v55 =	vmul.f32 v43, v43  }
0x338: {  	v60 =	vld [tilespmem:s21+$0xDAB0];
	v58 =	vmul.f32 v42, v11;
	v59 =	vmul.f32 v43, v12;
	v17 =	vadd.f32 v45, v44  }
0x339: {  	v62 =	vmul.f32 v19, v19;
	v63 =	vmul.f32 v46, v46;
	v9 =	vadd.f32 v10, v9  }
0x33a: {  	v24 =	vmul.f32 v19, v11;
	v28 =	vmul.f32 v52, v52;
	v53 =	vadd.f32 v48, v47;
	(xrf2) =	vadd.scan.msk.f32 $0xffff, v17  }
0x33b: {  	v30 =	vmul.f32 v49, v11;
	v31 =	vmul.f32 v52, v12;
	v52 =	vld [tilespmem:s21+$0xDAD0];
	v57 =	vadd.f32 v51, v50;
	(xrf2) =	vadd.scan.msk.f32 $0xffff, v9  }
0x33c: {  	v33 =	vmul.f32 v56, v56;
	v36 =	vmul.f32 v56, v11;
	v56 =	vld [tilespmem:s21+$0xDAE0];
	v61 =	vadd.f32 v55, v54;
	(xrf2) =	vadd.scan.msk.f32 $0xffff, v53  }
0x33d: {  	v25 =	vmul.f32 v46, v12;
	v37 =	vmul.f32 v60, v12;
	v21 =	vadd.f32 v59, v58;
	v48 =	vld [tilespmem:s21+$0xDAC0];
	(xrf2) =	vadd.scan.msk.f32 $0xffff, v57  }
0x33e: {  	v27 =	vmul.f32 v49, v49;
	v26 =	vadd.f32 v63, v62;
	v35 =	vadd.f32 v31, v30;
	v31 =	vld [tilespmem:s21+$0xDB20];
	(xrf2) =	vadd.scan.msk.f32 $0xffff, v61  }
0x33f: {  	v29 =	vadd.f32 v25, v24;
	v39 =	vadd.f32 v37, v36;
	v36 =	vld [tilespmem:s21+$0xDB40];
	(xrf2) =	vadd.scan.msk.f32 $0xffff, v21  }
0x340: {  	v34 =	vmul.f32 v60, v60;
	v32 =	vadd.f32 v28, v27;
	(xrf2) =	vadd.scan.msk.f32 $0xffff, v26  }
0x341: {  	v60 =	vld [tilespmem:s21+$0xDAF0];
	v30 =	vmul.f32 v52, v52;
	(xrf2) =	vadd.scan.msk.f32 $0xffff, v29  }
0x342: {  	v38 =	vadd.f32 v34, v33;
	v16 =	vmul.f32 v52, v12;
	v34 =	vmul.f32 v56, v56;
	(xrf2) =	vadd.scan.msk.f32 $0xffff, v32  }
0x343: {  	v63 =	vld [tilespmem:s21+$0xDB00];
	v37 =	vmul.f32 v56, v11;
	v52 =	vmul.f32 v31, v11;
	(xrf2) =	vadd.scan.msk.f32 $0xffff, v35  }
0x344: {  	v56 =	vmul.f32 v36, v36;
	v29 =	vmul.f32 v48, v48;
	v40, _, _ =	vpop (xrf2);
	(xrf2) =	vadd.scan.msk.f32 $0xffff, v38  }
0x345: {  	v28 =	vld [tilespmem:s21+$0xDB10];
	v32 =	vmul.f32 v48, v11;
	v48 =	vmul.f32 v31, v31;
	v41, _, _ =	vpop (xrf2);
	(xrf2) =	vadd.scan.msk.f32 $0xffff, v39  }
0x346: {  	v35 =	vmul.f32 v60, v60;
	v38 =	vmul.f32 v60, v12;
	v42, _, _ =	vpop (xrf2)  }
0x347: {  	v60 =	vmul.f32 v36, v11;
	v10 =	vbroadcast v40, $0xF;
	v43, _, _ =	vpop (xrf2)  }
0x348: {  	v13 =	vbroadcast v41, $0xF;
	v41 =	vmul.f32 v63, v63;
	v44, _, _ =	vpop (xrf2)  }
0x349: {  	v9 =	vbroadcast v42, $0xF;
	v14 =	vbroadcast v43, $0xF;
	v45, _, _ =	vpop (xrf2)  }
0x34a: {  	v33 =	vld [tilespmem:s21+$0xDB30];
	v40 =	vadd.f32 v35, v34;
	v42 =	vmul.f32 v28, v28;
	v15 =	vbroadcast v44, $0xF;
	v46, _, _ =	vpop (xrf2)  }
0x34b: {  	v9 =	vsel vm0, v10, v9;
	v44 =	vadd.f32 v38, v37;
	v49 =	vsel vm0, v13, v14;
	v47, _, _ =	vpop (xrf2)  }
0x34c: {  	v43 =	vld [tilespmem:s21+$0xDB60];
	v50 =	vbroadcast v45, $0xF;
	v13 =	vadd.f32 v16, v32;
	v45 =	vmul.f32 v63, v11;
	v51, _, _ =	vpop (xrf2)  }
0x34d: {  	v14 =	vmul.f32 v28, v12;
	v9 =	vsel vm1, v9, v15;
	v15 =	vadd.f32 v30, v29;
	v55, _, _ =	vpop (xrf2)  }
0x34e: {  	v39 =	vld [tilespmem:s21+$0xDB50];
	v53 =	vbroadcast v46, $0xF;
	v54 =	vbroadcast v47, $0xF;
	v10 =	vsel vm1, v49, v50;
	v59, _, _ =	vpop (xrf2)  }
0x34f: {  	v46 =	vld [tilespmem:s21+$0xDB70];
	v47 =	vadd.f32 v42, v41;
	v49 =	vmul.f32 v33, v33;
	v57 =	vbroadcast v51, $0xF;
	v61, _, _ =	vpop (xrf2);
	(xrf2) =	vadd.scan.msk.f32 $0xffff, v15  }
0x350: {  	v30 =	vld [tilespmem:s21+$0xDBC0];
	v9 =	vsel vm2, v9, v53;
	v51 =	vadd.f32 v14, v45;
	v53 =	vmul.f32 v33, v12;
	(xrf2) =	vadd.scan.msk.f32 $0xffff, v13  }
0x351: {  	v50 =	vld [tilespmem:s21+$0xDB80];
	v28 =	vmul.f32 v43, v43;
	v58 =	vbroadcast v55, $0xF;
	v10 =	vsel vm2, v10, v54;
	(xrf2) =	vadd.scan.msk.f32 $0xffff, v40  }
0x352: {  	v54 =	vld [tilespmem:s21+$0xDB90];
	v55 =	vadd.f32 v49, v48;
	v62 =	vbroadcast v59, $0xF;
	v9 =	vsel vm3, v9, v57;
	(xrf2) =	vadd.scan.msk.f32 $0xffff, v44  }
0x353: {  	v57 =	vmul.f32 v39, v39;
	v59 =	vadd.f32 v53, v52;
	v10 =	vsel vm3, v10, v58;
	v58 =	vld [tilespmem:s21+$0xDBA0];
	(xrf2) =	vadd.scan.msk.f32 $0xffff, v47  }
0x354: {  	v27 =	vbroadcast v61, $0xF;
	v61 =	vmul.f32 v39, v12;
	v9 =	vsel vm4, v9, v62;
	v62 =	vld [tilespmem:s21+$0xDBB0];
	(xrf2) =	vadd.scan.msk.f32 $0xffff, v51  }
0x355: {  	v32 =	vmul.f32 v43, v11;
	v29 =	vmul.f32 v46, v46;
	v63 =	vadd.f32 v57, v56;
	(xrf2) =	vadd.scan.msk.f32 $0xffff, v55  }
0x356: {  	v34 =	vld [tilespmem:s21+$0xDBD0];
	v33 =	vmul.f32 v46, v12;
	v53 =	vmul.f32 v30, v30;
	v31 =	vadd.f32 v61, v60;
	(xrf2) =	vadd.scan.msk.f32 $0xffff, v59  }
0x357: {  	v41 =	vld [tilespmem:s21+$0xDBE0];
	v36 =	vmul.f32 v50, v50;
	v35 =	vadd.f32 v29, v28;
	v37 =	vmul.f32 v54, v54;
	(xrf2) =	vadd.scan.msk.f32 $0xffff, v63  }
0x358: {  	v39 =	vmul.f32 v50, v11;
	v38 =	vadd.f32 v33, v32;
	v40 =	vmul.f32 v54, v12;
	(xrf2) =	vadd.scan.msk.f32 $0xffff, v31  }
0x359: {  	v46 =	vld [tilespmem:s21+$0xDBF0];
	v43 =	vadd.f32 v37, v36;
	v44 =	vmul.f32 v58, v58;
	v45 =	vmul.f32 v62, v62;
	v42, _, _ =	vpop (xrf2);
	(xrf2) =	vadd.scan.msk.f32 $0xffff, v35  }
0x35a: {  	v48 =	vadd.f32 v40, v39;
	v49 =	vmul.f32 v58, v11;
	v50 =	vmul.f32 v62, v12;
	v47, _, _ =	vpop (xrf2);
	(xrf2) =	vadd.scan.msk.f32 $0xffff, v38  }
0x35b: {  	v57 =	vmul.f32 v30, v11;
	v54 =	vmul.f32 v34, v34;
	v52 =	vadd.f32 v45, v44;
	v51, _, _ =	vpop (xrf2);
	(xrf2) =	vadd.scan.msk.f32 $0xffff, v43  }
0x35c: {  	v30 =	vmul.f32 v41, v11;
	v58 =	vmul.f32 v34, v12;
	v56 =	vadd.f32 v50, v49;
	v55, _, _ =	vpop (xrf2);
	(xrf2) =	vadd.scan.msk.f32 $0xffff, v48  }
0x35d: {  	v10 =	vsel vm4, v10, v27;
	v27 =	vmul.f32 v41, v41;
	v62 =	vadd.f32 v54, v53;
	v61, _, _ =	vpop (xrf2);
	(xrf2) =	vadd.scan.msk.f32 $0xffff, v52  }
0x35e: {  	v28 =	vmul.f32 v46, v46;
	v26 =	vadd.f32 v58, v57;
	v31 =	vmul.f32 v46, v12;
	v63, _, _ =	vpop (xrf2);
	(xrf2) =	vadd.scan.msk.f32 $0xffff, v56  }
0x35f: {  	v59 =	vbroadcast v42, $0xF;
	v29, _, _ =	vpop (xrf2);
	(xrf2) =	vadd.scan.msk.f32 $0xffff, v62  }
0x360: {  	v53 =	vadd.s32 v5, v8;
	v34 =	vadd.f32 v28, v27;
	v15 =	vadd.f32 v31, v30;
	v33, _, _ =	vpop (xrf2);
	(xrf2) =	vadd.scan.msk.f32 $0xffff, v26  }
0x361: {  	v60 =	vbroadcast v47, $0xF;
	v9 =	vsel vm5, v9, v59;
	v32 =	vbroadcast v51, $0xF;
	v37, _, _ =	vpop (xrf2)  }
0x362: {  	v51 =	vadd.s32 v4, v8;
	v35 =	vbroadcast v55, $0xF;
	v36 =	vbroadcast v61, $0xF;
	v38, _, _ =	vpop (xrf2);
	(xrf2) =	vadd.scan.msk.f32 $0xffff, v34  }
0x363: {  	v10 =	vsel vm5, v10, v60;
	v9 =	vsel vm6, v9, v32;
	v17 =	vbroadcast v63, $0xF;
	v40, _, _ =	vpop (xrf2);
	(xrf2) =	vadd.scan.msk.f32 $0xffff, v15  }
0x364: {  	v10 =	vsel vm6, v10, v35;
	v18 =	vbroadcast v29, $0xF;
	v9 =	vsel vm7, v9, v36;
	v42, _, _ =	vpop (xrf2)  }
0x365: {  	v39 =	vbroadcast v33, $0xF;
	v10 =	vsel vm7, v10, v17;
	v41 =	vbroadcast v37, $0xF;
	v44, _, _ =	vpop (xrf2)  }
0x366: {  	v9 =	vsel vm8, v9, v18;
	v43 =	vbroadcast v38, $0xF;
	v14 =	vbroadcast v40, $0xF;
	v46, _, _ =	vpop (xrf2)  }
0x367: {  	s22 =	sor.u32 $0x1, s20;
	v10 =	vsel vm8, v10, v39;
	v9 =	vsel vm9, v9, v41;
	v45 =	vbroadcast v42, $0xF;
	v47, _, _ =	vpop (xrf2)  }
0x368: {  	s23 =	smul.u32 $0x1900, s22;
	v10 =	vsel vm9, v10, v43;
	v17 =	vbroadcast v44, $0xF;
	v9 =	vsel vm10, v9, v14;
	v48, _, _ =	vpop (xrf2)  }
0x369: {  	v10 =	vsel vm10, v10, v45;
	v49 =	vbroadcast v46, $0xF;
	v13 =	vbroadcast v47, $0xF;
	v50, _, _ =	vpop (xrf2)  }
0x36a: {  	s23 =	sshra.s32 s23, $0x2;
	v9 =	vsel vm11, v9, v17;
	v14 =	vbroadcast v48, $0xF;
	v52, _, _ =	vpop (xrf2);
	v16 =	vbroadcast v50, $0xF  }
0x36b: {  	v24 =	vld [tilespmem:s23+$0xD630];
	v10 =	vsel vm11, v10, v49;
	v9 =	vsel vm12, v9, v13;
	v54 =	vbroadcast v52, $0xF  }
0x36c: {  	v25 =	vld [tilespmem:s23+$0xD640];
	v10 =	vsel vm12, v10, v14;
	v9 =	vsel vm13, v9, v16;
	v55, _, _ =	vpop (xrf2)  }
0x36d: {  	v28 =	vld [tilespmem:s23+$0xD650];
	v10 =	vsel vm13, v10, v54;
	v56, _, _ =	vpop (xrf2);
	v9 =	vsel vm14, v9, v55  }
0x36e: {  	v61 =	vld [tilespmem:s23+$0xD620];
	v10 =	vsel vm14, v10, v56;
	[tilespmem:v51+s16+$0x0] =	vst.idx.msk $0xffff, v9  }
0x36f: {  	v29 =	vld [tilespmem:s23+$0xD660];
	[tilespmem:v53+s17+$0x0] =	vst.idx.msk $0xffff, v10  }
0x370: {  	v57 =	vld [tilespmem:s21+$0xDC00]  }
0x371: {  	v58 =	vld [tilespmem:s21+$0xDC10]  }
0x372: {  	v59 =	vld [tilespmem:s21+$0xDC20]  }
0x373: {  	v60 =	vld [tilespmem:s21+$0xDC30]  }
0x374: {  	v35 =	vmul.f32 v24, v24;
	v34 =	vmul.f32 v61, v61;
	v9 =	vld [tilespmem:s23+$0xD600]  }
0x375: {  	v42 =	vmul.f32 v25, v25;
	v43 =	vmul.f32 v28, v28;
	v10 =	vld [tilespmem:s23+$0xD610]  }
0x376: {  	v33 =	vld [tilespmem:s23+$0xD670];
	v62 =	vmul.f32 v57, v57;
	v63 =	vmul.f32 v58, v58  }
0x377: {  	v41 =	vadd.f32 v35, v34;
	v13 =	vmul.f32 v57, v11;
	v14 =	vmul.f32 v58, v12  }
0x378: {  	v36 =	vld [tilespmem:s23+$0xD680];
	v26 =	vmul.f32 v59, v59;
	v27 =	vmul.f32 v60, v60;
	v18 =	vadd.f32 v63, v62  }
0x379: {  	v44 =	vld [tilespmem:s23+$0xD6A0];
	v11 =	vmul.f32 v59, v11;
	v12 =	vmul.f32 v60, v12;
	v13 =	vadd.f32 v14, v13  }
0x37a: {  	v40 =	vld [tilespmem:s23+$0xD690];
	v31 =	vmul.f32 v9, v9;
	v32 =	vmul.f32 v10, v10;
	v30 =	vadd.f32 v27, v26;
	(xrf2) =	vadd.scan.msk.f32 $0xffff, v18  }
0x37b: {  	v48 =	vld [tilespmem:s23+$0xD6B0];
	v50 =	vmul.f32 v29, v29;
	v51 =	vmul.f32 v33, v33;
	v11 =	vadd.f32 v12, v11;
	(xrf2) =	vadd.scan.msk.f32 $0xffff, v13  }
0x37c: {  	v54 =	vld [tilespmem:s23+$0xD6C0];
	v38 =	vmul.f32 v61, v9;
	v39 =	vmul.f32 v24, v10;
	v37 =	vadd.f32 v32, v31;
	(xrf2) =	vadd.scan.msk.f32 $0xffff, v30  }
0x37d: {  	v56 =	vmul.f32 v36, v36;
	v55 =	vadd.f32 v51, v50;
	v46 =	vmul.f32 v25, v9;
	(xrf2) =	vadd.scan.msk.f32 $0xffff, v11  }
0x37e: {  	v50 =	vld [tilespmem:s23+$0xD710];
	v61 =	vmul.f32 v44, v44;
	v47 =	vmul.f32 v28, v10;
	v45 =	vadd.f32 v39, v38;
	(xrf2) =	vadd.scan.msk.f32 $0xffff, v37  }
0x37f: {  	v49 =	vadd.f32 v43, v42;
	v53 =	vmul.f32 v33, v10;
	v58 =	vld [tilespmem:s23+$0xD6D0];
	v14 =	vmul.f32 v29, v9;
	(xrf2) =	vadd.scan.msk.f32 $0xffff, v41  }
0x380: {  	v57 =	vmul.f32 v40, v40;
	v60 =	vmul.f32 v40, v10;
	v40 =	vld [tilespmem:s23+$0xD6E0];
	v52 =	vadd.f32 v47, v46;
	(xrf2) =	vadd.scan.msk.f32 $0xffff, v45  }
0x381: {  	v17 =	vmul.f32 v54, v9;
	v24 =	vmul.f32 v48, v10;
	v47 =	vld [tilespmem:s23+$0xD700];
	v14 =	vadd.f32 v53, v14;
	(xrf2) =	vadd.scan.msk.f32 $0xffff, v49  }
0x382: {  	v59 =	vmul.f32 v36, v9;
	v12 =	vadd.f32 v57, v56;
	v63 =	vmul.f32 v44, v9;
	v44 =	vld [tilespmem:s23+$0xD6F0];
	(xrf2) =	vadd.scan.msk.f32 $0xffff, v52  }
0x383: {  	v22 =	vmul.f32 v50, v10;
	v62 =	vmul.f32 v48, v48;
	(xrf2) =	vadd.scan.msk.f32 $0xffff, v55  }
0x384: {  	v27 =	vmul.f32 v58, v58;
	v19 =	vmul.f32 v58, v10;
	v58 =	vld [tilespmem:s23+$0xD750];
	v11, _, _ =	vpop (xrf2);
	(xrf2) =	vadd.scan.msk.f32 $0xffff, v14  }
0x385: {  	v15 =	vadd.f32 v60, v59;
	v26 =	vmul.f32 v54, v54;
	v18 =	vadd.f32 v62, v61;
	v14, _, _ =	vpop (xrf2);
	(xrf2) =	vadd.scan.msk.f32 $0xffff, v12  }
0x386: {  	v25 =	vadd.f32 v24, v63;
	v57 =	vmul.f32 v40, v9;
	v59 =	vmul.f32 v47, v47;
	v12, _, _ =	vpop (xrf2)  }
0x387: {  	v61 =	vmul.f32 v47, v9;
	v29 =	vadd.f32 v27, v26;
	v24 =	vmul.f32 v44, v10;
	v52 =	vld [tilespmem:s23+$0xD720];
	(xrf2) =	vadd.scan.msk.f32 $0xffff, v15;
	v13, _, _ =	vpop (xrf2)  }
0x388: {  	v54 =	vld [tilespmem:s23+$0xD730];
	v17 =	vadd.f32 v19, v17;
	v56 =	vmul.f32 v44, v44;
	v55 =	vmul.f32 v40, v40;
	(xrf2) =	vadd.scan.msk.f32 $0xffff, v18;
	v28, _, _ =	vpop (xrf2)  }
0x389: {  	v60 =	vadd.f32 v24, v57;
	v44 =	vmul.f32 v58, v10;
	(xrf2) =	vadd.scan.msk.f32 $0xffff, v25;
	v30, _, _ =	vpop (xrf2);
	v18 =	vbroadcast v28, $0xF  }
0x38a: {  	v40 =	vmul.f32 v58, v58;
	v19 =	vadd.f32 v56, v55;
	v28 =	vmul.f32 v50, v50;
	v31, _, _ =	vpop (xrf2);
	(xrf2) =	vadd.scan.msk.f32 $0xffff, v29  }
0x38b: {  	v16 =	vbroadcast v30, $0xF;
	v29 =	vld [tilespmem:s23+$0xD760];
	v32, _, _ =	vpop (xrf2);
	v18 =	vnsel vm0, $0x0, v18;
	v20 =	vbroadcast v31, $0xF  }
0x38c: {  	v62 =	vld [tilespmem:s23+$0xD770];
	v63 =	vadd.f32 v28, v59;
	v33, _, _ =	vpop (xrf2);
	v15 =	vbroadcast v32, $0xF;
	v32 =	vmul.f32 v52, v52  }
0x38d: {  	v16 =	vsel vm0, v18, v16;
	v34, _, _ =	vpop (xrf2);
	v21 =	vbroadcast v33, $0xF;
	v33 =	vmul.f32 v54, v54  }
0x38e: {  	v27 =	vld [tilespmem:s23+$0xD740];
	v18 =	vsel vm0, v18, v20;
	v20 =	vmul.f32 v54, v10;
	v35, _, _ =	vpop (xrf2);
	v37 =	vbroadcast v34, $0xF  }
0x38f: {  	v15 =	vsel vm1, v16, v15;
	v36, _, _ =	vpop (xrf2);
	v38 =	vbroadcast v35, $0xF;
	v41 =	vsel vm1, v18, v21  }
0x390: {  	v35 =	vadd.f32 v22, v61;
	v47 =	vmul.f32 v29, v29;
	v42 =	vbroadcast v36, $0xF  }
0x391: {  	(xrf2) =	vadd.scan.msk.f32 $0xffff, v17;
	v39, _, _ =	vpop (xrf2);
	v15 =	vsel vm2, v15, v37;
	v36 =	vmul.f32 v52, v9;
	v52 =	vmul.f32 v62, v10  }
0x392: {  	v34 =	vld [tilespmem:s23+$0xD780];
	(xrf2) =	vadd.scan.msk.f32 $0xffff, v19;
	v43, _, _ =	vpop (xrf2);
	v16 =	vsel vm2, v41, v38;
	v45 =	vbroadcast v39, $0xF;
	v38 =	vadd.f32 v33, v32  }
0x393: {  	(xrf2) =	vadd.scan.msk.f32 $0xffff, v60;
	v37 =	vld [tilespmem:s23+$0xD790];
	v39 =	vmul.f32 v27, v27;
	v46, _, _ =	vpop (xrf2);
	v15 =	vsel vm3, v15, v42;
	v48 =	vbroadcast v43, $0xF  }
0x394: {  	(xrf2) =	vadd.scan.msk.f32 $0xffff, v63;
	v41 =	vld [tilespmem:s23+$0xD7A0];
	v42 =	vadd.f32 v20, v36;
	v43 =	vmul.f32 v27, v9;
	v49 =	vbroadcast v46, $0xF;
	v51, _, _ =	vpop (xrf2)  }
0x395: {  	(xrf2) =	vadd.scan.msk.f32 $0xffff, v35;
	v16 =	vsel vm3, v16, v45;
	v45 =	vld [tilespmem:s23+$0xD7B0];
	v46 =	vadd.f32 v40, v39;
	v53 =	vbroadcast v51, $0xF  }
0x396: {  	(xrf2) =	vadd.scan.msk.f32 $0xffff, v38;
	v15 =	vsel vm4, v15, v48;
	v48 =	vmul.f32 v62, v62;
	v16 =	vsel vm4, v16, v49;
	v49 =	vld [tilespmem:s23+$0xD7C0]  }
0x397: {  	(xrf2) =	vadd.scan.msk.f32 $0xffff, v42;
	v50 =	vadd.f32 v44, v43;
	v51 =	vmul.f32 v29, v9;
	v15 =	vsel vm5, v15, v53;
	v53 =	vld [tilespmem:s23+$0xD7D0]  }
0x398: {  	v55 =	vmul.f32 v34, v34;
	(xrf2) =	vadd.scan.msk.f32 $0xffff, v46;
	v56 =	vmul.f32 v37, v37;
	v54 =	vadd.f32 v48, v47  }
0x399: {  	v60 =	vld [tilespmem:s23+$0xD7E0];
	v58 =	vmul.f32 v34, v9;
	v59 =	vmul.f32 v37, v10;
	(xrf2) =	vadd.scan.msk.f32 $0xffff, v50;
	v57 =	vadd.f32 v52, v51  }
0x39a: {  	v32 =	vld [tilespmem:s23+$0xD7F0];
	v62 =	vmul.f32 v41, v41;
	v61 =	vadd.f32 v56, v55;
	(xrf2) =	vadd.scan.msk.f32 $0xffff, v54;
	v63 =	vmul.f32 v45, v45  }
0x39b: {  	v35 =	vmul.f32 v41, v9;
	v34 =	vadd.f32 v59, v58;
	v33, _, _ =	vpop (xrf2);
	v36 =	vmul.f32 v45, v10;
	(xrf2) =	vadd.scan.msk.f32 $0xffff, v57  }
0x39c: {  	v37, _, _ =	vpop (xrf2);
	(xrf2) =	vadd.scan.msk.f32 $0xffff, v61;
	v38 =	vadd.f32 v63, v62;
	v39 =	vmul.f32 v49, v49;
	v40 =	vmul.f32 v53, v53  }
0x39d: {  	v41, _, _ =	vpop (xrf2);
	v42 =	vadd.f32 v36, v35;
	v43 =	vmul.f32 v49, v9;
	(xrf2) =	vadd.scan.msk.f32 $0xffff, v34;
	v44 =	vmul.f32 v53, v10  }
0x39e: {  	v27 =	vmov s22;
	v50 =	vmul.f32 v60, v60;
	v46, _, _ =	vpop (xrf2);
	(xrf2) =	vadd.scan.msk.f32 $0xffff, v38;
	v47 =	vadd.f32 v40, v39  }
0x39f: {  	v51 =	vmul.f32 v32, v32;
	v54 =	vmul.f32 v32, v10;
	v48, _, _ =	vpop (xrf2);
	(xrf2) =	vadd.scan.msk.f32 $0xffff, v42;
	v49 =	vadd.f32 v44, v43  }
0x3a0: {  	v17 =	vmul.u32 $0x38, v27;
	v45 =	vbroadcast v33, $0xF;
	v53 =	vmul.f32 v60, v9;
	v52, _, _ =	vpop (xrf2);
	(xrf2) =	vadd.scan.msk.f32 $0xffff, v47  }
0x3a1: {  	v57 =	vadd.f32 v51, v50;
	v25 =	vbroadcast v37, $0xF;
	v55 =	vbroadcast v41, $0xF;
	v56, _, _ =	vpop (xrf2);
	(xrf2) =	vadd.scan.msk.f32 $0xffff, v49  }
0x3a2: {  	v16 =	vsel vm5, v16, v45;
	v58 =	vbroadcast v46, $0xF;
	v19 =	vadd.f32 v54, v53;
	v60, _, _ =	vpop (xrf2)  }
0x3a3: {  	v15 =	vsel vm6, v15, v25;
	v59 =	vbroadcast v48, $0xF;
	v16 =	vsel vm6, v16, v55;
	v63, _, _ =	vpop (xrf2);
	(xrf2) =	vadd.scan.msk.f32 $0xffff, v57  }
0x3a4: {  	v61 =	vbroadcast v52, $0xF;
	v15 =	vsel vm7, v15, v58;
	v62 =	vbroadcast v56, $0xF;
	v28, _, _ =	vpop (xrf2);
	(xrf2) =	vadd.scan.msk.f32 $0xffff, v19  }
0x3a5: {  	v16 =	vsel vm7, v16, v59;
	v29 =	vbroadcast v60, $0xF;
	v31 =	vbroadcast v63, $0xF;
	v30, _, _ =	vpop (xrf2)  }
0x3a6: {  	v15 =	vsel vm8, v15, v61;
	v16 =	vsel vm8, v16, v62;
	v18 =	vbroadcast v28, $0xF;
	v32, _, _ =	vpop (xrf2)  }
0x3a7: {  	v15 =	vsel vm9, v15, v29;
	v16 =	vsel vm9, v16, v31;
	v33 =	vbroadcast v30, $0xF;
	v34, _, _ =	vpop (xrf2)  }
0x3a8: {  	v22 =	vbroadcast v32, $0xF;
	v18 =	vsel vm10, v15, v18;
	v15 =	vbroadcast v17, $0x0;
	v35, _, _ =	vpop (xrf2)  }
0x3a9: {  	v16 =	vsel vm10, v16, v33;
	v38 =	vbroadcast v34, $0xF;
	v37, _, _ =	vpop (xrf2)  }
0x3aa: {  	v36 =	vsel vm11, v18, v22;
	v39 =	vbroadcast v35, $0xF;
	v41 =	vadd.s32 v0, v15;
	v40, _, _ =	vpop (xrf2)  }
0x3ab: {  	v43 =	vadd.s32 v1, v15;
	v18 =	vbroadcast v37, $0xF;
	v42, _, _ =	vpop (xrf2);
	v21 =	vbroadcast v40, $0xF  }
0x3ac: {  	v16 =	vsel vm11, v16, v38;
	v17 =	vsel vm12, v36, v39;
	v44 =	vbroadcast v42, $0xF  }
0x3ad: {  	v16 =	vsel vm12, v16, v18;
	v45, _, _ =	vpop (xrf2);
	v17 =	vsel vm13, v17, v21  }
0x3ae: {  	v46, _, _ =	vpop (xrf2);
	v16 =	vsel vm13, v16, v44;
	v17 =	vsel vm14, v17, v45  }
0x3af: {  	v16 =	vsel vm14, v16, v46;
	[tilespmem:v41+s16+$0x0] =	vst.idx.msk $0xffff, v17  }
0x3b0: {  	[tilespmem:v43+s17+$0x0] =	vst.idx.msk vm15, v16  }
0x3b1: {  	v16 =	vld [tilespmem:s23+$0xD800]  }
0x3b2: {  	v17 =	vld [tilespmem:s23+$0xD810]  }
0x3b3: {  	v47 =	vld [tilespmem:s23+$0xD820]  }
0x3b4: {  	v48 =	vld [tilespmem:s23+$0xD830]  }
0x3b5: {  	v49 =	vld [tilespmem:s23+$0xD840]  }
0x3b6: {  	v50 =	vld [tilespmem:s23+$0xD850]  }
0x3b7: {  	v24 =	vld [tilespmem:s23+$0xD860];
	v51 =	vmul.f32 v16, v16;
	v52 =	vmul.f32 v17, v17  }
0x3b8: {  	v53 =	vld [tilespmem:s23+$0xD870];
	v16 =	vmul.f32 v16, v9;
	v17 =	vmul.f32 v17, v10  }
0x3b9: {  	v54 =	vmul.f32 v47, v47;
	v55 =	vmul.f32 v48, v48  }
0x3ba: {  	v63 =	vld [tilespmem:s23+$0xD8A0];
	v57 =	vmul.f32 v47, v9;
	v58 =	vmul.f32 v48, v10  }
0x3bb: {  	v56 =	vld [tilespmem:s23+$0xD880];
	v61 =	vmul.f32 v49, v49;
	v62 =	vmul.f32 v50, v50;
	v22 =	vadd.f32 v52, v51  }
0x3bc: {  	v59 =	vld [tilespmem:s23+$0xD890];
	v32 =	vmul.f32 v49, v9;
	v33 =	vmul.f32 v50, v10;
	v16 =	vadd.f32 v17, v16  }
0x3bd: {  	v34 =	vld [tilespmem:s23+$0xD8B0];
	v36 =	vmul.f32 v24, v24;
	v37 =	vmul.f32 v53, v53;
	v60 =	vadd.f32 v55, v54;
	(xrf2) =	vadd.scan.msk.f32 $0xffff, v22  }
0x3be: {  	v39 =	vmul.f32 v24, v9;
	v40 =	vmul.f32 v53, v10;
	v31 =	vadd.f32 v58, v57;
	(xrf2) =	vadd.scan.msk.f32 $0xffff, v16  }
0x3bf: {  	v48 =	vmul.f32 v63, v63;
	v35 =	vadd.f32 v62, v61;
	v51 =	vmul.f32 v63, v9;
	v63 =	vld [tilespmem:s23+$0xD8C0];
	(xrf2) =	vadd.scan.msk.f32 $0xffff, v60  }
0x3c0: {  	v42 =	vmul.f32 v56, v56;
	v38 =	vadd.f32 v33, v32;
	v44 =	vadd.f32 v40, v39;
	v39 =	vld [tilespmem:s23+$0xD8F0];
	(xrf2) =	vadd.scan.msk.f32 $0xffff, v31  }
0x3c1: {  	v43 =	vmul.f32 v59, v59;
	v45 =	vmul.f32 v56, v9;
	v41 =	vadd.f32 v37, v36;
	v31 =	vld [tilespmem:s23+$0xD8D0];
	(xrf2) =	vadd.scan.msk.f32 $0xffff, v35  }
0x3c2: {  	v46 =	vmul.f32 v59, v10;
	v52 =	vmul.f32 v34, v10;
	v35 =	vld [tilespmem:s23+$0xD8E0];
	(xrf2) =	vadd.scan.msk.f32 $0xffff, v38  }
0x3c3: {  	v49 =	vmul.f32 v34, v34;
	v47 =	vadd.f32 v43, v42;
	(xrf2) =	vadd.scan.msk.f32 $0xffff, v41  }
0x3c4: {  	v50 =	vadd.f32 v46, v45;
	v54 =	vadd.f32 v52, v51;
	v52 =	vld [tilespmem:s23+$0xD940];
	(xrf2) =	vadd.scan.msk.f32 $0xffff, v44  }
0x3c5: {  	v53 =	vadd.f32 v49, v48;
	v42 =	vld [tilespmem:s23+$0xD900];
	v45 =	vmul.f32 v63, v63;
	v48 =	vmul.f32 v63, v9;
	(xrf2) =	vadd.scan.msk.f32 $0xffff, v47  }
0x3c6: {  	v51 =	vmul.f32 v39, v39;
	v46 =	vmul.f32 v31, v31;
	v47 =	vld [tilespmem:s23+$0xD920];
	(xrf2) =	vadd.scan.msk.f32 $0xffff, v50  }
0x3c7: {  	v21 =	vmul.f32 v31, v10;
	v50 =	vmul.f32 v35, v35;
	v55, _, _ =	vpop (xrf2);
	(xrf2) =	vadd.scan.msk.f32 $0xffff, v53  }
0x3c8: {  	v44 =	vld [tilespmem:s23+$0xD910];
	v53 =	vmul.f32 v35, v9;
	v56, _, _ =	vpop (xrf2);
	(xrf2) =	vadd.scan.msk.f32 $0xffff, v54;
	v17 =	vbroadcast v55, $0xF  }
0x3c9: {  	v54 =	vmul.f32 v39, v10;
	v39 =	vmul.f32 v52, v52;
	v57, _, _ =	vpop (xrf2)  }
0x3ca: {  	v18 =	vbroadcast v56, $0xF;
	v58, _, _ =	vpop (xrf2);
	v16 =	vbroadcast v57, $0xF  }
0x3cb: {  	v57 =	vmul.f32 v42, v42;
	v63 =	vmul.f32 v47, v47;
	v59, _, _ =	vpop (xrf2)  }
0x3cc: {  	v55 =	vld [tilespmem:s23+$0xD950];
	v56 =	vadd.f32 v51, v50;
	v35 =	vmul.f32 v47, v9;
	v19 =	vbroadcast v58, $0xF;
	v60, _, _ =	vpop (xrf2)  }
0x3cd: {  	v58 =	vmul.f32 v44, v44;
	v20 =	vbroadcast v59, $0xF;
	v16 =	vsel vm0, v17, v16;
	v61, _, _ =	vpop (xrf2)  }
0x3ce: {  	v49 =	vld [tilespmem:s23+$0xD930];
	v59 =	vadd.f32 v54, v53;
	v28 =	vsel vm0, v18, v19;
	v29 =	vbroadcast v60, $0xF;
	v62, _, _ =	vpop (xrf2)  }
0x3cf: {  	v18 =	vadd.f32 v21, v48;
	v60 =	vmul.f32 v42, v9;
	v19 =	vmul.f32 v44, v10;
	v30, _, _ =	vpop (xrf2)  }
0x3d0: {  	v16 =	vsel vm1, v16, v20;
	v32 =	vbroadcast v61, $0xF;
	v20 =	vadd.f32 v46, v45;
	v34, _, _ =	vpop (xrf2)  }
0x3d1: {  	v44 =	vmul.f32 v55, v10;
	v33 =	vbroadcast v62, $0xF;
	v17 =	vsel vm1, v28, v29;
	v38, _, _ =	vpop (xrf2)  }
0x3d2: {  	v61 =	vld [tilespmem:s23+$0xD970];
	v62 =	vadd.f32 v58, v57;
	v36 =	vbroadcast v30, $0xF;
	v16 =	vsel vm2, v16, v32;
	v40, _, _ =	vpop (xrf2);
	(xrf2) =	vadd.scan.msk.f32 $0xffff, v20  }
0x3d3: {  	v30 =	vld [tilespmem:s23+$0xD960];
	v32 =	vmul.f32 v49, v49;
	v37 =	vbroadcast v34, $0xF;
	v17 =	vsel vm2, v17, v33;
	(xrf2) =	vadd.scan.msk.f32 $0xffff, v18  }
0x3d4: {  	v33 =	vld [tilespmem:s23+$0xD980];
	v34 =	vadd.f32 v19, v60;
	v41 =	vbroadcast v38, $0xF;
	v16 =	vsel vm3, v16, v36;
	(xrf2) =	vadd.scan.msk.f32 $0xffff, v56  }
0x3d5: {  	v36 =	vmul.f32 v49, v10;
	v17 =	vsel vm3, v17, v37;
	v43 =	vbroadcast v40, $0xF;
	v37 =	vld [tilespmem:s23+$0xD990];
	(xrf2) =	vadd.scan.msk.f32 $0xffff, v59  }
0x3d6: {  	v45 =	vld [tilespmem:s23+$0xD9B0];
	v38 =	vadd.f32 v32, v63;
	v40 =	vmul.f32 v55, v55;
	v16 =	vsel vm4, v16, v41;
	(xrf2) =	vadd.scan.msk.f32 $0xffff, v62  }
0x3d7: {  	v41 =	vld [tilespmem:s23+$0xD9A0];
	v42 =	vadd.f32 v36, v35;
	v17 =	vsel vm4, v17, v43;
	v43 =	vmul.f32 v52, v9;
	(xrf2) =	vadd.scan.msk.f32 $0xffff, v34  }
0x3d8: {  	v53 =	vld [tilespmem:s23+$0xD9D0];
	v48 =	vmul.f32 v61, v61;
	v46 =	vadd.f32 v40, v39;
	v47 =	vmul.f32 v30, v30;
	(xrf2) =	vadd.scan.msk.f32 $0xffff, v38  }
0x3d9: {  	v49 =	vld [tilespmem:s23+$0xD9C0];
	v51 =	vmul.f32 v30, v9;
	v52 =	vmul.f32 v61, v10;
	v50 =	vadd.f32 v44, v43;
	(xrf2) =	vadd.scan.msk.f32 $0xffff, v42  }
0x3da: {  	v55 =	vmul.f32 v33, v33;
	v54 =	vadd.f32 v48, v47;
	v56 =	vmul.f32 v37, v37;
	(xrf2) =	vadd.scan.msk.f32 $0xffff, v46  }
0x3db: {  	v60 =	vld [tilespmem:s23+$0xD9E0];
	v58 =	vmul.f32 v33, v9;
	v57 =	vadd.f32 v52, v51;
	v59 =	vmul.f32 v37, v10;
	(xrf2) =	vadd.scan.msk.f32 $0xffff, v50  }
0x3dc: {  	v33 =	vmul.f32 v45, v45;
	v34 =	vld [tilespmem:s23+$0xD9F0];
	v63 =	vmul.f32 v41, v41;
	v62 =	vadd.f32 v56, v55;
	v61, _, _ =	vpop (xrf2);
	(xrf2) =	vadd.scan.msk.f32 $0xffff, v54  }
0x3dd: {  	v37 =	vmul.f32 v45, v10;
	v36 =	vmul.f32 v41, v9;
	v35 =	vadd.f32 v59, v58;
	v31, _, _ =	vpop (xrf2);
	(xrf2) =	vadd.scan.msk.f32 $0xffff, v57  }
0x3de: {  	v40 =	vmul.f32 v49, v49;
	v41 =	vmul.f32 v53, v53;
	v39 =	vadd.f32 v33, v63;
	v38, _, _ =	vpop (xrf2);
	(xrf2) =	vadd.scan.msk.f32 $0xffff, v62  }
0x3df: {  	v44 =	vmul.f32 v49, v9;
	v45 =	vmul.f32 v53, v10;
	v43 =	vadd.f32 v37, v36;
	v42, _, _ =	vpop (xrf2);
	(xrf2) =	vadd.scan.msk.f32 $0xffff, v35  }
0x3e0: {  	v52 =	vmul.f32 v60, v60;
	v49 =	vadd.f32 v41, v40;
	v48, _, _ =	vpop (xrf2);
	(xrf2) =	vadd.scan.msk.f32 $0xffff, v39  }
0x3e1: {  	v51 =	vadd.f32 v45, v44;
	v55 =	vmul.f32 v60, v9;
	v53 =	vmul.f32 v34, v34;
	v50, _, _ =	vpop (xrf2);
	(xrf2) =	vadd.scan.msk.f32 $0xffff, v43  }
0x3e2: {  	v56 =	vmul.f32 v34, v10;
	v46 =	vbroadcast v61, $0xF;
	v54, _, _ =	vpop (xrf2);
	(xrf2) =	vadd.scan.msk.f32 $0xffff, v49  }
0x3e3: {  	v41 =	vadd.s32 v3, v15;
	v47 =	vbroadcast v31, $0xF;
	v59 =	vadd.f32 v53, v52;
	v58, _, _ =	vpop (xrf2);
	(xrf2) =	vadd.scan.msk.f32 $0xffff, v51  }
0x3e4: {  	v20 =	vadd.f32 v56, v55;
	v16 =	vsel vm5, v16, v46;
	v57 =	vbroadcast v38, $0xF;
	v62, _, _ =	vpop (xrf2)  }
0x3e5: {  	v17 =	vsel vm5, v17, v47;
	v60 =	vbroadcast v42, $0xF;
	v61 =	vbroadcast v48, $0xF;
	v63, _, _ =	vpop (xrf2);
	(xrf2) =	vadd.scan.msk.f32 $0xffff, v59  }
0x3e6: {  	v39 =	vadd.s32 v2, v15;
	v16 =	vsel vm6, v16, v57;
	v22 =	vbroadcast v50, $0xF;
	v28, _, _ =	vpop (xrf2);
	(xrf2) =	vadd.scan.msk.f32 $0xffff, v20  }
0x3e7: {  	v17 =	vsel vm6, v17, v60;
	v23 =	vbroadcast v54, $0xF;
	v16 =	vsel vm7, v16, v61;
	v30, _, _ =	vpop (xrf2)  }
0x3e8: {  	v26 =	vbroadcast v58, $0xF;
	v17 =	vsel vm7, v17, v22;
	v29 =	vbroadcast v62, $0xF;
	v32, _, _ =	vpop (xrf2)  }
0x3e9: {  	v16 =	vsel vm8, v16, v23;
	v31 =	vbroadcast v63, $0xF;
	v19 =	vbroadcast v28, $0xF;
	v34, _, _ =	vpop (xrf2)  }
0x3ea: {  	v17 =	vsel vm8, v17, v26;
	v16 =	vsel vm9, v16, v29;
	v33 =	vbroadcast v30, $0xF;
	v35, _, _ =	vpop (xrf2)  }
0x3eb: {  	v17 =	vsel vm9, v17, v31;
	v22 =	vbroadcast v32, $0xF;
	v16 =	vsel vm10, v16, v19;
	v36, _, _ =	vpop (xrf2)  }
0x3ec: {  	v17 =	vsel vm10, v17, v33;
	v37 =	vbroadcast v34, $0xF;
	v18 =	vbroadcast v35, $0xF;
	v38, _, _ =	vpop (xrf2)  }
0x3ed: {  	v16 =	vsel vm11, v16, v22;
	v19 =	vbroadcast v36, $0xF;
	v40, _, _ =	vpop (xrf2);
	v21 =	vbroadcast v38, $0xF  }
0x3ee: {  	v17 =	vsel vm11, v17, v37;
	v16 =	vsel vm12, v16, v18;
	v42 =	vbroadcast v40, $0xF  }
0x3ef: {  	v17 =	vsel vm12, v17, v19;
	v16 =	vsel vm13, v16, v21;
	v43, _, _ =	vpop (xrf2)  }
0x3f0: {  	v17 =	vsel vm13, v17, v42;
	v44, _, _ =	vpop (xrf2);
	v16 =	vsel vm14, v16, v43  }
0x3f1: {  	v17 =	vsel vm14, v17, v44;
	[tilespmem:v39+s16+$0x0] =	vst.idx.msk $0xffff, v16  }
0x3f2: {  	[tilespmem:v41+s17+$0x0] =	vst.idx.msk $0xffff, v17  }
0x3f3: {  	v16 =	vld [tilespmem:s23+$0xDA00]  }
0x3f4: {  	v17 =	vld [tilespmem:s23+$0xDA10]  }
0x3f5: {  	v45 =	vld [tilespmem:s23+$0xDA20]  }
0x3f6: {  	v46 =	vld [tilespmem:s23+$0xDA30]  }
0x3f7: {  	v47 =	vld [tilespmem:s23+$0xDA40]  }
0x3f8: {  	v48 =	vld [tilespmem:s23+$0xDA50]  }
0x3f9: {  	v24 =	vld [tilespmem:s23+$0xDA60];
	v49 =	vmul.f32 v16, v16  }
0x3fa: {  	v51 =	vld [tilespmem:s23+$0xDA70];
	v50 =	vmul.f32 v17, v17;
	v16 =	vmul.f32 v16, v9  }
0x3fb: {  	v61 =	vld [tilespmem:s23+$0xDAA0];
	v17 =	vmul.f32 v17, v10;
	v52 =	vmul.f32 v45, v45  }
0x3fc: {  	v30 =	vld [tilespmem:s23+$0xDAB0];
	v53 =	vmul.f32 v46, v46;
	v55 =	vmul.f32 v45, v9  }
0x3fd: {  	v54 =	vld [tilespmem:s23+$0xDA80];
	v56 =	vmul.f32 v46, v10;
	v59 =	vmul.f32 v47, v47;
	v22 =	vadd.f32 v50, v49  }
0x3fe: {  	v57 =	vld [tilespmem:s23+$0xDA90];
	v60 =	vmul.f32 v48, v48;
	v63 =	vmul.f32 v47, v9;
	v16 =	vadd.f32 v17, v16  }
0x3ff: {  	v29 =	vmul.f32 v48, v10;
	v32 =	vmul.f32 v24, v24;
	v58 =	vadd.f32 v53, v52;
	(xrf2) =	vadd.scan.msk.f32 $0xffff, v22  }
0x400: {  	v33 =	vmul.f32 v51, v51;
	v47 =	vmul.f32 v61, v9;
	v62 =	vadd.f32 v56, v55;
	(xrf2) =	vadd.scan.msk.f32 $0xffff, v16  }
0x401: {  	v48 =	vmul.f32 v30, v10;
	v31 =	vadd.f32 v60, v59;
	v34 =	vadd.f32 v29, v63;
	v63 =	vld [tilespmem:s23+$0xDAD0];
	(xrf2) =	vadd.scan.msk.f32 $0xffff, v58  }
0x402: {  	v35 =	vmul.f32 v24, v9;
	v36 =	vmul.f32 v51, v10;
	v37 =	vadd.f32 v33, v32;
	v33 =	vld [tilespmem:s23+$0xDAE0];
	(xrf2) =	vadd.scan.msk.f32 $0xffff, v62  }
0x403: {  	v38 =	vmul.f32 v54, v54;
	v39 =	vmul.f32 v57, v57;
	v50 =	vadd.f32 v48, v47;
	v47 =	vld [tilespmem:s23+$0xDB30];
	(xrf2) =	vadd.scan.msk.f32 $0xffff, v31  }
0x404: {  	v41 =	vmul.f32 v54, v9;
	v42 =	vmul.f32 v57, v10;
	v59 =	vld [tilespmem:s23+$0xDAC0];
	(xrf2) =	vadd.scan.msk.f32 $0xffff, v34  }
0x405: {  	v44 =	vmul.f32 v61, v61;
	v45 =	vmul.f32 v30, v30;
	v40 =	vadd.f32 v36, v35;
	(xrf2) =	vadd.scan.msk.f32 $0xffff, v37;
	v37 =	vld [tilespmem:s23+$0xDAF0]  }
0x406: {  	v43 =	vadd.f32 v39, v38;
	v46 =	vadd.f32 v42, v41  }
0x407: {  	v49 =	vadd.f32 v45, v44;
	v44 =	vmul.f32 v63, v63;
	v21 =	vmul.f32 v63, v10;
	(xrf2) =	vadd.scan.msk.f32 $0xffff, v40  }
0x408: {  	v48 =	vmul.f32 v33, v33;
	v63 =	vmul.f32 v47, v47;
	v40 =	vld [tilespmem:s23+$0xDB00];
	(xrf2) =	vadd.scan.msk.f32 $0xffff, v43  }
0x409: {  	v43 =	vmul.f32 v59, v59;
	(xrf2) =	vadd.scan.msk.f32 $0xffff, v46;
	v46 =	vmul.f32 v59, v9;
	v51, _, _ =	vpop (xrf2)  }
0x40a: {  	(xrf2) =	vadd.scan.msk.f32 $0xffff, v49;
	v52, _, _ =	vpop (xrf2);
	v17 =	vbroadcast v51, $0xF;
	v49 =	vmul.f32 v37, v37  }
0x40b: {  	v42 =	vld [tilespmem:s23+$0xDB10];
	(xrf2) =	vadd.scan.msk.f32 $0xffff, v50;
	v51 =	vmul.f32 v33, v9;
	v53, _, _ =	vpop (xrf2);
	v18 =	vbroadcast v52, $0xF  }
0x40c: {  	v50 =	vld [tilespmem:s23+$0xDB40];
	v52 =	vmul.f32 v37, v10;
	v54, _, _ =	vpop (xrf2);
	v16 =	vbroadcast v53, $0xF  }
0x40d: {  	v59 =	vmul.f32 v40, v9;
	v55, _, _ =	vpop (xrf2);
	v19 =	vbroadcast v54, $0xF  }
0x40e: {  	v54 =	vadd.f32 v49, v48;
	v56, _, _ =	vpop (xrf2);
	v20 =	vbroadcast v55, $0xF;
	v16 =	vsel vm0, v17, v16  }
0x40f: {  	v45 =	vld [tilespmem:s23+$0xDB20];
	v55 =	vmul.f32 v40, v40;
	v60 =	vsel vm0, v18, v19;
	v61 =	vbroadcast v56, $0xF  }
0x410: {  	v57, _, _ =	vpop (xrf2);
	v18 =	vadd.f32 v21, v46;
	v56 =	vmul.f32 v42, v42;
	v19 =	vmul.f32 v42, v10  }
0x411: {  	v42 =	vmul.f32 v50, v9;
	v58, _, _ =	vpop (xrf2);
	v16 =	vsel vm1, v16, v20;
	v30 =	vbroadcast v57, $0xF  }
0x412: {  	v20 =	vadd.f32 v44, v43;
	v62, _, _ =	vpop (xrf2);
	v31 =	vbroadcast v58, $0xF;
	v58 =	vadd.f32 v52, v51  }
0x413: {  	v53 =	vld [tilespmem:s23+$0xDB50];
	v17 =	vsel vm1, v60, v61;
	v61 =	vadd.f32 v56, v55;
	v33 =	vadd.f32 v19, v59;
	v32, _, _ =	vpop (xrf2)  }
0x414: {  	v57 =	vld [tilespmem:s23+$0xDB60];
	v34 =	vbroadcast v62, $0xF;
	v16 =	vsel vm2, v16, v30;
	v62 =	vmul.f32 v45, v45;
	v36, _, _ =	vpop (xrf2);
	(xrf2) =	vadd.scan.msk.f32 $0xffff, v20  }
0x415: {  	v60 =	vld [tilespmem:s23+$0xDB70];
	v35 =	vbroadcast v32, $0xF;
	v17 =	vsel vm2, v17, v31;
	v38, _, _ =	vpop (xrf2);
	v39 =	vbroadcast v36, $0xF;
	(xrf2) =	vadd.scan.msk.f32 $0xffff, v18  }
0x416: {  	v32 =	vld [tilespmem:s23+$0xDB80];
	v16 =	vsel vm3, v16, v34;
	v34 =	vmul.f32 v45, v9;
	v37 =	vadd.f32 v63, v62;
	(xrf2) =	vadd.scan.msk.f32 $0xffff, v54  }
0x417: {  	v36 =	vld [tilespmem:s23+$0xDB90];
	v17 =	vsel vm3, v17, v35;
	v41 =	vbroadcast v38, $0xF;
	v35 =	vmul.f32 v47, v10;
	(xrf2) =	vadd.scan.msk.f32 $0xffff, v58  }
0x418: {  	v40 =	vld [tilespmem:s23+$0xDBA0];
	v38 =	vmul.f32 v50, v50;
	v16 =	vsel vm4, v16, v39;
	v39 =	vmul.f32 v53, v53;
	(xrf2) =	vadd.scan.msk.f32 $0xffff, v61  }
0x419: {  	v44 =	vld [tilespmem:s23+$0xDBB0];
	v43 =	vmul.f32 v53, v10;
	v17 =	vsel vm4, v17, v41;
	v41 =	vadd.f32 v35, v34;
	(xrf2) =	vadd.scan.msk.f32 $0xffff, v33  }
0x41a: {  	v48 =	vld [tilespmem:s23+$0xDBC0];
	v46 =	vmul.f32 v57, v57;
	v47 =	vmul.f32 v60, v60;
	v45 =	vadd.f32 v39, v38;
	(xrf2) =	vadd.scan.msk.f32 $0xffff, v37  }
0x41b: {  	v52 =	vld [tilespmem:s23+$0xDBD0];
	v49 =	vadd.f32 v43, v42;
	v50 =	vmul.f32 v57, v9;
	v51 =	vmul.f32 v60, v10;
	(xrf2) =	vadd.scan.msk.f32 $0xffff, v41  }
0x41c: {  	v53 =	vadd.f32 v47, v46;
	v54 =	vmul.f32 v32, v32;
	v55 =	vmul.f32 v36, v36;
	(xrf2) =	vadd.scan.msk.f32 $0xffff, v45  }
0x41d: {  	v59 =	vld [tilespmem:s23+$0xDBE0];
	v56 =	vadd.f32 v51, v50;
	v57 =	vmul.f32 v32, v9;
	v58 =	vmul.f32 v36, v10;
	(xrf2) =	vadd.scan.msk.f32 $0xffff, v49  }
0x41e: {  	v62 =	vmul.f32 v40, v40;
	v63 =	vmul.f32 v44, v44;
	v33 =	vld [tilespmem:s23+$0xDBF0];
	v61 =	vadd.f32 v55, v54;
	v60, _, _ =	vpop (xrf2);
	(xrf2) =	vadd.scan.msk.f32 $0xffff, v53  }
0x41f: {  	v36 =	vmul.f32 v40, v9;
	v37 =	vmul.f32 v44, v10;
	v35 =	vadd.f32 v58, v57;
	v34, _, _ =	vpop (xrf2);
	(xrf2) =	vadd.scan.msk.f32 $0xffff, v56  }
0x420: {  	v39 =	vadd.f32 v63, v62;
	v40 =	vmul.f32 v48, v48;
	v41 =	vmul.f32 v52, v52;
	v38, _, _ =	vpop (xrf2);
	(xrf2) =	vadd.scan.msk.f32 $0xffff, v61  }
0x421: {  	v44 =	vmul.f32 v48, v9;
	v43 =	vadd.f32 v37, v36;
	v45 =	vmul.f32 v52, v10;
	v42, _, _ =	vpop (xrf2);
	(xrf2) =	vadd.scan.msk.f32 $0xffff, v35  }
0x422: {  	v51 =	vmul.f32 v59, v59;
	v22 =	vadd.f32 v41, v40;
	v46, _, _ =	vpop (xrf2);
	(xrf2) =	vadd.scan.msk.f32 $0xffff, v39  }
0x423: {  	v54 =	vmul.f32 v59, v9;
	v50 =	vadd.f32 v45, v44;
	v52 =	vmul.f32 v33, v33;
	v49, _, _ =	vpop (xrf2);
	(xrf2) =	vadd.scan.msk.f32 $0xffff, v43  }
0x424: {  	v55 =	vmul.f32 v33, v10;
	v47 =	vbroadcast v60, $0xF;
	v53, _, _ =	vpop (xrf2);
	(xrf2) =	vadd.scan.msk.f32 $0xffff, v22  }
0x425: {  	v41 =	vadd.s32 v5, v15;
	v48 =	vbroadcast v34, $0xF;
	v19 =	vadd.f32 v52, v51;
	v56, _, _ =	vpop (xrf2);
	(xrf2) =	vadd.scan.msk.f32 $0xffff, v50  }
0x426: {  	v16 =	vsel vm5, v16, v47;
	v57 =	vbroadcast v38, $0xF;
	v22 =	vadd.f32 v55, v54;
	v58, _, _ =	vpop (xrf2)  }
0x427: {  	v17 =	vsel vm5, v17, v48;
	v59 =	vbroadcast v42, $0xF;
	v23 =	vbroadcast v46, $0xF;
	(xrf2) =	vadd.scan.msk.f32 $0xffff, v19;
	v60, _, _ =	vpop (xrf2)  }
0x428: {  	v39 =	vadd.s32 v4, v15;
	v16 =	vsel vm6, v16, v57;
	v61 =	vbroadcast v49, $0xF;
	v63, _, _ =	vpop (xrf2);
	(xrf2) =	vadd.scan.msk.f32 $0xffff, v22  }
0x429: {  	v17 =	vsel vm6, v17, v59;
	v20 =	vbroadcast v53, $0xF;
	v16 =	vsel vm7, v16, v23;
	v28, _, _ =	vpop (xrf2)  }
0x42a: {  	v62 =	vbroadcast v56, $0xF;
	v17 =	vsel vm7, v17, v61;
	v29 =	vbroadcast v58, $0xF;
	v30, _, _ =	vpop (xrf2)  }
0x42b: {  	v16 =	vsel vm8, v16, v20;
	v18 =	vbroadcast v60, $0xF;
	v31 =	vbroadcast v63, $0xF;
	v32, _, _ =	vpop (xrf2)  }
0x42c: {  	v17 =	vsel vm8, v17, v62;
	v16 =	vsel vm9, v16, v29;
	v33 =	vbroadcast v28, $0xF;
	v34, _, _ =	vpop (xrf2)  }
0x42d: {  	v17 =	vsel vm9, v17, v18;
	v20 =	vbroadcast v30, $0xF;
	v16 =	vsel vm10, v16, v31;
	v35, _, _ =	vpop (xrf2)  }
0x42e: {  	v17 =	vsel vm10, v17, v33;
	v36 =	vbroadcast v32, $0xF;
	v37 =	vbroadcast v34, $0xF;
	v38, _, _ =	vpop (xrf2)  }
0x42f: {  	v16 =	vsel vm11, v16, v20;
	v18 =	vbroadcast v35, $0xF;
	v40, _, _ =	vpop (xrf2);
	v21 =	vbroadcast v38, $0xF  }
0x430: {  	v17 =	vsel vm11, v17, v36;
	v16 =	vsel vm12, v16, v37;
	v42 =	vbroadcast v40, $0xF  }
0x431: {  	v17 =	vsel vm12, v17, v18;
	v43, _, _ =	vpop (xrf2);
	v16 =	vsel vm13, v16, v21  }
0x432: {  	v17 =	vsel vm13, v17, v42;
	v44, _, _ =	vpop (xrf2);
	v16 =	vsel vm14, v16, v43  }
0x433: {  	v17 =	vsel vm14, v17, v44;
	[tilespmem:v39+s16+$0x0] =	vst.idx.msk $0xffff, v16  }
0x434: {  	[tilespmem:v41+s17+$0x0] =	vst.idx.msk $0xffff, v17  }
0x435: {  	v16 =	vld [tilespmem:s23+$0xDC00]  }
0x436: {  	v17 =	vld [tilespmem:s23+$0xDC10]  }
0x437: {  	v45 =	vld [tilespmem:s23+$0xDC20]  }
0x438: {  	v46 =	vld [tilespmem:s23+$0xDC30];
	_ =	sdelay $0x2  }
0x439: {  	v47 =	vmul.f32 v16, v16;
	v48 =	vmul.f32 v17, v17  }
0x43a: {  	v16 =	vmul.f32 v16, v9;
	v17 =	vmul.f32 v17, v10  }
0x43b: {  	v49 =	vmul.f32 v45, v45;
	v50 =	vmul.f32 v46, v46;
	v20 =	vadd.f32 v48, v47  }
0x43c: {  	v9 =	vmul.f32 v45, v9;
	v10 =	vmul.f32 v46, v10;
	v16 =	vadd.f32 v17, v16  }
0x43d: {  	v51 =	vadd.f32 v50, v49;
	(xrf2) =	vadd.scan.msk.f32 $0xffff, v20  }
0x43e: {  	v9 =	vadd.f32 v10, v9;
	(xrf2) =	vadd.scan.msk.f32 $0xffff, v16  }
0x43f: {  	(xrf2) =	vadd.scan.msk.f32 $0xffff, v51  }
0x440: {  	(xrf2) =	vadd.scan.msk.f32 $0xffff, v9;
	_ =	sdelay $0x5  }
0x441: {  	v12 =	vbroadcast v12, $0xF;
	v13 =	vbroadcast v13, $0xF;
	v54 =	vadd.s32 v6, v8  }
0x442: {  	v52 =	vbroadcast v11, $0xF;
	v8 =	vadd.s32 v7, v8;
	v53 =	vbroadcast v14, $0xF;
	v55, _, _ =	vpop (xrf2)  }
0x443: {  	vm15 =	vcmask $0x308;
	v56 =	vadd.s32 v6, v15;
	v15 =	vadd.s32 v7, v15;
	v16, _, _ =	vpop (xrf2)  }
0x444: {  	p0 =	slt.u32 s20, $0x1E;
	v10 =	vnsel vm0, $0x0, v53;
	v9 =	vnsel vm0, $0x0, v52;
	v14 =	vbroadcast v55, $0xF;
	v57, _, _ =	vpop (xrf2)  }
.Ltmp2:
0x445: {  	v9 =	vsel vm15, v9, v12;
	v58 =	vbroadcast v16, $0xF;
	v59, _, _ =	vpop (xrf2);
	v18 =	vbroadcast v57, $0xF;
	(pc) =	sbr.rel @p0 .LBB2_7-.Ltmp2, $4  }
0x446: {  	v60 =	vsel vm15, v10, v13;
	[tilespmem:v54+s16+$0x0] =	vst.idx.msk $0x3, v9;
	v61 =	vnsel vm0, $0x0, v14;
	v62 =	vbroadcast v59, $0xF  }
0x447: {  	[tilespmem:v8+s17+$0x0] =	vst.idx.msk $0x3, v60;
	v8 =	vnsel vm0, $0x0, v58;
	v63 =	vsel vm15, v61, v18  }
0x448: {  	s24 =	sadd.s32 $0x2, s20;
	v8 =	vsel vm15, v8, v62;
	[tilespmem:v56+s16+$0x0] =	vst.idx.msk $0x3, v63  }
0x449: {  	s20 =	smov.u32 s24;
	[tilespmem:v15+s17+$0x0] =	vst.idx.msk $0x3, v8  }
0x44a: {  	s20 =	sadd.s32 s6, s19  }
0x44b: {  	[hbm4b:s20+s3] =	stream.linear.scatter [tilespmem:s16], [sflag:$0x2], $0x700, $0x38;
	[tilespmem:$0x1AC00] =	vst v63  }
0x44c: {  	s18 =	sadd.s32 $0x1, s18;
	_ =	swait.ge [sflag:s12], $0x700  }
0x44d: {  	p0 =	sne.s32 s18, $0x8;
	[sflag:s12] =	ssyncset.done $0x0  }
.Ltmp3:
0x44e: {  	s24 =	sadd.s32 s7, s19;
	[sflag:s12] =	ssyncadd.s32 $0xFFFFF900;
	(pc) =	sbr.rel @p0 .LBB2_2-.Ltmp3, $4  }
0x44f: {  	[hbm4b:s24+s3] =	stream.linear.scatter [tilespmem:s17], [sflag:$0x2], $0x700, $0x38;
	[tilespmem:$0x1AC00] =	vst v63  }
0x450: {  	_ =	swait.ge [sflag:s12], $0x700  }
0x451: {  	[sflag:s12] =	ssyncset.done $0x0  }
0x452: {  	[sflag:s12] =	ssyncadd.s32 $0xFFFFF900  }
0x453: {  	s19 =	rddreg [dreg:$0x6]  }
0x454: {  	s18 =	rddreg [dreg:$0x5];
	s19 =	sadd.s32 $0x1, s19  }
0x455: {  	p0 =	sne.s32 s19, s18  }
.Ltmp4:
0x456: {  	_ = 	snop;
	(pc) =	sbr.rel @p0 .LBB2_1-.Ltmp4, $1  }
0x457: {  	_ =	sdelay $0x3  }
0x458: {  	_ =	sfence.sel $0x180000  }
0x459: {  	[bflag:$0x0] =	sbarrier.arrive $0xFFFF  }
0x45a: {  	_ =	strace $0x90000047  }
0x45b: {  	s0 =	stileid.u32;
	[bflag:$0x2] =	sbarrier.arrive $0xFFFF  }
0x45c: {  	p0 =	sne.s32 s0, $0x0;
	s0 =	rddreg [dreg:$0x2]  }
0x45d: {  	s0 =	sadd.s32 @!p0 $0x100000, s0  }
0x45e: {  	[sflag:s0] =	ssyncadd.tile.s32 @!p0 $0x1;
	_ =	shalt  }
.Lfunc_end2:
_tile_overlayer_lowered:
.L_overlay_start_2:
0x45f: {  	(tag) =	ssettag $0x2  }
0x460: {  	s0 =	rddreg [dreg:$0x0];
	s2 =	stileid.u32  }
0x461: {  	s1 =	rddreg [dreg:$0x1];
	p0 =	sne.s32 s2, $0x0  }
0x462: {  	s3 =	rddreg [dreg:$0x2];
	[bflag:$0x3] =	sbarrier.arrive $0xFFFF;
	s2 =	simm.s32 @!p0 $0x1C02  }
0x463: {  	[timem:s3], [sflag:s2] =	dma.local @!p0 [hbm:s0], s1  }
0x464: {  	s0 =	simm.s32 @!p0 $0x2  }
0x465: {  	_ =	swait.ge @!p0 [sflag:s0], s1  }
0x466: {  	s1 =	ssub.s32 @!p0 $0x0, s1;
	[sflag:s0] =	ssyncset.done @!p0 $0x0  }
0x467: {  	[sflag:s0] =	ssyncadd.s32 @!p0 s1  }
0x468: {  	[bflag:$0x3] =	sbarrier.arrive $0xFFFF  }
0x469: {  	_ =	shalt  }

</sc_bundles>
